<compile_context>
chip_gen: v7x
topology: tpu7x:2x2x1
jax: 0.10.2.dev20260603
libtpu: 0.0.44.dev20260713+nightly
codegen_flags: <defaults>
</compile_context>

<pallas_src>
import functools

import jax
import jax.numpy as jnp
from jax import lax
from jax.experimental import pallas as pl
from jax.experimental.pallas import tpu as pltpu
from jax.experimental.pallas import tpu_sc as plsc

N_NODES = 100000
D = 128
N_CLASS = 8
MIN_MATCH = 2
N_EXPANSION = 64

_BLK = 2048

_E = 3200000
_TOTAL = 8192
_NPAD = 100352
_NPACK = _NPAD // 4
_NPT = _NPAD // 16
_WPT = _NPT // 4
_SPT = _TOTAL // 16
_EPC = _E // 2
_EPT = _EPC // 16
_CHUNK = 2048
_NFULL = _EPT // _CHUNK
_TAILV = (_EPT - _NFULL * _CHUNK) // 16


def _sc_body(src_hbm, dst_hbm, seeds_hbm, segs_hbm, out_hbm,
             shc, shm, seedsb, segsb, vals2d, maskstage,
             srcb, dstb, widxb, wordb, cand_d, cand_m, idxb):
    c = lax.axis_index("c")
    s = lax.axis_index("s")
    iota = lax.iota(jnp.int32, 16)
    zero16f = jnp.zeros((16,), jnp.float32)
    zero16i = jnp.zeros((16,), jnp.int32)
    ones16f = jnp.ones((16,), jnp.float32)
    node_base = s * _NPT

    def _zrow(i, _):
        plsc.store_scatter(vals2d, [zero16i + i, iota], zero16f)
        return 0
    lax.fori_loop(0, 512, _zrow, 0)

    def _zc(k, _):
        base = pl.multiple_of(node_base + k * 512, 128)
        pltpu.sync_copy(vals2d, shc.at[pl.ds(base, 512)])
        return 0
    lax.fori_loop(0, _NPT // 512, _zc, 0)
    base128 = pl.multiple_of(node_base + (_NPT // 512) * 512, 128)
    pltpu.sync_copy(vals2d.at[pl.ds(0, _NPT % 512)],
                    shc.at[pl.ds(base128, _NPT % 512)])
    plsc.subcore_barrier()

    pltpu.sync_copy(seeds_hbm.at[pl.ds(s * _SPT, _SPT)], seedsb)
    pltpu.sync_copy(segs_hbm.at[pl.ds(s * _SPT, _SPT)], segsb)

    def _srow(i, _):
        seg = segsb[pl.ds(i * 16, 16)]
        plsc.store_scatter(vals2d, [i * 16 + iota, seg + 8], ones16f)
        return 0
    lax.fori_loop(0, _SPT // 16, _srow, 0)
    pltpu.sync_copy(vals2d, shc.at[seedsb], add=True)
    plsc.subcore_barrier()

    def _group(args):
        k, g = args
        for v in range(4):
            rows = g * 64 + v * 16 + iota
            mb = zero16i
            for cc in range(N_CLASS):
                x = plsc.load_gather(vals2d, [rows, zero16i + (8 + cc)])
                mb = mb | jnp.where(x > 0.0, jnp.int32(1 << cc), jnp.int32(0))
            idxb[pl.ds(v * 16, 16)] = mb
        w = zero16i
        for j in range(4):
            mj = plsc.load_gather(idxb, [iota * 4 + j])
            w = w | lax.shift_left(mj, 8 * j)
        maskstage[pl.ds((k * 8 + g) * 16, 16)] = w

    def _mchunk(k, _):
        base = pl.multiple_of(node_base + k * 512, 128)
        pltpu.sync_copy(shc.at[pl.ds(base, 512)], vals2d)

        def _g(g, _2):
            _group((k, g))
            return 0
        lax.fori_loop(0, 8, _g, 0)
        return 0
    lax.fori_loop(0, _NPT // 512, _mchunk, 0)
    pltpu.sync_copy(shc.at[pl.ds(base128, 128)], vals2d.at[pl.ds(0, 128)])

    def _gt(g, _):
        _group((_NPT // 512, g))
        return 0
    lax.fori_loop(0, 2, _gt, 0)
    pltpu.sync_copy(maskstage, shm.at[pl.ds(s * _WPT, _WPT)])
    plsc.subcore_barrier()

    lax.fori_loop(0, 512, _zrow, 0)

    def _build_and_fire():
        def _bv(i, _):
            mbv = cand_m[pl.ds(i * 16, 16)]
            rows = i * 16 + iota
            for cc in range(N_CLASS):
                bit = lax.shift_right_logical(mbv, cc) & 1
                plsc.store_scatter(vals2d, [rows, zero16i + cc],
                                   bit.astype(jnp.float32))
            idxb[pl.ds(i * 16, 16)] = cand_d[pl.ds(i * 16, 16)]
            return 0
        lax.fori_loop(0, 32, _bv, 0)
        pltpu.sync_copy(vals2d, shc.at[idxb], add=True)

    def _compact_step(i, cur):
        sv = srcb[pl.ds(i * 16, 16)]
        dv = dstb[pl.ds(i * 16, 16)]
        w = wordb[pl.ds(i * 16, 16)]
        sh = lax.shift_left(sv & 3, 3)
        mb = lax.shift_right_logical(w, sh) & 0xFF
        pred = mb != 0
        plsc.store_compressed(cand_d.at[pl.ds(cur, 16)], dv, mask=pred)
        plsc.store_compressed(cand_m.at[pl.ds(cur, 16)], mb, mask=pred)
        cur = cur + jnp.sum(pred.astype(jnp.int32))
        do_flush = cur >= 512

        @pl.when(do_flush)
        def _():
            _build_and_fire()
            ov = cand_d[pl.ds(512, 16)]
            om = cand_m[pl.ds(512, 16)]
            cand_d[pl.ds(0, 16)] = ov
            cand_m[pl.ds(0, 16)] = om
        return jnp.where(do_flush, cur - 512, cur)

    edge_base = c * _EPC + s * _EPT

    def _widx(i, _):
        widxb[pl.ds(i * 16, 16)] = lax.shift_right_logical(
            srcb[pl.ds(i * 16, 16)], 2)
        return 0

    def _chunk(k, cur):
        base = pl.multiple_of(edge_base + k * _CHUNK, 8)
        pltpu.sync_copy(src_hbm.at[pl.ds(base, _CHUNK)], srcb)
        pltpu.sync_copy(dst_hbm.at[pl.ds(base, _CHUNK)], dstb)
        lax.fori_loop(0, _CHUNK // 16, _widx, 0)
        pltpu.sync_copy(shm.at[widxb], wordb)
        return lax.fori_loop(0, _CHUNK // 16, _compact_step, cur)
    cur = lax.fori_loop(0, _NFULL, _chunk, 0)

    tbase = pl.multiple_of(edge_base + _NFULL * _CHUNK, 8)
    pltpu.sync_copy(src_hbm.at[pl.ds(tbase, _TAILV * 16)],
                    srcb.at[pl.ds(0, _TAILV * 16)])
    pltpu.sync_copy(dst_hbm.at[pl.ds(tbase, _TAILV * 16)],
                    dstb.at[pl.ds(0, _TAILV * 16)])
    lax.fori_loop(0, _TAILV, _widx, 0)
    pltpu.sync_copy(shm.at[widxb.at[pl.ds(0, _TAILV * 16)]],
                    wordb.at[pl.ds(0, _TAILV * 16)])
    cur = lax.fori_loop(0, _TAILV, _compact_step, cur)

    cand_d[pl.ds(cur, 16)] = N_NODES + ((iota + cur) & 255)
    cand_m[pl.ds(cur, 16)] = zero16i

    def _clr(i, _):
        pos = i * 16 + iota
        vd = cand_d[pl.ds(i * 16, 16)]
        vm = cand_m[pl.ds(i * 16, 16)]
        stale = pos >= cur + 16
        cand_d[pl.ds(i * 16, 16)] = jnp.where(stale, N_NODES + (pos & 255), vd)
        cand_m[pl.ds(i * 16, 16)] = jnp.where(stale, 0, vm)
        return 0
    lax.fori_loop(0, 32, _clr, 0)
    _build_and_fire()

    plsc.subcore_barrier()
    obase = pl.multiple_of(c * _NPAD + node_base, 128)
    nb = pl.multiple_of(node_base, 128)
    pltpu.sync_copy(shc.at[pl.ds(nb, _NPT)], out_hbm.at[pl.ds(obase, _NPT)])


def _sc_counts(src, dst, seeds, segs):
    mesh = plsc.VectorSubcoreMesh(core_axis_name="c", subcore_axis_name="s")
    f = pl.kernel(
        _sc_body,
        out_type=jax.ShapeDtypeStruct((2 * _NPAD, 16), jnp.float32),
        mesh=mesh,
        compiler_params=pltpu.CompilerParams(needs_layout_passes=False,
                                             use_tc_tiling_on_sc=False),
        scratch_types=[
            pltpu.VMEM_SHARED((_NPAD, 16), jnp.float32),
            pltpu.VMEM_SHARED((_NPACK,), jnp.int32),
            pltpu.VMEM((_SPT,), jnp.int32),
            pltpu.VMEM((_SPT,), jnp.int32),
            pltpu.VMEM((512, 16), jnp.float32),
            pltpu.VMEM((_WPT,), jnp.int32),
            pltpu.VMEM((_CHUNK,), jnp.int32),
            pltpu.VMEM((_CHUNK,), jnp.int32),
            pltpu.VMEM((_CHUNK,), jnp.int32),
            pltpu.VMEM((_CHUNK,), jnp.int32),
            pltpu.VMEM((528,), jnp.int32),
            pltpu.VMEM((528,), jnp.int32),
            pltpu.VMEM((512,), jnp.int32),
        ],
    )
    return f(src, dst, seeds, segs)


def _score_body(p_ref, es_ref, cnt_ref, cnt2_ref, out_ref):
    i = pl.program_id(0)
    p = p_ref[...]
    e = es_ref[...]
    s = lax.dot_general(p, e, (((1,), (1,)), ((), ())),
                        preferred_element_type=jnp.float32)
    m = cnt_ref[...] + cnt2_ref[...]
    seed = jnp.sum(m[:, N_CLASS:], axis=1, keepdims=True)
    validf = jnp.where(
        (m[:, :N_CLASS] >= jnp.float32(MIN_MATCH)) & (seed <= 0.0), 1.0, 0.0)
    r = lax.broadcasted_iota(jnp.int32, (N_CLASS, N_CLASS), 0)
    cc = lax.broadcasted_iota(jnp.int32, (N_CLASS, N_CLASS), 1)
    eye = (r == cc).astype(jnp.float32)
    vt = lax.dot_general(eye, validf, (((1,), (1,)), ((), ())),
                         preferred_element_type=jnp.float32)
    col = i * _BLK + lax.broadcasted_iota(jnp.int32, (N_CLASS, _BLK), 1)
    keep = (vt > 0.5) & (col < N_NODES)
    sm = jnp.where(keep, s, jnp.float32(-1e9))
    out_ref[...] = sm


def _masked_scores(p, es, counts_part):
    grid = _NPAD // _BLK
    return pl.pallas_call(
        _score_body,
        grid=(grid,),
        in_specs=[
            pl.BlockSpec((N_CLASS, D), lambda i: (0, 0)),
            pl.BlockSpec((_BLK, D), lambda i: (i, 0)),
            pl.BlockSpec((_BLK, 16), lambda i: (i, 0)),
            pl.BlockSpec((_BLK, 16), lambda i: (i + _NPAD // _BLK, 0)),
        ],
        out_specs=pl.BlockSpec((N_CLASS, _BLK), lambda i: (0, i)),
        out_shape=jax.ShapeDtypeStruct((N_CLASS, _NPAD), jnp.float32),
    )(p, es, counts_part, counts_part)


_NBLKS = _NPAD // D


def _topk_body(s_ref, tv_ref, ti_ref, cm_ref):
    neginf = jnp.float32(-jnp.inf)

    for k in range(_NBLKS // D):
        chunk = s_ref[:, pl.ds(k * D * D, D * D)]
        cm_ref[:, pl.ds(k * D, D)] = jnp.max(
            chunk.reshape(N_CLASS, D, D), axis=2)
    _tail = _NBLKS % D
    chunk = s_ref[:, pl.ds((_NBLKS // D) * D * D, _tail * D)]
    cm_ref[:, pl.ds((_NBLKS // D) * D, _tail)] = jnp.max(
        chunk.reshape(N_CLASS, _tail, D), axis=2)

    kio = lax.broadcasted_iota(jnp.int32, (N_CLASS, N_EXPANSION), 1)
    biota = lax.broadcasted_iota(jnp.int32, (N_CLASS, _NBLKS), 1)
    liota = lax.iota(jnp.int32, D)
    rows = lax.broadcasted_iota(jnp.int32, (N_CLASS, 1), 0)

    rows2d = lax.broadcasted_iota(jnp.int32, (N_CLASS, D), 0)
    liota2d = lax.broadcasted_iota(jnp.int32, (N_CLASS, D), 1)

    def _iter(it, _):
        cm = cm_ref[...]
        m8 = jnp.max(cm, axis=1, keepdims=True)
        bidx8 = jnp.min(jnp.where(cm == m8, biota, _NBLKS),
                        axis=1, keepdims=True)
        boffs = []
        t = jnp.zeros((N_CLASS, D), jnp.float32)
        for c in range(N_CLASS):
            bidx = jnp.max(jnp.where(rows == c, bidx8, 0))
            boff = pl.multiple_of(bidx * D, D)
            boffs.append(boff)
            blk = s_ref[c, pl.ds(boff, D)]
            t = jnp.where(rows2d == c, blk[None, :], t)
        lidx8 = jnp.min(jnp.where(t == m8, liota2d, D),
                        axis=1, keepdims=True)
        nt = jnp.where(liota2d == lidx8, neginf, t)
        nm8 = jnp.max(nt, axis=1, keepdims=True)
        for c in range(N_CLASS):
            s_ref[c, pl.ds(boffs[c], D)] = nt[c, :]
        tv_ref[...] = jnp.where(kio == it, m8, tv_ref[...])
        ti_ref[...] = jnp.where(kio == it, bidx8 * D + lidx8, ti_ref[...])
        cm_ref[...] = jnp.where(biota == bidx8, nm8, cm)
        return 0
    lax.fori_loop(0, N_EXPANSION, _iter, 0)


def _topk(scores):
    return pl.pallas_call(
        _topk_body,
        grid=(1,),
        in_specs=[
            pl.BlockSpec((N_CLASS, _NPAD), lambda i: (0, 0)),
        ],
        out_specs=[
            pl.BlockSpec((N_CLASS, N_EXPANSION), lambda i: (0, 0)),
            pl.BlockSpec((N_CLASS, N_EXPANSION), lambda i: (0, 0)),
        ],
        out_shape=[
            jax.ShapeDtypeStruct((N_CLASS, N_EXPANSION), jnp.float32),
            jax.ShapeDtypeStruct((N_CLASS, N_EXPANSION), jnp.int32),
        ],
        scratch_shapes=[pltpu.VMEM((N_CLASS, _NBLKS), jnp.float32)],
    )(scores)


@jax.jit
def kernel(es, W_in, b_in, Wx, Wh, b_gru, W_out, edge_index, flat_seeds,
           cu_seqlens):
    n, d = es.shape
    n_class = cu_seqlens.shape[0] - 1
    total = flat_seeds.shape[0]

    pos = jnp.arange(total, dtype=jnp.int32)
    seg_ids = jnp.sum(
        (pos[:, None] >= cu_seqlens[None, 1:n_class]).astype(jnp.int32),
        axis=1)

    gathered = es[flat_seeds]
    sums = jax.ops.segment_sum(gathered, seg_ids, num_segments=n_class)
    lengths = (cu_seqlens[1:] - cu_seqlens[:-1]).astype(jnp.float32)
    denom = jnp.clip(lengths, 1.0, None)[:, None]
    pooled = sums / denom
    inp = jnp.tanh(pooled @ W_in + b_in)
    gx = inp @ Wx + b_gru
    z = jax.nn.sigmoid(gx[:, :d])
    hnew = (1.0 - z) * jnp.tanh(gx[:, 2 * d:])
    p = hnew @ W_out

    counts_part = _sc_counts(edge_index[0], edge_index[1], flat_seeds,
                             seg_ids)

    scores = _masked_scores(p, es, counts_part)
    topv, topi = _topk(scores)
    return (topv, topi)

# --- scband reference (transcript-rebuilt; emitter-appended) ---
"""Pipeline reference for scband-gbndecoder-33509334843933 (READ-ONLY COPY).

The authoritative reference and input builder live on the scoring server;
editing this copy changes nothing except your own understanding.
"""

import jax, jax.numpy as jnp
import numpy as np

N_NODES = 100000
D = 128
N_CLASS = 8
E = 3200000
TOTAL = 8192
MIN_MATCH = 2
N_EXPANSION = 64


def setup_inputs(seed: int = 0) -> dict:
    key = jax.random.key(seed)
    ks = jax.random.split(key, 10)
    lengths = np.array([256, 512, 768, 1024, 1280, 1536, 1344, 1472], dtype=np.int32)
    cu_seqlens = jnp.asarray(np.concatenate([[0], np.cumsum(lengths)]).astype(np.int32))
    es = jax.random.normal(ks[0], (N_NODES, D), dtype=jnp.float32)
    edge_index = jax.random.randint(ks[1], (2, E), 0, N_NODES, dtype=jnp.int32)
    flat_seeds = jax.random.randint(ks[2], (TOTAL,), 0, N_NODES, dtype=jnp.int32)
    W_in = jax.random.normal(ks[3], (D, D), dtype=jnp.float32) * 0.05
    b_in = jnp.zeros((D,), dtype=jnp.float32)
    Wx = jax.random.normal(ks[4], (D, 3 * D), dtype=jnp.float32) * 0.05
    Wh = jax.random.normal(ks[5], (D, 3 * D), dtype=jnp.float32) * 0.05
    b_gru = jnp.zeros((3 * D,), dtype=jnp.float32)
    W_out = jax.random.normal(ks[6], (D, D), dtype=jnp.float32) * 0.05
    return {"es": es, "W_in": W_in, "b_in": b_in, "Wx": Wx, "Wh": Wh, "b_gru": b_gru, "W_out": W_out, "edge_index": edge_index, "flat_seeds": flat_seeds, "cu_seqlens": cu_seqlens}


def reference(es, W_in, b_in, Wx, Wh, b_gru, W_out, edge_index, flat_seeds, cu_seqlens):
    N, d = es.shape
    n_class = cu_seqlens.shape[0] - 1
    total = flat_seeds.shape[0]
    lengths = cu_seqlens[1:] - cu_seqlens[:-1]
    max_len = total
    # ragged -> segment ids and within-segment positions
    seg_ids = jnp.searchsorted(cu_seqlens, jnp.arange(total, dtype=cu_seqlens.dtype), side="right") - 1
    pos = jnp.arange(total, dtype=cu_seqlens.dtype) - cu_seqlens[seg_ids]
    # lookup_embedding: pad ragged per-class seed embeddings [n_class, max_len, d]
    gathered = es[flat_seeds]
    inputs = jnp.zeros((n_class, max_len, d), dtype=es.dtype).at[seg_ids, pos].set(gathered)
    mask = jnp.zeros((n_class, max_len), dtype=es.dtype).at[seg_ids, pos].set(1.0)
    # InputLayer: masked mean pooling + linear + tanh
    denom = jnp.clip(jnp.sum(mask, axis=1, keepdims=True), 1.0, None)
    pooled = jnp.sum(inputs * mask[..., None], axis=1) / denom
    inp = jnp.tanh(pooled @ W_in + b_in)
    # MemoryLayer: GRU cell, hx initialized to zeros
    hx = jnp.zeros((n_class, d), dtype=es.dtype)
    gx = inp @ Wx + b_gru
    gh = hx @ Wh
    z = jax.nn.sigmoid(gx[:, :d] + gh[:, :d])
    r = jax.nn.sigmoid(gx[:, d:2 * d] + gh[:, d:2 * d])
    n = jnp.tanh(gx[:, 2 * d:] + r * gh[:, 2 * d:])
    hx_new = (1.0 - z) * n + z * hx
    # get_cate_mask + get_cate_neighbors: per-class neighbor match counts via scatter-add
    cate_onehot = jnp.zeros((N, n_class), dtype=jnp.float32).at[flat_seeds, seg_ids].add(1.0)
    cate_mask_f = (cate_onehot > 0).astype(jnp.float32)
    src = edge_index[0]
    dst = edge_index[1]
    counts = jax.ops.segment_sum(cate_mask_f[src], dst, num_segments=N)
    seed_mask = jnp.zeros((N,), dtype=bool).at[flat_seeds].set(True)
    cate_valid = (counts >= MIN_MATCH) & (~seed_mask[:, None])  # [N, n_class]
    # OutputLayer: score every node against each class memory, mask, top-k expansion
    scores = (hx_new @ W_out) @ es.T  # [n_class, N]
    scores = jnp.where(cate_valid.T, scores, jnp.float32(-1e9))
    topv, topi = jax.lax.top_k(scores, N_EXPANSION)
    return (topv, topi)

if __name__ == "__main__":
    import jax
    _d = setup_inputs()
    print(jax.jit(kernel)(*tuple(_d.values())))

</pallas_src>

<mosaic_0001>
#map = affine_map<(d0, d1) -> (0)>
#map1 = affine_map<(d0, d1) -> (0, 0)>
module attributes {stable_mosaic.version = 14 : i64} {
  func.func @_sc_body(%arg0: i32, %arg1: i32, %arg2: memref<3200000xi32, #tpu.memory_space<hbm>>, %arg3: memref<3200000xi32, #tpu.memory_space<hbm>>, %arg4: memref<8192xi32, #tpu.memory_space<hbm>>, %arg5: memref<8192xi32, #tpu.memory_space<hbm>>, %arg6: memref<200704x16xf32, #tpu.memory_space<hbm>>, %arg7: memref<100352x16xf32, #tpu.memory_space<vmem_shared>>, %arg8: memref<25088xi32, #tpu.memory_space<vmem_shared>>, %arg9: memref<512xi32, #tpu.memory_space<vmem>>, %arg10: memref<512xi32, #tpu.memory_space<vmem>>, %arg11: memref<512x16xf32, #tpu.memory_space<vmem>>, %arg12: memref<1568xi32, #tpu.memory_space<vmem>>, %arg13: memref<2048xi32, #tpu.memory_space<vmem>>, %arg14: memref<2048xi32, #tpu.memory_space<vmem>>, %arg15: memref<2048xi32, #tpu.memory_space<vmem>>, %arg16: memref<2048xi32, #tpu.memory_space<vmem>>, %arg17: memref<528xi32, #tpu.memory_space<vmem>>, %arg18: memref<528xi32, #tpu.memory_space<vmem>>, %arg19: memref<512xi32, #tpu.memory_space<vmem>>) attributes {dimension_semantics = [#tpu.dimension_semantics<core_parallel>, #tpu.dimension_semantics<subcore_parallel>], iteration_bounds = array<i64: 2, 16>, scalar_prefetch = 0 : i64, scratch_operands = 13 : i64, tpu.core_type = #tpu.core_type<sc_vector_subcore>, window_params = [{transform_indices = #map}, {transform_indices = #map}, {transform_indices = #map}, {transform_indices = #map}, {transform_indices = #map1}]} {
    %iota3A = tpu.iota {dimensions = array<i32: 0>} : vector<16xi32>
    %broadcast_in_dim3A = arith.constant 0.000000e+00 : f32
    %broadcast_in_dim3A_0 = vector.broadcast %broadcast_in_dim3A : f32 to vector<16xf32>
    %broadcast_in_dim3A_1 = arith.constant 0 : i32
    %broadcast_in_dim3A_2 = vector.broadcast %broadcast_in_dim3A_1 : i32 to vector<16xi32>
    %broadcast_in_dim3A_3 = arith.constant 1.000000e+00 : f32
    %broadcast_in_dim3A_4 = vector.broadcast %broadcast_in_dim3A_3 : f32 to vector<16xf32>
    %mul3A = arith.constant 6272 : i32
    %mul3A_5 = arith.muli %arg1, %mul3A : i32
    %scan3A = arith.constant 0 : i32
    %scan3A_6 = arith.constant 0 : i32
    %scan3A_7 = arith.constant 512 : i32
    %scan3A_8 = arith.addi %scan3A_6, %scan3A_7 : i32
    %scan3A_9 = arith.constant 1 : i32
    %scan3A_10 = scf.for %scan3A_114 = %scan3A_6 to %scan3A_8 step %scan3A_9 iter_args(%scan3A_115 = %scan3A) -> (i32)  : i32 {
      %add3A_116 = vector.broadcast %scan3A_114 : i32 to vector<16xi32>
      %add3A_117 = arith.addi %broadcast_in_dim3A_2, %add3A_116 : vector<16xi32>
      tpu.vector_store_idx %arg11[%add3A_117, %iota3A], %broadcast_in_dim3A_0 : memref<512x16xf32, #tpu.memory_space<vmem>>[vector<16xi32>, vector<16xi32>], vector<16xf32>,
      %scan3A_118 = arith.constant 0 : i32
      scf.yield %scan3A_118 : i32
    }
    %scan3A_11 = arith.constant 512 : i32
    %scan3A_12 = arith.constant 0 : i32
    %scan3A_13 = arith.constant 0 : i32
    %scan3A_14 = arith.constant 12 : i32
    %scan3A_15 = arith.addi %scan3A_13, %scan3A_14 : i32
    %scan3A_16 = arith.constant 1 : i32
    %scan3A_17 = scf.for %scan3A_114 = %scan3A_13 to %scan3A_15 step %scan3A_16 iter_args(%scan3A_115 = %scan3A_12) -> (i32)  : i32 {
      %mul3A_116 = arith.constant 512 : i32
      %mul3A_117 = arith.muli %scan3A_114, %mul3A_116 : i32
      %add3A_118 = arith.addi %mul3A_5, %mul3A_117 : i32
      %multiple_of3A_119 = tpu.assume_multiple %add3A_118, 128 : i32
      "tpu.region"() ({
        %run_scoped3A = tpu.sem_alloc : memref<!tpu.dma_semaphore, #tpu.memory_space<semaphore_mem>>
        %dma_start3A = arith.constant 0 : i32
        %dma_start3A_121 = tpu.memref_slice %arg7[%multiple_of3A_119, %dma_start3A] : memref<100352x16xf32, #tpu.memory_space<vmem_shared>> -> memref<512x16xf32, #tpu.memory_space<vmem_shared>>
        %dma_start3A_122 = arith.constant 0 : i32
        %dma_start3A_123 = tpu.memref_slice %arg7[%multiple_of3A_119, %dma_start3A_122] : memref<100352x16xf32, #tpu.memory_space<vmem_shared>> -> memref<512x16xf32, #tpu.memory_space<vmem_shared>>
        tpu.enqueue_dma source(%arg11 : memref<512x16xf32, #tpu.memory_space<vmem>>) target(%dma_start3A_123 : memref<512x16xf32, #tpu.memory_space<vmem_shared>>) target_semaphore(%run_scoped3A : memref<!tpu.dma_semaphore, #tpu.memory_space<semaphore_mem>>)
        %dma_wait3A = arith.constant 0 : i32
        %dma_wait3A_124 = tpu.memref_slice %arg7[%multiple_of3A_119, %dma_wait3A] : memref<100352x16xf32, #tpu.memory_space<vmem_shared>> -> memref<512x16xf32, #tpu.memory_space<vmem_shared>>
        %dma_wait3A_125 = arith.constant 0 : i32
        %dma_wait3A_126 = tpu.memref_slice %arg7[%multiple_of3A_119, %dma_wait3A_125] : memref<100352x16xf32, #tpu.memory_space<vmem_shared>> -> memref<512x16xf32, #tpu.memory_space<vmem_shared>>
        tpu.wait_dma2 semaphore(%run_scoped3A : memref<!tpu.dma_semaphore, #tpu.memory_space<semaphore_mem>>) src(%arg11 : memref<512x16xf32, #tpu.memory_space<vmem>>) dst(%dma_wait3A_126 : memref<512x16xf32, #tpu.memory_space<vmem_shared>>)
        tpu.yield
      }) : () -> ()
      %scan3A_120 = arith.constant 0 : i32
      scf.yield %scan3A_120 : i32
    }
    %scan3A_18 = arith.constant 12 : i32
    %add3A = arith.constant 6144 : i32
    %add3A_19 = arith.addi %mul3A_5, %add3A : i32
    %multiple_of3A = tpu.assume_multiple %add3A_19, 128 : i32
    "tpu.region"() ({
      %run_scoped3A = tpu.sem_alloc : memref<!tpu.dma_semaphore, #tpu.memory_space<semaphore_mem>>
      %dma_start3A = arith.constant 0 : i32
      %dma_start3A_114 = arith.constant 0 : i32
      %dma_start3A_115 = tpu.memref_slice %arg11[%dma_start3A, %dma_start3A_114] : memref<512x16xf32, #tpu.memory_space<vmem>> -> memref<128x16xf32, #tpu.memory_space<vmem>>
      %dma_start3A_116 = arith.constant 0 : i32
      %dma_start3A_117 = tpu.memref_slice %arg7[%multiple_of3A, %dma_start3A_116] : memref<100352x16xf32, #tpu.memory_space<vmem_shared>> -> memref<128x16xf32, #tpu.memory_space<vmem_shared>>
      %dma_start3A_118 = arith.constant 0 : i32
      %dma_start3A_119 = tpu.memref_slice %arg7[%multiple_of3A, %dma_start3A_118] : memref<100352x16xf32, #tpu.memory_space<vmem_shared>> -> memref<128x16xf32, #tpu.memory_space<vmem_shared>>
      %dma_start3A_120 = arith.constant 0 : i32
      %dma_start3A_121 = arith.constant 0 : i32
      %dma_start3A_122 = tpu.memref_slice %arg11[%dma_start3A_120, %dma_start3A_121] : memref<512x16xf32, #tpu.memory_space<vmem>> -> memref<128x16xf32, #tpu.memory_space<vmem>>
      tpu.enqueue_dma source(%dma_start3A_122 : memref<128x16xf32, #tpu.memory_space<vmem>>) target(%dma_start3A_119 : memref<128x16xf32, #tpu.memory_space<vmem_shared>>) target_semaphore(%run_scoped3A : memref<!tpu.dma_semaphore, #tpu.memory_space<semaphore_mem>>)
      %dma_wait3A = arith.constant 0 : i32
      %dma_wait3A_123 = arith.constant 0 : i32
      %dma_wait3A_124 = tpu.memref_slice %arg11[%dma_wait3A, %dma_wait3A_123] : memref<512x16xf32, #tpu.memory_space<vmem>> -> memref<128x16xf32, #tpu.memory_space<vmem>>
      %dma_wait3A_125 = arith.constant 0 : i32
      %dma_wait3A_126 = tpu.memref_slice %arg7[%multiple_of3A, %dma_wait3A_125] : memref<100352x16xf32, #tpu.memory_space<vmem_shared>> -> memref<128x16xf32, #tpu.memory_space<vmem_shared>>
      %dma_wait3A_127 = arith.constant 0 : i32
      %dma_wait3A_128 = tpu.memref_slice %arg7[%multiple_of3A, %dma_wait3A_127] : memref<100352x16xf32, #tpu.memory_space<vmem_shared>> -> memref<128x16xf32, #tpu.memory_space<vmem_shared>>
      %dma_wait3A_129 = arith.constant 0 : i32
      %dma_wait3A_130 = arith.constant 0 : i32
      %dma_wait3A_131 = tpu.memref_slice %arg11[%dma_wait3A_129, %dma_wait3A_130] : memref<512x16xf32, #tpu.memory_space<vmem>> -> memref<128x16xf32, #tpu.memory_space<vmem>>
      tpu.wait_dma2 semaphore(%run_scoped3A : memref<!tpu.dma_semaphore, #tpu.memory_space<semaphore_mem>>) src(%dma_wait3A_131 : memref<128x16xf32, #tpu.memory_space<vmem>>) dst(%dma_wait3A_128 : memref<128x16xf32, #tpu.memory_space<vmem_shared>>)
      tpu.yield
    }) : () -> ()
    %barrier3A = arith.constant 0 : index
    tpu.barrier barrier_id(%barrier3A)
    %mul3A_20 = arith.constant 512 : i32
    %mul3A_21 = arith.muli %arg1, %mul3A_20 : i32
    "tpu.region"() ({
      %run_scoped3A = tpu.sem_alloc : memref<!tpu.dma_semaphore, #tpu.memory_space<semaphore_mem>>
      %dma_start3A = tpu.memref_slice %arg4[%mul3A_21] : memref<8192xi32, #tpu.memory_space<hbm>> -> memref<512xi32, #tpu.memory_space<hbm>>
      %dma_start3A_114 = tpu.memref_slice %arg4[%mul3A_21] : memref<8192xi32, #tpu.memory_space<hbm>> -> memref<512xi32, #tpu.memory_space<hbm>>
      tpu.enqueue_dma source(%dma_start3A_114 : memref<512xi32, #tpu.memory_space<hbm>>) target(%arg9 : memref<512xi32, #tpu.memory_space<vmem>>) target_semaphore(%run_scoped3A : memref<!tpu.dma_semaphore, #tpu.memory_space<semaphore_mem>>)
      %dma_wait3A = tpu.memref_slice %arg4[%mul3A_21] : memref<8192xi32, #tpu.memory_space<hbm>> -> memref<512xi32, #tpu.memory_space<hbm>>
      %dma_wait3A_115 = tpu.memref_slice %arg4[%mul3A_21] : memref<8192xi32, #tpu.memory_space<hbm>> -> memref<512xi32, #tpu.memory_space<hbm>>
      tpu.wait_dma2 semaphore(%run_scoped3A : memref<!tpu.dma_semaphore, #tpu.memory_space<semaphore_mem>>) src(%dma_wait3A_115 : memref<512xi32, #tpu.memory_space<hbm>>) dst(%arg9 : memref<512xi32, #tpu.memory_space<vmem>>)
      tpu.yield
    }) : () -> ()
    %mul3A_22 = arith.constant 512 : i32
    %mul3A_23 = arith.muli %arg1, %mul3A_22 : i32
    "tpu.region"() ({
      %run_scoped3A = tpu.sem_alloc : memref<!tpu.dma_semaphore, #tpu.memory_space<semaphore_mem>>
      %dma_start3A = tpu.memref_slice %arg5[%mul3A_23] : memref<8192xi32, #tpu.memory_space<hbm>> -> memref<512xi32, #tpu.memory_space<hbm>>
      %dma_start3A_114 = tpu.memref_slice %arg5[%mul3A_23] : memref<8192xi32, #tpu.memory_space<hbm>> -> memref<512xi32, #tpu.memory_space<hbm>>
      tpu.enqueue_dma source(%dma_start3A_114 : memref<512xi32, #tpu.memory_space<hbm>>) target(%arg10 : memref<512xi32, #tpu.memory_space<vmem>>) target_semaphore(%run_scoped3A : memref<!tpu.dma_semaphore, #tpu.memory_space<semaphore_mem>>)
      %dma_wait3A = tpu.memref_slice %arg5[%mul3A_23] : memref<8192xi32, #tpu.memory_space<hbm>> -> memref<512xi32, #tpu.memory_space<hbm>>
      %dma_wait3A_115 = tpu.memref_slice %arg5[%mul3A_23] : memref<8192xi32, #tpu.memory_space<hbm>> -> memref<512xi32, #tpu.memory_space<hbm>>
      tpu.wait_dma2 semaphore(%run_scoped3A : memref<!tpu.dma_semaphore, #tpu.memory_space<semaphore_mem>>) src(%dma_wait3A_115 : memref<512xi32, #tpu.memory_space<hbm>>) dst(%arg10 : memref<512xi32, #tpu.memory_space<vmem>>)
      tpu.yield
    }) : () -> ()
    %scan3A_24 = arith.constant 0 : i32
    %scan3A_25 = arith.constant 0 : i32
    %scan3A_26 = arith.constant 32 : i32
    %scan3A_27 = arith.addi %scan3A_25, %scan3A_26 : i32
    %scan3A_28 = arith.constant 1 : i32
    %scan3A_29 = scf.for %scan3A_114 = %scan3A_25 to %scan3A_27 step %scan3A_28 iter_args(%scan3A_115 = %scan3A_24) -> (i32)  : i32 {
      %mul3A_116 = arith.constant 16 : i32
      %mul3A_117 = arith.muli %scan3A_114, %mul3A_116 : i32
      %get3A = arith.index_cast %mul3A_117 : i32 to index
      %get3A_118 = tpu.vector_load %arg10[%get3A] {strides = array<i32>} : memref<512xi32, #tpu.memory_space<vmem>>, vector<16xi32>,
      %mul3A_119 = arith.constant 16 : i32
      %mul3A_120 = arith.muli %scan3A_114, %mul3A_119 : i32
      %add3A_121 = vector.broadcast %mul3A_120 : i32 to vector<16xi32>
      %add3A_122 = arith.addi %add3A_121, %iota3A : vector<16xi32>
      %add3A_123 = arith.constant 8 : i32
      %add3A_124 = vector.broadcast %add3A_123 : i32 to vector<16xi32>
      %add3A_125 = arith.addi %get3A_118, %add3A_124 : vector<16xi32>
      tpu.vector_store_idx %arg11[%add3A_122, %add3A_125], %broadcast_in_dim3A_4 : memref<512x16xf32, #tpu.memory_space<vmem>>[vector<16xi32>, vector<16xi32>], vector<16xf32>,
      %scan3A_126 = arith.constant 0 : i32
      scf.yield %scan3A_126 : i32
    }
    %scan3A_30 = arith.constant 32 : i32
    "tpu.region"() ({
      %run_scoped3A = tpu.sem_alloc : memref<!tpu.dma_semaphore, #tpu.memory_space<semaphore_mem>>
      %dma_start3A = arith.constant 0 : i32
      %dma_start3A_114 = arith.constant 0 : i32
      %dma_start3A_115 = tpu.memref_slice %arg7[%dma_start3A, %dma_start3A_114] : memref<100352x16xf32, #tpu.memory_space<vmem_shared>> -> memref<100352x16xf32, #tpu.memory_space<vmem_shared>>
      tpu.enqueue_indirect_dma source(%arg11 : memref<512x16xf32, #tpu.memory_space<vmem>>) target(%dma_start3A_115 : memref<100352x16xf32, #tpu.memory_space<vmem_shared>>) offsets(%arg9 : memref<512xi32, #tpu.memory_space<vmem>>) semaphore(%run_scoped3A : memref<!tpu.dma_semaphore, #tpu.memory_space<semaphore_mem>>) {add = true}
      %dma_wait3A = arith.constant 0 : i32
      %dma_wait3A_116 = arith.constant 0 : i32
      %dma_wait3A_117 = tpu.memref_slice %arg7[%dma_wait3A, %dma_wait3A_116] : memref<100352x16xf32, #tpu.memory_space<vmem_shared>> -> memref<100352x16xf32, #tpu.memory_space<vmem_shared>>
      tpu.wait_indirect_dma semaphore(%run_scoped3A : memref<!tpu.dma_semaphore, #tpu.memory_space<semaphore_mem>>) src(%arg11 : memref<512x16xf32, #tpu.memory_space<vmem>>) dst(%dma_wait3A_117 : memref<100352x16xf32, #tpu.memory_space<vmem_shared>>)
      tpu.yield
    }) : () -> ()
    %barrier3A_31 = arith.constant 0 : index
    tpu.barrier barrier_id(%barrier3A_31)
    %scan3A_32 = arith.constant 0 : i32
    %scan3A_33 = arith.constant 0 : i32
    %scan3A_34 = arith.constant 12 : i32
    %scan3A_35 = arith.addi %scan3A_33, %scan3A_34 : i32
    %scan3A_36 = arith.constant 1 : i32
    %scan3A_37 = scf.for %scan3A_114 = %scan3A_33 to %scan3A_35 step %scan3A_36 iter_args(%scan3A_115 = %scan3A_32) -> (i32)  : i32 {
      %mul3A_116 = arith.constant 512 : i32
      %mul3A_117 = arith.muli %scan3A_114, %mul3A_116 : i32
      %add3A_118 = arith.addi %mul3A_5, %mul3A_117 : i32
      %multiple_of3A_119 = tpu.assume_multiple %add3A_118, 128 : i32
      "tpu.region"() ({
        %run_scoped3A = tpu.sem_alloc : memref<!tpu.dma_semaphore, #tpu.memory_space<semaphore_mem>>
        %dma_start3A = arith.constant 0 : i32
        %dma_start3A_128 = tpu.memref_slice %arg7[%multiple_of3A_119, %dma_start3A] : memref<100352x16xf32, #tpu.memory_space<vmem_shared>> -> memref<512x16xf32, #tpu.memory_space<vmem_shared>>
        %dma_start3A_129 = arith.constant 0 : i32
        %dma_start3A_130 = tpu.memref_slice %arg7[%multiple_of3A_119, %dma_start3A_129] : memref<100352x16xf32, #tpu.memory_space<vmem_shared>> -> memref<512x16xf32, #tpu.memory_space<vmem_shared>>
        tpu.enqueue_dma source(%dma_start3A_130 : memref<512x16xf32, #tpu.memory_space<vmem_shared>>) target(%arg11 : memref<512x16xf32, #tpu.memory_space<vmem>>) target_semaphore(%run_scoped3A : memref<!tpu.dma_semaphore, #tpu.memory_space<semaphore_mem>>)
        %dma_wait3A = arith.constant 0 : i32
        %dma_wait3A_131 = tpu.memref_slice %arg7[%multiple_of3A_119, %dma_wait3A] : memref<100352x16xf32, #tpu.memory_space<vmem_shared>> -> memref<512x16xf32, #tpu.memory_space<vmem_shared>>
        %dma_wait3A_132 = arith.constant 0 : i32
        %dma_wait3A_133 = tpu.memref_slice %arg7[%multiple_of3A_119, %dma_wait3A_132] : memref<100352x16xf32, #tpu.memory_space<vmem_shared>> -> memref<512x16xf32, #tpu.memory_space<vmem_shared>>
        tpu.wait_dma2 semaphore(%run_scoped3A : memref<!tpu.dma_semaphore, #tpu.memory_space<semaphore_mem>>) src(%dma_wait3A_133 : memref<512x16xf32, #tpu.memory_space<vmem_shared>>) dst(%arg11 : memref<512x16xf32, #tpu.memory_space<vmem>>)
        tpu.yield
      }) : () -> ()
      %scan3A_120 = arith.constant 0 : i32
      %scan3A_121 = arith.constant 0 : i32
      %scan3A_122 = arith.constant 8 : i32
      %scan3A_123 = arith.addi %scan3A_121, %scan3A_122 : i32
      %scan3A_124 = arith.constant 1 : i32
      %scan3A_125 = scf.for %scan3A_128 = %scan3A_121 to %scan3A_123 step %scan3A_124 iter_args(%scan3A_129 = %scan3A_120) -> (i32)  : i32 {
        %mul3A_130 = arith.constant 64 : i32
        %mul3A_131 = arith.muli %scan3A_128, %mul3A_130 : i32
        %add3A_132 = arith.constant 0 : i32
        %add3A_133 = arith.addi %mul3A_131, %add3A_132 : i32
        %add3A_134 = vector.broadcast %add3A_133 : i32 to vector<16xi32>
        %add3A_135 = arith.addi %add3A_134, %iota3A : vector<16xi32>
        %add3A_136 = arith.constant 8 : i32
        %add3A_137 = vector.broadcast %add3A_136 : i32 to vector<16xi32>
        %add3A_138 = arith.addi %broadcast_in_dim3A_2, %add3A_137 : vector<16xi32>
        %gather3A = tpu.vector_load_idx %arg11[%add3A_135, %add3A_138] : memref<512x16xf32, #tpu.memory_space<vmem>>[vector<16xi32>, vector<16xi32>], vector<16xf32>,
        %gt3A = arith.constant 0.000000e+00 : f32
        %gt3A_139 = vector.broadcast %gt3A : f32 to vector<16xf32>
        %gt3A_140 = arith.cmpf ogt, %gather3A, %gt3A_139 : vector<16xf32>
        %jit3A = arith.constant 1 : i32
        %jit3A_141 = arith.constant 0 : i32
        %broadcast_in_dim3A_142 = vector.broadcast %jit3A : i32 to vector<16xi32>
        %broadcast_in_dim3A_143 = vector.broadcast %jit3A_141 : i32 to vector<16xi32>
        %select_n3A = arith.select %gt3A_140, %broadcast_in_dim3A_142, %broadcast_in_dim3A_143 : vector<16xi1>, vector<16xi32>
        %or3A = arith.ori %broadcast_in_dim3A_2, %select_n3A : vector<16xi32>
        %add3A_144 = arith.constant 9 : i32
        %add3A_145 = vector.broadcast %add3A_144 : i32 to vector<16xi32>
        %add3A_146 = arith.addi %broadcast_in_dim3A_2, %add3A_145 : vector<16xi32>
        %gather3A_147 = tpu.vector_load_idx %arg11[%add3A_135, %add3A_146] : memref<512x16xf32, #tpu.memory_space<vmem>>[vector<16xi32>, vector<16xi32>], vector<16xf32>,
        %gt3A_148 = arith.constant 0.000000e+00 : f32
        %gt3A_149 = vector.broadcast %gt3A_148 : f32 to vector<16xf32>
        %gt3A_150 = arith.cmpf ogt, %gather3A_147, %gt3A_149 : vector<16xf32>
        %jit3A_151 = arith.constant 2 : i32
        %jit3A_152 = arith.constant 0 : i32
        %broadcast_in_dim3A_153 = vector.broadcast %jit3A_151 : i32 to vector<16xi32>
        %broadcast_in_dim3A_154 = vector.broadcast %jit3A_152 : i32 to vector<16xi32>
        %select_n3A_155 = arith.select %gt3A_150, %broadcast_in_dim3A_153, %broadcast_in_dim3A_154 : vector<16xi1>, vector<16xi32>
        %or3A_156 = arith.ori %or3A, %select_n3A_155 : vector<16xi32>
        %add3A_157 = arith.constant 10 : i32
        %add3A_158 = vector.broadcast %add3A_157 : i32 to vector<16xi32>
        %add3A_159 = arith.addi %broadcast_in_dim3A_2, %add3A_158 : vector<16xi32>
        %gather3A_160 = tpu.vector_load_idx %arg11[%add3A_135, %add3A_159] : memref<512x16xf32, #tpu.memory_space<vmem>>[vector<16xi32>, vector<16xi32>], vector<16xf32>,
        %gt3A_161 = arith.constant 0.000000e+00 : f32
        %gt3A_162 = vector.broadcast %gt3A_161 : f32 to vector<16xf32>
        %gt3A_163 = arith.cmpf ogt, %gather3A_160, %gt3A_162 : vector<16xf32>
        %jit3A_164 = arith.constant 4 : i32
        %jit3A_165 = arith.constant 0 : i32
        %broadcast_in_dim3A_166 = vector.broadcast %jit3A_164 : i32 to vector<16xi32>
        %broadcast_in_dim3A_167 = vector.broadcast %jit3A_165 : i32 to vector<16xi32>
        %select_n3A_168 = arith.select %gt3A_163, %broadcast_in_dim3A_166, %broadcast_in_dim3A_167 : vector<16xi1>, vector<16xi32>
        %or3A_169 = arith.ori %or3A_156, %select_n3A_168 : vector<16xi32>
        %add3A_170 = arith.constant 11 : i32
        %add3A_171 = vector.broadcast %add3A_170 : i32 to vector<16xi32>
        %add3A_172 = arith.addi %broadcast_in_dim3A_2, %add3A_171 : vector<16xi32>
        %gather3A_173 = tpu.vector_load_idx %arg11[%add3A_135, %add3A_172] : memref<512x16xf32, #tpu.memory_space<vmem>>[vector<16xi32>, vector<16xi32>], vector<16xf32>,
        %gt3A_174 = arith.constant 0.000000e+00 : f32
        %gt3A_175 = vector.broadcast %gt3A_174 : f32 to vector<16xf32>
        %gt3A_176 = arith.cmpf ogt, %gather3A_173, %gt3A_175 : vector<16xf32>
        %jit3A_177 = arith.constant 8 : i32
        %jit3A_178 = arith.constant 0 : i32
        %broadcast_in_dim3A_179 = vector.broadcast %jit3A_177 : i32 to vector<16xi32>
        %broadcast_in_dim3A_180 = vector.broadcast %jit3A_178 : i32 to vector<16xi32>
        %select_n3A_181 = arith.select %gt3A_176, %broadcast_in_dim3A_179, %broadcast_in_dim3A_180 : vector<16xi1>, vector<16xi32>
        %or3A_182 = arith.ori %or3A_169, %select_n3A_181 : vector<16xi32>
        %add3A_183 = arith.constant 12 : i32
        %add3A_184 = vector.broadcast %add3A_183 : i32 to vector<16xi32>
        %add3A_185 = arith.addi %broadcast_in_dim3A_2, %add3A_184 : vector<16xi32>
        %gather3A_186 = tpu.vector_load_idx %arg11[%add3A_135, %add3A_185] : memref<512x16xf32, #tpu.memory_space<vmem>>[vector<16xi32>, vector<16xi32>], vector<16xf32>,
        %gt3A_187 = arith.constant 0.000000e+00 : f32
        %gt3A_188 = vector.broadcast %gt3A_187 : f32 to vector<16xf32>
        %gt3A_189 = arith.cmpf ogt, %gather3A_186, %gt3A_188 : vector<16xf32>
        %jit3A_190 = arith.constant 16 : i32
        %jit3A_191 = arith.constant 0 : i32
        %broadcast_in_dim3A_192 = vector.broadcast %jit3A_190 : i32 to vector<16xi32>
        %broadcast_in_dim3A_193 = vector.broadcast %jit3A_191 : i32 to vector<16xi32>
        %select_n3A_194 = arith.select %gt3A_189, %broadcast_in_dim3A_192, %broadcast_in_dim3A_193 : vector<16xi1>, vector<16xi32>
        %or3A_195 = arith.ori %or3A_182, %select_n3A_194 : vector<16xi32>
        %add3A_196 = arith.constant 13 : i32
        %add3A_197 = vector.broadcast %add3A_196 : i32 to vector<16xi32>
        %add3A_198 = arith.addi %broadcast_in_dim3A_2, %add3A_197 : vector<16xi32>
        %gather3A_199 = tpu.vector_load_idx %arg11[%add3A_135, %add3A_198] : memref<512x16xf32, #tpu.memory_space<vmem>>[vector<16xi32>, vector<16xi32>], vector<16xf32>,
        %gt3A_200 = arith.constant 0.000000e+00 : f32
        %gt3A_201 = vector.broadcast %gt3A_200 : f32 to vector<16xf32>
        %gt3A_202 = arith.cmpf ogt, %gather3A_199, %gt3A_201 : vector<16xf32>
        %jit3A_203 = arith.constant 32 : i32
        %jit3A_204 = arith.constant 0 : i32
        %broadcast_in_dim3A_205 = vector.broadcast %jit3A_203 : i32 to vector<16xi32>
        %broadcast_in_dim3A_206 = vector.broadcast %jit3A_204 : i32 to vector<16xi32>
        %select_n3A_207 = arith.select %gt3A_202, %broadcast_in_dim3A_205, %broadcast_in_dim3A_206 : vector<16xi1>, vector<16xi32>
        %or3A_208 = arith.ori %or3A_195, %select_n3A_207 : vector<16xi32>
        %add3A_209 = arith.constant 14 : i32
        %add3A_210 = vector.broadcast %add3A_209 : i32 to vector<16xi32>
        %add3A_211 = arith.addi %broadcast_in_dim3A_2, %add3A_210 : vector<16xi32>
        %gather3A_212 = tpu.vector_load_idx %arg11[%add3A_135, %add3A_211] : memref<512x16xf32, #tpu.memory_space<vmem>>[vector<16xi32>, vector<16xi32>], vector<16xf32>,
        %gt3A_213 = arith.constant 0.000000e+00 : f32
        %gt3A_214 = vector.broadcast %gt3A_213 : f32 to vector<16xf32>
        %gt3A_215 = arith.cmpf ogt, %gather3A_212, %gt3A_214 : vector<16xf32>
        %jit3A_216 = arith.constant 64 : i32
        %jit3A_217 = arith.constant 0 : i32
        %broadcast_in_dim3A_218 = vector.broadcast %jit3A_216 : i32 to vector<16xi32>
        %broadcast_in_dim3A_219 = vector.broadcast %jit3A_217 : i32 to vector<16xi32>
        %select_n3A_220 = arith.select %gt3A_215, %broadcast_in_dim3A_218, %broadcast_in_dim3A_219 : vector<16xi1>, vector<16xi32>
        %or3A_221 = arith.ori %or3A_208, %select_n3A_220 : vector<16xi32>
        %add3A_222 = arith.constant 15 : i32
        %add3A_223 = vector.broadcast %add3A_222 : i32 to vector<16xi32>
        %add3A_224 = arith.addi %broadcast_in_dim3A_2, %add3A_223 : vector<16xi32>
        %gather3A_225 = tpu.vector_load_idx %arg11[%add3A_135, %add3A_224] : memref<512x16xf32, #tpu.memory_space<vmem>>[vector<16xi32>, vector<16xi32>], vector<16xf32>,
        %gt3A_226 = arith.constant 0.000000e+00 : f32
        %gt3A_227 = vector.broadcast %gt3A_226 : f32 to vector<16xf32>
        %gt3A_228 = arith.cmpf ogt, %gather3A_225, %gt3A_227 : vector<16xf32>
        %jit3A_229 = arith.constant 128 : i32
        %jit3A_230 = arith.constant 0 : i32
        %broadcast_in_dim3A_231 = vector.broadcast %jit3A_229 : i32 to vector<16xi32>
        %broadcast_in_dim3A_232 = vector.broadcast %jit3A_230 : i32 to vector<16xi32>
        %select_n3A_233 = arith.select %gt3A_228, %broadcast_in_dim3A_231, %broadcast_in_dim3A_232 : vector<16xi1>, vector<16xi32>
        %or3A_234 = arith.ori %or3A_221, %select_n3A_233 : vector<16xi32>
        %swap3A_235 = arith.constant 0 : index
        %swap3A_236 = tpu.vector_load %arg19[%swap3A_235] {strides = array<i32>} : memref<512xi32, #tpu.memory_space<vmem>>, vector<16xi32>,
        tpu.vector_store %arg19[%swap3A_235], %or3A_234 {strides = array<i32>} : memref<512xi32, #tpu.memory_space<vmem>>, vector<16xi32>,
        %mul3A_237 = arith.constant 64 : i32
        %mul3A_238 = arith.muli %scan3A_128, %mul3A_237 : i32
        %add3A_239 = arith.constant 16 : i32
        %add3A_240 = arith.addi %mul3A_238, %add3A_239 : i32
        %add3A_241 = vector.broadcast %add3A_240 : i32 to vector<16xi32>
        %add3A_242 = arith.addi %add3A_241, %iota3A : vector<16xi32>
        %add3A_243 = arith.constant 8 : i32
        %add3A_244 = vector.broadcast %add3A_243 : i32 to vector<16xi32>
        %add3A_245 = arith.addi %broadcast_in_dim3A_2, %add3A_244 : vector<16xi32>
        %gather3A_246 = tpu.vector_load_idx %arg11[%add3A_242, %add3A_245] : memref<512x16xf32, #tpu.memory_space<vmem>>[vector<16xi32>, vector<16xi32>], vector<16xf32>,
        %gt3A_247 = arith.constant 0.000000e+00 : f32
        %gt3A_248 = vector.broadcast %gt3A_247 : f32 to vector<16xf32>
        %gt3A_249 = arith.cmpf ogt, %gather3A_246, %gt3A_248 : vector<16xf32>
        %jit3A_250 = arith.constant 1 : i32
        %jit3A_251 = arith.constant 0 : i32
        %broadcast_in_dim3A_252 = vector.broadcast %jit3A_250 : i32 to vector<16xi32>
        %broadcast_in_dim3A_253 = vector.broadcast %jit3A_251 : i32 to vector<16xi32>
        %select_n3A_254 = arith.select %gt3A_249, %broadcast_in_dim3A_252, %broadcast_in_dim3A_253 : vector<16xi1>, vector<16xi32>
        %or3A_255 = arith.ori %broadcast_in_dim3A_2, %select_n3A_254 : vector<16xi32>
        %add3A_256 = arith.constant 9 : i32
        %add3A_257 = vector.broadcast %add3A_256 : i32 to vector<16xi32>
        %add3A_258 = arith.addi %broadcast_in_dim3A_2, %add3A_257 : vector<16xi32>
        %gather3A_259 = tpu.vector_load_idx %arg11[%add3A_242, %add3A_258] : memref<512x16xf32, #tpu.memory_space<vmem>>[vector<16xi32>, vector<16xi32>], vector<16xf32>,
        %gt3A_260 = arith.constant 0.000000e+00 : f32
        %gt3A_261 = vector.broadcast %gt3A_260 : f32 to vector<16xf32>
        %gt3A_262 = arith.cmpf ogt, %gather3A_259, %gt3A_261 : vector<16xf32>
        %jit3A_263 = arith.constant 2 : i32
        %jit3A_264 = arith.constant 0 : i32
        %broadcast_in_dim3A_265 = vector.broadcast %jit3A_263 : i32 to vector<16xi32>
        %broadcast_in_dim3A_266 = vector.broadcast %jit3A_264 : i32 to vector<16xi32>
        %select_n3A_267 = arith.select %gt3A_262, %broadcast_in_dim3A_265, %broadcast_in_dim3A_266 : vector<16xi1>, vector<16xi32>
        %or3A_268 = arith.ori %or3A_255, %select_n3A_267 : vector<16xi32>
        %add3A_269 = arith.constant 10 : i32
        %add3A_270 = vector.broadcast %add3A_269 : i32 to vector<16xi32>
        %add3A_271 = arith.addi %broadcast_in_dim3A_2, %add3A_270 : vector<16xi32>
        %gather3A_272 = tpu.vector_load_idx %arg11[%add3A_242, %add3A_271] : memref<512x16xf32, #tpu.memory_space<vmem>>[vector<16xi32>, vector<16xi32>], vector<16xf32>,
        %gt3A_273 = arith.constant 0.000000e+00 : f32
        %gt3A_274 = vector.broadcast %gt3A_273 : f32 to vector<16xf32>
        %gt3A_275 = arith.cmpf ogt, %gather3A_272, %gt3A_274 : vector<16xf32>
        %jit3A_276 = arith.constant 4 : i32
        %jit3A_277 = arith.constant 0 : i32
        %broadcast_in_dim3A_278 = vector.broadcast %jit3A_276 : i32 to vector<16xi32>
        %broadcast_in_dim3A_279 = vector.broadcast %jit3A_277 : i32 to vector<16xi32>
        %select_n3A_280 = arith.select %gt3A_275, %broadcast_in_dim3A_278, %broadcast_in_dim3A_279 : vector<16xi1>, vector<16xi32>
        %or3A_281 = arith.ori %or3A_268, %select_n3A_280 : vector<16xi32>
        %add3A_282 = arith.constant 11 : i32
        %add3A_283 = vector.broadcast %add3A_282 : i32 to vector<16xi32>
        %add3A_284 = arith.addi %broadcast_in_dim3A_2, %add3A_283 : vector<16xi32>
        %gather3A_285 = tpu.vector_load_idx %arg11[%add3A_242, %add3A_284] : memref<512x16xf32, #tpu.memory_space<vmem>>[vector<16xi32>, vector<16xi32>], vector<16xf32>,
        %gt3A_286 = arith.constant 0.000000e+00 : f32
        %gt3A_287 = vector.broadcast %gt3A_286 : f32 to vector<16xf32>
        %gt3A_288 = arith.cmpf ogt, %gather3A_285, %gt3A_287 : vector<16xf32>
        %jit3A_289 = arith.constant 8 : i32
        %jit3A_290 = arith.constant 0 : i32
        %broadcast_in_dim3A_291 = vector.broadcast %jit3A_289 : i32 to vector<16xi32>
        %broadcast_in_dim3A_292 = vector.broadcast %jit3A_290 : i32 to vector<16xi32>
        %select_n3A_293 = arith.select %gt3A_288, %broadcast_in_dim3A_291, %broadcast_in_dim3A_292 : vector<16xi1>, vector<16xi32>
        %or3A_294 = arith.ori %or3A_281, %select_n3A_293 : vector<16xi32>
        %add3A_295 = arith.constant 12 : i32
        %add3A_296 = vector.broadcast %add3A_295 : i32 to vector<16xi32>
        %add3A_297 = arith.addi %broadcast_in_dim3A_2, %add3A_296 : vector<16xi32>
        %gather3A_298 = tpu.vector_load_idx %arg11[%add3A_242, %add3A_297] : memref<512x16xf32, #tpu.memory_space<vmem>>[vector<16xi32>, vector<16xi32>], vector<16xf32>,
        %gt3A_299 = arith.constant 0.000000e+00 : f32
        %gt3A_300 = vector.broadcast %gt3A_299 : f32 to vector<16xf32>
        %gt3A_301 = arith.cmpf ogt, %gather3A_298, %gt3A_300 : vector<16xf32>
        %jit3A_302 = arith.constant 16 : i32
        %jit3A_303 = arith.constant 0 : i32
        %broadcast_in_dim3A_304 = vector.broadcast %jit3A_302 : i32 to vector<16xi32>
        %broadcast_in_dim3A_305 = vector.broadcast %jit3A_303 : i32 to vector<16xi32>
        %select_n3A_306 = arith.select %gt3A_301, %broadcast_in_dim3A_304, %broadcast_in_dim3A_305 : vector<16xi1>, vector<16xi32>
        %or3A_307 = arith.ori %or3A_294, %select_n3A_306 : vector<16xi32>
        %add3A_308 = arith.constant 13 : i32
        %add3A_309 = vector.broadcast %add3A_308 : i32 to vector<16xi32>
        %add3A_310 = arith.addi %broadcast_in_dim3A_2, %add3A_309 : vector<16xi32>
        %gather3A_311 = tpu.vector_load_idx %arg11[%add3A_242, %add3A_310] : memref<512x16xf32, #tpu.memory_space<vmem>>[vector<16xi32>, vector<16xi32>], vector<16xf32>,
        %gt3A_312 = arith.constant 0.000000e+00 : f32
        %gt3A_313 = vector.broadcast %gt3A_312 : f32 to vector<16xf32>
        %gt3A_314 = arith.cmpf ogt, %gather3A_311, %gt3A_313 : vector<16xf32>
        %jit3A_315 = arith.constant 32 : i32
        %jit3A_316 = arith.constant 0 : i32
        %broadcast_in_dim3A_317 = vector.broadcast %jit3A_315 : i32 to vector<16xi32>
        %broadcast_in_dim3A_318 = vector.broadcast %jit3A_316 : i32 to vector<16xi32>
        %select_n3A_319 = arith.select %gt3A_314, %broadcast_in_dim3A_317, %broadcast_in_dim3A_318 : vector<16xi1>, vector<16xi32>
        %or3A_320 = arith.ori %or3A_307, %select_n3A_319 : vector<16xi32>
        %add3A_321 = arith.constant 14 : i32
        %add3A_322 = vector.broadcast %add3A_321 : i32 to vector<16xi32>
        %add3A_323 = arith.addi %broadcast_in_dim3A_2, %add3A_322 : vector<16xi32>
        %gather3A_324 = tpu.vector_load_idx %arg11[%add3A_242, %add3A_323] : memref<512x16xf32, #tpu.memory_space<vmem>>[vector<16xi32>, vector<16xi32>], vector<16xf32>,
        %gt3A_325 = arith.constant 0.000000e+00 : f32
        %gt3A_326 = vector.broadcast %gt3A_325 : f32 to vector<16xf32>
        %gt3A_327 = arith.cmpf ogt, %gather3A_324, %gt3A_326 : vector<16xf32>
        %jit3A_328 = arith.constant 64 : i32
        %jit3A_329 = arith.constant 0 : i32
        %broadcast_in_dim3A_330 = vector.broadcast %jit3A_328 : i32 to vector<16xi32>
        %broadcast_in_dim3A_331 = vector.broadcast %jit3A_329 : i32 to vector<16xi32>
        %select_n3A_332 = arith.select %gt3A_327, %broadcast_in_dim3A_330, %broadcast_in_dim3A_331 : vector<16xi1>, vector<16xi32>
        %or3A_333 = arith.ori %or3A_320, %select_n3A_332 : vector<16xi32>
        %add3A_334 = arith.constant 15 : i32
        %add3A_335 = vector.broadcast %add3A_334 : i32 to vector<16xi32>
        %add3A_336 = arith.addi %broadcast_in_dim3A_2, %add3A_335 : vector<16xi32>
        %gather3A_337 = tpu.vector_load_idx %arg11[%add3A_242, %add3A_336] : memref<512x16xf32, #tpu.memory_space<vmem>>[vector<16xi32>, vector<16xi32>], vector<16xf32>,
        %gt3A_338 = arith.constant 0.000000e+00 : f32
        %gt3A_339 = vector.broadcast %gt3A_338 : f32 to vector<16xf32>
        %gt3A_340 = arith.cmpf ogt, %gather3A_337, %gt3A_339 : vector<16xf32>
        %jit3A_341 = arith.constant 128 : i32
        %jit3A_342 = arith.constant 0 : i32
        %broadcast_in_dim3A_343 = vector.broadcast %jit3A_341 : i32 to vector<16xi32>
        %broadcast_in_dim3A_344 = vector.broadcast %jit3A_342 : i32 to vector<16xi32>
        %select_n3A_345 = arith.select %gt3A_340, %broadcast_in_dim3A_343, %broadcast_in_dim3A_344 : vector<16xi1>, vector<16xi32>
        %or3A_346 = arith.ori %or3A_333, %select_n3A_345 : vector<16xi32>
        %swap3A_347 = arith.constant 16 : index
        %swap3A_348 = tpu.vector_load %arg19[%swap3A_347] {strides = array<i32>} : memref<512xi32, #tpu.memory_space<vmem>>, vector<16xi32>,
        tpu.vector_store %arg19[%swap3A_347], %or3A_346 {strides = array<i32>} : memref<512xi32, #tpu.memory_space<vmem>>, vector<16xi32>,
        %mul3A_349 = arith.constant 64 : i32
        %mul3A_350 = arith.muli %scan3A_128, %mul3A_349 : i32
        %add3A_351 = arith.constant 32 : i32
        %add3A_352 = arith.addi %mul3A_350, %add3A_351 : i32
        %add3A_353 = vector.broadcast %add3A_352 : i32 to vector<16xi32>
        %add3A_354 = arith.addi %add3A_353, %iota3A : vector<16xi32>
        %add3A_355 = arith.constant 8 : i32
        %add3A_356 = vector.broadcast %add3A_355 : i32 to vector<16xi32>
        %add3A_357 = arith.addi %broadcast_in_dim3A_2, %add3A_356 : vector<16xi32>
        %gather3A_358 = tpu.vector_load_idx %arg11[%add3A_354, %add3A_357] : memref<512x16xf32, #tpu.memory_space<vmem>>[vector<16xi32>, vector<16xi32>], vector<16xf32>,
        %gt3A_359 = arith.constant 0.000000e+00 : f32
        %gt3A_360 = vector.broadcast %gt3A_359 : f32 to vector<16xf32>
        %gt3A_361 = arith.cmpf ogt, %gather3A_358, %gt3A_360 : vector<16xf32>
        %jit3A_362 = arith.constant 1 : i32
        %jit3A_363 = arith.constant 0 : i32
        %broadcast_in_dim3A_364 = vector.broadcast %jit3A_362 : i32 to vector<16xi32>
        %broadcast_in_dim3A_365 = vector.broadcast %jit3A_363 : i32 to vector<16xi32>
        %select_n3A_366 = arith.select %gt3A_361, %broadcast_in_dim3A_364, %broadcast_in_dim3A_365 : vector<16xi1>, vector<16xi32>
        %or3A_367 = arith.ori %broadcast_in_dim3A_2, %select_n3A_366 : vector<16xi32>
        %add3A_368 = arith.constant 9 : i32
        %add3A_369 = vector.broadcast %add3A_368 : i32 to vector<16xi32>
        %add3A_370 = arith.addi %broadcast_in_dim3A_2, %add3A_369 : vector<16xi32>
        %gather3A_371 = tpu.vector_load_idx %arg11[%add3A_354, %add3A_370] : memref<512x16xf32, #tpu.memory_space<vmem>>[vector<16xi32>, vector<16xi32>], vector<16xf32>,
        %gt3A_372 = arith.constant 0.000000e+00 : f32
        %gt3A_373 = vector.broadcast %gt3A_372 : f32 to vector<16xf32>
        %gt3A_374 = arith.cmpf ogt, %gather3A_371, %gt3A_373 : vector<16xf32>
        %jit3A_375 = arith.constant 2 : i32
        %jit3A_376 = arith.constant 0 : i32
        %broadcast_in_dim3A_377 = vector.broadcast %jit3A_375 : i32 to vector<16xi32>
        %broadcast_in_dim3A_378 = vector.broadcast %jit3A_376 : i32 to vector<16xi32>
        %select_n3A_379 = arith.select %gt3A_374, %broadcast_in_dim3A_377, %broadcast_in_dim3A_378 : vector<16xi1>, vector<16xi32>
        %or3A_380 = arith.ori %or3A_367, %select_n3A_379 : vector<16xi32>
        %add3A_381 = arith.constant 10 : i32
        %add3A_382 = vector.broadcast %add3A_381 : i32 to vector<16xi32>
        %add3A_383 = arith.addi %broadcast_in_dim3A_2, %add3A_382 : vector<16xi32>
        %gather3A_384 = tpu.vector_load_idx %arg11[%add3A_354, %add3A_383] : memref<512x16xf32, #tpu.memory_space<vmem>>[vector<16xi32>, vector<16xi32>], vector<16xf32>,
        %gt3A_385 = arith.constant 0.000000e+00 : f32
        %gt3A_386 = vector.broadcast %gt3A_385 : f32 to vector<16xf32>
        %gt3A_387 = arith.cmpf ogt, %gather3A_384, %gt3A_386 : vector<16xf32>
        %jit3A_388 = arith.constant 4 : i32
        %jit3A_389 = arith.constant 0 : i32
        %broadcast_in_dim3A_390 = vector.broadcast %jit3A_388 : i32 to vector<16xi32>
        %broadcast_in_dim3A_391 = vector.broadcast %jit3A_389 : i32 to vector<16xi32>
        %select_n3A_392 = arith.select %gt3A_387, %broadcast_in_dim3A_390, %broadcast_in_dim3A_391 : vector<16xi1>, vector<16xi32>
        %or3A_393 = arith.ori %or3A_380, %select_n3A_392 : vector<16xi32>
        %add3A_394 = arith.constant 11 : i32
        %add3A_395 = vector.broadcast %add3A_394 : i32 to vector<16xi32>
        %add3A_396 = arith.addi %broadcast_in_dim3A_2, %add3A_395 : vector<16xi32>
        %gather3A_397 = tpu.vector_load_idx %arg11[%add3A_354, %add3A_396] : memref<512x16xf32, #tpu.memory_space<vmem>>[vector<16xi32>, vector<16xi32>], vector<16xf32>,
        %gt3A_398 = arith.constant 0.000000e+00 : f32
        %gt3A_399 = vector.broadcast %gt3A_398 : f32 to vector<16xf32>
        %gt3A_400 = arith.cmpf ogt, %gather3A_397, %gt3A_399 : vector<16xf32>
        %jit3A_401 = arith.constant 8 : i32
        %jit3A_402 = arith.constant 0 : i32
        %broadcast_in_dim3A_403 = vector.broadcast %jit3A_401 : i32 to vector<16xi32>
        %broadcast_in_dim3A_404 = vector.broadcast %jit3A_402 : i32 to vector<16xi32>
        %select_n3A_405 = arith.select %gt3A_400, %broadcast_in_dim3A_403, %broadcast_in_dim3A_404 : vector<16xi1>, vector<16xi32>
        %or3A_406 = arith.ori %or3A_393, %select_n3A_405 : vector<16xi32>
        %add3A_407 = arith.constant 12 : i32
        %add3A_408 = vector.broadcast %add3A_407 : i32 to vector<16xi32>
        %add3A_409 = arith.addi %broadcast_in_dim3A_2, %add3A_408 : vector<16xi32>
        %gather3A_410 = tpu.vector_load_idx %arg11[%add3A_354, %add3A_409] : memref<512x16xf32, #tpu.memory_space<vmem>>[vector<16xi32>, vector<16xi32>], vector<16xf32>,
        %gt3A_411 = arith.constant 0.000000e+00 : f32
        %gt3A_412 = vector.broadcast %gt3A_411 : f32 to vector<16xf32>
        %gt3A_413 = arith.cmpf ogt, %gather3A_410, %gt3A_412 : vector<16xf32>
        %jit3A_414 = arith.constant 16 : i32
        %jit3A_415 = arith.constant 0 : i32
        %broadcast_in_dim3A_416 = vector.broadcast %jit3A_414 : i32 to vector<16xi32>
        %broadcast_in_dim3A_417 = vector.broadcast %jit3A_415 : i32 to vector<16xi32>
        %select_n3A_418 = arith.select %gt3A_413, %broadcast_in_dim3A_416, %broadcast_in_dim3A_417 : vector<16xi1>, vector<16xi32>
        %or3A_419 = arith.ori %or3A_406, %select_n3A_418 : vector<16xi32>
        %add3A_420 = arith.constant 13 : i32
        %add3A_421 = vector.broadcast %add3A_420 : i32 to vector<16xi32>
        %add3A_422 = arith.addi %broadcast_in_dim3A_2, %add3A_421 : vector<16xi32>
        %gather3A_423 = tpu.vector_load_idx %arg11[%add3A_354, %add3A_422] : memref<512x16xf32, #tpu.memory_space<vmem>>[vector<16xi32>, vector<16xi32>], vector<16xf32>,
        %gt3A_424 = arith.constant 0.000000e+00 : f32
        %gt3A_425 = vector.broadcast %gt3A_424 : f32 to vector<16xf32>
        %gt3A_426 = arith.cmpf ogt, %gather3A_423, %gt3A_425 : vector<16xf32>
        %jit3A_427 = arith.constant 32 : i32
        %jit3A_428 = arith.constant 0 : i32
        %broadcast_in_dim3A_429 = vector.broadcast %jit3A_427 : i32 to vector<16xi32>
        %broadcast_in_dim3A_430 = vector.broadcast %jit3A_428 : i32 to vector<16xi32>
        %select_n3A_431 = arith.select %gt3A_426, %broadcast_in_dim3A_429, %broadcast_in_dim3A_430 : vector<16xi1>, vector<16xi32>
        %or3A_432 = arith.ori %or3A_419, %select_n3A_431 : vector<16xi32>
        %add3A_433 = arith.constant 14 : i32
        %add3A_434 = vector.broadcast %add3A_433 : i32 to vector<16xi32>
        %add3A_435 = arith.addi %broadcast_in_dim3A_2, %add3A_434 : vector<16xi32>
        %gather3A_436 = tpu.vector_load_idx %arg11[%add3A_354, %add3A_435] : memref<512x16xf32, #tpu.memory_space<vmem>>[vector<16xi32>, vector<16xi32>], vector<16xf32>,
        %gt3A_437 = arith.constant 0.000000e+00 : f32
        %gt3A_438 = vector.broadcast %gt3A_437 : f32 to vector<16xf32>
        %gt3A_439 = arith.cmpf ogt, %gather3A_436, %gt3A_438 : vector<16xf32>
        %jit3A_440 = arith.constant 64 : i32
        %jit3A_441 = arith.constant 0 : i32
        %broadcast_in_dim3A_442 = vector.broadcast %jit3A_440 : i32 to vector<16xi32>
        %broadcast_in_dim3A_443 = vector.broadcast %jit3A_441 : i32 to vector<16xi32>
        %select_n3A_444 = arith.select %gt3A_439, %broadcast_in_dim3A_442, %broadcast_in_dim3A_443 : vector<16xi1>, vector<16xi32>
        %or3A_445 = arith.ori %or3A_432, %select_n3A_444 : vector<16xi32>
        %add3A_446 = arith.constant 15 : i32
        %add3A_447 = vector.broadcast %add3A_446 : i32 to vector<16xi32>
        %add3A_448 = arith.addi %broadcast_in_dim3A_2, %add3A_447 : vector<16xi32>
        %gather3A_449 = tpu.vector_load_idx %arg11[%add3A_354, %add3A_448] : memref<512x16xf32, #tpu.memory_space<vmem>>[vector<16xi32>, vector<16xi32>], vector<16xf32>,
        %gt3A_450 = arith.constant 0.000000e+00 : f32
        %gt3A_451 = vector.broadcast %gt3A_450 : f32 to vector<16xf32>
        %gt3A_452 = arith.cmpf ogt, %gather3A_449, %gt3A_451 : vector<16xf32>
        %jit3A_453 = arith.constant 128 : i32
        %jit3A_454 = arith.constant 0 : i32
        %broadcast_in_dim3A_455 = vector.broadcast %jit3A_453 : i32 to vector<16xi32>
        %broadcast_in_dim3A_456 = vector.broadcast %jit3A_454 : i32 to vector<16xi32>
        %select_n3A_457 = arith.select %gt3A_452, %broadcast_in_dim3A_455, %broadcast_in_dim3A_456 : vector<16xi1>, vector<16xi32>
        %or3A_458 = arith.ori %or3A_445, %select_n3A_457 : vector<16xi32>
        %swap3A_459 = arith.constant 32 : index
        %swap3A_460 = tpu.vector_load %arg19[%swap3A_459] {strides = array<i32>} : memref<512xi32, #tpu.memory_space<vmem>>, vector<16xi32>,
        tpu.vector_store %arg19[%swap3A_459], %or3A_458 {strides = array<i32>} : memref<512xi32, #tpu.memory_space<vmem>>, vector<16xi32>,
        %mul3A_461 = arith.constant 64 : i32
        %mul3A_462 = arith.muli %scan3A_128, %mul3A_461 : i32
        %add3A_463 = arith.constant 48 : i32
        %add3A_464 = arith.addi %mul3A_462, %add3A_463 : i32
        %add3A_465 = vector.broadcast %add3A_464 : i32 to vector<16xi32>
        %add3A_466 = arith.addi %add3A_465, %iota3A : vector<16xi32>
        %add3A_467 = arith.constant 8 : i32
        %add3A_468 = vector.broadcast %add3A_467 : i32 to vector<16xi32>
        %add3A_469 = arith.addi %broadcast_in_dim3A_2, %add3A_468 : vector<16xi32>
        %gather3A_470 = tpu.vector_load_idx %arg11[%add3A_466, %add3A_469] : memref<512x16xf32, #tpu.memory_space<vmem>>[vector<16xi32>, vector<16xi32>], vector<16xf32>,
        %gt3A_471 = arith.constant 0.000000e+00 : f32
        %gt3A_472 = vector.broadcast %gt3A_471 : f32 to vector<16xf32>
        %gt3A_473 = arith.cmpf ogt, %gather3A_470, %gt3A_472 : vector<16xf32>
        %jit3A_474 = arith.constant 1 : i32
        %jit3A_475 = arith.constant 0 : i32
        %broadcast_in_dim3A_476 = vector.broadcast %jit3A_474 : i32 to vector<16xi32>
        %broadcast_in_dim3A_477 = vector.broadcast %jit3A_475 : i32 to vector<16xi32>
        %select_n3A_478 = arith.select %gt3A_473, %broadcast_in_dim3A_476, %broadcast_in_dim3A_477 : vector<16xi1>, vector<16xi32>
        %or3A_479 = arith.ori %broadcast_in_dim3A_2, %select_n3A_478 : vector<16xi32>
        %add3A_480 = arith.constant 9 : i32
        %add3A_481 = vector.broadcast %add3A_480 : i32 to vector<16xi32>
        %add3A_482 = arith.addi %broadcast_in_dim3A_2, %add3A_481 : vector<16xi32>
        %gather3A_483 = tpu.vector_load_idx %arg11[%add3A_466, %add3A_482] : memref<512x16xf32, #tpu.memory_space<vmem>>[vector<16xi32>, vector<16xi32>], vector<16xf32>,
        %gt3A_484 = arith.constant 0.000000e+00 : f32
        %gt3A_485 = vector.broadcast %gt3A_484 : f32 to vector<16xf32>
        %gt3A_486 = arith.cmpf ogt, %gather3A_483, %gt3A_485 : vector<16xf32>
        %jit3A_487 = arith.constant 2 : i32
        %jit3A_488 = arith.constant 0 : i32
        %broadcast_in_dim3A_489 = vector.broadcast %jit3A_487 : i32 to vector<16xi32>
        %broadcast_in_dim3A_490 = vector.broadcast %jit3A_488 : i32 to vector<16xi32>
        %select_n3A_491 = arith.select %gt3A_486, %broadcast_in_dim3A_489, %broadcast_in_dim3A_490 : vector<16xi1>, vector<16xi32>
        %or3A_492 = arith.ori %or3A_479, %select_n3A_491 : vector<16xi32>
        %add3A_493 = arith.constant 10 : i32
        %add3A_494 = vector.broadcast %add3A_493 : i32 to vector<16xi32>
        %add3A_495 = arith.addi %broadcast_in_dim3A_2, %add3A_494 : vector<16xi32>
        %gather3A_496 = tpu.vector_load_idx %arg11[%add3A_466, %add3A_495] : memref<512x16xf32, #tpu.memory_space<vmem>>[vector<16xi32>, vector<16xi32>], vector<16xf32>,
        %gt3A_497 = arith.constant 0.000000e+00 : f32
        %gt3A_498 = vector.broadcast %gt3A_497 : f32 to vector<16xf32>
        %gt3A_499 = arith.cmpf ogt, %gather3A_496, %gt3A_498 : vector<16xf32>
        %jit3A_500 = arith.constant 4 : i32
        %jit3A_501 = arith.constant 0 : i32
        %broadcast_in_dim3A_502 = vector.broadcast %jit3A_500 : i32 to vector<16xi32>
        %broadcast_in_dim3A_503 = vector.broadcast %jit3A_501 : i32 to vector<16xi32>
        %select_n3A_504 = arith.select %gt3A_499, %broadcast_in_dim3A_502, %broadcast_in_dim3A_503 : vector<16xi1>, vector<16xi32>
        %or3A_505 = arith.ori %or3A_492, %select_n3A_504 : vector<16xi32>
        %add3A_506 = arith.constant 11 : i32
        %add3A_507 = vector.broadcast %add3A_506 : i32 to vector<16xi32>
        %add3A_508 = arith.addi %broadcast_in_dim3A_2, %add3A_507 : vector<16xi32>
        %gather3A_509 = tpu.vector_load_idx %arg11[%add3A_466, %add3A_508] : memref<512x16xf32, #tpu.memory_space<vmem>>[vector<16xi32>, vector<16xi32>], vector<16xf32>,
        %gt3A_510 = arith.constant 0.000000e+00 : f32
        %gt3A_511 = vector.broadcast %gt3A_510 : f32 to vector<16xf32>
        %gt3A_512 = arith.cmpf ogt, %gather3A_509, %gt3A_511 : vector<16xf32>
        %jit3A_513 = arith.constant 8 : i32
        %jit3A_514 = arith.constant 0 : i32
        %broadcast_in_dim3A_515 = vector.broadcast %jit3A_513 : i32 to vector<16xi32>
        %broadcast_in_dim3A_516 = vector.broadcast %jit3A_514 : i32 to vector<16xi32>
        %select_n3A_517 = arith.select %gt3A_512, %broadcast_in_dim3A_515, %broadcast_in_dim3A_516 : vector<16xi1>, vector<16xi32>
        %or3A_518 = arith.ori %or3A_505, %select_n3A_517 : vector<16xi32>
        %add3A_519 = arith.constant 12 : i32
        %add3A_520 = vector.broadcast %add3A_519 : i32 to vector<16xi32>
        %add3A_521 = arith.addi %broadcast_in_dim3A_2, %add3A_520 : vector<16xi32>
        %gather3A_522 = tpu.vector_load_idx %arg11[%add3A_466, %add3A_521] : memref<512x16xf32, #tpu.memory_space<vmem>>[vector<16xi32>, vector<16xi32>], vector<16xf32>,
        %gt3A_523 = arith.constant 0.000000e+00 : f32
        %gt3A_524 = vector.broadcast %gt3A_523 : f32 to vector<16xf32>
        %gt3A_525 = arith.cmpf ogt, %gather3A_522, %gt3A_524 : vector<16xf32>
        %jit3A_526 = arith.constant 16 : i32
        %jit3A_527 = arith.constant 0 : i32
        %broadcast_in_dim3A_528 = vector.broadcast %jit3A_526 : i32 to vector<16xi32>
        %broadcast_in_dim3A_529 = vector.broadcast %jit3A_527 : i32 to vector<16xi32>
        %select_n3A_530 = arith.select %gt3A_525, %broadcast_in_dim3A_528, %broadcast_in_dim3A_529 : vector<16xi1>, vector<16xi32>
        %or3A_531 = arith.ori %or3A_518, %select_n3A_530 : vector<16xi32>
        %add3A_532 = arith.constant 13 : i32
        %add3A_533 = vector.broadcast %add3A_532 : i32 to vector<16xi32>
        %add3A_534 = arith.addi %broadcast_in_dim3A_2, %add3A_533 : vector<16xi32>
        %gather3A_535 = tpu.vector_load_idx %arg11[%add3A_466, %add3A_534] : memref<512x16xf32, #tpu.memory_space<vmem>>[vector<16xi32>, vector<16xi32>], vector<16xf32>,
        %gt3A_536 = arith.constant 0.000000e+00 : f32
        %gt3A_537 = vector.broadcast %gt3A_536 : f32 to vector<16xf32>
        %gt3A_538 = arith.cmpf ogt, %gather3A_535, %gt3A_537 : vector<16xf32>
        %jit3A_539 = arith.constant 32 : i32
        %jit3A_540 = arith.constant 0 : i32
        %broadcast_in_dim3A_541 = vector.broadcast %jit3A_539 : i32 to vector<16xi32>
        %broadcast_in_dim3A_542 = vector.broadcast %jit3A_540 : i32 to vector<16xi32>
        %select_n3A_543 = arith.select %gt3A_538, %broadcast_in_dim3A_541, %broadcast_in_dim3A_542 : vector<16xi1>, vector<16xi32>
        %or3A_544 = arith.ori %or3A_531, %select_n3A_543 : vector<16xi32>
        %add3A_545 = arith.constant 14 : i32
        %add3A_546 = vector.broadcast %add3A_545 : i32 to vector<16xi32>
        %add3A_547 = arith.addi %broadcast_in_dim3A_2, %add3A_546 : vector<16xi32>
        %gather3A_548 = tpu.vector_load_idx %arg11[%add3A_466, %add3A_547] : memref<512x16xf32, #tpu.memory_space<vmem>>[vector<16xi32>, vector<16xi32>], vector<16xf32>,
        %gt3A_549 = arith.constant 0.000000e+00 : f32
        %gt3A_550 = vector.broadcast %gt3A_549 : f32 to vector<16xf32>
        %gt3A_551 = arith.cmpf ogt, %gather3A_548, %gt3A_550 : vector<16xf32>
        %jit3A_552 = arith.constant 64 : i32
        %jit3A_553 = arith.constant 0 : i32
        %broadcast_in_dim3A_554 = vector.broadcast %jit3A_552 : i32 to vector<16xi32>
        %broadcast_in_dim3A_555 = vector.broadcast %jit3A_553 : i32 to vector<16xi32>
        %select_n3A_556 = arith.select %gt3A_551, %broadcast_in_dim3A_554, %broadcast_in_dim3A_555 : vector<16xi1>, vector<16xi32>
        %or3A_557 = arith.ori %or3A_544, %select_n3A_556 : vector<16xi32>
        %add3A_558 = arith.constant 15 : i32
        %add3A_559 = vector.broadcast %add3A_558 : i32 to vector<16xi32>
        %add3A_560 = arith.addi %broadcast_in_dim3A_2, %add3A_559 : vector<16xi32>
        %gather3A_561 = tpu.vector_load_idx %arg11[%add3A_466, %add3A_560] : memref<512x16xf32, #tpu.memory_space<vmem>>[vector<16xi32>, vector<16xi32>], vector<16xf32>,
        %gt3A_562 = arith.constant 0.000000e+00 : f32
        %gt3A_563 = vector.broadcast %gt3A_562 : f32 to vector<16xf32>
        %gt3A_564 = arith.cmpf ogt, %gather3A_561, %gt3A_563 : vector<16xf32>
        %jit3A_565 = arith.constant 128 : i32
        %jit3A_566 = arith.constant 0 : i32
        %broadcast_in_dim3A_567 = vector.broadcast %jit3A_565 : i32 to vector<16xi32>
        %broadcast_in_dim3A_568 = vector.broadcast %jit3A_566 : i32 to vector<16xi32>
        %select_n3A_569 = arith.select %gt3A_564, %broadcast_in_dim3A_567, %broadcast_in_dim3A_568 : vector<16xi1>, vector<16xi32>
        %or3A_570 = arith.ori %or3A_557, %select_n3A_569 : vector<16xi32>
        %swap3A_571 = arith.constant 48 : index
        %swap3A_572 = tpu.vector_load %arg19[%swap3A_571] {strides = array<i32>} : memref<512xi32, #tpu.memory_space<vmem>>, vector<16xi32>,
        tpu.vector_store %arg19[%swap3A_571], %or3A_570 {strides = array<i32>} : memref<512xi32, #tpu.memory_space<vmem>>, vector<16xi32>,
        %mul3A_573 = arith.constant 4 : i32
        %mul3A_574 = vector.broadcast %mul3A_573 : i32 to vector<16xi32>
        %mul3A_575 = arith.muli %iota3A, %mul3A_574 : vector<16xi32>
        %add3A_576 = arith.constant 0 : i32
        %add3A_577 = vector.broadcast %add3A_576 : i32 to vector<16xi32>
        %add3A_578 = arith.addi %mul3A_575, %add3A_577 : vector<16xi32>
        %gather3A_579 = tpu.vector_load_idx %arg19[%add3A_578] : memref<512xi32, #tpu.memory_space<vmem>>[vector<16xi32>], vector<16xi32>,
        %shift_left3A = arith.constant 0 : i32
        %shift_left3A_580 = vector.broadcast %shift_left3A : i32 to vector<16xi32>
        %shift_left3A_581 = arith.shli %gather3A_579, %shift_left3A_580 : vector<16xi32>
        %or3A_582 = arith.ori %broadcast_in_dim3A_2, %shift_left3A_581 : vector<16xi32>
        %mul3A_583 = arith.constant 4 : i32
        %mul3A_584 = vector.broadcast %mul3A_583 : i32 to vector<16xi32>
        %mul3A_585 = arith.muli %iota3A, %mul3A_584 : vector<16xi32>
        %add3A_586 = arith.constant 1 : i32
        %add3A_587 = vector.broadcast %add3A_586 : i32 to vector<16xi32>
        %add3A_588 = arith.addi %mul3A_585, %add3A_587 : vector<16xi32>
        %gather3A_589 = tpu.vector_load_idx %arg19[%add3A_588] : memref<512xi32, #tpu.memory_space<vmem>>[vector<16xi32>], vector<16xi32>,
        %shift_left3A_590 = arith.constant 8 : i32
        %shift_left3A_591 = vector.broadcast %shift_left3A_590 : i32 to vector<16xi32>
        %shift_left3A_592 = arith.shli %gather3A_589, %shift_left3A_591 : vector<16xi32>
        %or3A_593 = arith.ori %or3A_582, %shift_left3A_592 : vector<16xi32>
        %mul3A_594 = arith.constant 4 : i32
        %mul3A_595 = vector.broadcast %mul3A_594 : i32 to vector<16xi32>
        %mul3A_596 = arith.muli %iota3A, %mul3A_595 : vector<16xi32>
        %add3A_597 = arith.constant 2 : i32
        %add3A_598 = vector.broadcast %add3A_597 : i32 to vector<16xi32>
        %add3A_599 = arith.addi %mul3A_596, %add3A_598 : vector<16xi32>
        %gather3A_600 = tpu.vector_load_idx %arg19[%add3A_599] : memref<512xi32, #tpu.memory_space<vmem>>[vector<16xi32>], vector<16xi32>,
        %shift_left3A_601 = arith.constant 16 : i32
        %shift_left3A_602 = vector.broadcast %shift_left3A_601 : i32 to vector<16xi32>
        %shift_left3A_603 = arith.shli %gather3A_600, %shift_left3A_602 : vector<16xi32>
        %or3A_604 = arith.ori %or3A_593, %shift_left3A_603 : vector<16xi32>
        %mul3A_605 = arith.constant 4 : i32
        %mul3A_606 = vector.broadcast %mul3A_605 : i32 to vector<16xi32>
        %mul3A_607 = arith.muli %iota3A, %mul3A_606 : vector<16xi32>
        %add3A_608 = arith.constant 3 : i32
        %add3A_609 = vector.broadcast %add3A_608 : i32 to vector<16xi32>
        %add3A_610 = arith.addi %mul3A_607, %add3A_609 : vector<16xi32>
        %gather3A_611 = tpu.vector_load_idx %arg19[%add3A_610] : memref<512xi32, #tpu.memory_space<vmem>>[vector<16xi32>], vector<16xi32>,
        %shift_left3A_612 = arith.constant 24 : i32
        %shift_left3A_613 = vector.broadcast %shift_left3A_612 : i32 to vector<16xi32>
        %shift_left3A_614 = arith.shli %gather3A_611, %shift_left3A_613 : vector<16xi32>
        %or3A_615 = arith.ori %or3A_604, %shift_left3A_614 : vector<16xi32>
        %mul3A_616 = arith.constant 8 : i32
        %mul3A_617 = arith.muli %scan3A_114, %mul3A_616 : i32
        %add3A_618 = arith.addi %mul3A_617, %scan3A_128 : i32
        %mul3A_619 = arith.constant 16 : i32
        %mul3A_620 = arith.muli %add3A_618, %mul3A_619 : i32
        %swap3A_621 = arith.index_cast %mul3A_620 : i32 to index
        %swap3A_622 = tpu.vector_load %arg12[%swap3A_621] {strides = array<i32>} : memref<1568xi32, #tpu.memory_space<vmem>>, vector<16xi32>,
        tpu.vector_store %arg12[%swap3A_621], %or3A_615 {strides = array<i32>} : memref<1568xi32, #tpu.memory_space<vmem>>, vector<16xi32>,
        %scan3A_623 = arith.constant 0 : i32
        scf.yield %scan3A_623 : i32
      }
      %scan3A_126 = arith.constant 8 : i32
      %scan3A_127 = arith.constant 0 : i32
      scf.yield %scan3A_127 : i32
    }
    %scan3A_38 = arith.constant 12 : i32
    "tpu.region"() ({
      %run_scoped3A = tpu.sem_alloc : memref<!tpu.dma_semaphore, #tpu.memory_space<semaphore_mem>>
      %dma_start3A = arith.constant 0 : i32
      %dma_start3A_114 = arith.constant 0 : i32
      %dma_start3A_115 = tpu.memref_slice %arg11[%dma_start3A, %dma_start3A_114] : memref<512x16xf32, #tpu.memory_space<vmem>> -> memref<128x16xf32, #tpu.memory_space<vmem>>
      %dma_start3A_116 = arith.constant 0 : i32
      %dma_start3A_117 = tpu.memref_slice %arg7[%multiple_of3A, %dma_start3A_116] : memref<100352x16xf32, #tpu.memory_space<vmem_shared>> -> memref<128x16xf32, #tpu.memory_space<vmem_shared>>
      %dma_start3A_118 = arith.constant 0 : i32
      %dma_start3A_119 = arith.constant 0 : i32
      %dma_start3A_120 = tpu.memref_slice %arg11[%dma_start3A_118, %dma_start3A_119] : memref<512x16xf32, #tpu.memory_space<vmem>> -> memref<128x16xf32, #tpu.memory_space<vmem>>
      %dma_start3A_121 = arith.constant 0 : i32
      %dma_start3A_122 = tpu.memref_slice %arg7[%multiple_of3A, %dma_start3A_121] : memref<100352x16xf32, #tpu.memory_space<vmem_shared>> -> memref<128x16xf32, #tpu.memory_space<vmem_shared>>
      tpu.enqueue_dma source(%dma_start3A_122 : memref<128x16xf32, #tpu.memory_space<vmem_shared>>) target(%dma_start3A_120 : memref<128x16xf32, #tpu.memory_space<vmem>>) target_semaphore(%run_scoped3A : memref<!tpu.dma_semaphore, #tpu.memory_space<semaphore_mem>>)
      %dma_wait3A = arith.constant 0 : i32
      %dma_wait3A_123 = arith.constant 0 : i32
      %dma_wait3A_124 = tpu.memref_slice %arg11[%dma_wait3A, %dma_wait3A_123] : memref<512x16xf32, #tpu.memory_space<vmem>> -> memref<128x16xf32, #tpu.memory_space<vmem>>
      %dma_wait3A_125 = arith.constant 0 : i32
      %dma_wait3A_126 = tpu.memref_slice %arg7[%multiple_of3A, %dma_wait3A_125] : memref<100352x16xf32, #tpu.memory_space<vmem_shared>> -> memref<128x16xf32, #tpu.memory_space<vmem_shared>>
      %dma_wait3A_127 = arith.constant 0 : i32
      %dma_wait3A_128 = arith.constant 0 : i32
      %dma_wait3A_129 = tpu.memref_slice %arg11[%dma_wait3A_127, %dma_wait3A_128] : memref<512x16xf32, #tpu.memory_space<vmem>> -> memref<128x16xf32, #tpu.memory_space<vmem>>
      %dma_wait3A_130 = arith.constant 0 : i32
      %dma_wait3A_131 = tpu.memref_slice %arg7[%multiple_of3A, %dma_wait3A_130] : memref<100352x16xf32, #tpu.memory_space<vmem_shared>> -> memref<128x16xf32, #tpu.memory_space<vmem_shared>>
      tpu.wait_dma2 semaphore(%run_scoped3A : memref<!tpu.dma_semaphore, #tpu.memory_space<semaphore_mem>>) src(%dma_wait3A_131 : memref<128x16xf32, #tpu.memory_space<vmem_shared>>) dst(%dma_wait3A_129 : memref<128x16xf32, #tpu.memory_space<vmem>>)
      tpu.yield
    }) : () -> ()
    %scan3A_39 = arith.constant 0 : i32
    %scan3A_40 = arith.constant 0 : i32
    %scan3A_41 = arith.constant 2 : i32
    %scan3A_42 = arith.addi %scan3A_40, %scan3A_41 : i32
    %scan3A_43 = arith.constant 1 : i32
    %scan3A_44 = scf.for %scan3A_114 = %scan3A_40 to %scan3A_42 step %scan3A_43 iter_args(%scan3A_115 = %scan3A_39) -> (i32)  : i32 {
      %mul3A_116 = arith.constant 64 : i32
      %mul3A_117 = arith.muli %scan3A_114, %mul3A_116 : i32
      %add3A_118 = arith.constant 0 : i32
      %add3A_119 = arith.addi %mul3A_117, %add3A_118 : i32
      %add3A_120 = vector.broadcast %add3A_119 : i32 to vector<16xi32>
      %add3A_121 = arith.addi %add3A_120, %iota3A : vector<16xi32>
      %add3A_122 = arith.constant 8 : i32
      %add3A_123 = vector.broadcast %add3A_122 : i32 to vector<16xi32>
      %add3A_124 = arith.addi %broadcast_in_dim3A_2, %add3A_123 : vector<16xi32>
      %gather3A = tpu.vector_load_idx %arg11[%add3A_121, %add3A_124] : memref<512x16xf32, #tpu.memory_space<vmem>>[vector<16xi32>, vector<16xi32>], vector<16xf32>,
      %gt3A = arith.constant 0.000000e+00 : f32
      %gt3A_125 = vector.broadcast %gt3A : f32 to vector<16xf32>
      %gt3A_126 = arith.cmpf ogt, %gather3A, %gt3A_125 : vector<16xf32>
      %jit3A = arith.constant 1 : i32
      %jit3A_127 = arith.constant 0 : i32
      %broadcast_in_dim3A_128 = vector.broadcast %jit3A : i32 to vector<16xi32>
      %broadcast_in_dim3A_129 = vector.broadcast %jit3A_127 : i32 to vector<16xi32>
      %select_n3A = arith.select %gt3A_126, %broadcast_in_dim3A_128, %broadcast_in_dim3A_129 : vector<16xi1>, vector<16xi32>
      %or3A = arith.ori %broadcast_in_dim3A_2, %select_n3A : vector<16xi32>
      %add3A_130 = arith.constant 9 : i32
      %add3A_131 = vector.broadcast %add3A_130 : i32 to vector<16xi32>
      %add3A_132 = arith.addi %broadcast_in_dim3A_2, %add3A_131 : vector<16xi32>
      %gather3A_133 = tpu.vector_load_idx %arg11[%add3A_121, %add3A_132] : memref<512x16xf32, #tpu.memory_space<vmem>>[vector<16xi32>, vector<16xi32>], vector<16xf32>,
      %gt3A_134 = arith.constant 0.000000e+00 : f32
      %gt3A_135 = vector.broadcast %gt3A_134 : f32 to vector<16xf32>
      %gt3A_136 = arith.cmpf ogt, %gather3A_133, %gt3A_135 : vector<16xf32>
      %jit3A_137 = arith.constant 2 : i32
      %jit3A_138 = arith.constant 0 : i32
      %broadcast_in_dim3A_139 = vector.broadcast %jit3A_137 : i32 to vector<16xi32>
      %broadcast_in_dim3A_140 = vector.broadcast %jit3A_138 : i32 to vector<16xi32>
      %select_n3A_141 = arith.select %gt3A_136, %broadcast_in_dim3A_139, %broadcast_in_dim3A_140 : vector<16xi1>, vector<16xi32>
      %or3A_142 = arith.ori %or3A, %select_n3A_141 : vector<16xi32>
      %add3A_143 = arith.constant 10 : i32
      %add3A_144 = vector.broadcast %add3A_143 : i32 to vector<16xi32>
      %add3A_145 = arith.addi %broadcast_in_dim3A_2, %add3A_144 : vector<16xi32>
      %gather3A_146 = tpu.vector_load_idx %arg11[%add3A_121, %add3A_145] : memref<512x16xf32, #tpu.memory_space<vmem>>[vector<16xi32>, vector<16xi32>], vector<16xf32>,
      %gt3A_147 = arith.constant 0.000000e+00 : f32
      %gt3A_148 = vector.broadcast %gt3A_147 : f32 to vector<16xf32>
      %gt3A_149 = arith.cmpf ogt, %gather3A_146, %gt3A_148 : vector<16xf32>
      %jit3A_150 = arith.constant 4 : i32
      %jit3A_151 = arith.constant 0 : i32
      %broadcast_in_dim3A_152 = vector.broadcast %jit3A_150 : i32 to vector<16xi32>
      %broadcast_in_dim3A_153 = vector.broadcast %jit3A_151 : i32 to vector<16xi32>
      %select_n3A_154 = arith.select %gt3A_149, %broadcast_in_dim3A_152, %broadcast_in_dim3A_153 : vector<16xi1>, vector<16xi32>
      %or3A_155 = arith.ori %or3A_142, %select_n3A_154 : vector<16xi32>
      %add3A_156 = arith.constant 11 : i32
      %add3A_157 = vector.broadcast %add3A_156 : i32 to vector<16xi32>
      %add3A_158 = arith.addi %broadcast_in_dim3A_2, %add3A_157 : vector<16xi32>
      %gather3A_159 = tpu.vector_load_idx %arg11[%add3A_121, %add3A_158] : memref<512x16xf32, #tpu.memory_space<vmem>>[vector<16xi32>, vector<16xi32>], vector<16xf32>,
      %gt3A_160 = arith.constant 0.000000e+00 : f32
      %gt3A_161 = vector.broadcast %gt3A_160 : f32 to vector<16xf32>
      %gt3A_162 = arith.cmpf ogt, %gather3A_159, %gt3A_161 : vector<16xf32>
      %jit3A_163 = arith.constant 8 : i32
      %jit3A_164 = arith.constant 0 : i32
      %broadcast_in_dim3A_165 = vector.broadcast %jit3A_163 : i32 to vector<16xi32>
      %broadcast_in_dim3A_166 = vector.broadcast %jit3A_164 : i32 to vector<16xi32>
      %select_n3A_167 = arith.select %gt3A_162, %broadcast_in_dim3A_165, %broadcast_in_dim3A_166 : vector<16xi1>, vector<16xi32>
      %or3A_168 = arith.ori %or3A_155, %select_n3A_167 : vector<16xi32>
      %add3A_169 = arith.constant 12 : i32
      %add3A_170 = vector.broadcast %add3A_169 : i32 to vector<16xi32>
      %add3A_171 = arith.addi %broadcast_in_dim3A_2, %add3A_170 : vector<16xi32>
      %gather3A_172 = tpu.vector_load_idx %arg11[%add3A_121, %add3A_171] : memref<512x16xf32, #tpu.memory_space<vmem>>[vector<16xi32>, vector<16xi32>], vector<16xf32>,
      %gt3A_173 = arith.constant 0.000000e+00 : f32
      %gt3A_174 = vector.broadcast %gt3A_173 : f32 to vector<16xf32>
      %gt3A_175 = arith.cmpf ogt, %gather3A_172, %gt3A_174 : vector<16xf32>
      %jit3A_176 = arith.constant 16 : i32
      %jit3A_177 = arith.constant 0 : i32
      %broadcast_in_dim3A_178 = vector.broadcast %jit3A_176 : i32 to vector<16xi32>
      %broadcast_in_dim3A_179 = vector.broadcast %jit3A_177 : i32 to vector<16xi32>
      %select_n3A_180 = arith.select %gt3A_175, %broadcast_in_dim3A_178, %broadcast_in_dim3A_179 : vector<16xi1>, vector<16xi32>
      %or3A_181 = arith.ori %or3A_168, %select_n3A_180 : vector<16xi32>
      %add3A_182 = arith.constant 13 : i32
      %add3A_183 = vector.broadcast %add3A_182 : i32 to vector<16xi32>
      %add3A_184 = arith.addi %broadcast_in_dim3A_2, %add3A_183 : vector<16xi32>
      %gather3A_185 = tpu.vector_load_idx %arg11[%add3A_121, %add3A_184] : memref<512x16xf32, #tpu.memory_space<vmem>>[vector<16xi32>, vector<16xi32>], vector<16xf32>,
      %gt3A_186 = arith.constant 0.000000e+00 : f32
      %gt3A_187 = vector.broadcast %gt3A_186 : f32 to vector<16xf32>
      %gt3A_188 = arith.cmpf ogt, %gather3A_185, %gt3A_187 : vector<16xf32>
      %jit3A_189 = arith.constant 32 : i32
      %jit3A_190 = arith.constant 0 : i32
      %broadcast_in_dim3A_191 = vector.broadcast %jit3A_189 : i32 to vector<16xi32>
      %broadcast_in_dim3A_192 = vector.broadcast %jit3A_190 : i32 to vector<16xi32>
      %select_n3A_193 = arith.select %gt3A_188, %broadcast_in_dim3A_191, %broadcast_in_dim3A_192 : vector<16xi1>, vector<16xi32>
      %or3A_194 = arith.ori %or3A_181, %select_n3A_193 : vector<16xi32>
      %add3A_195 = arith.constant 14 : i32
      %add3A_196 = vector.broadcast %add3A_195 : i32 to vector<16xi32>
      %add3A_197 = arith.addi %broadcast_in_dim3A_2, %add3A_196 : vector<16xi32>
      %gather3A_198 = tpu.vector_load_idx %arg11[%add3A_121, %add3A_197] : memref<512x16xf32, #tpu.memory_space<vmem>>[vector<16xi32>, vector<16xi32>], vector<16xf32>,
      %gt3A_199 = arith.constant 0.000000e+00 : f32
      %gt3A_200 = vector.broadcast %gt3A_199 : f32 to vector<16xf32>
      %gt3A_201 = arith.cmpf ogt, %gather3A_198, %gt3A_200 : vector<16xf32>
      %jit3A_202 = arith.constant 64 : i32
      %jit3A_203 = arith.constant 0 : i32
      %broadcast_in_dim3A_204 = vector.broadcast %jit3A_202 : i32 to vector<16xi32>
      %broadcast_in_dim3A_205 = vector.broadcast %jit3A_203 : i32 to vector<16xi32>
      %select_n3A_206 = arith.select %gt3A_201, %broadcast_in_dim3A_204, %broadcast_in_dim3A_205 : vector<16xi1>, vector<16xi32>
      %or3A_207 = arith.ori %or3A_194, %select_n3A_206 : vector<16xi32>
      %add3A_208 = arith.constant 15 : i32
      %add3A_209 = vector.broadcast %add3A_208 : i32 to vector<16xi32>
      %add3A_210 = arith.addi %broadcast_in_dim3A_2, %add3A_209 : vector<16xi32>
      %gather3A_211 = tpu.vector_load_idx %arg11[%add3A_121, %add3A_210] : memref<512x16xf32, #tpu.memory_space<vmem>>[vector<16xi32>, vector<16xi32>], vector<16xf32>,
      %gt3A_212 = arith.constant 0.000000e+00 : f32
      %gt3A_213 = vector.broadcast %gt3A_212 : f32 to vector<16xf32>
      %gt3A_214 = arith.cmpf ogt, %gather3A_211, %gt3A_213 : vector<16xf32>
      %jit3A_215 = arith.constant 128 : i32
      %jit3A_216 = arith.constant 0 : i32
      %broadcast_in_dim3A_217 = vector.broadcast %jit3A_215 : i32 to vector<16xi32>
      %broadcast_in_dim3A_218 = vector.broadcast %jit3A_216 : i32 to vector<16xi32>
      %select_n3A_219 = arith.select %gt3A_214, %broadcast_in_dim3A_217, %broadcast_in_dim3A_218 : vector<16xi1>, vector<16xi32>
      %or3A_220 = arith.ori %or3A_207, %select_n3A_219 : vector<16xi32>
      %swap3A_221 = arith.constant 0 : index
      %swap3A_222 = tpu.vector_load %arg19[%swap3A_221] {strides = array<i32>} : memref<512xi32, #tpu.memory_space<vmem>>, vector<16xi32>,
      tpu.vector_store %arg19[%swap3A_221], %or3A_220 {strides = array<i32>} : memref<512xi32, #tpu.memory_space<vmem>>, vector<16xi32>,
      %mul3A_223 = arith.constant 64 : i32
      %mul3A_224 = arith.muli %scan3A_114, %mul3A_223 : i32
      %add3A_225 = arith.constant 16 : i32
      %add3A_226 = arith.addi %mul3A_224, %add3A_225 : i32
      %add3A_227 = vector.broadcast %add3A_226 : i32 to vector<16xi32>
      %add3A_228 = arith.addi %add3A_227, %iota3A : vector<16xi32>
      %add3A_229 = arith.constant 8 : i32
      %add3A_230 = vector.broadcast %add3A_229 : i32 to vector<16xi32>
      %add3A_231 = arith.addi %broadcast_in_dim3A_2, %add3A_230 : vector<16xi32>
      %gather3A_232 = tpu.vector_load_idx %arg11[%add3A_228, %add3A_231] : memref<512x16xf32, #tpu.memory_space<vmem>>[vector<16xi32>, vector<16xi32>], vector<16xf32>,
      %gt3A_233 = arith.constant 0.000000e+00 : f32
      %gt3A_234 = vector.broadcast %gt3A_233 : f32 to vector<16xf32>
      %gt3A_235 = arith.cmpf ogt, %gather3A_232, %gt3A_234 : vector<16xf32>
      %jit3A_236 = arith.constant 1 : i32
      %jit3A_237 = arith.constant 0 : i32
      %broadcast_in_dim3A_238 = vector.broadcast %jit3A_236 : i32 to vector<16xi32>
      %broadcast_in_dim3A_239 = vector.broadcast %jit3A_237 : i32 to vector<16xi32>
      %select_n3A_240 = arith.select %gt3A_235, %broadcast_in_dim3A_238, %broadcast_in_dim3A_239 : vector<16xi1>, vector<16xi32>
      %or3A_241 = arith.ori %broadcast_in_dim3A_2, %select_n3A_240 : vector<16xi32>
      %add3A_242 = arith.constant 9 : i32
      %add3A_243 = vector.broadcast %add3A_242 : i32 to vector<16xi32>
      %add3A_244 = arith.addi %broadcast_in_dim3A_2, %add3A_243 : vector<16xi32>
      %gather3A_245 = tpu.vector_load_idx %arg11[%add3A_228, %add3A_244] : memref<512x16xf32, #tpu.memory_space<vmem>>[vector<16xi32>, vector<16xi32>], vector<16xf32>,
      %gt3A_246 = arith.constant 0.000000e+00 : f32
      %gt3A_247 = vector.broadcast %gt3A_246 : f32 to vector<16xf32>
      %gt3A_248 = arith.cmpf ogt, %gather3A_245, %gt3A_247 : vector<16xf32>
      %jit3A_249 = arith.constant 2 : i32
      %jit3A_250 = arith.constant 0 : i32
      %broadcast_in_dim3A_251 = vector.broadcast %jit3A_249 : i32 to vector<16xi32>
      %broadcast_in_dim3A_252 = vector.broadcast %jit3A_250 : i32 to vector<16xi32>
      %select_n3A_253 = arith.select %gt3A_248, %broadcast_in_dim3A_251, %broadcast_in_dim3A_252 : vector<16xi1>, vector<16xi32>
      %or3A_254 = arith.ori %or3A_241, %select_n3A_253 : vector<16xi32>
      %add3A_255 = arith.constant 10 : i32
      %add3A_256 = vector.broadcast %add3A_255 : i32 to vector<16xi32>
      %add3A_257 = arith.addi %broadcast_in_dim3A_2, %add3A_256 : vector<16xi32>
      %gather3A_258 = tpu.vector_load_idx %arg11[%add3A_228, %add3A_257] : memref<512x16xf32, #tpu.memory_space<vmem>>[vector<16xi32>, vector<16xi32>], vector<16xf32>,
      %gt3A_259 = arith.constant 0.000000e+00 : f32
      %gt3A_260 = vector.broadcast %gt3A_259 : f32 to vector<16xf32>
      %gt3A_261 = arith.cmpf ogt, %gather3A_258, %gt3A_260 : vector<16xf32>
      %jit3A_262 = arith.constant 4 : i32
      %jit3A_263 = arith.constant 0 : i32
      %broadcast_in_dim3A_264 = vector.broadcast %jit3A_262 : i32 to vector<16xi32>
      %broadcast_in_dim3A_265 = vector.broadcast %jit3A_263 : i32 to vector<16xi32>
      %select_n3A_266 = arith.select %gt3A_261, %broadcast_in_dim3A_264, %broadcast_in_dim3A_265 : vector<16xi1>, vector<16xi32>
      %or3A_267 = arith.ori %or3A_254, %select_n3A_266 : vector<16xi32>
      %add3A_268 = arith.constant 11 : i32
      %add3A_269 = vector.broadcast %add3A_268 : i32 to vector<16xi32>
      %add3A_270 = arith.addi %broadcast_in_dim3A_2, %add3A_269 : vector<16xi32>
      %gather3A_271 = tpu.vector_load_idx %arg11[%add3A_228, %add3A_270] : memref<512x16xf32, #tpu.memory_space<vmem>>[vector<16xi32>, vector<16xi32>], vector<16xf32>,
      %gt3A_272 = arith.constant 0.000000e+00 : f32
      %gt3A_273 = vector.broadcast %gt3A_272 : f32 to vector<16xf32>
      %gt3A_274 = arith.cmpf ogt, %gather3A_271, %gt3A_273 : vector<16xf32>
      %jit3A_275 = arith.constant 8 : i32
      %jit3A_276 = arith.constant 0 : i32
      %broadcast_in_dim3A_277 = vector.broadcast %jit3A_275 : i32 to vector<16xi32>
      %broadcast_in_dim3A_278 = vector.broadcast %jit3A_276 : i32 to vector<16xi32>
      %select_n3A_279 = arith.select %gt3A_274, %broadcast_in_dim3A_277, %broadcast_in_dim3A_278 : vector<16xi1>, vector<16xi32>
      %or3A_280 = arith.ori %or3A_267, %select_n3A_279 : vector<16xi32>
      %add3A_281 = arith.constant 12 : i32
      %add3A_282 = vector.broadcast %add3A_281 : i32 to vector<16xi32>
      %add3A_283 = arith.addi %broadcast_in_dim3A_2, %add3A_282 : vector<16xi32>
      %gather3A_284 = tpu.vector_load_idx %arg11[%add3A_228, %add3A_283] : memref<512x16xf32, #tpu.memory_space<vmem>>[vector<16xi32>, vector<16xi32>], vector<16xf32>,
      %gt3A_285 = arith.constant 0.000000e+00 : f32
      %gt3A_286 = vector.broadcast %gt3A_285 : f32 to vector<16xf32>
      %gt3A_287 = arith.cmpf ogt, %gather3A_284, %gt3A_286 : vector<16xf32>
      %jit3A_288 = arith.constant 16 : i32
      %jit3A_289 = arith.constant 0 : i32
      %broadcast_in_dim3A_290 = vector.broadcast %jit3A_288 : i32 to vector<16xi32>
      %broadcast_in_dim3A_291 = vector.broadcast %jit3A_289 : i32 to vector<16xi32>
      %select_n3A_292 = arith.select %gt3A_287, %broadcast_in_dim3A_290, %broadcast_in_dim3A_291 : vector<16xi1>, vector<16xi32>
      %or3A_293 = arith.ori %or3A_280, %select_n3A_292 : vector<16xi32>
      %add3A_294 = arith.constant 13 : i32
      %add3A_295 = vector.broadcast %add3A_294 : i32 to vector<16xi32>
      %add3A_296 = arith.addi %broadcast_in_dim3A_2, %add3A_295 : vector<16xi32>
      %gather3A_297 = tpu.vector_load_idx %arg11[%add3A_228, %add3A_296] : memref<512x16xf32, #tpu.memory_space<vmem>>[vector<16xi32>, vector<16xi32>], vector<16xf32>,
      %gt3A_298 = arith.constant 0.000000e+00 : f32
      %gt3A_299 = vector.broadcast %gt3A_298 : f32 to vector<16xf32>
      %gt3A_300 = arith.cmpf ogt, %gather3A_297, %gt3A_299 : vector<16xf32>
      %jit3A_301 = arith.constant 32 : i32
      %jit3A_302 = arith.constant 0 : i32
      %broadcast_in_dim3A_303 = vector.broadcast %jit3A_301 : i32 to vector<16xi32>
      %broadcast_in_dim3A_304 = vector.broadcast %jit3A_302 : i32 to vector<16xi32>
      %select_n3A_305 = arith.select %gt3A_300, %broadcast_in_dim3A_303, %broadcast_in_dim3A_304 : vector<16xi1>, vector<16xi32>
      %or3A_306 = arith.ori %or3A_293, %select_n3A_305 : vector<16xi32>
      %add3A_307 = arith.constant 14 : i32
      %add3A_308 = vector.broadcast %add3A_307 : i32 to vector<16xi32>
      %add3A_309 = arith.addi %broadcast_in_dim3A_2, %add3A_308 : vector<16xi32>
      %gather3A_310 = tpu.vector_load_idx %arg11[%add3A_228, %add3A_309] : memref<512x16xf32, #tpu.memory_space<vmem>>[vector<16xi32>, vector<16xi32>], vector<16xf32>,
      %gt3A_311 = arith.constant 0.000000e+00 : f32
      %gt3A_312 = vector.broadcast %gt3A_311 : f32 to vector<16xf32>
      %gt3A_313 = arith.cmpf ogt, %gather3A_310, %gt3A_312 : vector<16xf32>
      %jit3A_314 = arith.constant 64 : i32
      %jit3A_315 = arith.constant 0 : i32
      %broadcast_in_dim3A_316 = vector.broadcast %jit3A_314 : i32 to vector<16xi32>
      %broadcast_in_dim3A_317 = vector.broadcast %jit3A_315 : i32 to vector<16xi32>
      %select_n3A_318 = arith.select %gt3A_313, %broadcast_in_dim3A_316, %broadcast_in_dim3A_317 : vector<16xi1>, vector<16xi32>
      %or3A_319 = arith.ori %or3A_306, %select_n3A_318 : vector<16xi32>
      %add3A_320 = arith.constant 15 : i32
      %add3A_321 = vector.broadcast %add3A_320 : i32 to vector<16xi32>
      %add3A_322 = arith.addi %broadcast_in_dim3A_2, %add3A_321 : vector<16xi32>
      %gather3A_323 = tpu.vector_load_idx %arg11[%add3A_228, %add3A_322] : memref<512x16xf32, #tpu.memory_space<vmem>>[vector<16xi32>, vector<16xi32>], vector<16xf32>,
      %gt3A_324 = arith.constant 0.000000e+00 : f32
      %gt3A_325 = vector.broadcast %gt3A_324 : f32 to vector<16xf32>
      %gt3A_326 = arith.cmpf ogt, %gather3A_323, %gt3A_325 : vector<16xf32>
      %jit3A_327 = arith.constant 128 : i32
      %jit3A_328 = arith.constant 0 : i32
      %broadcast_in_dim3A_329 = vector.broadcast %jit3A_327 : i32 to vector<16xi32>
      %broadcast_in_dim3A_330 = vector.broadcast %jit3A_328 : i32 to vector<16xi32>
      %select_n3A_331 = arith.select %gt3A_326, %broadcast_in_dim3A_329, %broadcast_in_dim3A_330 : vector<16xi1>, vector<16xi32>
      %or3A_332 = arith.ori %or3A_319, %select_n3A_331 : vector<16xi32>
      %swap3A_333 = arith.constant 16 : index
      %swap3A_334 = tpu.vector_load %arg19[%swap3A_333] {strides = array<i32>} : memref<512xi32, #tpu.memory_space<vmem>>, vector<16xi32>,
      tpu.vector_store %arg19[%swap3A_333], %or3A_332 {strides = array<i32>} : memref<512xi32, #tpu.memory_space<vmem>>, vector<16xi32>,
      %mul3A_335 = arith.constant 64 : i32
      %mul3A_336 = arith.muli %scan3A_114, %mul3A_335 : i32
      %add3A_337 = arith.constant 32 : i32
      %add3A_338 = arith.addi %mul3A_336, %add3A_337 : i32
      %add3A_339 = vector.broadcast %add3A_338 : i32 to vector<16xi32>
      %add3A_340 = arith.addi %add3A_339, %iota3A : vector<16xi32>
      %add3A_341 = arith.constant 8 : i32
      %add3A_342 = vector.broadcast %add3A_341 : i32 to vector<16xi32>
      %add3A_343 = arith.addi %broadcast_in_dim3A_2, %add3A_342 : vector<16xi32>
      %gather3A_344 = tpu.vector_load_idx %arg11[%add3A_340, %add3A_343] : memref<512x16xf32, #tpu.memory_space<vmem>>[vector<16xi32>, vector<16xi32>], vector<16xf32>,
      %gt3A_345 = arith.constant 0.000000e+00 : f32
      %gt3A_346 = vector.broadcast %gt3A_345 : f32 to vector<16xf32>
      %gt3A_347 = arith.cmpf ogt, %gather3A_344, %gt3A_346 : vector<16xf32>
      %jit3A_348 = arith.constant 1 : i32
      %jit3A_349 = arith.constant 0 : i32
      %broadcast_in_dim3A_350 = vector.broadcast %jit3A_348 : i32 to vector<16xi32>
      %broadcast_in_dim3A_351 = vector.broadcast %jit3A_349 : i32 to vector<16xi32>
      %select_n3A_352 = arith.select %gt3A_347, %broadcast_in_dim3A_350, %broadcast_in_dim3A_351 : vector<16xi1>, vector<16xi32>
      %or3A_353 = arith.ori %broadcast_in_dim3A_2, %select_n3A_352 : vector<16xi32>
      %add3A_354 = arith.constant 9 : i32
      %add3A_355 = vector.broadcast %add3A_354 : i32 to vector<16xi32>
      %add3A_356 = arith.addi %broadcast_in_dim3A_2, %add3A_355 : vector<16xi32>
      %gather3A_357 = tpu.vector_load_idx %arg11[%add3A_340, %add3A_356] : memref<512x16xf32, #tpu.memory_space<vmem>>[vector<16xi32>, vector<16xi32>], vector<16xf32>,
      %gt3A_358 = arith.constant 0.000000e+00 : f32
      %gt3A_359 = vector.broadcast %gt3A_358 : f32 to vector<16xf32>
      %gt3A_360 = arith.cmpf ogt, %gather3A_357, %gt3A_359 : vector<16xf32>
      %jit3A_361 = arith.constant 2 : i32
      %jit3A_362 = arith.constant 0 : i32
      %broadcast_in_dim3A_363 = vector.broadcast %jit3A_361 : i32 to vector<16xi32>
      %broadcast_in_dim3A_364 = vector.broadcast %jit3A_362 : i32 to vector<16xi32>
      %select_n3A_365 = arith.select %gt3A_360, %broadcast_in_dim3A_363, %broadcast_in_dim3A_364 : vector<16xi1>, vector<16xi32>
      %or3A_366 = arith.ori %or3A_353, %select_n3A_365 : vector<16xi32>
      %add3A_367 = arith.constant 10 : i32
      %add3A_368 = vector.broadcast %add3A_367 : i32 to vector<16xi32>
      %add3A_369 = arith.addi %broadcast_in_dim3A_2, %add3A_368 : vector<16xi32>
      %gather3A_370 = tpu.vector_load_idx %arg11[%add3A_340, %add3A_369] : memref<512x16xf32, #tpu.memory_space<vmem>>[vector<16xi32>, vector<16xi32>], vector<16xf32>,
      %gt3A_371 = arith.constant 0.000000e+00 : f32
      %gt3A_372 = vector.broadcast %gt3A_371 : f32 to vector<16xf32>
      %gt3A_373 = arith.cmpf ogt, %gather3A_370, %gt3A_372 : vector<16xf32>
      %jit3A_374 = arith.constant 4 : i32
      %jit3A_375 = arith.constant 0 : i32
      %broadcast_in_dim3A_376 = vector.broadcast %jit3A_374 : i32 to vector<16xi32>
      %broadcast_in_dim3A_377 = vector.broadcast %jit3A_375 : i32 to vector<16xi32>
      %select_n3A_378 = arith.select %gt3A_373, %broadcast_in_dim3A_376, %broadcast_in_dim3A_377 : vector<16xi1>, vector<16xi32>
      %or3A_379 = arith.ori %or3A_366, %select_n3A_378 : vector<16xi32>
      %add3A_380 = arith.constant 11 : i32
      %add3A_381 = vector.broadcast %add3A_380 : i32 to vector<16xi32>
      %add3A_382 = arith.addi %broadcast_in_dim3A_2, %add3A_381 : vector<16xi32>
      %gather3A_383 = tpu.vector_load_idx %arg11[%add3A_340, %add3A_382] : memref<512x16xf32, #tpu.memory_space<vmem>>[vector<16xi32>, vector<16xi32>], vector<16xf32>,
      %gt3A_384 = arith.constant 0.000000e+00 : f32
      %gt3A_385 = vector.broadcast %gt3A_384 : f32 to vector<16xf32>
      %gt3A_386 = arith.cmpf ogt, %gather3A_383, %gt3A_385 : vector<16xf32>
      %jit3A_387 = arith.constant 8 : i32
      %jit3A_388 = arith.constant 0 : i32
      %broadcast_in_dim3A_389 = vector.broadcast %jit3A_387 : i32 to vector<16xi32>
      %broadcast_in_dim3A_390 = vector.broadcast %jit3A_388 : i32 to vector<16xi32>
      %select_n3A_391 = arith.select %gt3A_386, %broadcast_in_dim3A_389, %broadcast_in_dim3A_390 : vector<16xi1>, vector<16xi32>
      %or3A_392 = arith.ori %or3A_379, %select_n3A_391 : vector<16xi32>
      %add3A_393 = arith.constant 12 : i32
      %add3A_394 = vector.broadcast %add3A_393 : i32 to vector<16xi32>
      %add3A_395 = arith.addi %broadcast_in_dim3A_2, %add3A_394 : vector<16xi32>
      %gather3A_396 = tpu.vector_load_idx %arg11[%add3A_340, %add3A_395] : memref<512x16xf32, #tpu.memory_space<vmem>>[vector<16xi32>, vector<16xi32>], vector<16xf32>,
      %gt3A_397 = arith.constant 0.000000e+00 : f32
      %gt3A_398 = vector.broadcast %gt3A_397 : f32 to vector<16xf32>
      %gt3A_399 = arith.cmpf ogt, %gather3A_396, %gt3A_398 : vector<16xf32>
      %jit3A_400 = arith.constant 16 : i32
      %jit3A_401 = arith.constant 0 : i32
      %broadcast_in_dim3A_402 = vector.broadcast %jit3A_400 : i32 to vector<16xi32>
      %broadcast_in_dim3A_403 = vector.broadcast %jit3A_401 : i32 to vector<16xi32>
      %select_n3A_404 = arith.select %gt3A_399, %broadcast_in_dim3A_402, %broadcast_in_dim3A_403 : vector<16xi1>, vector<16xi32>
      %or3A_405 = arith.ori %or3A_392, %select_n3A_404 : vector<16xi32>
      %add3A_406 = arith.constant 13 : i32
      %add3A_407 = vector.broadcast %add3A_406 : i32 to vector<16xi32>
      %add3A_408 = arith.addi %broadcast_in_dim3A_2, %add3A_407 : vector<16xi32>
      %gather3A_409 = tpu.vector_load_idx %arg11[%add3A_340, %add3A_408] : memref<512x16xf32, #tpu.memory_space<vmem>>[vector<16xi32>, vector<16xi32>], vector<16xf32>,
      %gt3A_410 = arith.constant 0.000000e+00 : f32
      %gt3A_411 = vector.broadcast %gt3A_410 : f32 to vector<16xf32>
      %gt3A_412 = arith.cmpf ogt, %gather3A_409, %gt3A_411 : vector<16xf32>
      %jit3A_413 = arith.constant 32 : i32
      %jit3A_414 = arith.constant 0 : i32
      %broadcast_in_dim3A_415 = vector.broadcast %jit3A_413 : i32 to vector<16xi32>
      %broadcast_in_dim3A_416 = vector.broadcast %jit3A_414 : i32 to vector<16xi32>
      %select_n3A_417 = arith.select %gt3A_412, %broadcast_in_dim3A_415, %broadcast_in_dim3A_416 : vector<16xi1>, vector<16xi32>
      %or3A_418 = arith.ori %or3A_405, %select_n3A_417 : vector<16xi32>
      %add3A_419 = arith.constant 14 : i32
      %add3A_420 = vector.broadcast %add3A_419 : i32 to vector<16xi32>
      %add3A_421 = arith.addi %broadcast_in_dim3A_2, %add3A_420 : vector<16xi32>
      %gather3A_422 = tpu.vector_load_idx %arg11[%add3A_340, %add3A_421] : memref<512x16xf32, #tpu.memory_space<vmem>>[vector<16xi32>, vector<16xi32>], vector<16xf32>,
      %gt3A_423 = arith.constant 0.000000e+00 : f32
      %gt3A_424 = vector.broadcast %gt3A_423 : f32 to vector<16xf32>
      %gt3A_425 = arith.cmpf ogt, %gather3A_422, %gt3A_424 : vector<16xf32>
      %jit3A_426 = arith.constant 64 : i32
      %jit3A_427 = arith.constant 0 : i32
      %broadcast_in_dim3A_428 = vector.broadcast %jit3A_426 : i32 to vector<16xi32>
      %broadcast_in_dim3A_429 = vector.broadcast %jit3A_427 : i32 to vector<16xi32>
      %select_n3A_430 = arith.select %gt3A_425, %broadcast_in_dim3A_428, %broadcast_in_dim3A_429 : vector<16xi1>, vector<16xi32>
      %or3A_431 = arith.ori %or3A_418, %select_n3A_430 : vector<16xi32>
      %add3A_432 = arith.constant 15 : i32
      %add3A_433 = vector.broadcast %add3A_432 : i32 to vector<16xi32>
      %add3A_434 = arith.addi %broadcast_in_dim3A_2, %add3A_433 : vector<16xi32>
      %gather3A_435 = tpu.vector_load_idx %arg11[%add3A_340, %add3A_434] : memref<512x16xf32, #tpu.memory_space<vmem>>[vector<16xi32>, vector<16xi32>], vector<16xf32>,
      %gt3A_436 = arith.constant 0.000000e+00 : f32
      %gt3A_437 = vector.broadcast %gt3A_436 : f32 to vector<16xf32>
      %gt3A_438 = arith.cmpf ogt, %gather3A_435, %gt3A_437 : vector<16xf32>
      %jit3A_439 = arith.constant 128 : i32
      %jit3A_440 = arith.constant 0 : i32
      %broadcast_in_dim3A_441 = vector.broadcast %jit3A_439 : i32 to vector<16xi32>
      %broadcast_in_dim3A_442 = vector.broadcast %jit3A_440 : i32 to vector<16xi32>
      %select_n3A_443 = arith.select %gt3A_438, %broadcast_in_dim3A_441, %broadcast_in_dim3A_442 : vector<16xi1>, vector<16xi32>
      %or3A_444 = arith.ori %or3A_431, %select_n3A_443 : vector<16xi32>
      %swap3A_445 = arith.constant 32 : index
      %swap3A_446 = tpu.vector_load %arg19[%swap3A_445] {strides = array<i32>} : memref<512xi32, #tpu.memory_space<vmem>>, vector<16xi32>,
      tpu.vector_store %arg19[%swap3A_445], %or3A_444 {strides = array<i32>} : memref<512xi32, #tpu.memory_space<vmem>>, vector<16xi32>,
      %mul3A_447 = arith.constant 64 : i32
      %mul3A_448 = arith.muli %scan3A_114, %mul3A_447 : i32
      %add3A_449 = arith.constant 48 : i32
      %add3A_450 = arith.addi %mul3A_448, %add3A_449 : i32
      %add3A_451 = vector.broadcast %add3A_450 : i32 to vector<16xi32>
      %add3A_452 = arith.addi %add3A_451, %iota3A : vector<16xi32>
      %add3A_453 = arith.constant 8 : i32
      %add3A_454 = vector.broadcast %add3A_453 : i32 to vector<16xi32>
      %add3A_455 = arith.addi %broadcast_in_dim3A_2, %add3A_454 : vector<16xi32>
      %gather3A_456 = tpu.vector_load_idx %arg11[%add3A_452, %add3A_455] : memref<512x16xf32, #tpu.memory_space<vmem>>[vector<16xi32>, vector<16xi32>], vector<16xf32>,
      %gt3A_457 = arith.constant 0.000000e+00 : f32
      %gt3A_458 = vector.broadcast %gt3A_457 : f32 to vector<16xf32>
      %gt3A_459 = arith.cmpf ogt, %gather3A_456, %gt3A_458 : vector<16xf32>
      %jit3A_460 = arith.constant 1 : i32
      %jit3A_461 = arith.constant 0 : i32
      %broadcast_in_dim3A_462 = vector.broadcast %jit3A_460 : i32 to vector<16xi32>
      %broadcast_in_dim3A_463 = vector.broadcast %jit3A_461 : i32 to vector<16xi32>
      %select_n3A_464 = arith.select %gt3A_459, %broadcast_in_dim3A_462, %broadcast_in_dim3A_463 : vector<16xi1>, vector<16xi32>
      %or3A_465 = arith.ori %broadcast_in_dim3A_2, %select_n3A_464 : vector<16xi32>
      %add3A_466 = arith.constant 9 : i32
      %add3A_467 = vector.broadcast %add3A_466 : i32 to vector<16xi32>
      %add3A_468 = arith.addi %broadcast_in_dim3A_2, %add3A_467 : vector<16xi32>
      %gather3A_469 = tpu.vector_load_idx %arg11[%add3A_452, %add3A_468] : memref<512x16xf32, #tpu.memory_space<vmem>>[vector<16xi32>, vector<16xi32>], vector<16xf32>,
      %gt3A_470 = arith.constant 0.000000e+00 : f32
      %gt3A_471 = vector.broadcast %gt3A_470 : f32 to vector<16xf32>
      %gt3A_472 = arith.cmpf ogt, %gather3A_469, %gt3A_471 : vector<16xf32>
      %jit3A_473 = arith.constant 2 : i32
      %jit3A_474 = arith.constant 0 : i32
      %broadcast_in_dim3A_475 = vector.broadcast %jit3A_473 : i32 to vector<16xi32>
      %broadcast_in_dim3A_476 = vector.broadcast %jit3A_474 : i32 to vector<16xi32>
      %select_n3A_477 = arith.select %gt3A_472, %broadcast_in_dim3A_475, %broadcast_in_dim3A_476 : vector<16xi1>, vector<16xi32>
      %or3A_478 = arith.ori %or3A_465, %select_n3A_477 : vector<16xi32>
      %add3A_479 = arith.constant 10 : i32
      %add3A_480 = vector.broadcast %add3A_479 : i32 to vector<16xi32>
      %add3A_481 = arith.addi %broadcast_in_dim3A_2, %add3A_480 : vector<16xi32>
      %gather3A_482 = tpu.vector_load_idx %arg11[%add3A_452, %add3A_481] : memref<512x16xf32, #tpu.memory_space<vmem>>[vector<16xi32>, vector<16xi32>], vector<16xf32>,
      %gt3A_483 = arith.constant 0.000000e+00 : f32
      %gt3A_484 = vector.broadcast %gt3A_483 : f32 to vector<16xf32>
      %gt3A_485 = arith.cmpf ogt, %gather3A_482, %gt3A_484 : vector<16xf32>
      %jit3A_486 = arith.constant 4 : i32
      %jit3A_487 = arith.constant 0 : i32
      %broadcast_in_dim3A_488 = vector.broadcast %jit3A_486 : i32 to vector<16xi32>
      %broadcast_in_dim3A_489 = vector.broadcast %jit3A_487 : i32 to vector<16xi32>
      %select_n3A_490 = arith.select %gt3A_485, %broadcast_in_dim3A_488, %broadcast_in_dim3A_489 : vector<16xi1>, vector<16xi32>
      %or3A_491 = arith.ori %or3A_478, %select_n3A_490 : vector<16xi32>
      %add3A_492 = arith.constant 11 : i32
      %add3A_493 = vector.broadcast %add3A_492 : i32 to vector<16xi32>
      %add3A_494 = arith.addi %broadcast_in_dim3A_2, %add3A_493 : vector<16xi32>
      %gather3A_495 = tpu.vector_load_idx %arg11[%add3A_452, %add3A_494] : memref<512x16xf32, #tpu.memory_space<vmem>>[vector<16xi32>, vector<16xi32>], vector<16xf32>,
      %gt3A_496 = arith.constant 0.000000e+00 : f32
      %gt3A_497 = vector.broadcast %gt3A_496 : f32 to vector<16xf32>
      %gt3A_498 = arith.cmpf ogt, %gather3A_495, %gt3A_497 : vector<16xf32>
      %jit3A_499 = arith.constant 8 : i32
      %jit3A_500 = arith.constant 0 : i32
      %broadcast_in_dim3A_501 = vector.broadcast %jit3A_499 : i32 to vector<16xi32>
      %broadcast_in_dim3A_502 = vector.broadcast %jit3A_500 : i32 to vector<16xi32>
      %select_n3A_503 = arith.select %gt3A_498, %broadcast_in_dim3A_501, %broadcast_in_dim3A_502 : vector<16xi1>, vector<16xi32>
      %or3A_504 = arith.ori %or3A_491, %select_n3A_503 : vector<16xi32>
      %add3A_505 = arith.constant 12 : i32
      %add3A_506 = vector.broadcast %add3A_505 : i32 to vector<16xi32>
      %add3A_507 = arith.addi %broadcast_in_dim3A_2, %add3A_506 : vector<16xi32>
      %gather3A_508 = tpu.vector_load_idx %arg11[%add3A_452, %add3A_507] : memref<512x16xf32, #tpu.memory_space<vmem>>[vector<16xi32>, vector<16xi32>], vector<16xf32>,
      %gt3A_509 = arith.constant 0.000000e+00 : f32
      %gt3A_510 = vector.broadcast %gt3A_509 : f32 to vector<16xf32>
      %gt3A_511 = arith.cmpf ogt, %gather3A_508, %gt3A_510 : vector<16xf32>
      %jit3A_512 = arith.constant 16 : i32
      %jit3A_513 = arith.constant 0 : i32
      %broadcast_in_dim3A_514 = vector.broadcast %jit3A_512 : i32 to vector<16xi32>
      %broadcast_in_dim3A_515 = vector.broadcast %jit3A_513 : i32 to vector<16xi32>
      %select_n3A_516 = arith.select %gt3A_511, %broadcast_in_dim3A_514, %broadcast_in_dim3A_515 : vector<16xi1>, vector<16xi32>
      %or3A_517 = arith.ori %or3A_504, %select_n3A_516 : vector<16xi32>
      %add3A_518 = arith.constant 13 : i32
      %add3A_519 = vector.broadcast %add3A_518 : i32 to vector<16xi32>
      %add3A_520 = arith.addi %broadcast_in_dim3A_2, %add3A_519 : vector<16xi32>
      %gather3A_521 = tpu.vector_load_idx %arg11[%add3A_452, %add3A_520] : memref<512x16xf32, #tpu.memory_space<vmem>>[vector<16xi32>, vector<16xi32>], vector<16xf32>,
      %gt3A_522 = arith.constant 0.000000e+00 : f32
      %gt3A_523 = vector.broadcast %gt3A_522 : f32 to vector<16xf32>
      %gt3A_524 = arith.cmpf ogt, %gather3A_521, %gt3A_523 : vector<16xf32>
      %jit3A_525 = arith.constant 32 : i32
      %jit3A_526 = arith.constant 0 : i32
      %broadcast_in_dim3A_527 = vector.broadcast %jit3A_525 : i32 to vector<16xi32>
      %broadcast_in_dim3A_528 = vector.broadcast %jit3A_526 : i32 to vector<16xi32>
      %select_n3A_529 = arith.select %gt3A_524, %broadcast_in_dim3A_527, %broadcast_in_dim3A_528 : vector<16xi1>, vector<16xi32>
      %or3A_530 = arith.ori %or3A_517, %select_n3A_529 : vector<16xi32>
      %add3A_531 = arith.constant 14 : i32
      %add3A_532 = vector.broadcast %add3A_531 : i32 to vector<16xi32>
      %add3A_533 = arith.addi %broadcast_in_dim3A_2, %add3A_532 : vector<16xi32>
      %gather3A_534 = tpu.vector_load_idx %arg11[%add3A_452, %add3A_533] : memref<512x16xf32, #tpu.memory_space<vmem>>[vector<16xi32>, vector<16xi32>], vector<16xf32>,
      %gt3A_535 = arith.constant 0.000000e+00 : f32
      %gt3A_536 = vector.broadcast %gt3A_535 : f32 to vector<16xf32>
      %gt3A_537 = arith.cmpf ogt, %gather3A_534, %gt3A_536 : vector<16xf32>
      %jit3A_538 = arith.constant 64 : i32
      %jit3A_539 = arith.constant 0 : i32
      %broadcast_in_dim3A_540 = vector.broadcast %jit3A_538 : i32 to vector<16xi32>
      %broadcast_in_dim3A_541 = vector.broadcast %jit3A_539 : i32 to vector<16xi32>
      %select_n3A_542 = arith.select %gt3A_537, %broadcast_in_dim3A_540, %broadcast_in_dim3A_541 : vector<16xi1>, vector<16xi32>
      %or3A_543 = arith.ori %or3A_530, %select_n3A_542 : vector<16xi32>
      %add3A_544 = arith.constant 15 : i32
      %add3A_545 = vector.broadcast %add3A_544 : i32 to vector<16xi32>
      %add3A_546 = arith.addi %broadcast_in_dim3A_2, %add3A_545 : vector<16xi32>
      %gather3A_547 = tpu.vector_load_idx %arg11[%add3A_452, %add3A_546] : memref<512x16xf32, #tpu.memory_space<vmem>>[vector<16xi32>, vector<16xi32>], vector<16xf32>,
      %gt3A_548 = arith.constant 0.000000e+00 : f32
      %gt3A_549 = vector.broadcast %gt3A_548 : f32 to vector<16xf32>
      %gt3A_550 = arith.cmpf ogt, %gather3A_547, %gt3A_549 : vector<16xf32>
      %jit3A_551 = arith.constant 128 : i32
      %jit3A_552 = arith.constant 0 : i32
      %broadcast_in_dim3A_553 = vector.broadcast %jit3A_551 : i32 to vector<16xi32>
      %broadcast_in_dim3A_554 = vector.broadcast %jit3A_552 : i32 to vector<16xi32>
      %select_n3A_555 = arith.select %gt3A_550, %broadcast_in_dim3A_553, %broadcast_in_dim3A_554 : vector<16xi1>, vector<16xi32>
      %or3A_556 = arith.ori %or3A_543, %select_n3A_555 : vector<16xi32>
      %swap3A_557 = arith.constant 48 : index
      %swap3A_558 = tpu.vector_load %arg19[%swap3A_557] {strides = array<i32>} : memref<512xi32, #tpu.memory_space<vmem>>, vector<16xi32>,
      tpu.vector_store %arg19[%swap3A_557], %or3A_556 {strides = array<i32>} : memref<512xi32, #tpu.memory_space<vmem>>, vector<16xi32>,
      %mul3A_559 = arith.constant 4 : i32
      %mul3A_560 = vector.broadcast %mul3A_559 : i32 to vector<16xi32>
      %mul3A_561 = arith.muli %iota3A, %mul3A_560 : vector<16xi32>
      %add3A_562 = arith.constant 0 : i32
      %add3A_563 = vector.broadcast %add3A_562 : i32 to vector<16xi32>
      %add3A_564 = arith.addi %mul3A_561, %add3A_563 : vector<16xi32>
      %gather3A_565 = tpu.vector_load_idx %arg19[%add3A_564] : memref<512xi32, #tpu.memory_space<vmem>>[vector<16xi32>], vector<16xi32>,
      %shift_left3A = arith.constant 0 : i32
      %shift_left3A_566 = vector.broadcast %shift_left3A : i32 to vector<16xi32>
      %shift_left3A_567 = arith.shli %gather3A_565, %shift_left3A_566 : vector<16xi32>
      %or3A_568 = arith.ori %broadcast_in_dim3A_2, %shift_left3A_567 : vector<16xi32>
      %mul3A_569 = arith.constant 4 : i32
      %mul3A_570 = vector.broadcast %mul3A_569 : i32 to vector<16xi32>
      %mul3A_571 = arith.muli %iota3A, %mul3A_570 : vector<16xi32>
      %add3A_572 = arith.constant 1 : i32
      %add3A_573 = vector.broadcast %add3A_572 : i32 to vector<16xi32>
      %add3A_574 = arith.addi %mul3A_571, %add3A_573 : vector<16xi32>
      %gather3A_575 = tpu.vector_load_idx %arg19[%add3A_574] : memref<512xi32, #tpu.memory_space<vmem>>[vector<16xi32>], vector<16xi32>,
      %shift_left3A_576 = arith.constant 8 : i32
      %shift_left3A_577 = vector.broadcast %shift_left3A_576 : i32 to vector<16xi32>
      %shift_left3A_578 = arith.shli %gather3A_575, %shift_left3A_577 : vector<16xi32>
      %or3A_579 = arith.ori %or3A_568, %shift_left3A_578 : vector<16xi32>
      %mul3A_580 = arith.constant 4 : i32
      %mul3A_581 = vector.broadcast %mul3A_580 : i32 to vector<16xi32>
      %mul3A_582 = arith.muli %iota3A, %mul3A_581 : vector<16xi32>
      %add3A_583 = arith.constant 2 : i32
      %add3A_584 = vector.broadcast %add3A_583 : i32 to vector<16xi32>
      %add3A_585 = arith.addi %mul3A_582, %add3A_584 : vector<16xi32>
      %gather3A_586 = tpu.vector_load_idx %arg19[%add3A_585] : memref<512xi32, #tpu.memory_space<vmem>>[vector<16xi32>], vector<16xi32>,
      %shift_left3A_587 = arith.constant 16 : i32
      %shift_left3A_588 = vector.broadcast %shift_left3A_587 : i32 to vector<16xi32>
      %shift_left3A_589 = arith.shli %gather3A_586, %shift_left3A_588 : vector<16xi32>
      %or3A_590 = arith.ori %or3A_579, %shift_left3A_589 : vector<16xi32>
      %mul3A_591 = arith.constant 4 : i32
      %mul3A_592 = vector.broadcast %mul3A_591 : i32 to vector<16xi32>
      %mul3A_593 = arith.muli %iota3A, %mul3A_592 : vector<16xi32>
      %add3A_594 = arith.constant 3 : i32
      %add3A_595 = vector.broadcast %add3A_594 : i32 to vector<16xi32>
      %add3A_596 = arith.addi %mul3A_593, %add3A_595 : vector<16xi32>
      %gather3A_597 = tpu.vector_load_idx %arg19[%add3A_596] : memref<512xi32, #tpu.memory_space<vmem>>[vector<16xi32>], vector<16xi32>,
      %shift_left3A_598 = arith.constant 24 : i32
      %shift_left3A_599 = vector.broadcast %shift_left3A_598 : i32 to vector<16xi32>
      %shift_left3A_600 = arith.shli %gather3A_597, %shift_left3A_599 : vector<16xi32>
      %or3A_601 = arith.ori %or3A_590, %shift_left3A_600 : vector<16xi32>
      %add3A_602 = arith.constant 96 : i32
      %add3A_603 = arith.addi %add3A_602, %scan3A_114 : i32
      %mul3A_604 = arith.constant 16 : i32
      %mul3A_605 = arith.muli %add3A_603, %mul3A_604 : i32
      %swap3A_606 = arith.index_cast %mul3A_605 : i32 to index
      %swap3A_607 = tpu.vector_load %arg12[%swap3A_606] {strides = array<i32>} : memref<1568xi32, #tpu.memory_space<vmem>>, vector<16xi32>,
      tpu.vector_store %arg12[%swap3A_606], %or3A_601 {strides = array<i32>} : memref<1568xi32, #tpu.memory_space<vmem>>, vector<16xi32>,
      %scan3A_608 = arith.constant 0 : i32
      scf.yield %scan3A_608 : i32
    }
    %scan3A_45 = arith.constant 2 : i32
    %mul3A_46 = arith.constant 1568 : i32
    %mul3A_47 = arith.muli %arg1, %mul3A_46 : i32
    "tpu.region"() ({
      %run_scoped3A = tpu.sem_alloc : memref<!tpu.dma_semaphore, #tpu.memory_space<semaphore_mem>>
      %dma_start3A = tpu.memref_slice %arg8[%mul3A_47] : memref<25088xi32, #tpu.memory_space<vmem_shared>> -> memref<1568xi32, #tpu.memory_space<vmem_shared>>
      %dma_start3A_114 = tpu.memref_slice %arg8[%mul3A_47] : memref<25088xi32, #tpu.memory_space<vmem_shared>> -> memref<1568xi32, #tpu.memory_space<vmem_shared>>
      tpu.enqueue_dma source(%arg12 : memref<1568xi32, #tpu.memory_space<vmem>>) target(%dma_start3A_114 : memref<1568xi32, #tpu.memory_space<vmem_shared>>) target_semaphore(%run_scoped3A : memref<!tpu.dma_semaphore, #tpu.memory_space<semaphore_mem>>)
      %dma_wait3A = tpu.memref_slice %arg8[%mul3A_47] : memref<25088xi32, #tpu.memory_space<vmem_shared>> -> memref<1568xi32, #tpu.memory_space<vmem_shared>>
      %dma_wait3A_115 = tpu.memref_slice %arg8[%mul3A_47] : memref<25088xi32, #tpu.memory_space<vmem_shared>> -> memref<1568xi32, #tpu.memory_space<vmem_shared>>
      tpu.wait_dma2 semaphore(%run_scoped3A : memref<!tpu.dma_semaphore, #tpu.memory_space<semaphore_mem>>) src(%arg12 : memref<1568xi32, #tpu.memory_space<vmem>>) dst(%dma_wait3A_115 : memref<1568xi32, #tpu.memory_space<vmem_shared>>)
      tpu.yield
    }) : () -> ()
    %barrier3A_48 = arith.constant 0 : index
    tpu.barrier barrier_id(%barrier3A_48)
    %scan3A_49 = arith.constant 0 : i32
    %scan3A_50 = arith.constant 0 : i32
    %scan3A_51 = arith.constant 512 : i32
    %scan3A_52 = arith.addi %scan3A_50, %scan3A_51 : i32
    %scan3A_53 = arith.constant 1 : i32
    %scan3A_54 = scf.for %scan3A_114 = %scan3A_50 to %scan3A_52 step %scan3A_53 iter_args(%scan3A_115 = %scan3A_49) -> (i32)  : i32 {
      %add3A_116 = vector.broadcast %scan3A_114 : i32 to vector<16xi32>
      %add3A_117 = arith.addi %broadcast_in_dim3A_2, %add3A_116 : vector<16xi32>
      tpu.vector_store_idx %arg11[%add3A_117, %iota3A], %broadcast_in_dim3A_0 : memref<512x16xf32, #tpu.memory_space<vmem>>[vector<16xi32>, vector<16xi32>], vector<16xf32>,
      %scan3A_118 = arith.constant 0 : i32
      scf.yield %scan3A_118 : i32
    }
    %scan3A_55 = arith.constant 512 : i32
    %mul3A_56 = arith.constant 1600000 : i32
    %mul3A_57 = arith.muli %arg0, %mul3A_56 : i32
    %mul3A_58 = arith.constant 100000 : i32
    %mul3A_59 = arith.muli %arg1, %mul3A_58 : i32
    %add3A_60 = arith.addi %mul3A_57, %mul3A_59 : i32
    %scan3A_61 = arith.constant 0 : i32
    %scan3A_62 = arith.constant 0 : i32
    %scan3A_63 = arith.constant 48 : i32
    %scan3A_64 = arith.addi %scan3A_62, %scan3A_63 : i32
    %scan3A_65 = arith.constant 1 : i32
    %scan3A_66 = scf.for %scan3A_114 = %scan3A_62 to %scan3A_64 step %scan3A_65 iter_args(%scan3A_115 = %scan3A_61) -> (i32)  : i32 {
      %mul3A_116 = arith.constant 2048 : i32
      %mul3A_117 = arith.muli %scan3A_114, %mul3A_116 : i32
      %add3A_118 = arith.addi %add3A_60, %mul3A_117 : i32
      %multiple_of3A_119 = tpu.assume_multiple %add3A_118, 8 : i32
      "tpu.region"() ({
        %run_scoped3A = tpu.sem_alloc : memref<!tpu.dma_semaphore, #tpu.memory_space<semaphore_mem>>
        %dma_start3A = tpu.memref_slice %arg2[%multiple_of3A_119] : memref<3200000xi32, #tpu.memory_space<hbm>> -> memref<2048xi32, #tpu.memory_space<hbm>>
        %dma_start3A_133 = tpu.memref_slice %arg2[%multiple_of3A_119] : memref<3200000xi32, #tpu.memory_space<hbm>> -> memref<2048xi32, #tpu.memory_space<hbm>>
        tpu.enqueue_dma source(%dma_start3A_133 : memref<2048xi32, #tpu.memory_space<hbm>>) target(%arg13 : memref<2048xi32, #tpu.memory_space<vmem>>) target_semaphore(%run_scoped3A : memref<!tpu.dma_semaphore, #tpu.memory_space<semaphore_mem>>)
        %dma_wait3A = tpu.memref_slice %arg2[%multiple_of3A_119] : memref<3200000xi32, #tpu.memory_space<hbm>> -> memref<2048xi32, #tpu.memory_space<hbm>>
        %dma_wait3A_134 = tpu.memref_slice %arg2[%multiple_of3A_119] : memref<3200000xi32, #tpu.memory_space<hbm>> -> memref<2048xi32, #tpu.memory_space<hbm>>
        tpu.wait_dma2 semaphore(%run_scoped3A : memref<!tpu.dma_semaphore, #tpu.memory_space<semaphore_mem>>) src(%dma_wait3A_134 : memref<2048xi32, #tpu.memory_space<hbm>>) dst(%arg13 : memref<2048xi32, #tpu.memory_space<vmem>>)
        tpu.yield
      }) : () -> ()
      "tpu.region"() ({
        %run_scoped3A = tpu.sem_alloc : memref<!tpu.dma_semaphore, #tpu.memory_space<semaphore_mem>>
        %dma_start3A = tpu.memref_slice %arg3[%multiple_of3A_119] : memref<3200000xi32, #tpu.memory_space<hbm>> -> memref<2048xi32, #tpu.memory_space<hbm>>
        %dma_start3A_133 = tpu.memref_slice %arg3[%multiple_of3A_119] : memref<3200000xi32, #tpu.memory_space<hbm>> -> memref<2048xi32, #tpu.memory_space<hbm>>
        tpu.enqueue_dma source(%dma_start3A_133 : memref<2048xi32, #tpu.memory_space<hbm>>) target(%arg14 : memref<2048xi32, #tpu.memory_space<vmem>>) target_semaphore(%run_scoped3A : memref<!tpu.dma_semaphore, #tpu.memory_space<semaphore_mem>>)
        %dma_wait3A = tpu.memref_slice %arg3[%multiple_of3A_119] : memref<3200000xi32, #tpu.memory_space<hbm>> -> memref<2048xi32, #tpu.memory_space<hbm>>
        %dma_wait3A_134 = tpu.memref_slice %arg3[%multiple_of3A_119] : memref<3200000xi32, #tpu.memory_space<hbm>> -> memref<2048xi32, #tpu.memory_space<hbm>>
        tpu.wait_dma2 semaphore(%run_scoped3A : memref<!tpu.dma_semaphore, #tpu.memory_space<semaphore_mem>>) src(%dma_wait3A_134 : memref<2048xi32, #tpu.memory_space<hbm>>) dst(%arg14 : memref<2048xi32, #tpu.memory_space<vmem>>)
        tpu.yield
      }) : () -> ()
      %scan3A_120 = arith.constant 0 : i32
      %scan3A_121 = arith.constant 0 : i32
      %scan3A_122 = arith.constant 128 : i32
      %scan3A_123 = arith.addi %scan3A_121, %scan3A_122 : i32
      %scan3A_124 = arith.constant 1 : i32
      %scan3A_125 = scf.for %scan3A_133 = %scan3A_121 to %scan3A_123 step %scan3A_124 iter_args(%scan3A_134 = %scan3A_120) -> (i32)  : i32 {
        %mul3A_135 = arith.constant 16 : i32
        %mul3A_136 = arith.muli %scan3A_133, %mul3A_135 : i32
        %get3A = arith.index_cast %mul3A_136 : i32 to index
        %get3A_137 = tpu.vector_load %arg13[%get3A] {strides = array<i32>} : memref<2048xi32, #tpu.memory_space<vmem>>, vector<16xi32>,
        %shift_right_logical3A = arith.constant 2 : i32
        %shift_right_logical3A_138 = vector.broadcast %shift_right_logical3A : i32 to vector<16xi32>
        %shift_right_logical3A_139 = arith.shrui %get3A_137, %shift_right_logical3A_138 : vector<16xi32>
        %mul3A_140 = arith.constant 16 : i32
        %mul3A_141 = arith.muli %scan3A_133, %mul3A_140 : i32
        %swap3A_142 = arith.index_cast %mul3A_141 : i32 to index
        %swap3A_143 = tpu.vector_load %arg15[%swap3A_142] {strides = array<i32>} : memref<2048xi32, #tpu.memory_space<vmem>>, vector<16xi32>,
        tpu.vector_store %arg15[%swap3A_142], %shift_right_logical3A_139 {strides = array<i32>} : memref<2048xi32, #tpu.memory_space<vmem>>, vector<16xi32>,
        %scan3A_144 = arith.constant 0 : i32
        scf.yield %scan3A_144 : i32
      }
      %scan3A_126 = arith.constant 128 : i32
      "tpu.region"() ({
        %run_scoped3A = tpu.sem_alloc : memref<!tpu.dma_semaphore, #tpu.memory_space<semaphore_mem>>
        %dma_start3A = arith.constant 0 : i32
        %dma_start3A_133 = tpu.memref_slice %arg8[%dma_start3A] : memref<25088xi32, #tpu.memory_space<vmem_shared>> -> memref<25088xi32, #tpu.memory_space<vmem_shared>>
        tpu.enqueue_indirect_dma source(%dma_start3A_133 : memref<25088xi32, #tpu.memory_space<vmem_shared>>) target(%arg16 : memref<2048xi32, #tpu.memory_space<vmem>>) offsets(%arg15 : memref<2048xi32, #tpu.memory_space<vmem>>) semaphore(%run_scoped3A : memref<!tpu.dma_semaphore, #tpu.memory_space<semaphore_mem>>)
        %dma_wait3A = arith.constant 0 : i32
        %dma_wait3A_134 = tpu.memref_slice %arg8[%dma_wait3A] : memref<25088xi32, #tpu.memory_space<vmem_shared>> -> memref<25088xi32, #tpu.memory_space<vmem_shared>>
        tpu.wait_indirect_dma semaphore(%run_scoped3A : memref<!tpu.dma_semaphore, #tpu.memory_space<semaphore_mem>>) src(%dma_wait3A_134 : memref<25088xi32, #tpu.memory_space<vmem_shared>>) dst(%arg16 : memref<2048xi32, #tpu.memory_space<vmem>>)
        tpu.yield
      }) : () -> ()
      %scan3A_127 = arith.constant 0 : i32
      %scan3A_128 = arith.constant 128 : i32
      %scan3A_129 = arith.addi %scan3A_127, %scan3A_128 : i32
      %scan3A_130 = arith.constant 1 : i32
      %scan3A_131 = scf.for %scan3A_133 = %scan3A_127 to %scan3A_129 step %scan3A_130 iter_args(%scan3A_134 = %scan3A_115) -> (i32)  : i32 {
        %mul3A_135 = arith.constant 16 : i32
        %mul3A_136 = arith.muli %scan3A_133, %mul3A_135 : i32
        %get3A = arith.index_cast %mul3A_136 : i32 to index
        %get3A_137 = tpu.vector_load %arg13[%get3A] {strides = array<i32>} : memref<2048xi32, #tpu.memory_space<vmem>>, vector<16xi32>,
        %mul3A_138 = arith.constant 16 : i32
        %mul3A_139 = arith.muli %scan3A_133, %mul3A_138 : i32
        %get3A_140 = arith.index_cast %mul3A_139 : i32 to index
        %get3A_141 = tpu.vector_load %arg14[%get3A_140] {strides = array<i32>} : memref<2048xi32, #tpu.memory_space<vmem>>, vector<16xi32>,
        %mul3A_142 = arith.constant 16 : i32
        %mul3A_143 = arith.muli %scan3A_133, %mul3A_142 : i32
        %get3A_144 = arith.index_cast %mul3A_143 : i32 to index
        %get3A_145 = tpu.vector_load %arg16[%get3A_144] {strides = array<i32>} : memref<2048xi32, #tpu.memory_space<vmem>>, vector<16xi32>,
        %and3A_146 = arith.constant 3 : i32
        %and3A_147 = vector.broadcast %and3A_146 : i32 to vector<16xi32>
        %and3A_148 = arith.andi %get3A_137, %and3A_147 : vector<16xi32>
        %shift_left3A = arith.constant 3 : i32
        %shift_left3A_149 = vector.broadcast %shift_left3A : i32 to vector<16xi32>
        %shift_left3A_150 = arith.shli %and3A_148, %shift_left3A_149 : vector<16xi32>
        %shift_right_logical3A = arith.shrui %get3A_145, %shift_left3A_150 : vector<16xi32>
        %and3A_151 = arith.constant 255 : i32
        %and3A_152 = vector.broadcast %and3A_151 : i32 to vector<16xi32>
        %and3A_153 = arith.andi %shift_right_logical3A, %and3A_152 : vector<16xi32>
        %ne3A = arith.constant 0 : i32
        %ne3A_154 = vector.broadcast %ne3A : i32 to vector<16xi32>
        %ne3A_155 = arith.cmpi ne, %and3A_153, %ne3A_154 : vector<16xi32>
        %swap3A_156 = arith.index_cast %scan3A_134 : i32 to index
        %swap3A_157 = tpu.vector_load %arg17[%swap3A_156] masked %ne3A_155 {strides = array<i32>} : memref<528xi32, #tpu.memory_space<vmem>>, vector<16xi32>, vector<16xi1>
        tpu.vector_store %arg17[%swap3A_156], %get3A_141 masked %ne3A_155 {strides = array<i32>} : memref<528xi32, #tpu.memory_space<vmem>>, vector<16xi32>, vector<16xi1>
        %swap3A_158 = arith.index_cast %scan3A_134 : i32 to index
        %swap3A_159 = tpu.vector_load %arg18[%swap3A_158] masked %ne3A_155 {strides = array<i32>} : memref<528xi32, #tpu.memory_space<vmem>>, vector<16xi32>, vector<16xi1>
        tpu.vector_store %arg18[%swap3A_158], %and3A_153 masked %ne3A_155 {strides = array<i32>} : memref<528xi32, #tpu.memory_space<vmem>>, vector<16xi32>, vector<16xi1>
        %convert_element_type3A = arith.extui %ne3A_155 : vector<16xi1> to vector<16xi32>
        %reduce_sum3A = arith.constant true
        %reduce_sum3A_160 = vector.broadcast %reduce_sum3A : i1 to vector<16xi1>
        %reduce_sum3A_161 = tpu.scan <sum>, %convert_element_type3A masked %reduce_sum3A_160 : vector<16xi32>, vector<16xi1> -> vector<16xi32>
        %reduce_sum3A_162 = vector.extract %reduce_sum3A_161[15] : i32 from vector<16xi32>
        %add3A_163 = arith.addi %scan3A_134, %reduce_sum3A_162 : i32
        %ge3A = arith.constant 512 : i32
        %ge3A_164 = arith.cmpi sge, %add3A_163, %ge3A : i32
        %convert_element_type3A_165 = arith.extui %ge3A_164 : i1 to i32
        %cond3A = arith.constant 0 : i32
        %cond3A_166 = arith.cmpi ne, %convert_element_type3A_165, %cond3A : i32
        scf.if %cond3A_166 {
          %scan3A_168 = arith.constant 0 : i32
          %scan3A_169 = arith.constant 0 : i32
          %scan3A_170 = arith.constant 32 : i32
          %scan3A_171 = arith.addi %scan3A_169, %scan3A_170 : i32
          %scan3A_172 = arith.constant 1 : i32
          %scan3A_173 = scf.for %scan3A_183 = %scan3A_169 to %scan3A_171 step %scan3A_172 iter_args(%scan3A_184 = %scan3A_168) -> (i32)  : i32 {
            %mul3A_185 = arith.constant 16 : i32
            %mul3A_186 = arith.muli %scan3A_183, %mul3A_185 : i32
            %get3A_187 = arith.index_cast %mul3A_186 : i32 to index
            %get3A_188 = tpu.vector_load %arg18[%get3A_187] {strides = array<i32>} : memref<528xi32, #tpu.memory_space<vmem>>, vector<16xi32>,
            %mul3A_189 = arith.constant 16 : i32
            %mul3A_190 = arith.muli %scan3A_183, %mul3A_189 : i32
            %add3A_191 = vector.broadcast %mul3A_190 : i32 to vector<16xi32>
            %add3A_192 = arith.addi %add3A_191, %iota3A : vector<16xi32>
            %shift_right_logical3A_193 = arith.constant 0 : i32
            %shift_right_logical3A_194 = vector.broadcast %shift_right_logical3A_193 : i32 to vector<16xi32>
            %shift_right_logical3A_195 = arith.shrui %get3A_188, %shift_right_logical3A_194 : vector<16xi32>
            %and3A_196 = arith.constant 1 : i32
            %and3A_197 = vector.broadcast %and3A_196 : i32 to vector<16xi32>
            %and3A_198 = arith.andi %shift_right_logical3A_195, %and3A_197 : vector<16xi32>
            %add3A_199 = arith.constant 0 : i32
            %add3A_200 = vector.broadcast %add3A_199 : i32 to vector<16xi32>
            %add3A_201 = arith.addi %broadcast_in_dim3A_2, %add3A_200 : vector<16xi32>
            %convert_element_type3A_202 = arith.sitofp %and3A_198 : vector<16xi32> to vector<16xf32>
            tpu.vector_store_idx %arg11[%add3A_192, %add3A_201], %convert_element_type3A_202 : memref<512x16xf32, #tpu.memory_space<vmem>>[vector<16xi32>, vector<16xi32>], vector<16xf32>,
            %shift_right_logical3A_203 = arith.constant 1 : i32
            %shift_right_logical3A_204 = vector.broadcast %shift_right_logical3A_203 : i32 to vector<16xi32>
            %shift_right_logical3A_205 = arith.shrui %get3A_188, %shift_right_logical3A_204 : vector<16xi32>
            %and3A_206 = arith.constant 1 : i32
            %and3A_207 = vector.broadcast %and3A_206 : i32 to vector<16xi32>
            %and3A_208 = arith.andi %shift_right_logical3A_205, %and3A_207 : vector<16xi32>
            %add3A_209 = arith.constant 1 : i32
            %add3A_210 = vector.broadcast %add3A_209 : i32 to vector<16xi32>
            %add3A_211 = arith.addi %broadcast_in_dim3A_2, %add3A_210 : vector<16xi32>
            %convert_element_type3A_212 = arith.sitofp %and3A_208 : vector<16xi32> to vector<16xf32>
            tpu.vector_store_idx %arg11[%add3A_192, %add3A_211], %convert_element_type3A_212 : memref<512x16xf32, #tpu.memory_space<vmem>>[vector<16xi32>, vector<16xi32>], vector<16xf32>,
            %shift_right_logical3A_213 = arith.constant 2 : i32
            %shift_right_logical3A_214 = vector.broadcast %shift_right_logical3A_213 : i32 to vector<16xi32>
            %shift_right_logical3A_215 = arith.shrui %get3A_188, %shift_right_logical3A_214 : vector<16xi32>
            %and3A_216 = arith.constant 1 : i32
            %and3A_217 = vector.broadcast %and3A_216 : i32 to vector<16xi32>
            %and3A_218 = arith.andi %shift_right_logical3A_215, %and3A_217 : vector<16xi32>
            %add3A_219 = arith.constant 2 : i32
            %add3A_220 = vector.broadcast %add3A_219 : i32 to vector<16xi32>
            %add3A_221 = arith.addi %broadcast_in_dim3A_2, %add3A_220 : vector<16xi32>
            %convert_element_type3A_222 = arith.sitofp %and3A_218 : vector<16xi32> to vector<16xf32>
            tpu.vector_store_idx %arg11[%add3A_192, %add3A_221], %convert_element_type3A_222 : memref<512x16xf32, #tpu.memory_space<vmem>>[vector<16xi32>, vector<16xi32>], vector<16xf32>,
            %shift_right_logical3A_223 = arith.constant 3 : i32
            %shift_right_logical3A_224 = vector.broadcast %shift_right_logical3A_223 : i32 to vector<16xi32>
            %shift_right_logical3A_225 = arith.shrui %get3A_188, %shift_right_logical3A_224 : vector<16xi32>
            %and3A_226 = arith.constant 1 : i32
            %and3A_227 = vector.broadcast %and3A_226 : i32 to vector<16xi32>
            %and3A_228 = arith.andi %shift_right_logical3A_225, %and3A_227 : vector<16xi32>
            %add3A_229 = arith.constant 3 : i32
            %add3A_230 = vector.broadcast %add3A_229 : i32 to vector<16xi32>
            %add3A_231 = arith.addi %broadcast_in_dim3A_2, %add3A_230 : vector<16xi32>
            %convert_element_type3A_232 = arith.sitofp %and3A_228 : vector<16xi32> to vector<16xf32>
            tpu.vector_store_idx %arg11[%add3A_192, %add3A_231], %convert_element_type3A_232 : memref<512x16xf32, #tpu.memory_space<vmem>>[vector<16xi32>, vector<16xi32>], vector<16xf32>,
            %shift_right_logical3A_233 = arith.constant 4 : i32
            %shift_right_logical3A_234 = vector.broadcast %shift_right_logical3A_233 : i32 to vector<16xi32>
            %shift_right_logical3A_235 = arith.shrui %get3A_188, %shift_right_logical3A_234 : vector<16xi32>
            %and3A_236 = arith.constant 1 : i32
            %and3A_237 = vector.broadcast %and3A_236 : i32 to vector<16xi32>
            %and3A_238 = arith.andi %shift_right_logical3A_235, %and3A_237 : vector<16xi32>
            %add3A_239 = arith.constant 4 : i32
            %add3A_240 = vector.broadcast %add3A_239 : i32 to vector<16xi32>
            %add3A_241 = arith.addi %broadcast_in_dim3A_2, %add3A_240 : vector<16xi32>
            %convert_element_type3A_242 = arith.sitofp %and3A_238 : vector<16xi32> to vector<16xf32>
            tpu.vector_store_idx %arg11[%add3A_192, %add3A_241], %convert_element_type3A_242 : memref<512x16xf32, #tpu.memory_space<vmem>>[vector<16xi32>, vector<16xi32>], vector<16xf32>,
            %shift_right_logical3A_243 = arith.constant 5 : i32
            %shift_right_logical3A_244 = vector.broadcast %shift_right_logical3A_243 : i32 to vector<16xi32>
            %shift_right_logical3A_245 = arith.shrui %get3A_188, %shift_right_logical3A_244 : vector<16xi32>
            %and3A_246 = arith.constant 1 : i32
            %and3A_247 = vector.broadcast %and3A_246 : i32 to vector<16xi32>
            %and3A_248 = arith.andi %shift_right_logical3A_245, %and3A_247 : vector<16xi32>
            %add3A_249 = arith.constant 5 : i32
            %add3A_250 = vector.broadcast %add3A_249 : i32 to vector<16xi32>
            %add3A_251 = arith.addi %broadcast_in_dim3A_2, %add3A_250 : vector<16xi32>
            %convert_element_type3A_252 = arith.sitofp %and3A_248 : vector<16xi32> to vector<16xf32>
            tpu.vector_store_idx %arg11[%add3A_192, %add3A_251], %convert_element_type3A_252 : memref<512x16xf32, #tpu.memory_space<vmem>>[vector<16xi32>, vector<16xi32>], vector<16xf32>,
            %shift_right_logical3A_253 = arith.constant 6 : i32
            %shift_right_logical3A_254 = vector.broadcast %shift_right_logical3A_253 : i32 to vector<16xi32>
            %shift_right_logical3A_255 = arith.shrui %get3A_188, %shift_right_logical3A_254 : vector<16xi32>
            %and3A_256 = arith.constant 1 : i32
            %and3A_257 = vector.broadcast %and3A_256 : i32 to vector<16xi32>
            %and3A_258 = arith.andi %shift_right_logical3A_255, %and3A_257 : vector<16xi32>
            %add3A_259 = arith.constant 6 : i32
            %add3A_260 = vector.broadcast %add3A_259 : i32 to vector<16xi32>
            %add3A_261 = arith.addi %broadcast_in_dim3A_2, %add3A_260 : vector<16xi32>
            %convert_element_type3A_262 = arith.sitofp %and3A_258 : vector<16xi32> to vector<16xf32>
            tpu.vector_store_idx %arg11[%add3A_192, %add3A_261], %convert_element_type3A_262 : memref<512x16xf32, #tpu.memory_space<vmem>>[vector<16xi32>, vector<16xi32>], vector<16xf32>,
            %shift_right_logical3A_263 = arith.constant 7 : i32
            %shift_right_logical3A_264 = vector.broadcast %shift_right_logical3A_263 : i32 to vector<16xi32>
            %shift_right_logical3A_265 = arith.shrui %get3A_188, %shift_right_logical3A_264 : vector<16xi32>
            %and3A_266 = arith.constant 1 : i32
            %and3A_267 = vector.broadcast %and3A_266 : i32 to vector<16xi32>
            %and3A_268 = arith.andi %shift_right_logical3A_265, %and3A_267 : vector<16xi32>
            %add3A_269 = arith.constant 7 : i32
            %add3A_270 = vector.broadcast %add3A_269 : i32 to vector<16xi32>
            %add3A_271 = arith.addi %broadcast_in_dim3A_2, %add3A_270 : vector<16xi32>
            %convert_element_type3A_272 = arith.sitofp %and3A_268 : vector<16xi32> to vector<16xf32>
            tpu.vector_store_idx %arg11[%add3A_192, %add3A_271], %convert_element_type3A_272 : memref<512x16xf32, #tpu.memory_space<vmem>>[vector<16xi32>, vector<16xi32>], vector<16xf32>,
            %mul3A_273 = arith.constant 16 : i32
            %mul3A_274 = arith.muli %scan3A_183, %mul3A_273 : i32
            %get3A_275 = arith.index_cast %mul3A_274 : i32 to index
            %get3A_276 = tpu.vector_load %arg17[%get3A_275] {strides = array<i32>} : memref<528xi32, #tpu.memory_space<vmem>>, vector<16xi32>,
            %mul3A_277 = arith.constant 16 : i32
            %mul3A_278 = arith.muli %scan3A_183, %mul3A_277 : i32
            %swap3A_279 = arith.index_cast %mul3A_278 : i32 to index
            %swap3A_280 = tpu.vector_load %arg19[%swap3A_279] {strides = array<i32>} : memref<512xi32, #tpu.memory_space<vmem>>, vector<16xi32>,
            tpu.vector_store %arg19[%swap3A_279], %get3A_276 {strides = array<i32>} : memref<512xi32, #tpu.memory_space<vmem>>, vector<16xi32>,
            %scan3A_281 = arith.constant 0 : i32
            scf.yield %scan3A_281 : i32
          }
          %scan3A_174 = arith.constant 32 : i32
          "tpu.region"() ({
            %run_scoped3A = tpu.sem_alloc : memref<!tpu.dma_semaphore, #tpu.memory_space<semaphore_mem>>
            %dma_start3A = arith.constant 0 : i32
            %dma_start3A_183 = arith.constant 0 : i32
            %dma_start3A_184 = tpu.memref_slice %arg7[%dma_start3A, %dma_start3A_183] : memref<100352x16xf32, #tpu.memory_space<vmem_shared>> -> memref<100352x16xf32, #tpu.memory_space<vmem_shared>>
            tpu.enqueue_indirect_dma source(%arg11 : memref<512x16xf32, #tpu.memory_space<vmem>>) target(%dma_start3A_184 : memref<100352x16xf32, #tpu.memory_space<vmem_shared>>) offsets(%arg19 : memref<512xi32, #tpu.memory_space<vmem>>) semaphore(%run_scoped3A : memref<!tpu.dma_semaphore, #tpu.memory_space<semaphore_mem>>) {add = true}
            %dma_wait3A = arith.constant 0 : i32
            %dma_wait3A_185 = arith.constant 0 : i32
            %dma_wait3A_186 = tpu.memref_slice %arg7[%dma_wait3A, %dma_wait3A_185] : memref<100352x16xf32, #tpu.memory_space<vmem_shared>> -> memref<100352x16xf32, #tpu.memory_space<vmem_shared>>
            tpu.wait_indirect_dma semaphore(%run_scoped3A : memref<!tpu.dma_semaphore, #tpu.memory_space<semaphore_mem>>) src(%arg11 : memref<512x16xf32, #tpu.memory_space<vmem>>) dst(%dma_wait3A_186 : memref<100352x16xf32, #tpu.memory_space<vmem_shared>>)
            tpu.yield
          }) : () -> ()
          %get3A_175 = arith.constant 512 : index
          %get3A_176 = tpu.vector_load %arg17[%get3A_175] {strides = array<i32>} : memref<528xi32, #tpu.memory_space<vmem>>, vector<16xi32>,
          %get3A_177 = arith.constant 512 : index
          %get3A_178 = tpu.vector_load %arg18[%get3A_177] {strides = array<i32>} : memref<528xi32, #tpu.memory_space<vmem>>, vector<16xi32>,
          %swap3A_179 = arith.constant 0 : index
          %swap3A_180 = tpu.vector_load %arg17[%swap3A_179] {strides = array<i32>} : memref<528xi32, #tpu.memory_space<vmem>>, vector<16xi32>,
          tpu.vector_store %arg17[%swap3A_179], %get3A_176 {strides = array<i32>} : memref<528xi32, #tpu.memory_space<vmem>>, vector<16xi32>,
          %swap3A_181 = arith.constant 0 : index
          %swap3A_182 = tpu.vector_load %arg18[%swap3A_181] {strides = array<i32>} : memref<528xi32, #tpu.memory_space<vmem>>, vector<16xi32>,
          tpu.vector_store %arg18[%swap3A_181], %get3A_178 {strides = array<i32>} : memref<528xi32, #tpu.memory_space<vmem>>, vector<16xi32>,
        } else {
        }
        %sub3A = arith.constant 512 : i32
        %sub3A_167 = arith.subi %add3A_163, %sub3A : i32
        %select_n3A = arith.select %ge3A_164, %sub3A_167, %add3A_163 : i32
        scf.yield %select_n3A : i32
      }
      %scan3A_132 = arith.constant 128 : i32
      scf.yield %scan3A_131 : i32
    }
    %scan3A_67 = arith.constant 48 : i32
    %add3A_68 = arith.constant 98304 : i32
    %add3A_69 = arith.addi %add3A_60, %add3A_68 : i32
    %multiple_of3A_70 = tpu.assume_multiple %add3A_69, 8 : i32
    "tpu.region"() ({
      %run_scoped3A = tpu.sem_alloc : memref<!tpu.dma_semaphore, #tpu.memory_space<semaphore_mem>>
      %dma_start3A = arith.constant 0 : i32
      %dma_start3A_114 = tpu.memref_slice %arg13[%dma_start3A] : memref<2048xi32, #tpu.memory_space<vmem>> -> memref<1696xi32, #tpu.memory_space<vmem>>
      %dma_start3A_115 = tpu.memref_slice %arg2[%multiple_of3A_70] : memref<3200000xi32, #tpu.memory_space<hbm>> -> memref<1696xi32, #tpu.memory_space<hbm>>
      %dma_start3A_116 = arith.constant 0 : i32
      %dma_start3A_117 = tpu.memref_slice %arg13[%dma_start3A_116] : memref<2048xi32, #tpu.memory_space<vmem>> -> memref<1696xi32, #tpu.memory_space<vmem>>
      %dma_start3A_118 = tpu.memref_slice %arg2[%multiple_of3A_70] : memref<3200000xi32, #tpu.memory_space<hbm>> -> memref<1696xi32, #tpu.memory_space<hbm>>
      tpu.enqueue_dma source(%dma_start3A_118 : memref<1696xi32, #tpu.memory_space<hbm>>) target(%dma_start3A_117 : memref<1696xi32, #tpu.memory_space<vmem>>) target_semaphore(%run_scoped3A : memref<!tpu.dma_semaphore, #tpu.memory_space<semaphore_mem>>)
      %dma_wait3A = arith.constant 0 : i32
      %dma_wait3A_119 = tpu.memref_slice %arg13[%dma_wait3A] : memref<2048xi32, #tpu.memory_space<vmem>> -> memref<1696xi32, #tpu.memory_space<vmem>>
      %dma_wait3A_120 = tpu.memref_slice %arg2[%multiple_of3A_70] : memref<3200000xi32, #tpu.memory_space<hbm>> -> memref<1696xi32, #tpu.memory_space<hbm>>
      %dma_wait3A_121 = arith.constant 0 : i32
      %dma_wait3A_122 = tpu.memref_slice %arg13[%dma_wait3A_121] : memref<2048xi32, #tpu.memory_space<vmem>> -> memref<1696xi32, #tpu.memory_space<vmem>>
      %dma_wait3A_123 = tpu.memref_slice %arg2[%multiple_of3A_70] : memref<3200000xi32, #tpu.memory_space<hbm>> -> memref<1696xi32, #tpu.memory_space<hbm>>
      tpu.wait_dma2 semaphore(%run_scoped3A : memref<!tpu.dma_semaphore, #tpu.memory_space<semaphore_mem>>) src(%dma_wait3A_123 : memref<1696xi32, #tpu.memory_space<hbm>>) dst(%dma_wait3A_122 : memref<1696xi32, #tpu.memory_space<vmem>>)
      tpu.yield
    }) : () -> ()
    "tpu.region"() ({
      %run_scoped3A = tpu.sem_alloc : memref<!tpu.dma_semaphore, #tpu.memory_space<semaphore_mem>>
      %dma_start3A = arith.constant 0 : i32
      %dma_start3A_114 = tpu.memref_slice %arg14[%dma_start3A] : memref<2048xi32, #tpu.memory_space<vmem>> -> memref<1696xi32, #tpu.memory_space<vmem>>
      %dma_start3A_115 = tpu.memref_slice %arg3[%multiple_of3A_70] : memref<3200000xi32, #tpu.memory_space<hbm>> -> memref<1696xi32, #tpu.memory_space<hbm>>
      %dma_start3A_116 = arith.constant 0 : i32
      %dma_start3A_117 = tpu.memref_slice %arg14[%dma_start3A_116] : memref<2048xi32, #tpu.memory_space<vmem>> -> memref<1696xi32, #tpu.memory_space<vmem>>
      %dma_start3A_118 = tpu.memref_slice %arg3[%multiple_of3A_70] : memref<3200000xi32, #tpu.memory_space<hbm>> -> memref<1696xi32, #tpu.memory_space<hbm>>
      tpu.enqueue_dma source(%dma_start3A_118 : memref<1696xi32, #tpu.memory_space<hbm>>) target(%dma_start3A_117 : memref<1696xi32, #tpu.memory_space<vmem>>) target_semaphore(%run_scoped3A : memref<!tpu.dma_semaphore, #tpu.memory_space<semaphore_mem>>)
      %dma_wait3A = arith.constant 0 : i32
      %dma_wait3A_119 = tpu.memref_slice %arg14[%dma_wait3A] : memref<2048xi32, #tpu.memory_space<vmem>> -> memref<1696xi32, #tpu.memory_space<vmem>>
      %dma_wait3A_120 = tpu.memref_slice %arg3[%multiple_of3A_70] : memref<3200000xi32, #tpu.memory_space<hbm>> -> memref<1696xi32, #tpu.memory_space<hbm>>
      %dma_wait3A_121 = arith.constant 0 : i32
      %dma_wait3A_122 = tpu.memref_slice %arg14[%dma_wait3A_121] : memref<2048xi32, #tpu.memory_space<vmem>> -> memref<1696xi32, #tpu.memory_space<vmem>>
      %dma_wait3A_123 = tpu.memref_slice %arg3[%multiple_of3A_70] : memref<3200000xi32, #tpu.memory_space<hbm>> -> memref<1696xi32, #tpu.memory_space<hbm>>
      tpu.wait_dma2 semaphore(%run_scoped3A : memref<!tpu.dma_semaphore, #tpu.memory_space<semaphore_mem>>) src(%dma_wait3A_123 : memref<1696xi32, #tpu.memory_space<hbm>>) dst(%dma_wait3A_122 : memref<1696xi32, #tpu.memory_space<vmem>>)
      tpu.yield
    }) : () -> ()
    %scan3A_71 = arith.constant 0 : i32
    %scan3A_72 = arith.constant 0 : i32
    %scan3A_73 = arith.constant 106 : i32
    %scan3A_74 = arith.addi %scan3A_72, %scan3A_73 : i32
    %scan3A_75 = arith.constant 1 : i32
    %scan3A_76 = scf.for %scan3A_114 = %scan3A_72 to %scan3A_74 step %scan3A_75 iter_args(%scan3A_115 = %scan3A_71) -> (i32)  : i32 {
      %mul3A_116 = arith.constant 16 : i32
      %mul3A_117 = arith.muli %scan3A_114, %mul3A_116 : i32
      %get3A = arith.index_cast %mul3A_117 : i32 to index
      %get3A_118 = tpu.vector_load %arg13[%get3A] {strides = array<i32>} : memref<2048xi32, #tpu.memory_space<vmem>>, vector<16xi32>,
      %shift_right_logical3A = arith.constant 2 : i32
      %shift_right_logical3A_119 = vector.broadcast %shift_right_logical3A : i32 to vector<16xi32>
      %shift_right_logical3A_120 = arith.shrui %get3A_118, %shift_right_logical3A_119 : vector<16xi32>
      %mul3A_121 = arith.constant 16 : i32
      %mul3A_122 = arith.muli %scan3A_114, %mul3A_121 : i32
      %swap3A_123 = arith.index_cast %mul3A_122 : i32 to index
      %swap3A_124 = tpu.vector_load %arg15[%swap3A_123] {strides = array<i32>} : memref<2048xi32, #tpu.memory_space<vmem>>, vector<16xi32>,
      tpu.vector_store %arg15[%swap3A_123], %shift_right_logical3A_120 {strides = array<i32>} : memref<2048xi32, #tpu.memory_space<vmem>>, vector<16xi32>,
      %scan3A_125 = arith.constant 0 : i32
      scf.yield %scan3A_125 : i32
    }
    %scan3A_77 = arith.constant 106 : i32
    "tpu.region"() ({
      %run_scoped3A = tpu.sem_alloc : memref<!tpu.dma_semaphore, #tpu.memory_space<semaphore_mem>>
      %dma_start3A = arith.constant 0 : i32
      %dma_start3A_114 = tpu.memref_slice %arg16[%dma_start3A] : memref<2048xi32, #tpu.memory_space<vmem>> -> memref<1696xi32, #tpu.memory_space<vmem>>
      %dma_start3A_115 = arith.constant 0 : i32
      %dma_start3A_116 = tpu.memref_slice %arg15[%dma_start3A_115] : memref<2048xi32, #tpu.memory_space<vmem>> -> memref<1696xi32, #tpu.memory_space<vmem>>
      %dma_start3A_117 = arith.constant 0 : i32
      %dma_start3A_118 = tpu.memref_slice %arg8[%dma_start3A_117] : memref<25088xi32, #tpu.memory_space<vmem_shared>> -> memref<25088xi32, #tpu.memory_space<vmem_shared>>
      tpu.enqueue_indirect_dma source(%dma_start3A_118 : memref<25088xi32, #tpu.memory_space<vmem_shared>>) target(%dma_start3A_114 : memref<1696xi32, #tpu.memory_space<vmem>>) offsets(%dma_start3A_116 : memref<1696xi32, #tpu.memory_space<vmem>>) semaphore(%run_scoped3A : memref<!tpu.dma_semaphore, #tpu.memory_space<semaphore_mem>>)
      %dma_wait3A = arith.constant 0 : i32
      %dma_wait3A_119 = tpu.memref_slice %arg16[%dma_wait3A] : memref<2048xi32, #tpu.memory_space<vmem>> -> memref<1696xi32, #tpu.memory_space<vmem>>
      %dma_wait3A_120 = arith.constant 0 : i32
      %dma_wait3A_121 = tpu.memref_slice %arg15[%dma_wait3A_120] : memref<2048xi32, #tpu.memory_space<vmem>> -> memref<1696xi32, #tpu.memory_space<vmem>>
      %dma_wait3A_122 = arith.constant 0 : i32
      %dma_wait3A_123 = tpu.memref_slice %arg8[%dma_wait3A_122] : memref<25088xi32, #tpu.memory_space<vmem_shared>> -> memref<25088xi32, #tpu.memory_space<vmem_shared>>
      tpu.wait_indirect_dma semaphore(%run_scoped3A : memref<!tpu.dma_semaphore, #tpu.memory_space<semaphore_mem>>) src(%dma_wait3A_123 : memref<25088xi32, #tpu.memory_space<vmem_shared>>) dst(%dma_wait3A_119 : memref<1696xi32, #tpu.memory_space<vmem>>)
      tpu.yield
    }) : () -> ()
    %scan3A_78 = arith.constant 0 : i32
    %scan3A_79 = arith.constant 106 : i32
    %scan3A_80 = arith.addi %scan3A_78, %scan3A_79 : i32
    %scan3A_81 = arith.constant 1 : i32
    %scan3A_82 = scf.for %scan3A_114 = %scan3A_78 to %scan3A_80 step %scan3A_81 iter_args(%scan3A_115 = %scan3A_66) -> (i32)  : i32 {
      %mul3A_116 = arith.constant 16 : i32
      %mul3A_117 = arith.muli %scan3A_114, %mul3A_116 : i32
      %get3A = arith.index_cast %mul3A_117 : i32 to index
      %get3A_118 = tpu.vector_load %arg13[%get3A] {strides = array<i32>} : memref<2048xi32, #tpu.memory_space<vmem>>, vector<16xi32>,
      %mul3A_119 = arith.constant 16 : i32
      %mul3A_120 = arith.muli %scan3A_114, %mul3A_119 : i32
      %get3A_121 = arith.index_cast %mul3A_120 : i32 to index
      %get3A_122 = tpu.vector_load %arg14[%get3A_121] {strides = array<i32>} : memref<2048xi32, #tpu.memory_space<vmem>>, vector<16xi32>,
      %mul3A_123 = arith.constant 16 : i32
      %mul3A_124 = arith.muli %scan3A_114, %mul3A_123 : i32
      %get3A_125 = arith.index_cast %mul3A_124 : i32 to index
      %get3A_126 = tpu.vector_load %arg16[%get3A_125] {strides = array<i32>} : memref<2048xi32, #tpu.memory_space<vmem>>, vector<16xi32>,
      %and3A_127 = arith.constant 3 : i32
      %and3A_128 = vector.broadcast %and3A_127 : i32 to vector<16xi32>
      %and3A_129 = arith.andi %get3A_118, %and3A_128 : vector<16xi32>
      %shift_left3A = arith.constant 3 : i32
      %shift_left3A_130 = vector.broadcast %shift_left3A : i32 to vector<16xi32>
      %shift_left3A_131 = arith.shli %and3A_129, %shift_left3A_130 : vector<16xi32>
      %shift_right_logical3A = arith.shrui %get3A_126, %shift_left3A_131 : vector<16xi32>
      %and3A_132 = arith.constant 255 : i32
      %and3A_133 = vector.broadcast %and3A_132 : i32 to vector<16xi32>
      %and3A_134 = arith.andi %shift_right_logical3A, %and3A_133 : vector<16xi32>
      %ne3A = arith.constant 0 : i32
      %ne3A_135 = vector.broadcast %ne3A : i32 to vector<16xi32>
      %ne3A_136 = arith.cmpi ne, %and3A_134, %ne3A_135 : vector<16xi32>
      %swap3A_137 = arith.index_cast %scan3A_115 : i32 to index
      %swap3A_138 = tpu.vector_load %arg17[%swap3A_137] masked %ne3A_136 {strides = array<i32>} : memref<528xi32, #tpu.memory_space<vmem>>, vector<16xi32>, vector<16xi1>
      tpu.vector_store %arg17[%swap3A_137], %get3A_122 masked %ne3A_136 {strides = array<i32>} : memref<528xi32, #tpu.memory_space<vmem>>, vector<16xi32>, vector<16xi1>
      %swap3A_139 = arith.index_cast %scan3A_115 : i32 to index
      %swap3A_140 = tpu.vector_load %arg18[%swap3A_139] masked %ne3A_136 {strides = array<i32>} : memref<528xi32, #tpu.memory_space<vmem>>, vector<16xi32>, vector<16xi1>
      tpu.vector_store %arg18[%swap3A_139], %and3A_134 masked %ne3A_136 {strides = array<i32>} : memref<528xi32, #tpu.memory_space<vmem>>, vector<16xi32>, vector<16xi1>
      %convert_element_type3A = arith.extui %ne3A_136 : vector<16xi1> to vector<16xi32>
      %reduce_sum3A = arith.constant true
      %reduce_sum3A_141 = vector.broadcast %reduce_sum3A : i1 to vector<16xi1>
      %reduce_sum3A_142 = tpu.scan <sum>, %convert_element_type3A masked %reduce_sum3A_141 : vector<16xi32>, vector<16xi1> -> vector<16xi32>
      %reduce_sum3A_143 = vector.extract %reduce_sum3A_142[15] : i32 from vector<16xi32>
      %add3A_144 = arith.addi %scan3A_115, %reduce_sum3A_143 : i32
      %ge3A = arith.constant 512 : i32
      %ge3A_145 = arith.cmpi sge, %add3A_144, %ge3A : i32
      %convert_element_type3A_146 = arith.extui %ge3A_145 : i1 to i32
      %cond3A = arith.constant 0 : i32
      %cond3A_147 = arith.cmpi ne, %convert_element_type3A_146, %cond3A : i32
      scf.if %cond3A_147 {
        %scan3A_149 = arith.constant 0 : i32
        %scan3A_150 = arith.constant 0 : i32
        %scan3A_151 = arith.constant 32 : i32
        %scan3A_152 = arith.addi %scan3A_150, %scan3A_151 : i32
        %scan3A_153 = arith.constant 1 : i32
        %scan3A_154 = scf.for %scan3A_164 = %scan3A_150 to %scan3A_152 step %scan3A_153 iter_args(%scan3A_165 = %scan3A_149) -> (i32)  : i32 {
          %mul3A_166 = arith.constant 16 : i32
          %mul3A_167 = arith.muli %scan3A_164, %mul3A_166 : i32
          %get3A_168 = arith.index_cast %mul3A_167 : i32 to index
          %get3A_169 = tpu.vector_load %arg18[%get3A_168] {strides = array<i32>} : memref<528xi32, #tpu.memory_space<vmem>>, vector<16xi32>,
          %mul3A_170 = arith.constant 16 : i32
          %mul3A_171 = arith.muli %scan3A_164, %mul3A_170 : i32
          %add3A_172 = vector.broadcast %mul3A_171 : i32 to vector<16xi32>
          %add3A_173 = arith.addi %add3A_172, %iota3A : vector<16xi32>
          %shift_right_logical3A_174 = arith.constant 0 : i32
          %shift_right_logical3A_175 = vector.broadcast %shift_right_logical3A_174 : i32 to vector<16xi32>
          %shift_right_logical3A_176 = arith.shrui %get3A_169, %shift_right_logical3A_175 : vector<16xi32>
          %and3A_177 = arith.constant 1 : i32
          %and3A_178 = vector.broadcast %and3A_177 : i32 to vector<16xi32>
          %and3A_179 = arith.andi %shift_right_logical3A_176, %and3A_178 : vector<16xi32>
          %add3A_180 = arith.constant 0 : i32
          %add3A_181 = vector.broadcast %add3A_180 : i32 to vector<16xi32>
          %add3A_182 = arith.addi %broadcast_in_dim3A_2, %add3A_181 : vector<16xi32>
          %convert_element_type3A_183 = arith.sitofp %and3A_179 : vector<16xi32> to vector<16xf32>
          tpu.vector_store_idx %arg11[%add3A_173, %add3A_182], %convert_element_type3A_183 : memref<512x16xf32, #tpu.memory_space<vmem>>[vector<16xi32>, vector<16xi32>], vector<16xf32>,
          %shift_right_logical3A_184 = arith.constant 1 : i32
          %shift_right_logical3A_185 = vector.broadcast %shift_right_logical3A_184 : i32 to vector<16xi32>
          %shift_right_logical3A_186 = arith.shrui %get3A_169, %shift_right_logical3A_185 : vector<16xi32>
          %and3A_187 = arith.constant 1 : i32
          %and3A_188 = vector.broadcast %and3A_187 : i32 to vector<16xi32>
          %and3A_189 = arith.andi %shift_right_logical3A_186, %and3A_188 : vector<16xi32>
          %add3A_190 = arith.constant 1 : i32
          %add3A_191 = vector.broadcast %add3A_190 : i32 to vector<16xi32>
          %add3A_192 = arith.addi %broadcast_in_dim3A_2, %add3A_191 : vector<16xi32>
          %convert_element_type3A_193 = arith.sitofp %and3A_189 : vector<16xi32> to vector<16xf32>
          tpu.vector_store_idx %arg11[%add3A_173, %add3A_192], %convert_element_type3A_193 : memref<512x16xf32, #tpu.memory_space<vmem>>[vector<16xi32>, vector<16xi32>], vector<16xf32>,
          %shift_right_logical3A_194 = arith.constant 2 : i32
          %shift_right_logical3A_195 = vector.broadcast %shift_right_logical3A_194 : i32 to vector<16xi32>
          %shift_right_logical3A_196 = arith.shrui %get3A_169, %shift_right_logical3A_195 : vector<16xi32>
          %and3A_197 = arith.constant 1 : i32
          %and3A_198 = vector.broadcast %and3A_197 : i32 to vector<16xi32>
          %and3A_199 = arith.andi %shift_right_logical3A_196, %and3A_198 : vector<16xi32>
          %add3A_200 = arith.constant 2 : i32
          %add3A_201 = vector.broadcast %add3A_200 : i32 to vector<16xi32>
          %add3A_202 = arith.addi %broadcast_in_dim3A_2, %add3A_201 : vector<16xi32>
          %convert_element_type3A_203 = arith.sitofp %and3A_199 : vector<16xi32> to vector<16xf32>
          tpu.vector_store_idx %arg11[%add3A_173, %add3A_202], %convert_element_type3A_203 : memref<512x16xf32, #tpu.memory_space<vmem>>[vector<16xi32>, vector<16xi32>], vector<16xf32>,
          %shift_right_logical3A_204 = arith.constant 3 : i32
          %shift_right_logical3A_205 = vector.broadcast %shift_right_logical3A_204 : i32 to vector<16xi32>
          %shift_right_logical3A_206 = arith.shrui %get3A_169, %shift_right_logical3A_205 : vector<16xi32>
          %and3A_207 = arith.constant 1 : i32
          %and3A_208 = vector.broadcast %and3A_207 : i32 to vector<16xi32>
          %and3A_209 = arith.andi %shift_right_logical3A_206, %and3A_208 : vector<16xi32>
          %add3A_210 = arith.constant 3 : i32
          %add3A_211 = vector.broadcast %add3A_210 : i32 to vector<16xi32>
          %add3A_212 = arith.addi %broadcast_in_dim3A_2, %add3A_211 : vector<16xi32>
          %convert_element_type3A_213 = arith.sitofp %and3A_209 : vector<16xi32> to vector<16xf32>
          tpu.vector_store_idx %arg11[%add3A_173, %add3A_212], %convert_element_type3A_213 : memref<512x16xf32, #tpu.memory_space<vmem>>[vector<16xi32>, vector<16xi32>], vector<16xf32>,
          %shift_right_logical3A_214 = arith.constant 4 : i32
          %shift_right_logical3A_215 = vector.broadcast %shift_right_logical3A_214 : i32 to vector<16xi32>
          %shift_right_logical3A_216 = arith.shrui %get3A_169, %shift_right_logical3A_215 : vector<16xi32>
          %and3A_217 = arith.constant 1 : i32
          %and3A_218 = vector.broadcast %and3A_217 : i32 to vector<16xi32>
          %and3A_219 = arith.andi %shift_right_logical3A_216, %and3A_218 : vector<16xi32>
          %add3A_220 = arith.constant 4 : i32
          %add3A_221 = vector.broadcast %add3A_220 : i32 to vector<16xi32>
          %add3A_222 = arith.addi %broadcast_in_dim3A_2, %add3A_221 : vector<16xi32>
          %convert_element_type3A_223 = arith.sitofp %and3A_219 : vector<16xi32> to vector<16xf32>
          tpu.vector_store_idx %arg11[%add3A_173, %add3A_222], %convert_element_type3A_223 : memref<512x16xf32, #tpu.memory_space<vmem>>[vector<16xi32>, vector<16xi32>], vector<16xf32>,
          %shift_right_logical3A_224 = arith.constant 5 : i32
          %shift_right_logical3A_225 = vector.broadcast %shift_right_logical3A_224 : i32 to vector<16xi32>
          %shift_right_logical3A_226 = arith.shrui %get3A_169, %shift_right_logical3A_225 : vector<16xi32>
          %and3A_227 = arith.constant 1 : i32
          %and3A_228 = vector.broadcast %and3A_227 : i32 to vector<16xi32>
          %and3A_229 = arith.andi %shift_right_logical3A_226, %and3A_228 : vector<16xi32>
          %add3A_230 = arith.constant 5 : i32
          %add3A_231 = vector.broadcast %add3A_230 : i32 to vector<16xi32>
          %add3A_232 = arith.addi %broadcast_in_dim3A_2, %add3A_231 : vector<16xi32>
          %convert_element_type3A_233 = arith.sitofp %and3A_229 : vector<16xi32> to vector<16xf32>
          tpu.vector_store_idx %arg11[%add3A_173, %add3A_232], %convert_element_type3A_233 : memref<512x16xf32, #tpu.memory_space<vmem>>[vector<16xi32>, vector<16xi32>], vector<16xf32>,
          %shift_right_logical3A_234 = arith.constant 6 : i32
          %shift_right_logical3A_235 = vector.broadcast %shift_right_logical3A_234 : i32 to vector<16xi32>
          %shift_right_logical3A_236 = arith.shrui %get3A_169, %shift_right_logical3A_235 : vector<16xi32>
          %and3A_237 = arith.constant 1 : i32
          %and3A_238 = vector.broadcast %and3A_237 : i32 to vector<16xi32>
          %and3A_239 = arith.andi %shift_right_logical3A_236, %and3A_238 : vector<16xi32>
          %add3A_240 = arith.constant 6 : i32
          %add3A_241 = vector.broadcast %add3A_240 : i32 to vector<16xi32>
          %add3A_242 = arith.addi %broadcast_in_dim3A_2, %add3A_241 : vector<16xi32>
          %convert_element_type3A_243 = arith.sitofp %and3A_239 : vector<16xi32> to vector<16xf32>
          tpu.vector_store_idx %arg11[%add3A_173, %add3A_242], %convert_element_type3A_243 : memref<512x16xf32, #tpu.memory_space<vmem>>[vector<16xi32>, vector<16xi32>], vector<16xf32>,
          %shift_right_logical3A_244 = arith.constant 7 : i32
          %shift_right_logical3A_245 = vector.broadcast %shift_right_logical3A_244 : i32 to vector<16xi32>
          %shift_right_logical3A_246 = arith.shrui %get3A_169, %shift_right_logical3A_245 : vector<16xi32>
          %and3A_247 = arith.constant 1 : i32
          %and3A_248 = vector.broadcast %and3A_247 : i32 to vector<16xi32>
          %and3A_249 = arith.andi %shift_right_logical3A_246, %and3A_248 : vector<16xi32>
          %add3A_250 = arith.constant 7 : i32
          %add3A_251 = vector.broadcast %add3A_250 : i32 to vector<16xi32>
          %add3A_252 = arith.addi %broadcast_in_dim3A_2, %add3A_251 : vector<16xi32>
          %convert_element_type3A_253 = arith.sitofp %and3A_249 : vector<16xi32> to vector<16xf32>
          tpu.vector_store_idx %arg11[%add3A_173, %add3A_252], %convert_element_type3A_253 : memref<512x16xf32, #tpu.memory_space<vmem>>[vector<16xi32>, vector<16xi32>], vector<16xf32>,
          %mul3A_254 = arith.constant 16 : i32
          %mul3A_255 = arith.muli %scan3A_164, %mul3A_254 : i32
          %get3A_256 = arith.index_cast %mul3A_255 : i32 to index
          %get3A_257 = tpu.vector_load %arg17[%get3A_256] {strides = array<i32>} : memref<528xi32, #tpu.memory_space<vmem>>, vector<16xi32>,
          %mul3A_258 = arith.constant 16 : i32
          %mul3A_259 = arith.muli %scan3A_164, %mul3A_258 : i32
          %swap3A_260 = arith.index_cast %mul3A_259 : i32 to index
          %swap3A_261 = tpu.vector_load %arg19[%swap3A_260] {strides = array<i32>} : memref<512xi32, #tpu.memory_space<vmem>>, vector<16xi32>,
          tpu.vector_store %arg19[%swap3A_260], %get3A_257 {strides = array<i32>} : memref<512xi32, #tpu.memory_space<vmem>>, vector<16xi32>,
          %scan3A_262 = arith.constant 0 : i32
          scf.yield %scan3A_262 : i32
        }
        %scan3A_155 = arith.constant 32 : i32
        "tpu.region"() ({
          %run_scoped3A = tpu.sem_alloc : memref<!tpu.dma_semaphore, #tpu.memory_space<semaphore_mem>>
          %dma_start3A = arith.constant 0 : i32
          %dma_start3A_164 = arith.constant 0 : i32
          %dma_start3A_165 = tpu.memref_slice %arg7[%dma_start3A, %dma_start3A_164] : memref<100352x16xf32, #tpu.memory_space<vmem_shared>> -> memref<100352x16xf32, #tpu.memory_space<vmem_shared>>
          tpu.enqueue_indirect_dma source(%arg11 : memref<512x16xf32, #tpu.memory_space<vmem>>) target(%dma_start3A_165 : memref<100352x16xf32, #tpu.memory_space<vmem_shared>>) offsets(%arg19 : memref<512xi32, #tpu.memory_space<vmem>>) semaphore(%run_scoped3A : memref<!tpu.dma_semaphore, #tpu.memory_space<semaphore_mem>>) {add = true}
          %dma_wait3A = arith.constant 0 : i32
          %dma_wait3A_166 = arith.constant 0 : i32
          %dma_wait3A_167 = tpu.memref_slice %arg7[%dma_wait3A, %dma_wait3A_166] : memref<100352x16xf32, #tpu.memory_space<vmem_shared>> -> memref<100352x16xf32, #tpu.memory_space<vmem_shared>>
          tpu.wait_indirect_dma semaphore(%run_scoped3A : memref<!tpu.dma_semaphore, #tpu.memory_space<semaphore_mem>>) src(%arg11 : memref<512x16xf32, #tpu.memory_space<vmem>>) dst(%dma_wait3A_167 : memref<100352x16xf32, #tpu.memory_space<vmem_shared>>)
          tpu.yield
        }) : () -> ()
        %get3A_156 = arith.constant 512 : index
        %get3A_157 = tpu.vector_load %arg17[%get3A_156] {strides = array<i32>} : memref<528xi32, #tpu.memory_space<vmem>>, vector<16xi32>,
        %get3A_158 = arith.constant 512 : index
        %get3A_159 = tpu.vector_load %arg18[%get3A_158] {strides = array<i32>} : memref<528xi32, #tpu.memory_space<vmem>>, vector<16xi32>,
        %swap3A_160 = arith.constant 0 : index
        %swap3A_161 = tpu.vector_load %arg17[%swap3A_160] {strides = array<i32>} : memref<528xi32, #tpu.memory_space<vmem>>, vector<16xi32>,
        tpu.vector_store %arg17[%swap3A_160], %get3A_157 {strides = array<i32>} : memref<528xi32, #tpu.memory_space<vmem>>, vector<16xi32>,
        %swap3A_162 = arith.constant 0 : index
        %swap3A_163 = tpu.vector_load %arg18[%swap3A_162] {strides = array<i32>} : memref<528xi32, #tpu.memory_space<vmem>>, vector<16xi32>,
        tpu.vector_store %arg18[%swap3A_162], %get3A_159 {strides = array<i32>} : memref<528xi32, #tpu.memory_space<vmem>>, vector<16xi32>,
      } else {
      }
      %sub3A = arith.constant 512 : i32
      %sub3A_148 = arith.subi %add3A_144, %sub3A : i32
      %select_n3A = arith.select %ge3A_145, %sub3A_148, %add3A_144 : i32
      scf.yield %select_n3A : i32
    }
    %scan3A_83 = arith.constant 106 : i32
    %add3A_84 = vector.broadcast %scan3A_82 : i32 to vector<16xi32>
    %add3A_85 = arith.addi %iota3A, %add3A_84 : vector<16xi32>
    %and3A = arith.constant 255 : i32
    %and3A_86 = vector.broadcast %and3A : i32 to vector<16xi32>
    %and3A_87 = arith.andi %add3A_85, %and3A_86 : vector<16xi32>
    %add3A_88 = arith.constant 100000 : i32
    %add3A_89 = vector.broadcast %add3A_88 : i32 to vector<16xi32>
    %add3A_90 = arith.addi %add3A_89, %and3A_87 : vector<16xi32>
    %swap3A = arith.index_cast %scan3A_82 : i32 to index
    %swap3A_91 = tpu.vector_load %arg17[%swap3A] {strides = array<i32>} : memref<528xi32, #tpu.memory_space<vmem>>, vector<16xi32>,
    tpu.vector_store %arg17[%swap3A], %add3A_90 {strides = array<i32>} : memref<528xi32, #tpu.memory_space<vmem>>, vector<16xi32>,
    %swap3A_92 = arith.index_cast %scan3A_82 : i32 to index
    %swap3A_93 = tpu.vector_load %arg18[%swap3A_92] {strides = array<i32>} : memref<528xi32, #tpu.memory_space<vmem>>, vector<16xi32>,
    tpu.vector_store %arg18[%swap3A_92], %broadcast_in_dim3A_2 {strides = array<i32>} : memref<528xi32, #tpu.memory_space<vmem>>, vector<16xi32>,
    %scan3A_94 = arith.constant 0 : i32
    %scan3A_95 = arith.constant 0 : i32
    %scan3A_96 = arith.constant 32 : i32
    %scan3A_97 = arith.addi %scan3A_95, %scan3A_96 : i32
    %scan3A_98 = arith.constant 1 : i32
    %scan3A_99 = scf.for %scan3A_114 = %scan3A_95 to %scan3A_97 step %scan3A_98 iter_args(%scan3A_115 = %scan3A_94) -> (i32)  : i32 {
      %mul3A_116 = arith.constant 16 : i32
      %mul3A_117 = arith.muli %scan3A_114, %mul3A_116 : i32
      %add3A_118 = vector.broadcast %mul3A_117 : i32 to vector<16xi32>
      %add3A_119 = arith.addi %add3A_118, %iota3A : vector<16xi32>
      %mul3A_120 = arith.constant 16 : i32
      %mul3A_121 = arith.muli %scan3A_114, %mul3A_120 : i32
      %get3A = arith.index_cast %mul3A_121 : i32 to index
      %get3A_122 = tpu.vector_load %arg17[%get3A] {strides = array<i32>} : memref<528xi32, #tpu.memory_space<vmem>>, vector<16xi32>,
      %mul3A_123 = arith.constant 16 : i32
      %mul3A_124 = arith.muli %scan3A_114, %mul3A_123 : i32
      %get3A_125 = arith.index_cast %mul3A_124 : i32 to index
      %get3A_126 = tpu.vector_load %arg18[%get3A_125] {strides = array<i32>} : memref<528xi32, #tpu.memory_space<vmem>>, vector<16xi32>,
      %add3A_127 = arith.constant 16 : i32
      %add3A_128 = arith.addi %scan3A_82, %add3A_127 : i32
      %ge3A = vector.broadcast %add3A_128 : i32 to vector<16xi32>
      %ge3A_129 = arith.cmpi sge, %add3A_119, %ge3A : vector<16xi32>
      %and3A_130 = arith.constant 255 : i32
      %and3A_131 = vector.broadcast %and3A_130 : i32 to vector<16xi32>
      %and3A_132 = arith.andi %add3A_119, %and3A_131 : vector<16xi32>
      %add3A_133 = arith.constant 100000 : i32
      %add3A_134 = vector.broadcast %add3A_133 : i32 to vector<16xi32>
      %add3A_135 = arith.addi %add3A_134, %and3A_132 : vector<16xi32>
      %select_n3A = arith.select %ge3A_129, %add3A_135, %get3A_122 : vector<16xi1>, vector<16xi32>
      %mul3A_136 = arith.constant 16 : i32
      %mul3A_137 = arith.muli %scan3A_114, %mul3A_136 : i32
      %swap3A_138 = arith.index_cast %mul3A_137 : i32 to index
      %swap3A_139 = tpu.vector_load %arg17[%swap3A_138] {strides = array<i32>} : memref<528xi32, #tpu.memory_space<vmem>>, vector<16xi32>,
      tpu.vector_store %arg17[%swap3A_138], %select_n3A {strides = array<i32>} : memref<528xi32, #tpu.memory_space<vmem>>, vector<16xi32>,
      %jit3A = arith.constant 0 : i32
      %broadcast_in_dim3A_140 = vector.broadcast %jit3A : i32 to vector<16xi32>
      %select_n3A_141 = arith.select %ge3A_129, %broadcast_in_dim3A_140, %get3A_126 : vector<16xi1>, vector<16xi32>
      %mul3A_142 = arith.constant 16 : i32
      %mul3A_143 = arith.muli %scan3A_114, %mul3A_142 : i32
      %swap3A_144 = arith.index_cast %mul3A_143 : i32 to index
      %swap3A_145 = tpu.vector_load %arg18[%swap3A_144] {strides = array<i32>} : memref<528xi32, #tpu.memory_space<vmem>>, vector<16xi32>,
      tpu.vector_store %arg18[%swap3A_144], %select_n3A_141 {strides = array<i32>} : memref<528xi32, #tpu.memory_space<vmem>>, vector<16xi32>,
      %scan3A_146 = arith.constant 0 : i32
      scf.yield %scan3A_146 : i32
    }
    %scan3A_100 = arith.constant 32 : i32
    %scan3A_101 = arith.constant 0 : i32
    %scan3A_102 = arith.constant 0 : i32
    %scan3A_103 = arith.constant 32 : i32
    %scan3A_104 = arith.addi %scan3A_102, %scan3A_103 : i32
    %scan3A_105 = arith.constant 1 : i32
    %scan3A_106 = scf.for %scan3A_114 = %scan3A_102 to %scan3A_104 step %scan3A_105 iter_args(%scan3A_115 = %scan3A_101) -> (i32)  : i32 {
      %mul3A_116 = arith.constant 16 : i32
      %mul3A_117 = arith.muli %scan3A_114, %mul3A_116 : i32
      %get3A = arith.index_cast %mul3A_117 : i32 to index
      %get3A_118 = tpu.vector_load %arg18[%get3A] {strides = array<i32>} : memref<528xi32, #tpu.memory_space<vmem>>, vector<16xi32>,
      %mul3A_119 = arith.constant 16 : i32
      %mul3A_120 = arith.muli %scan3A_114, %mul3A_119 : i32
      %add3A_121 = vector.broadcast %mul3A_120 : i32 to vector<16xi32>
      %add3A_122 = arith.addi %add3A_121, %iota3A : vector<16xi32>
      %shift_right_logical3A = arith.constant 0 : i32
      %shift_right_logical3A_123 = vector.broadcast %shift_right_logical3A : i32 to vector<16xi32>
      %shift_right_logical3A_124 = arith.shrui %get3A_118, %shift_right_logical3A_123 : vector<16xi32>
      %and3A_125 = arith.constant 1 : i32
      %and3A_126 = vector.broadcast %and3A_125 : i32 to vector<16xi32>
      %and3A_127 = arith.andi %shift_right_logical3A_124, %and3A_126 : vector<16xi32>
      %add3A_128 = arith.constant 0 : i32
      %add3A_129 = vector.broadcast %add3A_128 : i32 to vector<16xi32>
      %add3A_130 = arith.addi %broadcast_in_dim3A_2, %add3A_129 : vector<16xi32>
      %convert_element_type3A = arith.sitofp %and3A_127 : vector<16xi32> to vector<16xf32>
      tpu.vector_store_idx %arg11[%add3A_122, %add3A_130], %convert_element_type3A : memref<512x16xf32, #tpu.memory_space<vmem>>[vector<16xi32>, vector<16xi32>], vector<16xf32>,
      %shift_right_logical3A_131 = arith.constant 1 : i32
      %shift_right_logical3A_132 = vector.broadcast %shift_right_logical3A_131 : i32 to vector<16xi32>
      %shift_right_logical3A_133 = arith.shrui %get3A_118, %shift_right_logical3A_132 : vector<16xi32>
      %and3A_134 = arith.constant 1 : i32
      %and3A_135 = vector.broadcast %and3A_134 : i32 to vector<16xi32>
      %and3A_136 = arith.andi %shift_right_logical3A_133, %and3A_135 : vector<16xi32>
      %add3A_137 = arith.constant 1 : i32
      %add3A_138 = vector.broadcast %add3A_137 : i32 to vector<16xi32>
      %add3A_139 = arith.addi %broadcast_in_dim3A_2, %add3A_138 : vector<16xi32>
      %convert_element_type3A_140 = arith.sitofp %and3A_136 : vector<16xi32> to vector<16xf32>
      tpu.vector_store_idx %arg11[%add3A_122, %add3A_139], %convert_element_type3A_140 : memref<512x16xf32, #tpu.memory_space<vmem>>[vector<16xi32>, vector<16xi32>], vector<16xf32>,
      %shift_right_logical3A_141 = arith.constant 2 : i32
      %shift_right_logical3A_142 = vector.broadcast %shift_right_logical3A_141 : i32 to vector<16xi32>
      %shift_right_logical3A_143 = arith.shrui %get3A_118, %shift_right_logical3A_142 : vector<16xi32>
      %and3A_144 = arith.constant 1 : i32
      %and3A_145 = vector.broadcast %and3A_144 : i32 to vector<16xi32>
      %and3A_146 = arith.andi %shift_right_logical3A_143, %and3A_145 : vector<16xi32>
      %add3A_147 = arith.constant 2 : i32
      %add3A_148 = vector.broadcast %add3A_147 : i32 to vector<16xi32>
      %add3A_149 = arith.addi %broadcast_in_dim3A_2, %add3A_148 : vector<16xi32>
      %convert_element_type3A_150 = arith.sitofp %and3A_146 : vector<16xi32> to vector<16xf32>
      tpu.vector_store_idx %arg11[%add3A_122, %add3A_149], %convert_element_type3A_150 : memref<512x16xf32, #tpu.memory_space<vmem>>[vector<16xi32>, vector<16xi32>], vector<16xf32>,
      %shift_right_logical3A_151 = arith.constant 3 : i32
      %shift_right_logical3A_152 = vector.broadcast %shift_right_logical3A_151 : i32 to vector<16xi32>
      %shift_right_logical3A_153 = arith.shrui %get3A_118, %shift_right_logical3A_152 : vector<16xi32>
      %and3A_154 = arith.constant 1 : i32
      %and3A_155 = vector.broadcast %and3A_154 : i32 to vector<16xi32>
      %and3A_156 = arith.andi %shift_right_logical3A_153, %and3A_155 : vector<16xi32>
      %add3A_157 = arith.constant 3 : i32
      %add3A_158 = vector.broadcast %add3A_157 : i32 to vector<16xi32>
      %add3A_159 = arith.addi %broadcast_in_dim3A_2, %add3A_158 : vector<16xi32>
      %convert_element_type3A_160 = arith.sitofp %and3A_156 : vector<16xi32> to vector<16xf32>
      tpu.vector_store_idx %arg11[%add3A_122, %add3A_159], %convert_element_type3A_160 : memref<512x16xf32, #tpu.memory_space<vmem>>[vector<16xi32>, vector<16xi32>], vector<16xf32>,
      %shift_right_logical3A_161 = arith.constant 4 : i32
      %shift_right_logical3A_162 = vector.broadcast %shift_right_logical3A_161 : i32 to vector<16xi32>
      %shift_right_logical3A_163 = arith.shrui %get3A_118, %shift_right_logical3A_162 : vector<16xi32>
      %and3A_164 = arith.constant 1 : i32
      %and3A_165 = vector.broadcast %and3A_164 : i32 to vector<16xi32>
      %and3A_166 = arith.andi %shift_right_logical3A_163, %and3A_165 : vector<16xi32>
      %add3A_167 = arith.constant 4 : i32
      %add3A_168 = vector.broadcast %add3A_167 : i32 to vector<16xi32>
      %add3A_169 = arith.addi %broadcast_in_dim3A_2, %add3A_168 : vector<16xi32>
      %convert_element_type3A_170 = arith.sitofp %and3A_166 : vector<16xi32> to vector<16xf32>
      tpu.vector_store_idx %arg11[%add3A_122, %add3A_169], %convert_element_type3A_170 : memref<512x16xf32, #tpu.memory_space<vmem>>[vector<16xi32>, vector<16xi32>], vector<16xf32>,
      %shift_right_logical3A_171 = arith.constant 5 : i32
      %shift_right_logical3A_172 = vector.broadcast %shift_right_logical3A_171 : i32 to vector<16xi32>
      %shift_right_logical3A_173 = arith.shrui %get3A_118, %shift_right_logical3A_172 : vector<16xi32>
      %and3A_174 = arith.constant 1 : i32
      %and3A_175 = vector.broadcast %and3A_174 : i32 to vector<16xi32>
      %and3A_176 = arith.andi %shift_right_logical3A_173, %and3A_175 : vector<16xi32>
      %add3A_177 = arith.constant 5 : i32
      %add3A_178 = vector.broadcast %add3A_177 : i32 to vector<16xi32>
      %add3A_179 = arith.addi %broadcast_in_dim3A_2, %add3A_178 : vector<16xi32>
      %convert_element_type3A_180 = arith.sitofp %and3A_176 : vector<16xi32> to vector<16xf32>
      tpu.vector_store_idx %arg11[%add3A_122, %add3A_179], %convert_element_type3A_180 : memref<512x16xf32, #tpu.memory_space<vmem>>[vector<16xi32>, vector<16xi32>], vector<16xf32>,
      %shift_right_logical3A_181 = arith.constant 6 : i32
      %shift_right_logical3A_182 = vector.broadcast %shift_right_logical3A_181 : i32 to vector<16xi32>
      %shift_right_logical3A_183 = arith.shrui %get3A_118, %shift_right_logical3A_182 : vector<16xi32>
      %and3A_184 = arith.constant 1 : i32
      %and3A_185 = vector.broadcast %and3A_184 : i32 to vector<16xi32>
      %and3A_186 = arith.andi %shift_right_logical3A_183, %and3A_185 : vector<16xi32>
      %add3A_187 = arith.constant 6 : i32
      %add3A_188 = vector.broadcast %add3A_187 : i32 to vector<16xi32>
      %add3A_189 = arith.addi %broadcast_in_dim3A_2, %add3A_188 : vector<16xi32>
      %convert_element_type3A_190 = arith.sitofp %and3A_186 : vector<16xi32> to vector<16xf32>
      tpu.vector_store_idx %arg11[%add3A_122, %add3A_189], %convert_element_type3A_190 : memref<512x16xf32, #tpu.memory_space<vmem>>[vector<16xi32>, vector<16xi32>], vector<16xf32>,
      %shift_right_logical3A_191 = arith.constant 7 : i32
      %shift_right_logical3A_192 = vector.broadcast %shift_right_logical3A_191 : i32 to vector<16xi32>
      %shift_right_logical3A_193 = arith.shrui %get3A_118, %shift_right_logical3A_192 : vector<16xi32>
      %and3A_194 = arith.constant 1 : i32
      %and3A_195 = vector.broadcast %and3A_194 : i32 to vector<16xi32>
      %and3A_196 = arith.andi %shift_right_logical3A_193, %and3A_195 : vector<16xi32>
      %add3A_197 = arith.constant 7 : i32
      %add3A_198 = vector.broadcast %add3A_197 : i32 to vector<16xi32>
      %add3A_199 = arith.addi %broadcast_in_dim3A_2, %add3A_198 : vector<16xi32>
      %convert_element_type3A_200 = arith.sitofp %and3A_196 : vector<16xi32> to vector<16xf32>
      tpu.vector_store_idx %arg11[%add3A_122, %add3A_199], %convert_element_type3A_200 : memref<512x16xf32, #tpu.memory_space<vmem>>[vector<16xi32>, vector<16xi32>], vector<16xf32>,
      %mul3A_201 = arith.constant 16 : i32
      %mul3A_202 = arith.muli %scan3A_114, %mul3A_201 : i32
      %get3A_203 = arith.index_cast %mul3A_202 : i32 to index
      %get3A_204 = tpu.vector_load %arg17[%get3A_203] {strides = array<i32>} : memref<528xi32, #tpu.memory_space<vmem>>, vector<16xi32>,
      %mul3A_205 = arith.constant 16 : i32
      %mul3A_206 = arith.muli %scan3A_114, %mul3A_205 : i32
      %swap3A_207 = arith.index_cast %mul3A_206 : i32 to index
      %swap3A_208 = tpu.vector_load %arg19[%swap3A_207] {strides = array<i32>} : memref<512xi32, #tpu.memory_space<vmem>>, vector<16xi32>,
      tpu.vector_store %arg19[%swap3A_207], %get3A_204 {strides = array<i32>} : memref<512xi32, #tpu.memory_space<vmem>>, vector<16xi32>,
      %scan3A_209 = arith.constant 0 : i32
      scf.yield %scan3A_209 : i32
    }
    %scan3A_107 = arith.constant 32 : i32
    "tpu.region"() ({
      %run_scoped3A = tpu.sem_alloc : memref<!tpu.dma_semaphore, #tpu.memory_space<semaphore_mem>>
      %dma_start3A = arith.constant 0 : i32
      %dma_start3A_114 = arith.constant 0 : i32
      %dma_start3A_115 = tpu.memref_slice %arg7[%dma_start3A, %dma_start3A_114] : memref<100352x16xf32, #tpu.memory_space<vmem_shared>> -> memref<100352x16xf32, #tpu.memory_space<vmem_shared>>
      tpu.enqueue_indirect_dma source(%arg11 : memref<512x16xf32, #tpu.memory_space<vmem>>) target(%dma_start3A_115 : memref<100352x16xf32, #tpu.memory_space<vmem_shared>>) offsets(%arg19 : memref<512xi32, #tpu.memory_space<vmem>>) semaphore(%run_scoped3A : memref<!tpu.dma_semaphore, #tpu.memory_space<semaphore_mem>>) {add = true}
      %dma_wait3A = arith.constant 0 : i32
      %dma_wait3A_116 = arith.constant 0 : i32
      %dma_wait3A_117 = tpu.memref_slice %arg7[%dma_wait3A, %dma_wait3A_116] : memref<100352x16xf32, #tpu.memory_space<vmem_shared>> -> memref<100352x16xf32, #tpu.memory_space<vmem_shared>>
      tpu.wait_indirect_dma semaphore(%run_scoped3A : memref<!tpu.dma_semaphore, #tpu.memory_space<semaphore_mem>>) src(%arg11 : memref<512x16xf32, #tpu.memory_space<vmem>>) dst(%dma_wait3A_117 : memref<100352x16xf32, #tpu.memory_space<vmem_shared>>)
      tpu.yield
    }) : () -> ()
    %barrier3A_108 = arith.constant 0 : index
    tpu.barrier barrier_id(%barrier3A_108)
    %mul3A_109 = arith.constant 100352 : i32
    %mul3A_110 = arith.muli %arg0, %mul3A_109 : i32
    %add3A_111 = arith.addi %mul3A_110, %mul3A_5 : i32
    %multiple_of3A_112 = tpu.assume_multiple %add3A_111, 128 : i32
    %multiple_of3A_113 = tpu.assume_multiple %mul3A_5, 128 : i32
    "tpu.region"() ({
      %run_scoped3A = tpu.sem_alloc : memref<!tpu.dma_semaphore, #tpu.memory_space<semaphore_mem>>
      %dma_start3A = arith.constant 0 : i32
      %dma_start3A_114 = tpu.memref_slice %arg6[%multiple_of3A_112, %dma_start3A] : memref<200704x16xf32, #tpu.memory_space<hbm>> -> memref<6272x16xf32, #tpu.memory_space<hbm>>
      %dma_start3A_115 = arith.constant 0 : i32
      %dma_start3A_116 = tpu.memref_slice %arg7[%multiple_of3A_113, %dma_start3A_115] : memref<100352x16xf32, #tpu.memory_space<vmem_shared>> -> memref<6272x16xf32, #tpu.memory_space<vmem_shared>>
      tpu.enqueue_dma source(%dma_start3A_116 : memref<6272x16xf32, #tpu.memory_space<vmem_shared>>) target(%dma_start3A_114 : memref<6272x16xf32, #tpu.memory_space<hbm>>) target_semaphore(%run_scoped3A : memref<!tpu.dma_semaphore, #tpu.memory_space<semaphore_mem>>)
      %dma_wait3A = arith.constant 0 : i32
      %dma_wait3A_117 = tpu.memref_slice %arg6[%multiple_of3A_112, %dma_wait3A] : memref<200704x16xf32, #tpu.memory_space<hbm>> -> memref<6272x16xf32, #tpu.memory_space<hbm>>
      %dma_wait3A_118 = arith.constant 0 : i32
      %dma_wait3A_119 = tpu.memref_slice %arg7[%multiple_of3A_113, %dma_wait3A_118] : memref<100352x16xf32, #tpu.memory_space<vmem_shared>> -> memref<6272x16xf32, #tpu.memory_space<vmem_shared>>
      tpu.wait_dma2 semaphore(%run_scoped3A : memref<!tpu.dma_semaphore, #tpu.memory_space<semaphore_mem>>) src(%dma_wait3A_119 : memref<6272x16xf32, #tpu.memory_space<vmem_shared>>) dst(%dma_wait3A_117 : memref<6272x16xf32, #tpu.memory_space<hbm>>)
      tpu.yield
    }) : () -> ()
    return
  }
}

module attributes {stable_mosaic.version = 14 : i64} {
  func.func @_score_body(%arg0: i32, %arg1: memref<8x128xf32, #tpu.memory_space<vmem>>, %arg2: memref<2048x128xf32, #tpu.memory_space<vmem>>, %arg3: memref<2048x16xf32, #tpu.memory_space<vmem>>, %arg4: memref<2048x16xf32, #tpu.memory_space<vmem>>, %arg5: memref<8x2048xf32, #tpu.memory_space<vmem>>) attributes {dimension_semantics = [#tpu.dimension_semantics<arbitrary>], iteration_bounds = array<i64: 49>, scalar_prefetch = 0 : i64, scratch_operands = 0 : i64, tpu.core_type = #tpu.core_type<tc>, window_params = [{pipeline_mode = #tpu.pipeline_mode<synchronous>, transform_indices = @transform_0, window_bounds = array<i64: 8, 128>}, {transform_indices = @transform_1, window_bounds = array<i64: 2048, 128>}, {transform_indices = @transform_2, window_bounds = array<i64: 2048, 16>}, {transform_indices = @transform_3, window_bounds = array<i64: 2048, 16>}, {transform_indices = @transform_4, window_bounds = array<i64: 8, 2048>}]} {
    %get3A = arith.constant 0 : index
    %get3A_0 = arith.constant 0 : index
    %get3A_1 = vector.load %arg1[%get3A, %get3A_0] : memref<8x128xf32, #tpu.memory_space<vmem>>, vector<8x128xf32>
    %get3A_2 = arith.constant 0 : index
    %get3A_3 = arith.constant 0 : index
    %get3A_4 = vector.load %arg2[%get3A_2, %get3A_3] : memref<2048x128xf32, #tpu.memory_space<vmem>>, vector<2048x128xf32>
    %dot_general3A = arith.constant dense<0.000000e+00> : vector<8x2048xf32>
    %dot_general3A_5 = tpu.matmul %get3A_1, %get3A_4, %dot_general3A {dimension_numbers = #tpu.dot_dimension_numbers<[1], [1], [0], [0], [0, 0, 1, 0], [], []>, transpose_lhs_hint = false} : vector<8x128xf32>, vector<2048x128xf32>, vector<8x2048xf32> -> vector<8x2048xf32>
    %get3A_6 = arith.constant 0 : index
    %get3A_7 = arith.constant 0 : index
    %get3A_8 = vector.load %arg3[%get3A_6, %get3A_7] : memref<2048x16xf32, #tpu.memory_space<vmem>>, vector<2048x16xf32>
    %get3A_9 = arith.constant 0 : index
    %get3A_10 = arith.constant 0 : index
    %get3A_11 = vector.load %arg4[%get3A_9, %get3A_10] : memref<2048x16xf32, #tpu.memory_space<vmem>>, vector<2048x16xf32>
    %add3A = arith.addf %get3A_8, %get3A_11 : vector<2048x16xf32>
    %slice3A = vector.extract_strided_slice %add3A {offsets = [0, 8], sizes = [2048, 8], strides = [1, 1]} : vector<2048x16xf32> to vector<2048x8xf32>
    %reduce_sum3A = arith.constant dense<0.000000e+00> : vector<2048xf32>
    %reduce_sum3A_12 = vector.multi_reduction <add>, %slice3A, %reduce_sum3A [1] : vector<2048x8xf32> to vector<2048xf32>
    %broadcast_in_dim3A = vector.shape_cast %reduce_sum3A_12 : vector<2048xf32> to vector<2048x1xf32>
    %slice3A_13 = vector.extract_strided_slice %add3A {offsets = [0, 0], sizes = [2048, 8], strides = [1, 1]} : vector<2048x16xf32> to vector<2048x8xf32>
    %ge3A = arith.constant 2.000000e+00 : f32
    %ge3A_14 = vector.broadcast %ge3A : f32 to vector<2048x8xf32>
    %ge3A_15 = arith.cmpf oge, %slice3A_13, %ge3A_14 : vector<2048x8xf32>
    %le3A = arith.constant 0.000000e+00 : f32
    %le3A_16 = vector.broadcast %le3A : f32 to vector<2048x1xf32>
    %le3A_17 = arith.cmpf ole, %broadcast_in_dim3A, %le3A_16 : vector<2048x1xf32>
    %and3A = vector.broadcast %le3A_17 : vector<2048x1xi1> to vector<2048x8xi1>
    %and3A_18 = arith.andi %ge3A_15, %and3A : vector<2048x8xi1>
    %jit3A = arith.constant 1.000000e+00 : f32
    %jit3A_19 = arith.constant 0.000000e+00 : f32
    %broadcast_in_dim3A_20 = vector.broadcast %jit3A : f32 to vector<2048x8xf32>
    %broadcast_in_dim3A_21 = vector.broadcast %jit3A_19 : f32 to vector<2048x8xf32>
    %select_n3A = arith.select %and3A_18, %broadcast_in_dim3A_20, %broadcast_in_dim3A_21 : vector<2048x8xi1>, vector<2048x8xf32>
    %iota3A = tpu.iota {dimensions = array<i32: 0>} : vector<8x8xi32>
    %iota3A_22 = tpu.iota {dimensions = array<i32: 1>} : vector<8x8xi32>
    %eq3A = arith.cmpi eq, %iota3A, %iota3A_22 : vector<8x8xi32>
    %convert_element_type3A = arith.extui %eq3A : vector<8x8xi1> to vector<8x8xi32>
    %convert_element_type3A_23 = arith.sitofp %convert_element_type3A : vector<8x8xi32> to vector<8x8xf32>
    %dot_general3A_24 = arith.constant dense<0.000000e+00> : vector<8x2048xf32>
    %dot_general3A_25 = tpu.matmul %convert_element_type3A_23, %select_n3A, %dot_general3A_24 {dimension_numbers = #tpu.dot_dimension_numbers<[1], [1], [0], [0], [0, 0, 1, 0], [], []>, transpose_lhs_hint = false} : vector<8x8xf32>, vector<2048x8xf32>, vector<8x2048xf32> -> vector<8x2048xf32>
    %mul3A = arith.constant 2048 : i32
    %mul3A_26 = arith.muli %arg0, %mul3A : i32
    %iota3A_27 = tpu.iota {dimensions = array<i32: 1>} : vector<8x2048xi32>
    %add3A_28 = vector.broadcast %mul3A_26 : i32 to vector<8x2048xi32>
    %add3A_29 = arith.addi %add3A_28, %iota3A_27 : vector<8x2048xi32>
    %gt3A = arith.constant 5.000000e-01 : f32
    %gt3A_30 = vector.broadcast %gt3A : f32 to vector<8x2048xf32>
    %gt3A_31 = arith.cmpf ogt, %dot_general3A_25, %gt3A_30 : vector<8x2048xf32>
    %lt3A = arith.constant 100000 : i32
    %lt3A_32 = vector.broadcast %lt3A : i32 to vector<8x2048xi32>
    %lt3A_33 = arith.cmpi slt, %add3A_29, %lt3A_32 : vector<8x2048xi32>
    %and3A_34 = arith.andi %gt3A_31, %lt3A_33 : vector<8x2048xi1>
    %jit3A_35 = arith.constant -1.000000e+09 : f32
    %broadcast_in_dim3A_36 = vector.broadcast %jit3A_35 : f32 to vector<8x2048xf32>
    %select_n3A_37 = arith.select %and3A_34, %dot_general3A_5, %broadcast_in_dim3A_36 : vector<8x2048xi1>, vector<8x2048xf32>
    %swap3A = arith.constant 0 : index
    %swap3A_38 = arith.constant 0 : index
    %swap3A_39 = vector.load %arg5[%swap3A, %swap3A_38] : memref<8x2048xf32, #tpu.memory_space<vmem>>, vector<8x2048xf32>
    tpu.vector_store %arg5[%swap3A, %swap3A_38], %select_n3A_37 {strides = array<i32>} : memref<8x2048xf32, #tpu.memory_space<vmem>>, vector<8x2048xf32>,
    return
  }
  func.func @transform_0(%arg0: i32) -> (i32, i32) {
    %c0_i32 = arith.constant 0 : i32
    %c0_i32_0 = arith.constant 0 : i32
    %c0_i32_1 = arith.constant 0 : i32
    return %c0_i32, %c0_i32_0 : i32, i32
  }
  func.func @transform_1(%arg0: i32) -> (i32, i32) {
    %c0_i32 = arith.constant 0 : i32
    %c0_i32_0 = arith.constant 0 : i32
    return %arg0, %c0_i32 : i32, i32
  }
  func.func @transform_2(%arg0: i32) -> (i32, i32) {
    %c0_i32 = arith.constant 0 : i32
    %c0_i32_0 = arith.constant 0 : i32
    return %arg0, %c0_i32 : i32, i32
  }
  func.func @transform_3(%arg0: i32) -> (i32, i32) {
    %add3A = arith.constant 49 : i32
    %add3A_0 = arith.addi %arg0, %add3A : i32
    %c0_i32 = arith.constant 0 : i32
    %c0_i32_1 = arith.constant 0 : i32
    return %add3A_0, %c0_i32 : i32, i32
  }
  func.func @transform_4(%arg0: i32) -> (i32, i32) {
    %c0_i32 = arith.constant 0 : i32
    %c0_i32_0 = arith.constant 0 : i32
    return %c0_i32, %arg0 : i32, i32
  }
}

module attributes {stable_mosaic.version = 14 : i64} {
  func.func @_topk_body(%arg0: i32, %arg1: memref<8x100352xf32, #tpu.memory_space<vmem>>, %arg2: memref<8x64xf32, #tpu.memory_space<vmem>>, %arg3: memref<8x64xi32, #tpu.memory_space<vmem>>, %arg4: memref<8x784xf32, #tpu.memory_space<vmem>>) attributes {dimension_semantics = [#tpu.dimension_semantics<arbitrary>], iteration_bounds = array<i64: 1>, scalar_prefetch = 0 : i64, scratch_operands = 1 : i64, tpu.core_type = #tpu.core_type<tc>, window_params = [{pipeline_mode = #tpu.pipeline_mode<synchronous>, transform_indices = @transform_0, window_bounds = array<i64: 8, 100352>}, {pipeline_mode = #tpu.pipeline_mode<synchronous>, transform_indices = @transform_1, window_bounds = array<i64: 8, 64>}, {pipeline_mode = #tpu.pipeline_mode<synchronous>, transform_indices = @transform_2, window_bounds = array<i64: 8, 64>}]} {
    %get3A = arith.constant 0 : index
    %get3A_0 = arith.constant 0 : index
    %get3A_1 = vector.load %arg1[%get3A, %get3A_0] : memref<8x100352xf32, #tpu.memory_space<vmem>>, vector<8x16384xf32>
    %reshape3A = vector.shape_cast %get3A_1 : vector<8x16384xf32> to vector<8x128x128xf32>
    %reduce_max3A = arith.constant dense<0xFF800000> : vector<8x128xf32>
    %reduce_max3A_2 = vector.multi_reduction <maximumf>, %reshape3A, %reduce_max3A [2] : vector<8x128x128xf32> to vector<8x128xf32>
    %swap3A = arith.constant 0 : index
    %swap3A_3 = arith.constant 0 : index
    %swap3A_4 = vector.load %arg4[%swap3A, %swap3A_3] : memref<8x784xf32, #tpu.memory_space<vmem>>, vector<8x128xf32>
    tpu.vector_store %arg4[%swap3A, %swap3A_3], %reduce_max3A_2 {strides = array<i32>} : memref<8x784xf32, #tpu.memory_space<vmem>>, vector<8x128xf32>,
    %get3A_5 = arith.constant 0 : index
    %get3A_6 = arith.constant 16384 : index
    %get3A_7 = vector.load %arg1[%get3A_5, %get3A_6] : memref<8x100352xf32, #tpu.memory_space<vmem>>, vector<8x16384xf32>
    %reshape3A_8 = vector.shape_cast %get3A_7 : vector<8x16384xf32> to vector<8x128x128xf32>
    %reduce_max3A_9 = arith.constant dense<0xFF800000> : vector<8x128xf32>
    %reduce_max3A_10 = vector.multi_reduction <maximumf>, %reshape3A_8, %reduce_max3A_9 [2] : vector<8x128x128xf32> to vector<8x128xf32>
    %swap3A_11 = arith.constant 0 : index
    %swap3A_12 = arith.constant 128 : index
    %swap3A_13 = vector.load %arg4[%swap3A_11, %swap3A_12] : memref<8x784xf32, #tpu.memory_space<vmem>>, vector<8x128xf32>
    tpu.vector_store %arg4[%swap3A_11, %swap3A_12], %reduce_max3A_10 {strides = array<i32>} : memref<8x784xf32, #tpu.memory_space<vmem>>, vector<8x128xf32>,
    %get3A_14 = arith.constant 0 : index
    %get3A_15 = arith.constant 32768 : index
    %get3A_16 = vector.load %arg1[%get3A_14, %get3A_15] : memref<8x100352xf32, #tpu.memory_space<vmem>>, vector<8x16384xf32>
    %reshape3A_17 = vector.shape_cast %get3A_16 : vector<8x16384xf32> to vector<8x128x128xf32>
    %reduce_max3A_18 = arith.constant dense<0xFF800000> : vector<8x128xf32>
    %reduce_max3A_19 = vector.multi_reduction <maximumf>, %reshape3A_17, %reduce_max3A_18 [2] : vector<8x128x128xf32> to vector<8x128xf32>
    %swap3A_20 = arith.constant 0 : index
    %swap3A_21 = arith.constant 256 : index
    %swap3A_22 = vector.load %arg4[%swap3A_20, %swap3A_21] : memref<8x784xf32, #tpu.memory_space<vmem>>, vector<8x128xf32>
    tpu.vector_store %arg4[%swap3A_20, %swap3A_21], %reduce_max3A_19 {strides = array<i32>} : memref<8x784xf32, #tpu.memory_space<vmem>>, vector<8x128xf32>,
    %get3A_23 = arith.constant 0 : index
    %get3A_24 = arith.constant 49152 : index
    %get3A_25 = vector.load %arg1[%get3A_23, %get3A_24] : memref<8x100352xf32, #tpu.memory_space<vmem>>, vector<8x16384xf32>
    %reshape3A_26 = vector.shape_cast %get3A_25 : vector<8x16384xf32> to vector<8x128x128xf32>
    %reduce_max3A_27 = arith.constant dense<0xFF800000> : vector<8x128xf32>
    %reduce_max3A_28 = vector.multi_reduction <maximumf>, %reshape3A_26, %reduce_max3A_27 [2] : vector<8x128x128xf32> to vector<8x128xf32>
    %swap3A_29 = arith.constant 0 : index
    %swap3A_30 = arith.constant 384 : index
    %swap3A_31 = vector.load %arg4[%swap3A_29, %swap3A_30] : memref<8x784xf32, #tpu.memory_space<vmem>>, vector<8x128xf32>
    tpu.vector_store %arg4[%swap3A_29, %swap3A_30], %reduce_max3A_28 {strides = array<i32>} : memref<8x784xf32, #tpu.memory_space<vmem>>, vector<8x128xf32>,
    %get3A_32 = arith.constant 0 : index
    %get3A_33 = arith.constant 65536 : index
    %get3A_34 = vector.load %arg1[%get3A_32, %get3A_33] : memref<8x100352xf32, #tpu.memory_space<vmem>>, vector<8x16384xf32>
    %reshape3A_35 = vector.shape_cast %get3A_34 : vector<8x16384xf32> to vector<8x128x128xf32>
    %reduce_max3A_36 = arith.constant dense<0xFF800000> : vector<8x128xf32>
    %reduce_max3A_37 = vector.multi_reduction <maximumf>, %reshape3A_35, %reduce_max3A_36 [2] : vector<8x128x128xf32> to vector<8x128xf32>
    %swap3A_38 = arith.constant 0 : index
    %swap3A_39 = arith.constant 512 : index
    %swap3A_40 = vector.load %arg4[%swap3A_38, %swap3A_39] : memref<8x784xf32, #tpu.memory_space<vmem>>, vector<8x128xf32>
    tpu.vector_store %arg4[%swap3A_38, %swap3A_39], %reduce_max3A_37 {strides = array<i32>} : memref<8x784xf32, #tpu.memory_space<vmem>>, vector<8x128xf32>,
    %get3A_41 = arith.constant 0 : index
    %get3A_42 = arith.constant 81920 : index
    %get3A_43 = vector.load %arg1[%get3A_41, %get3A_42] : memref<8x100352xf32, #tpu.memory_space<vmem>>, vector<8x16384xf32>
    %reshape3A_44 = vector.shape_cast %get3A_43 : vector<8x16384xf32> to vector<8x128x128xf32>
    %reduce_max3A_45 = arith.constant dense<0xFF800000> : vector<8x128xf32>
    %reduce_max3A_46 = vector.multi_reduction <maximumf>, %reshape3A_44, %reduce_max3A_45 [2] : vector<8x128x128xf32> to vector<8x128xf32>
    %swap3A_47 = arith.constant 0 : index
    %swap3A_48 = arith.constant 640 : index
    %swap3A_49 = vector.load %arg4[%swap3A_47, %swap3A_48] : memref<8x784xf32, #tpu.memory_space<vmem>>, vector<8x128xf32>
    tpu.vector_store %arg4[%swap3A_47, %swap3A_48], %reduce_max3A_46 {strides = array<i32>} : memref<8x784xf32, #tpu.memory_space<vmem>>, vector<8x128xf32>,
    %get3A_50 = arith.constant 0 : index
    %get3A_51 = arith.constant 98304 : index
    %get3A_52 = vector.load %arg1[%get3A_50, %get3A_51] : memref<8x100352xf32, #tpu.memory_space<vmem>>, vector<8x2048xf32>
    %reshape3A_53 = vector.shape_cast %get3A_52 : vector<8x2048xf32> to vector<8x16x128xf32>
    %reduce_max3A_54 = arith.constant dense<0xFF800000> : vector<8x16xf32>
    %reduce_max3A_55 = vector.multi_reduction <maximumf>, %reshape3A_53, %reduce_max3A_54 [2] : vector<8x16x128xf32> to vector<8x16xf32>
    %swap3A_56 = arith.constant 0 : index
    %swap3A_57 = arith.constant 768 : index
    %swap3A_58 = vector.load %arg4[%swap3A_56, %swap3A_57] : memref<8x784xf32, #tpu.memory_space<vmem>>, vector<8x16xf32>
    tpu.vector_store %arg4[%swap3A_56, %swap3A_57], %reduce_max3A_55 {strides = array<i32>} : memref<8x784xf32, #tpu.memory_space<vmem>>, vector<8x16xf32>,
    %iota3A = tpu.iota {dimensions = array<i32: 1>} : vector<8x64xi32>
    %iota3A_59 = tpu.iota {dimensions = array<i32: 1>} : vector<8x784xi32>
    %iota3A_60 = tpu.iota {dimensions = array<i32: 0>} : vector<8x1xi32>
    %iota3A_61 = tpu.iota {dimensions = array<i32: 0>} : vector<8x128xi32>
    %iota3A_62 = tpu.iota {dimensions = array<i32: 1>} : vector<8x128xi32>
    %scan3A = arith.constant 0xFF800000 : f32
    %scan3A_63 = arith.constant 0 : i32
    %scan3A_64 = arith.constant 64 : i32
    %scan3A_65 = arith.addi %scan3A_63, %scan3A_64 : i32
    %scan3A_66 = arith.constant 1 : i32
    scf.for %scan3A_68 = %scan3A_63 to %scan3A_65 step %scan3A_66  : i32 {
      %get3A_69 = arith.constant 0 : index
      %get3A_70 = arith.constant 0 : index
      %get3A_71 = vector.load %arg4[%get3A_69, %get3A_70] : memref<8x784xf32, #tpu.memory_space<vmem>>, vector<8x784xf32>
      %reduce_max3A_72 = arith.constant dense<0xFF800000> : vector<8xf32>
      %reduce_max3A_73 = vector.multi_reduction <maximumf>, %get3A_71, %reduce_max3A_72 [1] : vector<8x784xf32> to vector<8xf32>
      %broadcast_in_dim3A = vector.shape_cast %reduce_max3A_73 : vector<8xf32> to vector<8x1xf32>
      %eq3A = vector.broadcast %broadcast_in_dim3A : vector<8x1xf32> to vector<8x784xf32>
      %eq3A_74 = arith.cmpf oeq, %get3A_71, %eq3A : vector<8x784xf32>
      %jit3A = arith.constant 784 : i32
      %broadcast_in_dim3A_75 = vector.broadcast %jit3A : i32 to vector<8x784xi32>
      %select_n3A = arith.select %eq3A_74, %iota3A_59, %broadcast_in_dim3A_75 : vector<8x784xi1>, vector<8x784xi32>
      %reduce_min3A = arith.constant dense<2147483647> : vector<8xi32>
      %reduce_min3A_76 = vector.multi_reduction <minsi>, %select_n3A, %reduce_min3A [1] : vector<8x784xi32> to vector<8xi32>
      %broadcast_in_dim3A_77 = vector.shape_cast %reduce_min3A_76 : vector<8xi32> to vector<8x1xi32>
      %broadcast_in_dim3A_78 = arith.constant 0.000000e+00 : f32
      %broadcast_in_dim3A_79 = vector.broadcast %broadcast_in_dim3A_78 : f32 to vector<8x128xf32>
      %eq3A_80 = arith.constant 0 : i32
      %eq3A_81 = vector.broadcast %eq3A_80 : i32 to vector<8x1xi32>
      %eq3A_82 = arith.cmpi eq, %iota3A_60, %eq3A_81 : vector<8x1xi32>
      %jit3A_83 = arith.constant 0 : i32
      %broadcast_in_dim3A_84 = vector.broadcast %jit3A_83 : i32 to vector<8x1xi32>
      %select_n3A_85 = arith.select %eq3A_82, %broadcast_in_dim3A_77, %broadcast_in_dim3A_84 : vector<8x1xi1>, vector<8x1xi32>
      %reduce_max3A_86 = vector.shape_cast %select_n3A_85 : vector<8x1xi32> to vector<1x8x1xi32>
      %reduce_max3A_87 = arith.constant dense<-2147483648> : vector<1xi32>
      %reduce_max3A_88 = vector.multi_reduction <maxsi>, %reduce_max3A_86, %reduce_max3A_87 [1, 2] : vector<1x8x1xi32> to vector<1xi32>
      %reduce_max3A_89 = vector.shape_cast %reduce_max3A_88 : vector<1xi32> to vector<1x1x1xi32>
      %reduce_max3A_90 = vector.extract %reduce_max3A_89[0, 0, 0] : i32 from vector<1x1x1xi32>
      %mul3A = arith.constant 128 : i32
      %mul3A_91 = arith.muli %reduce_max3A_90, %mul3A : i32
      %multiple_of3A = tpu.assume_multiple %mul3A_91, 128 : i32
      %get3A_92 = arith.constant 0 : index
      %get3A_93 = arith.index_cast %multiple_of3A : i32 to index
      %get3A_94 = vector.load %arg1[%get3A_92, %get3A_93] : memref<8x100352xf32, #tpu.memory_space<vmem>>, vector<1x128xf32>
      %get3A_95 = vector.shape_cast %get3A_94 : vector<1x128xf32> to vector<128xf32>
      %eq3A_96 = arith.constant 0 : i32
      %eq3A_97 = vector.broadcast %eq3A_96 : i32 to vector<8x128xi32>
      %eq3A_98 = arith.cmpi eq, %iota3A_61, %eq3A_97 : vector<8x128xi32>
      %broadcast_in_dim3A_99 = vector.shape_cast %get3A_95 : vector<128xf32> to vector<1x128xf32>
      %broadcast_in_dim3A_100 = vector.shape_cast %broadcast_in_dim3A_99 : vector<1x128xf32> to vector<1x128xf32>
      %broadcast_in_dim3A_101 = vector.broadcast %broadcast_in_dim3A_100 : vector<1x128xf32> to vector<8x128xf32>
      %select_n3A_102 = arith.select %eq3A_98, %broadcast_in_dim3A_101, %broadcast_in_dim3A_79 : vector<8x128xi1>, vector<8x128xf32>
      %eq3A_103 = arith.constant 1 : i32
      %eq3A_104 = vector.broadcast %eq3A_103 : i32 to vector<8x1xi32>
      %eq3A_105 = arith.cmpi eq, %iota3A_60, %eq3A_104 : vector<8x1xi32>
      %jit3A_106 = arith.constant 0 : i32
      %broadcast_in_dim3A_107 = vector.broadcast %jit3A_106 : i32 to vector<8x1xi32>
      %select_n3A_108 = arith.select %eq3A_105, %broadcast_in_dim3A_77, %broadcast_in_dim3A_107 : vector<8x1xi1>, vector<8x1xi32>
      %reduce_max3A_109 = vector.shape_cast %select_n3A_108 : vector<8x1xi32> to vector<1x8x1xi32>
      %reduce_max3A_110 = arith.constant dense<-2147483648> : vector<1xi32>
      %reduce_max3A_111 = vector.multi_reduction <maxsi>, %reduce_max3A_109, %reduce_max3A_110 [1, 2] : vector<1x8x1xi32> to vector<1xi32>
      %reduce_max3A_112 = vector.shape_cast %reduce_max3A_111 : vector<1xi32> to vector<1x1x1xi32>
      %reduce_max3A_113 = vector.extract %reduce_max3A_112[0, 0, 0] : i32 from vector<1x1x1xi32>
      %mul3A_114 = arith.constant 128 : i32
      %mul3A_115 = arith.muli %reduce_max3A_113, %mul3A_114 : i32
      %multiple_of3A_116 = tpu.assume_multiple %mul3A_115, 128 : i32
      %get3A_117 = arith.constant 1 : index
      %get3A_118 = arith.index_cast %multiple_of3A_116 : i32 to index
      %get3A_119 = vector.load %arg1[%get3A_117, %get3A_118] : memref<8x100352xf32, #tpu.memory_space<vmem>>, vector<1x128xf32>
      %get3A_120 = vector.shape_cast %get3A_119 : vector<1x128xf32> to vector<128xf32>
      %eq3A_121 = arith.constant 1 : i32
      %eq3A_122 = vector.broadcast %eq3A_121 : i32 to vector<8x128xi32>
      %eq3A_123 = arith.cmpi eq, %iota3A_61, %eq3A_122 : vector<8x128xi32>
      %broadcast_in_dim3A_124 = vector.shape_cast %get3A_120 : vector<128xf32> to vector<1x128xf32>
      %broadcast_in_dim3A_125 = vector.shape_cast %broadcast_in_dim3A_124 : vector<1x128xf32> to vector<1x128xf32>
      %broadcast_in_dim3A_126 = vector.broadcast %broadcast_in_dim3A_125 : vector<1x128xf32> to vector<8x128xf32>
      %select_n3A_127 = arith.select %eq3A_123, %broadcast_in_dim3A_126, %select_n3A_102 : vector<8x128xi1>, vector<8x128xf32>
      %eq3A_128 = arith.constant 2 : i32
      %eq3A_129 = vector.broadcast %eq3A_128 : i32 to vector<8x1xi32>
      %eq3A_130 = arith.cmpi eq, %iota3A_60, %eq3A_129 : vector<8x1xi32>
      %jit3A_131 = arith.constant 0 : i32
      %broadcast_in_dim3A_132 = vector.broadcast %jit3A_131 : i32 to vector<8x1xi32>
      %select_n3A_133 = arith.select %eq3A_130, %broadcast_in_dim3A_77, %broadcast_in_dim3A_132 : vector<8x1xi1>, vector<8x1xi32>
      %reduce_max3A_134 = vector.shape_cast %select_n3A_133 : vector<8x1xi32> to vector<1x8x1xi32>
      %reduce_max3A_135 = arith.constant dense<-2147483648> : vector<1xi32>
      %reduce_max3A_136 = vector.multi_reduction <maxsi>, %reduce_max3A_134, %reduce_max3A_135 [1, 2] : vector<1x8x1xi32> to vector<1xi32>
      %reduce_max3A_137 = vector.shape_cast %reduce_max3A_136 : vector<1xi32> to vector<1x1x1xi32>
      %reduce_max3A_138 = vector.extract %reduce_max3A_137[0, 0, 0] : i32 from vector<1x1x1xi32>
      %mul3A_139 = arith.constant 128 : i32
      %mul3A_140 = arith.muli %reduce_max3A_138, %mul3A_139 : i32
      %multiple_of3A_141 = tpu.assume_multiple %mul3A_140, 128 : i32
      %get3A_142 = arith.constant 2 : index
      %get3A_143 = arith.index_cast %multiple_of3A_141 : i32 to index
      %get3A_144 = vector.load %arg1[%get3A_142, %get3A_143] : memref<8x100352xf32, #tpu.memory_space<vmem>>, vector<1x128xf32>
      %get3A_145 = vector.shape_cast %get3A_144 : vector<1x128xf32> to vector<128xf32>
      %eq3A_146 = arith.constant 2 : i32
      %eq3A_147 = vector.broadcast %eq3A_146 : i32 to vector<8x128xi32>
      %eq3A_148 = arith.cmpi eq, %iota3A_61, %eq3A_147 : vector<8x128xi32>
      %broadcast_in_dim3A_149 = vector.shape_cast %get3A_145 : vector<128xf32> to vector<1x128xf32>
      %broadcast_in_dim3A_150 = vector.shape_cast %broadcast_in_dim3A_149 : vector<1x128xf32> to vector<1x128xf32>
      %broadcast_in_dim3A_151 = vector.broadcast %broadcast_in_dim3A_150 : vector<1x128xf32> to vector<8x128xf32>
      %select_n3A_152 = arith.select %eq3A_148, %broadcast_in_dim3A_151, %select_n3A_127 : vector<8x128xi1>, vector<8x128xf32>
      %eq3A_153 = arith.constant 3 : i32
      %eq3A_154 = vector.broadcast %eq3A_153 : i32 to vector<8x1xi32>
      %eq3A_155 = arith.cmpi eq, %iota3A_60, %eq3A_154 : vector<8x1xi32>
      %jit3A_156 = arith.constant 0 : i32
      %broadcast_in_dim3A_157 = vector.broadcast %jit3A_156 : i32 to vector<8x1xi32>
      %select_n3A_158 = arith.select %eq3A_155, %broadcast_in_dim3A_77, %broadcast_in_dim3A_157 : vector<8x1xi1>, vector<8x1xi32>
      %reduce_max3A_159 = vector.shape_cast %select_n3A_158 : vector<8x1xi32> to vector<1x8x1xi32>
      %reduce_max3A_160 = arith.constant dense<-2147483648> : vector<1xi32>
      %reduce_max3A_161 = vector.multi_reduction <maxsi>, %reduce_max3A_159, %reduce_max3A_160 [1, 2] : vector<1x8x1xi32> to vector<1xi32>
      %reduce_max3A_162 = vector.shape_cast %reduce_max3A_161 : vector<1xi32> to vector<1x1x1xi32>
      %reduce_max3A_163 = vector.extract %reduce_max3A_162[0, 0, 0] : i32 from vector<1x1x1xi32>
      %mul3A_164 = arith.constant 128 : i32
      %mul3A_165 = arith.muli %reduce_max3A_163, %mul3A_164 : i32
      %multiple_of3A_166 = tpu.assume_multiple %mul3A_165, 128 : i32
      %get3A_167 = arith.constant 3 : index
      %get3A_168 = arith.index_cast %multiple_of3A_166 : i32 to index
      %get3A_169 = vector.load %arg1[%get3A_167, %get3A_168] : memref<8x100352xf32, #tpu.memory_space<vmem>>, vector<1x128xf32>
      %get3A_170 = vector.shape_cast %get3A_169 : vector<1x128xf32> to vector<128xf32>
      %eq3A_171 = arith.constant 3 : i32
      %eq3A_172 = vector.broadcast %eq3A_171 : i32 to vector<8x128xi32>
      %eq3A_173 = arith.cmpi eq, %iota3A_61, %eq3A_172 : vector<8x128xi32>
      %broadcast_in_dim3A_174 = vector.shape_cast %get3A_170 : vector<128xf32> to vector<1x128xf32>
      %broadcast_in_dim3A_175 = vector.shape_cast %broadcast_in_dim3A_174 : vector<1x128xf32> to vector<1x128xf32>
      %broadcast_in_dim3A_176 = vector.broadcast %broadcast_in_dim3A_175 : vector<1x128xf32> to vector<8x128xf32>
      %select_n3A_177 = arith.select %eq3A_173, %broadcast_in_dim3A_176, %select_n3A_152 : vector<8x128xi1>, vector<8x128xf32>
      %eq3A_178 = arith.constant 4 : i32
      %eq3A_179 = vector.broadcast %eq3A_178 : i32 to vector<8x1xi32>
      %eq3A_180 = arith.cmpi eq, %iota3A_60, %eq3A_179 : vector<8x1xi32>
      %jit3A_181 = arith.constant 0 : i32
      %broadcast_in_dim3A_182 = vector.broadcast %jit3A_181 : i32 to vector<8x1xi32>
      %select_n3A_183 = arith.select %eq3A_180, %broadcast_in_dim3A_77, %broadcast_in_dim3A_182 : vector<8x1xi1>, vector<8x1xi32>
      %reduce_max3A_184 = vector.shape_cast %select_n3A_183 : vector<8x1xi32> to vector<1x8x1xi32>
      %reduce_max3A_185 = arith.constant dense<-2147483648> : vector<1xi32>
      %reduce_max3A_186 = vector.multi_reduction <maxsi>, %reduce_max3A_184, %reduce_max3A_185 [1, 2] : vector<1x8x1xi32> to vector<1xi32>
      %reduce_max3A_187 = vector.shape_cast %reduce_max3A_186 : vector<1xi32> to vector<1x1x1xi32>
      %reduce_max3A_188 = vector.extract %reduce_max3A_187[0, 0, 0] : i32 from vector<1x1x1xi32>
      %mul3A_189 = arith.constant 128 : i32
      %mul3A_190 = arith.muli %reduce_max3A_188, %mul3A_189 : i32
      %multiple_of3A_191 = tpu.assume_multiple %mul3A_190, 128 : i32
      %get3A_192 = arith.constant 4 : index
      %get3A_193 = arith.index_cast %multiple_of3A_191 : i32 to index
      %get3A_194 = vector.load %arg1[%get3A_192, %get3A_193] : memref<8x100352xf32, #tpu.memory_space<vmem>>, vector<1x128xf32>
      %get3A_195 = vector.shape_cast %get3A_194 : vector<1x128xf32> to vector<128xf32>
      %eq3A_196 = arith.constant 4 : i32
      %eq3A_197 = vector.broadcast %eq3A_196 : i32 to vector<8x128xi32>
      %eq3A_198 = arith.cmpi eq, %iota3A_61, %eq3A_197 : vector<8x128xi32>
      %broadcast_in_dim3A_199 = vector.shape_cast %get3A_195 : vector<128xf32> to vector<1x128xf32>
      %broadcast_in_dim3A_200 = vector.shape_cast %broadcast_in_dim3A_199 : vector<1x128xf32> to vector<1x128xf32>
      %broadcast_in_dim3A_201 = vector.broadcast %broadcast_in_dim3A_200 : vector<1x128xf32> to vector<8x128xf32>
      %select_n3A_202 = arith.select %eq3A_198, %broadcast_in_dim3A_201, %select_n3A_177 : vector<8x128xi1>, vector<8x128xf32>
      %eq3A_203 = arith.constant 5 : i32
      %eq3A_204 = vector.broadcast %eq3A_203 : i32 to vector<8x1xi32>
      %eq3A_205 = arith.cmpi eq, %iota3A_60, %eq3A_204 : vector<8x1xi32>
      %jit3A_206 = arith.constant 0 : i32
      %broadcast_in_dim3A_207 = vector.broadcast %jit3A_206 : i32 to vector<8x1xi32>
      %select_n3A_208 = arith.select %eq3A_205, %broadcast_in_dim3A_77, %broadcast_in_dim3A_207 : vector<8x1xi1>, vector<8x1xi32>
      %reduce_max3A_209 = vector.shape_cast %select_n3A_208 : vector<8x1xi32> to vector<1x8x1xi32>
      %reduce_max3A_210 = arith.constant dense<-2147483648> : vector<1xi32>
      %reduce_max3A_211 = vector.multi_reduction <maxsi>, %reduce_max3A_209, %reduce_max3A_210 [1, 2] : vector<1x8x1xi32> to vector<1xi32>
      %reduce_max3A_212 = vector.shape_cast %reduce_max3A_211 : vector<1xi32> to vector<1x1x1xi32>
      %reduce_max3A_213 = vector.extract %reduce_max3A_212[0, 0, 0] : i32 from vector<1x1x1xi32>
      %mul3A_214 = arith.constant 128 : i32
      %mul3A_215 = arith.muli %reduce_max3A_213, %mul3A_214 : i32
      %multiple_of3A_216 = tpu.assume_multiple %mul3A_215, 128 : i32
      %get3A_217 = arith.constant 5 : index
      %get3A_218 = arith.index_cast %multiple_of3A_216 : i32 to index
      %get3A_219 = vector.load %arg1[%get3A_217, %get3A_218] : memref<8x100352xf32, #tpu.memory_space<vmem>>, vector<1x128xf32>
      %get3A_220 = vector.shape_cast %get3A_219 : vector<1x128xf32> to vector<128xf32>
      %eq3A_221 = arith.constant 5 : i32
      %eq3A_222 = vector.broadcast %eq3A_221 : i32 to vector<8x128xi32>
      %eq3A_223 = arith.cmpi eq, %iota3A_61, %eq3A_222 : vector<8x128xi32>
      %broadcast_in_dim3A_224 = vector.shape_cast %get3A_220 : vector<128xf32> to vector<1x128xf32>
      %broadcast_in_dim3A_225 = vector.shape_cast %broadcast_in_dim3A_224 : vector<1x128xf32> to vector<1x128xf32>
      %broadcast_in_dim3A_226 = vector.broadcast %broadcast_in_dim3A_225 : vector<1x128xf32> to vector<8x128xf32>
      %select_n3A_227 = arith.select %eq3A_223, %broadcast_in_dim3A_226, %select_n3A_202 : vector<8x128xi1>, vector<8x128xf32>
      %eq3A_228 = arith.constant 6 : i32
      %eq3A_229 = vector.broadcast %eq3A_228 : i32 to vector<8x1xi32>
      %eq3A_230 = arith.cmpi eq, %iota3A_60, %eq3A_229 : vector<8x1xi32>
      %jit3A_231 = arith.constant 0 : i32
      %broadcast_in_dim3A_232 = vector.broadcast %jit3A_231 : i32 to vector<8x1xi32>
      %select_n3A_233 = arith.select %eq3A_230, %broadcast_in_dim3A_77, %broadcast_in_dim3A_232 : vector<8x1xi1>, vector<8x1xi32>
      %reduce_max3A_234 = vector.shape_cast %select_n3A_233 : vector<8x1xi32> to vector<1x8x1xi32>
      %reduce_max3A_235 = arith.constant dense<-2147483648> : vector<1xi32>
      %reduce_max3A_236 = vector.multi_reduction <maxsi>, %reduce_max3A_234, %reduce_max3A_235 [1, 2] : vector<1x8x1xi32> to vector<1xi32>
      %reduce_max3A_237 = vector.shape_cast %reduce_max3A_236 : vector<1xi32> to vector<1x1x1xi32>
      %reduce_max3A_238 = vector.extract %reduce_max3A_237[0, 0, 0] : i32 from vector<1x1x1xi32>
      %mul3A_239 = arith.constant 128 : i32
      %mul3A_240 = arith.muli %reduce_max3A_238, %mul3A_239 : i32
      %multiple_of3A_241 = tpu.assume_multiple %mul3A_240, 128 : i32
      %get3A_242 = arith.constant 6 : index
      %get3A_243 = arith.index_cast %multiple_of3A_241 : i32 to index
      %get3A_244 = vector.load %arg1[%get3A_242, %get3A_243] : memref<8x100352xf32, #tpu.memory_space<vmem>>, vector<1x128xf32>
      %get3A_245 = vector.shape_cast %get3A_244 : vector<1x128xf32> to vector<128xf32>
      %eq3A_246 = arith.constant 6 : i32
      %eq3A_247 = vector.broadcast %eq3A_246 : i32 to vector<8x128xi32>
      %eq3A_248 = arith.cmpi eq, %iota3A_61, %eq3A_247 : vector<8x128xi32>
      %broadcast_in_dim3A_249 = vector.shape_cast %get3A_245 : vector<128xf32> to vector<1x128xf32>
      %broadcast_in_dim3A_250 = vector.shape_cast %broadcast_in_dim3A_249 : vector<1x128xf32> to vector<1x128xf32>
      %broadcast_in_dim3A_251 = vector.broadcast %broadcast_in_dim3A_250 : vector<1x128xf32> to vector<8x128xf32>
      %select_n3A_252 = arith.select %eq3A_248, %broadcast_in_dim3A_251, %select_n3A_227 : vector<8x128xi1>, vector<8x128xf32>
      %eq3A_253 = arith.constant 7 : i32
      %eq3A_254 = vector.broadcast %eq3A_253 : i32 to vector<8x1xi32>
      %eq3A_255 = arith.cmpi eq, %iota3A_60, %eq3A_254 : vector<8x1xi32>
      %jit3A_256 = arith.constant 0 : i32
      %broadcast_in_dim3A_257 = vector.broadcast %jit3A_256 : i32 to vector<8x1xi32>
      %select_n3A_258 = arith.select %eq3A_255, %broadcast_in_dim3A_77, %broadcast_in_dim3A_257 : vector<8x1xi1>, vector<8x1xi32>
      %reduce_max3A_259 = vector.shape_cast %select_n3A_258 : vector<8x1xi32> to vector<1x8x1xi32>
      %reduce_max3A_260 = arith.constant dense<-2147483648> : vector<1xi32>
      %reduce_max3A_261 = vector.multi_reduction <maxsi>, %reduce_max3A_259, %reduce_max3A_260 [1, 2] : vector<1x8x1xi32> to vector<1xi32>
      %reduce_max3A_262 = vector.shape_cast %reduce_max3A_261 : vector<1xi32> to vector<1x1x1xi32>
      %reduce_max3A_263 = vector.extract %reduce_max3A_262[0, 0, 0] : i32 from vector<1x1x1xi32>
      %mul3A_264 = arith.constant 128 : i32
      %mul3A_265 = arith.muli %reduce_max3A_263, %mul3A_264 : i32
      %multiple_of3A_266 = tpu.assume_multiple %mul3A_265, 128 : i32
      %get3A_267 = arith.constant 7 : index
      %get3A_268 = arith.index_cast %multiple_of3A_266 : i32 to index
      %get3A_269 = vector.load %arg1[%get3A_267, %get3A_268] : memref<8x100352xf32, #tpu.memory_space<vmem>>, vector<1x128xf32>
      %get3A_270 = vector.shape_cast %get3A_269 : vector<1x128xf32> to vector<128xf32>
      %eq3A_271 = arith.constant 7 : i32
      %eq3A_272 = vector.broadcast %eq3A_271 : i32 to vector<8x128xi32>
      %eq3A_273 = arith.cmpi eq, %iota3A_61, %eq3A_272 : vector<8x128xi32>
      %broadcast_in_dim3A_274 = vector.shape_cast %get3A_270 : vector<128xf32> to vector<1x128xf32>
      %broadcast_in_dim3A_275 = vector.shape_cast %broadcast_in_dim3A_274 : vector<1x128xf32> to vector<1x128xf32>
      %broadcast_in_dim3A_276 = vector.broadcast %broadcast_in_dim3A_275 : vector<1x128xf32> to vector<8x128xf32>
      %select_n3A_277 = arith.select %eq3A_273, %broadcast_in_dim3A_276, %select_n3A_252 : vector<8x128xi1>, vector<8x128xf32>
      %eq3A_278 = vector.broadcast %broadcast_in_dim3A : vector<8x1xf32> to vector<8x128xf32>
      %eq3A_279 = arith.cmpf oeq, %select_n3A_277, %eq3A_278 : vector<8x128xf32>
      %jit3A_280 = arith.constant 128 : i32
      %broadcast_in_dim3A_281 = vector.broadcast %jit3A_280 : i32 to vector<8x128xi32>
      %select_n3A_282 = arith.select %eq3A_279, %iota3A_62, %broadcast_in_dim3A_281 : vector<8x128xi1>, vector<8x128xi32>
      %reduce_min3A_283 = arith.constant dense<2147483647> : vector<8xi32>
      %reduce_min3A_284 = vector.multi_reduction <minsi>, %select_n3A_282, %reduce_min3A_283 [1] : vector<8x128xi32> to vector<8xi32>
      %broadcast_in_dim3A_285 = vector.shape_cast %reduce_min3A_284 : vector<8xi32> to vector<8x1xi32>
      %eq3A_286 = vector.broadcast %broadcast_in_dim3A_285 : vector<8x1xi32> to vector<8x128xi32>
      %eq3A_287 = arith.cmpi eq, %iota3A_62, %eq3A_286 : vector<8x128xi32>
      %broadcast_in_dim3A_288 = vector.broadcast %scan3A : f32 to vector<8x128xf32>
      %select_n3A_289 = arith.select %eq3A_287, %broadcast_in_dim3A_288, %select_n3A_277 : vector<8x128xi1>, vector<8x128xf32>
      %reduce_max3A_290 = arith.constant dense<0xFF800000> : vector<8xf32>
      %reduce_max3A_291 = vector.multi_reduction <maximumf>, %select_n3A_289, %reduce_max3A_290 [1] : vector<8x128xf32> to vector<8xf32>
      %broadcast_in_dim3A_292 = vector.shape_cast %reduce_max3A_291 : vector<8xf32> to vector<8x1xf32>
      %slice3A = vector.extract_strided_slice %select_n3A_289 {offsets = [0, 0], sizes = [1, 128], strides = [1, 1]} : vector<8x128xf32> to vector<1x128xf32>
      %squeeze3A = vector.shape_cast %slice3A : vector<1x128xf32> to vector<128xf32>
      %swap3A_293 = arith.constant 0 : index
      %swap3A_294 = arith.index_cast %multiple_of3A : i32 to index
      %swap3A_295 = vector.load %arg1[%swap3A_293, %swap3A_294] : memref<8x100352xf32, #tpu.memory_space<vmem>>, vector<1x128xf32>
      %swap3A_296 = vector.shape_cast %swap3A_295 : vector<1x128xf32> to vector<128xf32>
      %swap3A_297 = vector.shape_cast %squeeze3A : vector<128xf32> to vector<1x128xf32>
      tpu.vector_store %arg1[%swap3A_293, %swap3A_294], %swap3A_297 {strides = array<i32>} : memref<8x100352xf32, #tpu.memory_space<vmem>>, vector<1x128xf32>,
      %slice3A_298 = vector.extract_strided_slice %select_n3A_289 {offsets = [1, 0], sizes = [1, 128], strides = [1, 1]} : vector<8x128xf32> to vector<1x128xf32>
      %squeeze3A_299 = vector.shape_cast %slice3A_298 : vector<1x128xf32> to vector<128xf32>
      %swap3A_300 = arith.constant 1 : index
      %swap3A_301 = arith.index_cast %multiple_of3A_116 : i32 to index
      %swap3A_302 = vector.load %arg1[%swap3A_300, %swap3A_301] : memref<8x100352xf32, #tpu.memory_space<vmem>>, vector<1x128xf32>
      %swap3A_303 = vector.shape_cast %swap3A_302 : vector<1x128xf32> to vector<128xf32>
      %swap3A_304 = vector.shape_cast %squeeze3A_299 : vector<128xf32> to vector<1x128xf32>
      tpu.vector_store %arg1[%swap3A_300, %swap3A_301], %swap3A_304 {strides = array<i32>} : memref<8x100352xf32, #tpu.memory_space<vmem>>, vector<1x128xf32>,
      %slice3A_305 = vector.extract_strided_slice %select_n3A_289 {offsets = [2, 0], sizes = [1, 128], strides = [1, 1]} : vector<8x128xf32> to vector<1x128xf32>
      %squeeze3A_306 = vector.shape_cast %slice3A_305 : vector<1x128xf32> to vector<128xf32>
      %swap3A_307 = arith.constant 2 : index
      %swap3A_308 = arith.index_cast %multiple_of3A_141 : i32 to index
      %swap3A_309 = vector.load %arg1[%swap3A_307, %swap3A_308] : memref<8x100352xf32, #tpu.memory_space<vmem>>, vector<1x128xf32>
      %swap3A_310 = vector.shape_cast %swap3A_309 : vector<1x128xf32> to vector<128xf32>
      %swap3A_311 = vector.shape_cast %squeeze3A_306 : vector<128xf32> to vector<1x128xf32>
      tpu.vector_store %arg1[%swap3A_307, %swap3A_308], %swap3A_311 {strides = array<i32>} : memref<8x100352xf32, #tpu.memory_space<vmem>>, vector<1x128xf32>,
      %slice3A_312 = vector.extract_strided_slice %select_n3A_289 {offsets = [3, 0], sizes = [1, 128], strides = [1, 1]} : vector<8x128xf32> to vector<1x128xf32>
      %squeeze3A_313 = vector.shape_cast %slice3A_312 : vector<1x128xf32> to vector<128xf32>
      %swap3A_314 = arith.constant 3 : index
      %swap3A_315 = arith.index_cast %multiple_of3A_166 : i32 to index
      %swap3A_316 = vector.load %arg1[%swap3A_314, %swap3A_315] : memref<8x100352xf32, #tpu.memory_space<vmem>>, vector<1x128xf32>
      %swap3A_317 = vector.shape_cast %swap3A_316 : vector<1x128xf32> to vector<128xf32>
      %swap3A_318 = vector.shape_cast %squeeze3A_313 : vector<128xf32> to vector<1x128xf32>
      tpu.vector_store %arg1[%swap3A_314, %swap3A_315], %swap3A_318 {strides = array<i32>} : memref<8x100352xf32, #tpu.memory_space<vmem>>, vector<1x128xf32>,
      %slice3A_319 = vector.extract_strided_slice %select_n3A_289 {offsets = [4, 0], sizes = [1, 128], strides = [1, 1]} : vector<8x128xf32> to vector<1x128xf32>
      %squeeze3A_320 = vector.shape_cast %slice3A_319 : vector<1x128xf32> to vector<128xf32>
      %swap3A_321 = arith.constant 4 : index
      %swap3A_322 = arith.index_cast %multiple_of3A_191 : i32 to index
      %swap3A_323 = vector.load %arg1[%swap3A_321, %swap3A_322] : memref<8x100352xf32, #tpu.memory_space<vmem>>, vector<1x128xf32>
      %swap3A_324 = vector.shape_cast %swap3A_323 : vector<1x128xf32> to vector<128xf32>
      %swap3A_325 = vector.shape_cast %squeeze3A_320 : vector<128xf32> to vector<1x128xf32>
      tpu.vector_store %arg1[%swap3A_321, %swap3A_322], %swap3A_325 {strides = array<i32>} : memref<8x100352xf32, #tpu.memory_space<vmem>>, vector<1x128xf32>,
      %slice3A_326 = vector.extract_strided_slice %select_n3A_289 {offsets = [5, 0], sizes = [1, 128], strides = [1, 1]} : vector<8x128xf32> to vector<1x128xf32>
      %squeeze3A_327 = vector.shape_cast %slice3A_326 : vector<1x128xf32> to vector<128xf32>
      %swap3A_328 = arith.constant 5 : index
      %swap3A_329 = arith.index_cast %multiple_of3A_216 : i32 to index
      %swap3A_330 = vector.load %arg1[%swap3A_328, %swap3A_329] : memref<8x100352xf32, #tpu.memory_space<vmem>>, vector<1x128xf32>
      %swap3A_331 = vector.shape_cast %swap3A_330 : vector<1x128xf32> to vector<128xf32>
      %swap3A_332 = vector.shape_cast %squeeze3A_327 : vector<128xf32> to vector<1x128xf32>
      tpu.vector_store %arg1[%swap3A_328, %swap3A_329], %swap3A_332 {strides = array<i32>} : memref<8x100352xf32, #tpu.memory_space<vmem>>, vector<1x128xf32>,
      %slice3A_333 = vector.extract_strided_slice %select_n3A_289 {offsets = [6, 0], sizes = [1, 128], strides = [1, 1]} : vector<8x128xf32> to vector<1x128xf32>
      %squeeze3A_334 = vector.shape_cast %slice3A_333 : vector<1x128xf32> to vector<128xf32>
      %swap3A_335 = arith.constant 6 : index
      %swap3A_336 = arith.index_cast %multiple_of3A_241 : i32 to index
      %swap3A_337 = vector.load %arg1[%swap3A_335, %swap3A_336] : memref<8x100352xf32, #tpu.memory_space<vmem>>, vector<1x128xf32>
      %swap3A_338 = vector.shape_cast %swap3A_337 : vector<1x128xf32> to vector<128xf32>
      %swap3A_339 = vector.shape_cast %squeeze3A_334 : vector<128xf32> to vector<1x128xf32>
      tpu.vector_store %arg1[%swap3A_335, %swap3A_336], %swap3A_339 {strides = array<i32>} : memref<8x100352xf32, #tpu.memory_space<vmem>>, vector<1x128xf32>,
      %slice3A_340 = vector.extract_strided_slice %select_n3A_289 {offsets = [7, 0], sizes = [1, 128], strides = [1, 1]} : vector<8x128xf32> to vector<1x128xf32>
      %squeeze3A_341 = vector.shape_cast %slice3A_340 : vector<1x128xf32> to vector<128xf32>
      %swap3A_342 = arith.constant 7 : index
      %swap3A_343 = arith.index_cast %multiple_of3A_266 : i32 to index
      %swap3A_344 = vector.load %arg1[%swap3A_342, %swap3A_343] : memref<8x100352xf32, #tpu.memory_space<vmem>>, vector<1x128xf32>
      %swap3A_345 = vector.shape_cast %swap3A_344 : vector<1x128xf32> to vector<128xf32>
      %swap3A_346 = vector.shape_cast %squeeze3A_341 : vector<128xf32> to vector<1x128xf32>
      tpu.vector_store %arg1[%swap3A_342, %swap3A_343], %swap3A_346 {strides = array<i32>} : memref<8x100352xf32, #tpu.memory_space<vmem>>, vector<1x128xf32>,
      %eq3A_347 = vector.broadcast %scan3A_68 : i32 to vector<8x64xi32>
      %eq3A_348 = arith.cmpi eq, %iota3A, %eq3A_347 : vector<8x64xi32>
      %get3A_349 = arith.constant 0 : index
      %get3A_350 = arith.constant 0 : index
      %get3A_351 = vector.load %arg2[%get3A_349, %get3A_350] : memref<8x64xf32, #tpu.memory_space<vmem>>, vector<8x64xf32>
      %broadcast_in_dim3A_352 = vector.shape_cast %broadcast_in_dim3A : vector<8x1xf32> to vector<8x1xf32>
      %broadcast_in_dim3A_353 = vector.broadcast %broadcast_in_dim3A_352 : vector<8x1xf32> to vector<8x64xf32>
      %select_n3A_354 = arith.select %eq3A_348, %broadcast_in_dim3A_353, %get3A_351 : vector<8x64xi1>, vector<8x64xf32>
      %swap3A_355 = arith.constant 0 : index
      %swap3A_356 = arith.constant 0 : index
      %swap3A_357 = vector.load %arg2[%swap3A_355, %swap3A_356] : memref<8x64xf32, #tpu.memory_space<vmem>>, vector<8x64xf32>
      tpu.vector_store %arg2[%swap3A_355, %swap3A_356], %select_n3A_354 {strides = array<i32>} : memref<8x64xf32, #tpu.memory_space<vmem>>, vector<8x64xf32>,
      %eq3A_358 = vector.broadcast %scan3A_68 : i32 to vector<8x64xi32>
      %eq3A_359 = arith.cmpi eq, %iota3A, %eq3A_358 : vector<8x64xi32>
      %mul3A_360 = arith.constant 128 : i32
      %mul3A_361 = vector.broadcast %mul3A_360 : i32 to vector<8x1xi32>
      %mul3A_362 = arith.muli %broadcast_in_dim3A_77, %mul3A_361 : vector<8x1xi32>
      %add3A = arith.addi %mul3A_362, %broadcast_in_dim3A_285 : vector<8x1xi32>
      %get3A_363 = arith.constant 0 : index
      %get3A_364 = arith.constant 0 : index
      %get3A_365 = vector.load %arg3[%get3A_363, %get3A_364] : memref<8x64xi32, #tpu.memory_space<vmem>>, vector<8x64xi32>
      %broadcast_in_dim3A_366 = vector.shape_cast %add3A : vector<8x1xi32> to vector<8x1xi32>
      %broadcast_in_dim3A_367 = vector.broadcast %broadcast_in_dim3A_366 : vector<8x1xi32> to vector<8x64xi32>
      %select_n3A_368 = arith.select %eq3A_359, %broadcast_in_dim3A_367, %get3A_365 : vector<8x64xi1>, vector<8x64xi32>
      %swap3A_369 = arith.constant 0 : index
      %swap3A_370 = arith.constant 0 : index
      %swap3A_371 = vector.load %arg3[%swap3A_369, %swap3A_370] : memref<8x64xi32, #tpu.memory_space<vmem>>, vector<8x64xi32>
      tpu.vector_store %arg3[%swap3A_369, %swap3A_370], %select_n3A_368 {strides = array<i32>} : memref<8x64xi32, #tpu.memory_space<vmem>>, vector<8x64xi32>,
      %eq3A_372 = vector.broadcast %broadcast_in_dim3A_77 : vector<8x1xi32> to vector<8x784xi32>
      %eq3A_373 = arith.cmpi eq, %iota3A_59, %eq3A_372 : vector<8x784xi32>
      %broadcast_in_dim3A_374 = vector.shape_cast %broadcast_in_dim3A_292 : vector<8x1xf32> to vector<8x1xf32>
      %broadcast_in_dim3A_375 = vector.broadcast %broadcast_in_dim3A_374 : vector<8x1xf32> to vector<8x784xf32>
      %select_n3A_376 = arith.select %eq3A_373, %broadcast_in_dim3A_375, %get3A_71 : vector<8x784xi1>, vector<8x784xf32>
      %swap3A_377 = arith.constant 0 : index
      %swap3A_378 = arith.constant 0 : index
      %swap3A_379 = vector.load %arg4[%swap3A_377, %swap3A_378] : memref<8x784xf32, #tpu.memory_space<vmem>>, vector<8x784xf32>
      tpu.vector_store %arg4[%swap3A_377, %swap3A_378], %select_n3A_376 {strides = array<i32>} : memref<8x784xf32, #tpu.memory_space<vmem>>, vector<8x784xf32>,
    }
    %scan3A_67 = arith.constant 64 : i32
    return
  }
  func.func @transform_0(%arg0: i32) -> (i32, i32) {
    %c0_i32 = arith.constant 0 : i32
    %c0_i32_0 = arith.constant 0 : i32
    %c0_i32_1 = arith.constant 0 : i32
    return %c0_i32, %c0_i32_0 : i32, i32
  }
  func.func @transform_1(%arg0: i32) -> (i32, i32) {
    %c0_i32 = arith.constant 0 : i32
    %c0_i32_0 = arith.constant 0 : i32
    %c0_i32_1 = arith.constant 0 : i32
    return %c0_i32, %c0_i32_0 : i32, i32
  }
  func.func @transform_2(%arg0: i32) -> (i32, i32) {
    %c0_i32 = arith.constant 0 : i32
    %c0_i32_0 = arith.constant 0 : i32
    %c0_i32_1 = arith.constant 0 : i32
    return %c0_i32, %c0_i32_0 : i32, i32
  }
}

</mosaic_0001>

<sc_bundles>
// kernel: gather_offload_async_start
scs
__scs_entry_jumppad:
0x0: {  	(pc) =	sbr.rel $0x88, $3  }
0x1: {  	(tag) =	ssettag $0x0;
	lr =	simm.s32 $0x1  }
0x2: {  	[smem:$0x3F98] =	sst lr;
	_ =	strace $0xD0000000  }
0x3: {  	_ = 	snop  }
0x4: {  	_ = 	snop  }
0x5: {  	_ = 	snop  }
0x6: {  	_ = 	snop  }
0x7: {  	_ = 	snop  }
__scs_overlays_trampoline_lowered:
0x8: {  	[smem:$0x3FA7] =	sst s0  }
0x9: {  	[smem:$0x3FA8] =	sst s1  }
0xa: {  	[smem:$0x3FA9] =	sst s2  }
0xb: {  	[smem:$0x3FAA] =	sst s3  }
0xc: {  	[smem:$0x3FAB] =	sst s4  }
0xd: {  	[smem:$0x3FAC] =	sst s5  }
0xe: {  	[smem:$0x3FAD] =	sst s6  }
0xf: {  	[smem:$0x3FAE] =	sst s7  }
0x10: {  	[smem:$0x3FAF] =	sst s8  }
0x11: {  	[smem:$0x3FB0] =	sst s9;
	s0 =	simm.s32 @!p0 $0x0  }
0x12: {  	s1 =	sld [smem:$0x3F96];
	s0 =	simm.s32 @p0 $0x1  }
0x13: {  	[smem:$0x3FB1] =	sst s0;
	s0 =	simm.s32 @!p1 $0x0  }
0x14: {  	s2 =	sld [smem:$0x3F95];
	s0 =	simm.s32 @p1 $0x1  }
0x15: {  	[smem:$0x3FB2] =	sst s0;
	s0 =	simm.s32 @!p2 $0x0  }
0x16: {  	s3 =	sld [smem:$0x3FDB];
	s0 =	simm.s32 @p2 $0x1  }
0x17: {  	s4 =	simm.s32 $0x1BF5;
	[smem:$0x3FB4] =	sst s0  }
0x18: {  	s0 =	sld [smem:$0x3F97];
	_ =	swait.ge [sflag:s4], $0x0  }
0x19: {  	s7 =	sld [smem:$0x3F98]  }
0x1a: {  	s8 =	sadd.s32 $0xFFFFE003, lr  }
0x1b: {  	s9 =	sadd.s32 $0xFFFFFEF7, lr;
	s5 =	simm.s32 $0xFFFFFFFF;
	p2 =	slt.u32 s8, $0xFFFFF086  }
0x1c: {  	p1 =	slt.u32 s9, $0xF7A;
	s5 =	simm.s32 @!p2 $0x0  }
0x1d: {  	s5 =	simm.s32 @p1 $0x1;
	p0 =	seq.s32 s7, s2  }
0x1e: {  	s7 =	smul.u32 @!p0 $0xF7A, s2;
	p2 =	seq.s32 @!p0 s5, $0x0  }
0x1f: {  	s9 =	smul.u32 $0xF7A, s1;
	s8 =	simm.s32 @!p0 $0x1BF5;
	p2 =	por !p2, p0  }
0x20: {  	[sflag:s8] =	ssyncset.s32 @!p0 $0xFFFFF086;
	s6 =	sadd.s32 @!p0 s3, s7;
	s7 =	simm.s32 @!p0 $0x108  }
0x21: {  	s3 =	sadd.s32 s3, s9;
	s6 =	sadd.s32 @!p0 $0x88, s6;
	s7 =	simm.s32 @p2 $0x1082  }
0x22: {  	[simem:s7], [sflag:s8] =	dma.local @!p0 [hbm:s6], $0xF7A  }
0x23: {  	s9 =	sor.u32 $0xD0000000, s2;
	s6 =	simm.s32 $0x108;
	_ =	swait.ge @!p0 [sflag:s8], $0x0  }
0x24: {  	s3 =	sadd.s32 $0x88, s3;
	s6 =	simm.s32 @!p1 $0x1082;
	[sflag:s4] =	ssyncset.s32 $0xFFFFF086  }
0x25: {  	[simem:s6], [sflag:s4] =	dma.local [hbm:s3], $0xF7A  }
0x26: {  	[smem:$0x3F98] =	sst s1;
	(tag) =	ssettag s2;
	_ =	strace s9  }
0x27: {  	s1 =	sld [smem:$0x3FA8]  }
0x28: {  	s2 =	sld [smem:$0x3FA9]  }
0x29: {  	s4 =	sld [smem:$0x3FAB]  }
0x2a: {  	p0 =	seq.s32 s5, $0x0;
	s5 =	sld [smem:$0x3FAC]  }
0x2b: {  	s6 =	sld [smem:$0x3FAD]  }
0x2c: {  	s7 =	sld [smem:$0x3FAE]  }
0x2d: {  	s3 =	simm.s32 $0x108;
	s8 =	sld [smem:$0x3FAF]  }
0x2e: {  	s3 =	simm.s32 @!p0 $0x1082;
	s9 =	sld [smem:$0x3FB0]  }
0x2f: {  	lr =	sadd.s32 s0, s3;
	s0 =	sld [smem:$0x3FA7]  }
0x30: {  	s3 =	sld [smem:$0x3FAA]  }
0x31: {  	[smem:$0x3FB3] =	sst s10  }
0x32: {  	s10 =	sld [smem:$0x3FB1];
	_ =	sdelay $0x3  }
0x33: {  	p0 =	seq.s32 s10, $0x1;
	s10 =	sld [smem:$0x3FB3];
	_ =	sdelay $0x3  }
0x34: {  	[smem:$0x3FB3] =	sst s10  }
0x35: {  	s10 =	sld [smem:$0x3FB2];
	_ =	sdelay $0x3  }
0x36: {  	p1 =	seq.s32 s10, $0x1;
	s10 =	sld [smem:$0x3FB3];
	_ =	sdelay $0x3  }
0x37: {  	[smem:$0x3FB3] =	sst s10  }
0x38: {  	s10 =	sld [smem:$0x3FB4]  }
0x39: {  	_ = 	snop;
	(pc) =	sbr.ind lr, $3  }
0x3a: {  	_ = 	snop  }
0x3b: {  	_ = 	snop  }
0x3c: {  	p2 =	seq.s32 s10, $0x1;
	s10 =	sld [smem:$0x3FB3]  }
0x3d: {  	_ =	shalt  }
0x3e: {  	_ =	shalt  }
0x3f: {  	_ =	shalt  }
0x40: {  	_ =	shalt  }
0x41: {  	_ =	shalt  }
0x42: {  	_ =	shalt  }
0x43: {  	_ =	shalt  }
0x44: {  	_ =	shalt  }
0x45: {  	_ =	shalt  }
0x46: {  	_ =	shalt  }
0x47: {  	_ =	shalt  }
0x48: {  	_ =	shalt  }
0x49: {  	_ =	shalt  }
0x4a: {  	_ =	shalt  }
0x4b: {  	_ =	shalt  }
0x4c: {  	_ =	shalt  }
0x4d: {  	_ =	shalt  }
0x4e: {  	_ =	shalt  }
0x4f: {  	_ =	shalt  }
0x50: {  	_ =	shalt  }
0x51: {  	_ =	shalt  }
0x52: {  	_ =	shalt  }
0x53: {  	_ =	shalt  }
0x54: {  	_ =	shalt  }
0x55: {  	_ =	shalt  }
0x56: {  	_ =	shalt  }
0x57: {  	_ =	shalt  }
0x58: {  	_ =	shalt  }
0x59: {  	_ =	shalt  }
0x5a: {  	_ =	shalt  }
0x5b: {  	_ =	shalt  }
0x5c: {  	_ =	shalt  }
0x5d: {  	_ =	shalt  }
0x5e: {  	_ =	shalt  }
0x5f: {  	_ =	shalt  }
0x60: {  	_ =	shalt  }
0x61: {  	_ =	shalt  }
0x62: {  	_ =	shalt  }
0x63: {  	_ =	shalt  }
0x64: {  	_ =	shalt  }
0x65: {  	_ =	shalt  }
0x66: {  	_ =	shalt  }
0x67: {  	_ =	shalt  }
0x68: {  	_ =	shalt  }
0x69: {  	_ =	shalt  }
0x6a: {  	_ =	shalt  }
0x6b: {  	_ =	shalt  }
0x6c: {  	_ =	shalt  }
0x6d: {  	_ =	shalt  }
0x6e: {  	_ =	shalt  }
0x6f: {  	_ =	shalt  }
0x70: {  	_ =	shalt  }
0x71: {  	_ =	shalt  }
0x72: {  	_ =	shalt  }
0x73: {  	_ =	shalt  }
0x74: {  	_ =	shalt  }
0x75: {  	_ =	shalt  }
0x76: {  	_ =	shalt  }
0x77: {  	_ =	shalt  }
0x78: {  	_ =	shalt  }
0x79: {  	_ =	shalt  }
0x7a: {  	_ =	shalt  }
0x7b: {  	_ =	shalt  }
0x7c: {  	_ =	shalt  }
0x7d: {  	_ =	shalt  }
0x7e: {  	_ =	shalt  }
0x7f: {  	_ =	shalt  }
0x80: {  	_ =	shalt  }
0x81: {  	_ =	shalt  }
0x82: {  	_ =	shalt  }
0x83: {  	_ =	shalt  }
0x84: {  	_ =	shalt  }
0x85: {  	_ =	shalt  }
0x86: {  	_ =	shalt  }
0x87: {  	_ =	shalt  }
.Lfunc_end0:
.L_simem_size_0:
called_computation.1_lowered:
.L_overlay_start_0:
0x88: {  	s2 =	sld [smem:$0x3FD9]  }
0x89: {  	s3 =	sld [smem:$0x3FFE];
	_ =	sdelay $0x1  }
0x8a: {  	s1 =	srdreg.scid  }
0x8b: {  	s0 =	sand.u32 $0x1, s1  }
0x8c: {  	s17 =	sshll.u32 s0, $0xA;
	s2 =	sadd.s32 s3, s2  }
0x8d: {  	s2 =	sadd.s32 s2, s17  }
0x8e: {  	[smem:$0x3FBF] =	sst s2  }
0x8f: {  	_ = 	snop  }
0x90: {  	s2 =	sld [smem:$0x3FC9];
	(tm) =	ssettm $0x1  }
0x91: {  	s18 =	sld [smem:$0x3FFB];
	_ =	sdelay $0x3  }
0x92: {  	_ =	strace s18  }
0x93: {  	s3 =	sld [smem:$0x3FFC];
	_ =	sdelay $0x3  }
0x94: {  	_ =	strace s3  }
0x95: {  	s3 =	sld [smem:$0x3FFD];
	_ =	sdelay $0x3  }
0x96: {  	_ =	strace s3  }
0x97: {  	_ =	strace $0x8FFFFFFF  }
0x98: {  	s19 =	sld [smem:$0x3FDB];
	_ =	sdelay $0x1  }
0x99: {  	s4 =	simm.s32 $_scs_section_size  }
0x9a: {  	s5 =	simm.s32 $_size__tile_overlayer_lowered;
	s6 =	simm.s32 $_tile_overlayer_lowered  }
0x9b: {  	s22 =	simm.s32 $0x1BFF;
	s21 =	sshll.u32 s6, $0x1;
	s3 =	sadd.s32 s4, s19  }
0x9c: {  	s7 =	simm.s32 $0x0;
	s20 =	sshll.u32 s5, $0x1;
	s5 =	sadd.s32 s21, s3  }
0x9d: {  	[timem:s7], [sflag:s22] =	dma.local [hbm:s5], s20  }
0x9e: {  	_ =	swait.ge [sflag:s22], s20  }
0x9f: {  	s4 =	ssub.s32 $0x0, s20;
	[sflag:s22] =	ssyncset.done $0x0  }
0xa0: {  	[sflag:s22] =	ssyncadd.s32 s4;
	_ =	sdelay $0x1  }
0xa1: {  	s23 =	simm.s32 $0x1B8B  }
0xa2: {  	_ =	swait.ge [sflag:s23], $0x1  }
0xa3: {  	[sflag:s23] =	ssyncset.done $0x0  }
0xa4: {  	s25 =	simm.s32 $0x1B8E;
	s24 =	sld [smem:$0x3FFE];
	[sflag:s23] =	ssyncadd.s32 $0xFFFFFFFF  }
0xa5: {  	s26 =	simm.s32 $execute0_lowered;
	[smem:$0x3FD2] =	sst s25  }
0xa6: {  	s5 =	sshll.u32 s26, $0x1;
	_ =	strace $0x80000046;
	[dreg:$0x1] =	wrdreg $0xFFFFFFFF  }
0xa7: {  	s28 =	simm.s32 $_size_execute0_lowered;
	s3 =	sadd.s32 s3, s5;
	[dreg:$0x0] =	wrdreg $0x0  }
0xa8: {  	s5 =	sshll.u32 s28, $0x1;
	[dreg:$0x2] =	wrdreg s3  }
0xa9: {  	[dreg:$0x3] =	wrdreg s5  }
0xaa: {  	[dreg:$0x4] =	wrdreg $0xC0  }
0xab: {  	_ =	task [dreg:s7], $0x5FFFF  }
0xac: {  	[dreg:$0x1] =	wrdreg $0xFFFFFFFF  }
0xad: {  	[dreg:$0x0] =	wrdreg $0x60  }
0xae: {  	[dreg:$0x2] =	wrdreg s2  }
0xaf: {  	[dreg:$0x3] =	wrdreg s24  }
0xb0: {  	[dreg:$0x4] =	wrdreg $0x9  }
0xb1: {  	_ =	task.clear_ibuf [dreg:s7], $0x5FFFF;
	_ =	strace $0x90000046  }
0xb2: {  	s29 =	simm.s32 $0x9;
	_ =	strace $0x80000048  }
0xb3: {  	_ =	swait.ge [sflag:s29], $0x1  }
0xb4: {  	[sflag:s29] =	ssyncadd.s32 $0xFFFFFFFF  }
0xb5: {  	_ =	strace $0x90000048  }
0xb6: {  	_ =	sfence  }
0xb7: {  	s30 =	sld [smem:$0x0];
	_ =	sdelay $0x2  }
0xb8: {  	s31 =	sshll.u32 s1, $0xD;
	s1 =	sshrl.u32 s1, $0x2  }
0xb9: {  	s3 =	sand.u32 $0x4000, s31;
	s1 =	sadd.s32 s1, s30  }
0xba: {  	s0 =	sor.u32 s3, s0;
	s1 =	sshll.u32 s1, $0x11  }
0xbb: {  	s0 =	sor.u32 s1, s0  }
0xbc: {  	s0 =	sadd.s32 $0x8F2B, s0  }
0xbd: {  	[sflag:s0] =	ssyncadd.remote.s32 $0x1  }
0xbe: {  	_ =	sfence.sel $0xFFFF  }
0xbf: {  	[dreg:$0x0] =	wrdreg $0xFFFFFFFF;
	(pc) =	sbr.abs _section_cstart, $3  }
0xc0: {  	[dreg:$0x1] =	wrdreg $0xFFFFFFFF  }
0xc1: {  	_ =	task.clear_ibuf [dreg:s7], $0x2FFFF;
	_ =	strace $0x9FFFFFFF  }
0xc2: {  	(tm) =	ssettm $0x7FFFFFFF  }
0xc3: {  	_ =	shalt  }
tec
execute0_lowered:
.L_overlay_start_1:
0x0: {  	(tag) =	ssettag $0x1  }
0x1: {  	s2 =	rddreg [dreg:$0x0]  }
0x2: {  	s7 =	rddreg [dreg:$0x1]  }
0x3: {  	s0 =	rddreg [dreg:$0x2]  }
0x4: {  	s1 =	srdreg.scid;
	_ =	strace $0x80000047;
	s4 =	simm.s32 $0x1  }
0x5: {  	s9 =	simm.s32 $0x3;
	s12 =	simm.s32 $0x0;
	s5 =	sshll.u32 s1, $0x4  }
.Ltmp0:
0x6: {  	s1 =	stileid.u32;
	s5 =	sand.u32 $0x10, s5;
	(pc) =	sbr.rel .LBB2_1-.Ltmp0, $4  }
0x7: {  	s10 =	simm.s32 $0x0;
	s3 =	sadd.s32 $0x2200, s7;
	s6 =	sor.u32 s1, s5  }
0x8: {  	[sflag:s4] =	ssyncpa.u1 $0x0;
	s5 =	simm.s32 $0x2;
	s6 =	sshll.u32 s6, $0x8  }
0x9: {  	s7 =	sadd.s32 $0x2600, s7;
	[sflag:s5] =	ssyncpa.u1 $0x0;
	s8 =	sadd.s32 $0x100, s6  }
0xa: {  	vm0 =	vmmov $0xff;
	vm1 =	vcmask $0x3F20;
	[sflag:s9] =	ssyncpa.u1 $0x0;
	s9 =	simm.s32 $0x100;
	s11 =	smov.u32 s6  }
.LBB2_9:
0xb: {  	p0 =	seq.s32 s10, $0x2  }
.Ltmp1:
0xc: {  	_ = 	snop;
	(pc) =	sbr.rel @p0 .LBB2_11-.Ltmp1, $1  }
0xd: {  	_ =	sdelay $0x3  }
.LBB2_10:
0xe: {  	s12 =	sadd.s32 $0x100, s11  }
0xf: {  	s13 =	smov.u32 s6;
	p0 =	slt.s32 s12, s8  }
0x10: {  	s13 =	smov.u32 @p0 s12  }
0x11: {  	s10 =	sadd.s32 $0x1, s10;
	s12 =	smov.u32 s11;
	s11 =	smov.u32 s13  }
.LBB2_1:
0x12: {  	p0 =	sne.s32 s10, $0x0  }
.Ltmp2:
0x13: {  	_ = 	snop;
	(pc) =	sbr.rel @!p0 .LBB2_2-.Ltmp2, $1  }
0x14: {  	_ =	sdelay $0x3  }
0x15: {  	s13 =	sand.u32 $0x1, s10  }
0x16: {  	p0 =	seq.s32 s13, $0x0  }
.Ltmp3:
0x17: {  	_ = 	snop;
	(pc) =	sbr.rel @p0 .LBB2_9-.Ltmp3, $1  }
0x18: {  	_ =	sdelay $0x3  }
0x19: {  	_ =	swait.ge [sflag:s5], $0x100  }
0x1a: {  	[sflag:s5] =	ssyncset.done $0x0  }
0x1b: {  	s13 =	simm.s32 $0x0;
	[sflag:s5] =	ssyncadd.s32 $0xFFFFFF00  }
0x1c: {  	v0 =	vld.msk [tilespmem:s13+$0x100 ss:$0x1], $0xffff;
	_ =	sdelay $0x4  }
0x1d: {  	vm2 =	vgt.s32 v0, $0x0  }
0x1e: {  	v0 =	vnsel vm2, $0x0, v0  }
0x1f: {  	v0 =	vmin.u32 v0, $0x1869F  }
0x20: {  	v0 =	vshll.u32 v0, $0x4;
	_ =	sdelay $0x3  }
0x21: {  	s13 =	simm.s32 $0x8200  }
0x22: {  	[tilespmem:s13], [sflag:$0x1] =	stream.indirect_vreg.gather [hbm:s2], $0x80, v0, vm0, $0x38;
	[tilespmem:$0x10200] =	vst v63  }
0x23: {  	s14 =	simm.s32 $0x8600;
	s31 =	simm.s32 $0x10  }
0x24: {  	[tilespmem:s14], [sflag:$0x1] =	stream.indirect_vreg.gather [hbm:s2], $0x80, v0, vm1, $0x38;
	[tilespmem:$0x10200] =	vst v63  }
0x25: {  	s14 =	simm.s32 $0x80;
	v0 =	vld.msk [tilespmem:s31+$0x100 ss:$0x1], $0xffff  }
.LBB2_5:
0x26: {  	p0 =	sne.s32 s14, $0x3C0;
	_ =	sdelay $0x4  }
0x27: {  	vm2 =	vgt.s32 v0, $0x0  }
0x28: {  	v0 =	vnsel vm2, $0x0, v0  }
0x29: {  	v0 =	vmin.u32 v0, $0x1869F  }
0x2a: {  	v0 =	vshll.u32 v0, $0x4;
	_ =	sdelay $0x3  }
.Ltmp4:
0x2b: {  	s13 =	sadd.s32 $0x800, s13;
	(pc) =	sbr.rel @p0 .LBB2_5-.Ltmp4, $4  }
0x2c: {  	[tilespmem:s13], [sflag:$0x1] =	stream.indirect_vreg.gather [hbm:s2], $0x80, v0, vm0, $0x38;
	[tilespmem:$0x10200] =	vst v63  }
0x2d: {  	s15 =	sshra.s32 s14, $0x2;
	s16 =	sadd.s32 $0x400, s13  }
0x2e: {  	[tilespmem:s16], [sflag:$0x1] =	stream.indirect_vreg.gather [hbm:s2], $0x80, v0, vm1, $0x38;
	[tilespmem:$0x10200] =	vst v63  }
0x2f: {  	s14 =	sadd.s32 $0x40, s14;
	v0 =	vld.msk [tilespmem:s15+$0x100 ss:$0x1], $0xffff  }
0x30: {  	_ =	sdelay $0x3  }
0x31: {  	vm2 =	vgt.s32 v0, $0x0  }
0x32: {  	v0 =	vnsel vm2, $0x0, v0  }
0x33: {  	v0 =	vmin.u32 v0, $0x1869F  }
0x34: {  	v0 =	vshll.u32 v0, $0x4;
	_ =	sdelay $0x3  }
0x35: {  	s13 =	sadd.s32 $0x800, s13  }
0x36: {  	[tilespmem:s13], [sflag:$0x1] =	stream.indirect_vreg.gather [hbm:s2], $0x80, v0, vm0, $0x38;
	[tilespmem:$0x10200] =	vst v63  }
0x37: {  	s13 =	sadd.s32 $0x400, s13  }
0x38: {  	[tilespmem:s13], [sflag:$0x1] =	stream.indirect_vreg.gather [hbm:s2], $0x80, v0, vm1, $0x38;
	[tilespmem:$0x10200] =	vst v63  }
0x39: {  	s12 =	sshll.u32 s12, $0x4;
	s14 =	simm.s32 $0x80;
	_ =	swait.ge [sflag:s4], $0x8000  }
0x3a: {  	s15 =	simm.s32 $0x8600;
	s12 =	sadd.s32 s12, s7;
	[sflag:s4] =	ssyncset.done $0x0  }
0x3b: {  	s16 =	sadd.s32 $0x0, s12;
	s13 =	simm.s32 $0x8200;
	[sflag:s4] =	ssyncadd.s32 $0xFFFF8000  }
.LBB2_7:
0x3c: {  	[hbm:s16] =	stream.linear.scatter [tilespmem:s13], [sflag:$0x3], $0x400, $0x38;
	[tilespmem:$0x10200] =	vst v63  }
0x3d: {  	s16 =	smov.u32 s14;
	s13 =	smov.u32 s15;
	p0 =	sne.s32 s14, $0xF80  }
.Ltmp5:
0x3e: {  	s14 =	sadd.s32 $0x80, s14;
	(pc) =	sbr.rel @p0 .LBB2_7-.Ltmp5, $2  }
0x3f: {  	_ =	sdelay $0x2  }
0x40: {  	s15 =	sadd.s32 $0x400, s15;
	s16 =	sadd.s32 s16, s12  }
.Ltmp6:
0x41: {  	(pc) =	sbr.rel .LBB2_9-.Ltmp6, $2  }
0x42: {  	_ =	sdelay $0x2  }
0x43: {  	[hbm:s16] =	stream.linear.scatter [tilespmem:s13], [sflag:$0x3], $0x400, $0x38;
	[tilespmem:$0x10200] =	vst v63  }
.LBB2_2:
.Ltmp7:
0x44: {  	(pc) =	sbr.rel .LBB2_10-.Ltmp7, $4  }
0x45: {  	_ = 	snop  }
0x46: {  	s12 =	sshrl.u32 s11, $0x3  }
0x47: {  	s13 =	sand.u32 $0x7, s11;
	s12 =	sadd.s32 s3, s12  }
0x48: {  	[tilespmem:s9], [sflag:$0x2] =	stream.linear.gather [hbm4b:s12+s13], $0x100, $0x38;
	[tilespmem:$0x10200] =	vst v63  }
.LBB2_11:
0x49: {  	s2 =	simm.s32 $0x3  }
0x4a: {  	_ =	swait.ge [sflag:s2], $0x8000  }
0x4b: {  	[sflag:s2] =	ssyncset.done $0x0  }
0x4c: {  	[sflag:s2] =	ssyncadd.s32 $0xFFFF8000  }
0x4d: {  	_ =	sfence.sel $0x180000  }
0x4e: {  	s3 =	simm.s32 $0x2;
	[bflag:$0x0] =	sbarrier.arrive $0xFFFF  }
0x4f: {  	[sflag:s3] =	ssyncpa.u1 $0x1  }
0x50: {  	s31 =	simm.s32 $0x1;
	[sflag:s2] =	ssyncpa.u1 $0x1  }
0x51: {  	[sflag:s31] =	ssyncpa.u1 $0x1  }
0x52: {  	p0 =	sne.s32 s1, $0x0;
	_ =	strace $0x90000047  }
0x53: {  	s0 =	sadd.s32 @!p0 $0x100000, s0;
	[bflag:$0x2] =	sbarrier.arrive $0xFFFF  }
0x54: {  	[sflag:s0] =	ssyncadd.tile.s32 @!p0 $0x1;
	_ =	shalt  }
.Lfunc_end2:
_tile_overlayer_lowered:
.L_overlay_start_2:
0x55: {  	(tag) =	ssettag $0x2  }
0x56: {  	s0 =	rddreg [dreg:$0x0];
	s2 =	stileid.u32  }
0x57: {  	s1 =	rddreg [dreg:$0x1];
	p0 =	sne.s32 s2, $0x0  }
0x58: {  	s3 =	rddreg [dreg:$0x2];
	[bflag:$0x3] =	sbarrier.arrive $0xFFFF;
	s2 =	simm.s32 @!p0 $0x1C01  }
0x59: {  	[timem:s3], [sflag:s2] =	dma.local @!p0 [hbm:s0], s1  }
0x5a: {  	s0 =	simm.s32 @!p0 $0x1  }
0x5b: {  	_ =	swait.ge @!p0 [sflag:s0], s1  }
0x5c: {  	s1 =	ssub.s32 @!p0 $0x0, s1;
	[sflag:s0] =	ssyncset.done @!p0 $0x0  }
0x5d: {  	[sflag:s0] =	ssyncadd.s32 @!p0 s1  }
0x5e: {  	[bflag:$0x3] =	sbarrier.arrive $0xFFFF  }
0x5f: {  	_ =	shalt  }

// kernel: kernel.5.cloned.1.call-start
scs
__scs_entry_jumppad:
0x0: {  	(pc) =	sbr.rel $0x88, $3  }
0x1: {  	(tag) =	ssettag $0x0;
	lr =	simm.s32 $0x1  }
0x2: {  	[smem:$0x3F98] =	sst lr;
	_ =	strace $0xD0000000  }
0x3: {  	_ = 	snop  }
0x4: {  	_ = 	snop  }
0x5: {  	_ = 	snop  }
0x6: {  	_ = 	snop  }
0x7: {  	_ = 	snop  }
__scs_overlays_trampoline_lowered:
0x8: {  	[smem:$0x3FA7] =	sst s0  }
0x9: {  	[smem:$0x3FA8] =	sst s1  }
0xa: {  	[smem:$0x3FA9] =	sst s2  }
0xb: {  	[smem:$0x3FAA] =	sst s3  }
0xc: {  	[smem:$0x3FAB] =	sst s4  }
0xd: {  	[smem:$0x3FAC] =	sst s5  }
0xe: {  	[smem:$0x3FAD] =	sst s6  }
0xf: {  	[smem:$0x3FAE] =	sst s7  }
0x10: {  	[smem:$0x3FAF] =	sst s8  }
0x11: {  	[smem:$0x3FB0] =	sst s9;
	s0 =	simm.s32 @!p0 $0x0  }
0x12: {  	s1 =	sld [smem:$0x3F96];
	s0 =	simm.s32 @p0 $0x1  }
0x13: {  	[smem:$0x3FB1] =	sst s0;
	s0 =	simm.s32 @!p1 $0x0  }
0x14: {  	s2 =	sld [smem:$0x3F95];
	s0 =	simm.s32 @p1 $0x1  }
0x15: {  	[smem:$0x3FB2] =	sst s0;
	s0 =	simm.s32 @!p2 $0x0  }
0x16: {  	s3 =	sld [smem:$0x3FDB];
	s0 =	simm.s32 @p2 $0x1  }
0x17: {  	s4 =	simm.s32 $0x1BF5;
	[smem:$0x3FB4] =	sst s0  }
0x18: {  	s0 =	sld [smem:$0x3F97];
	_ =	swait.ge [sflag:s4], $0x0  }
0x19: {  	s7 =	sld [smem:$0x3F98]  }
0x1a: {  	s8 =	sadd.s32 $0xFFFFE003, lr  }
0x1b: {  	s9 =	sadd.s32 $0xFFFFFEF7, lr;
	s5 =	simm.s32 $0xFFFFFFFF;
	p2 =	slt.u32 s8, $0xFFFFF086  }
0x1c: {  	p1 =	slt.u32 s9, $0xF7A;
	s5 =	simm.s32 @!p2 $0x0  }
0x1d: {  	s5 =	simm.s32 @p1 $0x1;
	p0 =	seq.s32 s7, s2  }
0x1e: {  	s7 =	smul.u32 @!p0 $0xF7A, s2;
	p2 =	seq.s32 @!p0 s5, $0x0  }
0x1f: {  	s9 =	smul.u32 $0xF7A, s1;
	s8 =	simm.s32 @!p0 $0x1BF5;
	p2 =	por !p2, p0  }
0x20: {  	[sflag:s8] =	ssyncset.s32 @!p0 $0xFFFFF086;
	s6 =	sadd.s32 @!p0 s3, s7;
	s7 =	simm.s32 @!p0 $0x108  }
0x21: {  	s3 =	sadd.s32 s3, s9;
	s6 =	sadd.s32 @!p0 $0x88, s6;
	s7 =	simm.s32 @p2 $0x1082  }
0x22: {  	[simem:s7], [sflag:s8] =	dma.local @!p0 [hbm:s6], $0xF7A  }
0x23: {  	s9 =	sor.u32 $0xD0000000, s2;
	s6 =	simm.s32 $0x108;
	_ =	swait.ge @!p0 [sflag:s8], $0x0  }
0x24: {  	s3 =	sadd.s32 $0x88, s3;
	s6 =	simm.s32 @!p1 $0x1082;
	[sflag:s4] =	ssyncset.s32 $0xFFFFF086  }
0x25: {  	[simem:s6], [sflag:s4] =	dma.local [hbm:s3], $0xF7A  }
0x26: {  	[smem:$0x3F98] =	sst s1;
	(tag) =	ssettag s2;
	_ =	strace s9  }
0x27: {  	s1 =	sld [smem:$0x3FA8]  }
0x28: {  	s2 =	sld [smem:$0x3FA9]  }
0x29: {  	s4 =	sld [smem:$0x3FAB]  }
0x2a: {  	p0 =	seq.s32 s5, $0x0;
	s5 =	sld [smem:$0x3FAC]  }
0x2b: {  	s6 =	sld [smem:$0x3FAD]  }
0x2c: {  	s7 =	sld [smem:$0x3FAE]  }
0x2d: {  	s3 =	simm.s32 $0x108;
	s8 =	sld [smem:$0x3FAF]  }
0x2e: {  	s3 =	simm.s32 @!p0 $0x1082;
	s9 =	sld [smem:$0x3FB0]  }
0x2f: {  	lr =	sadd.s32 s0, s3;
	s0 =	sld [smem:$0x3FA7]  }
0x30: {  	s3 =	sld [smem:$0x3FAA]  }
0x31: {  	[smem:$0x3FB3] =	sst s10  }
0x32: {  	s10 =	sld [smem:$0x3FB1];
	_ =	sdelay $0x3  }
0x33: {  	p0 =	seq.s32 s10, $0x1;
	s10 =	sld [smem:$0x3FB3];
	_ =	sdelay $0x3  }
0x34: {  	[smem:$0x3FB3] =	sst s10  }
0x35: {  	s10 =	sld [smem:$0x3FB2];
	_ =	sdelay $0x3  }
0x36: {  	p1 =	seq.s32 s10, $0x1;
	s10 =	sld [smem:$0x3FB3];
	_ =	sdelay $0x3  }
0x37: {  	[smem:$0x3FB3] =	sst s10  }
0x38: {  	s10 =	sld [smem:$0x3FB4]  }
0x39: {  	_ = 	snop;
	(pc) =	sbr.ind lr, $3  }
0x3a: {  	_ = 	snop  }
0x3b: {  	_ = 	snop  }
0x3c: {  	p2 =	seq.s32 s10, $0x1;
	s10 =	sld [smem:$0x3FB3]  }
0x3d: {  	_ =	shalt  }
0x3e: {  	_ =	shalt  }
0x3f: {  	_ =	shalt  }
0x40: {  	_ =	shalt  }
0x41: {  	_ =	shalt  }
0x42: {  	_ =	shalt  }
0x43: {  	_ =	shalt  }
0x44: {  	_ =	shalt  }
0x45: {  	_ =	shalt  }
0x46: {  	_ =	shalt  }
0x47: {  	_ =	shalt  }
0x48: {  	_ =	shalt  }
0x49: {  	_ =	shalt  }
0x4a: {  	_ =	shalt  }
0x4b: {  	_ =	shalt  }
0x4c: {  	_ =	shalt  }
0x4d: {  	_ =	shalt  }
0x4e: {  	_ =	shalt  }
0x4f: {  	_ =	shalt  }
0x50: {  	_ =	shalt  }
0x51: {  	_ =	shalt  }
0x52: {  	_ =	shalt  }
0x53: {  	_ =	shalt  }
0x54: {  	_ =	shalt  }
0x55: {  	_ =	shalt  }
0x56: {  	_ =	shalt  }
0x57: {  	_ =	shalt  }
0x58: {  	_ =	shalt  }
0x59: {  	_ =	shalt  }
0x5a: {  	_ =	shalt  }
0x5b: {  	_ =	shalt  }
0x5c: {  	_ =	shalt  }
0x5d: {  	_ =	shalt  }
0x5e: {  	_ =	shalt  }
0x5f: {  	_ =	shalt  }
0x60: {  	_ =	shalt  }
0x61: {  	_ =	shalt  }
0x62: {  	_ =	shalt  }
0x63: {  	_ =	shalt  }
0x64: {  	_ =	shalt  }
0x65: {  	_ =	shalt  }
0x66: {  	_ =	shalt  }
0x67: {  	_ =	shalt  }
0x68: {  	_ =	shalt  }
0x69: {  	_ =	shalt  }
0x6a: {  	_ =	shalt  }
0x6b: {  	_ =	shalt  }
0x6c: {  	_ =	shalt  }
0x6d: {  	_ =	shalt  }
0x6e: {  	_ =	shalt  }
0x6f: {  	_ =	shalt  }
0x70: {  	_ =	shalt  }
0x71: {  	_ =	shalt  }
0x72: {  	_ =	shalt  }
0x73: {  	_ =	shalt  }
0x74: {  	_ =	shalt  }
0x75: {  	_ =	shalt  }
0x76: {  	_ =	shalt  }
0x77: {  	_ =	shalt  }
0x78: {  	_ =	shalt  }
0x79: {  	_ =	shalt  }
0x7a: {  	_ =	shalt  }
0x7b: {  	_ =	shalt  }
0x7c: {  	_ =	shalt  }
0x7d: {  	_ =	shalt  }
0x7e: {  	_ =	shalt  }
0x7f: {  	_ =	shalt  }
0x80: {  	_ =	shalt  }
0x81: {  	_ =	shalt  }
0x82: {  	_ =	shalt  }
0x83: {  	_ =	shalt  }
0x84: {  	_ =	shalt  }
0x85: {  	_ =	shalt  }
0x86: {  	_ =	shalt  }
0x87: {  	_ =	shalt  }
.Lfunc_end0:
.L_simem_size_0:
called_computation.2_lowered:
.L_overlay_start_0:
0x88: {  	s2 =	sld [smem:$0x3FD9]  }
0x89: {  	s3 =	sld [smem:$0x3FFE];
	_ =	sdelay $0x1  }
0x8a: {  	s1 =	srdreg.scid  }
0x8b: {  	s0 =	sand.u32 $0x1, s1  }
0x8c: {  	s17 =	sshll.u32 s0, $0xA;
	s2 =	sadd.s32 s3, s2  }
0x8d: {  	s2 =	sadd.s32 s2, s17  }
0x8e: {  	[smem:$0x3FBF] =	sst s2  }
0x8f: {  	_ = 	snop  }
0x90: {  	s18 =	sld [smem:$0x3FC2];
	(tm) =	ssettm $0x1  }
0x91: {  	s19 =	sld [smem:$0x3FFB];
	_ =	sdelay $0x3  }
0x92: {  	_ =	strace s19  }
0x93: {  	s2 =	sld [smem:$0x3FFC];
	_ =	sdelay $0x3  }
0x94: {  	_ =	strace s2  }
0x95: {  	s2 =	sld [smem:$0x3FFD];
	_ =	sdelay $0x3  }
0x96: {  	_ =	strace s2  }
0x97: {  	_ =	strace $0x8FFFFFFF  }
0x98: {  	s20 =	sld [smem:$0x3FDB];
	_ =	sdelay $0x1  }
0x99: {  	s4 =	simm.s32 $_scs_section_size  }
0x9a: {  	s5 =	simm.s32 $_size__tile_overlayer_lowered;
	s6 =	simm.s32 $_tile_overlayer_lowered  }
0x9b: {  	s7 =	simm.s32 $0x1BFF;
	s21 =	sshll.u32 s6, $0x1;
	s4 =	sadd.s32 s4, s20  }
0x9c: {  	s22 =	simm.s32 $0x0;
	s5 =	sshll.u32 s5, $0x1;
	s6 =	sadd.s32 s21, s4  }
0x9d: {  	[timem:s22], [sflag:s7] =	dma.local [hbm:s6], s5  }
0x9e: {  	_ =	swait.ge [sflag:s7], s5  }
0x9f: {  	s5 =	ssub.s32 $0x0, s5;
	[sflag:s7] =	ssyncset.done $0x0  }
0xa0: {  	[sflag:s7] =	ssyncadd.s32 s5;
	_ =	sdelay $0x1  }
0xa1: {  	s23 =	simm.s32 $0x1B8B  }
0xa2: {  	_ =	swait.ge [sflag:s23], $0x1  }
0xa3: {  	[sflag:s23] =	ssyncset.done $0x0  }
0xa4: {  	[sflag:s23] =	ssyncadd.s32 $0xFFFFFFFF  }
0xa5: {  	s5 =	sld [smem:$0x0]  }
0xa6: {  	s6 =	sand.u32 $0xFFFFFFFE, s1  }
0xa7: {  	p0 =	sne.s32 s1, s6  }
0xa8: {  	s6 =	sshll.u32 @p0 s6, $0xE  }
0xa9: {  	s6 =	sadd.s32 @p0 $0x11B8D, s6;
	s7 =	sshll.u32 @p0 s5, $0x11  }
0xaa: {  	s6 =	sor.u32 @p0 s7, s6  }
0xab: {  	[sflag:s6] =	ssyncadd.remote.s32 @p0 $0x1;
	_ =	sdelay $0x1  }
0xac: {  	s6 =	simm.s32 @p0 $0x1B8D  }
0xad: {  	_ =	swait.eq @p0 [sflag:s6], $0x1  }
0xae: {  	[sflag:s6] =	ssyncadd.s32 @p0 $0xFFFFFFFF  }
0xaf: {  	s7 =	sshll.u32 @!p0 s1, $0xE  }
0xb0: {  	s7 =	sor.u32 @!p0 $0x4000, s7;
	s6 =	simm.s32 @!p0 $0x1B8D  }
0xb1: {  	s5 =	sshll.u32 @!p0 s5, $0x11;
	s7 =	sadd.s32 @!p0 $0x11B8D, s7;
	_ =	swait.eq @!p0 [sflag:s6], $0x1  }
0xb2: {  	s5 =	sor.u32 @!p0 s5, s7;
	[sflag:s6] =	ssyncadd.s32 @!p0 $0xFFFFFFFF  }
0xb3: {  	s25 =	simm.s32 $0x1B8E;
	s24 =	sld [smem:$0x3FFE];
	[sflag:s5] =	ssyncadd.remote.s32 @!p0 $0x1  }
0xb4: {  	s26 =	simm.s32 $execute0_lowered;
	[smem:$0x3FD2] =	sst s25  }
0xb5: {  	s6 =	sshll.u32 s26, $0x1;
	_ =	strace $0x8000004C;
	[dreg:$0x1] =	wrdreg $0xFFFFFFFF  }
0xb6: {  	s28 =	simm.s32 $_size_execute0_lowered;
	s4 =	sadd.s32 s4, s6;
	[dreg:$0x0] =	wrdreg $0x0  }
0xb7: {  	s6 =	sshll.u32 s28, $0x1;
	[dreg:$0x2] =	wrdreg s4  }
0xb8: {  	[dreg:$0x3] =	wrdreg s6  }
0xb9: {  	[dreg:$0x4] =	wrdreg $0xC0  }
0xba: {  	_ =	task [dreg:s22], $0x5FFFF  }
0xbb: {  	[dreg:$0x1] =	wrdreg $0xFFFFFFFF  }
0xbc: {  	[dreg:$0x0] =	wrdreg $0x60  }
0xbd: {  	[dreg:$0x2] =	wrdreg s24  }
0xbe: {  	[dreg:$0x3] =	wrdreg s18  }
0xbf: {  	[dreg:$0x4] =	wrdreg $0x0  }
0xc0: {  	[dreg:$0x5] =	wrdreg $0x188000  }
0xc1: {  	[dreg:$0x6] =	wrdreg $0xA  }
0xc2: {  	_ =	task.clear_ibuf [dreg:s22], $0x7FFFF;
	_ =	strace $0x9000004C  }
0xc3: {  	s29 =	simm.s32 $0xA;
	_ =	strace $0x8000004E  }
0xc4: {  	_ =	swait.ge [sflag:s29], $0x1  }
0xc5: {  	[sflag:s29] =	ssyncadd.s32 $0xFFFFFFFF  }
0xc6: {  	_ =	strace $0x9000004E  }
0xc7: {  	_ =	sfence  }
0xc8: {  	s30 =	sld [smem:$0x0];
	_ =	sdelay $0x2  }
0xc9: {  	s31 =	sshll.u32 s1, $0xD;
	s1 =	sshrl.u32 s1, $0x2  }
0xca: {  	s4 =	sand.u32 $0x4000, s31;
	s1 =	sadd.s32 s1, s30  }
0xcb: {  	s0 =	sor.u32 s4, s0;
	s1 =	sshll.u32 s1, $0x11  }
0xcc: {  	s0 =	sor.u32 s1, s0  }
0xcd: {  	s0 =	sadd.s32 $0x8F2B, s0  }
0xce: {  	[sflag:s0] =	ssyncadd.remote.s32 $0x1  }
0xcf: {  	_ =	sfence.sel $0xFFFF  }
0xd0: {  	[dreg:$0x0] =	wrdreg $0xFFFFFFFF;
	(pc) =	sbr.abs _section_cstart, $3  }
0xd1: {  	[dreg:$0x1] =	wrdreg $0xFFFFFFFF  }
0xd2: {  	_ =	task.clear_ibuf [dreg:s22], $0x2FFFF;
	_ =	strace $0x9FFFFFFF  }
0xd3: {  	(tm) =	ssettm $0x7FFFFFFF  }
tec
execute0_lowered:
.L_overlay_start_1:
0x0: {  	(tag) =	ssettag $0x1  }
0x1: {  	s0 =	rddreg [dreg:$0x0]  }
0x2: {  	s1 =	rddreg [dreg:$0x1]  }
0x3: {  	s2 =	rddreg [dreg:$0x2]  }
0x4: {  	s3 =	rddreg [dreg:$0x3]  }
0x5: {  	s15 =	stileid.u32;
	s5 =	srdreg.scid  }
0x6: {  	s4 =	simm.s32 $0x0;
	s30 =	simm.s32 $0x19220;
	s11 =	smul.u32 $0x1880, s15  }
0x7: {  	s31 =	simm.s32 $0x1;
	s8 =	sand.u32 $0x1, s5;
	s10 =	smul.u32 $0x62000, s15  }
0x8: {  	[smem:$0x7FF] =	sst s4;
	s5 =	sadd.s32 $0x84E00, s0;
	s25 =	smul.u32 $0x186A0, s15  }
0x9: {  	s6 =	sadd.s32 $0x23200, s0;
	s7 =	sshll.u32 s15, $0x6;
	s9 =	smul.u32 $0x18800, s8  }
0xa: {  	_ =	strace $0x8000004D;
	s12 =	sadd.s32 s7, s0;
	s13 =	smul.u32 $0x186A00, s8  }
0xb: {  	s14 =	ssub.s32 $0x2, s8;
	s1 =	sadd.s32 s1, s7;
	s24 =	sshrl.u32 s10, $0x2  }
0xc: {  	s26 =	sshrl.u32 s14, $0x1;
	[dreg:$0x5] =	wrdreg s1;
	s15 =	sshrl.u32 s11, $0x2  }
0xd: {  	s12 =	sadd.s32 $0x22600, s12;
	s9 =	sadd.s32 s11, s9;
	s8 =	sadd.s32 s24, s2  }
0xe: {  	s14 =	ssub.s32 s14, s26;
	[dreg:$0x6] =	wrdreg s12;
	s1 =	sadd.s32 s15, s3  }
0xf: {  	s10 =	sadd.s32 s25, s13;
	[dreg:$0x7] =	wrdreg s1;
	s18 =	smax.u32 s14, $0x1  }
0x10: {  	s12 =	simm.s32 $0x1B840;
	s19 =	sadd.s32 $0x2000, s8;
	[dreg:$0xb] =	wrdreg s18  }
0x11: {  	s13 =	simm.s32 $0x1C040;
	s20 =	sadd.s32 $0x4000, s8;
	[dreg:$0xc] =	wrdreg s19  }
0x12: {  	s15 =	simm.s32 $0x1D040;
	s21 =	sadd.s32 $0x6000, s8;
	[dreg:$0xd] =	wrdreg s20  }
0x13: {  	s9 =	sshll.u32 s9, $0x1;
	s22 =	sadd.s32 $0x8000, s8;
	[dreg:$0xe] =	wrdreg s21  }
0x14: {  	s16 =	sshrl.u32 s10, $0x3;
	s23 =	sadd.s32 $0xA000, s8;
	[dreg:$0xf] =	wrdreg s22  }
0x15: {  	s24 =	sadd.s32 $0xC000, s8;
	s25 =	sadd.s32 $0xE000, s8;
	[dreg:$0x10] =	wrdreg s23  }
0x16: {  	s26 =	sadd.s32 $0x10000, s8;
	s28 =	sadd.s32 $0x14000, s8;
	[dreg:$0x11] =	wrdreg s24  }
0x17: {  	s29 =	sadd.s32 $0x16000, s8;
	s17 =	sadd.s32 $0x3000, s16;
	[dreg:$0x12] =	wrdreg s25  }
0x18: {  	s14 =	simm.s32 $0x1C840;
	[dreg:$0x13] =	wrdreg s26;
	s11 =	sadd.s32 s5, s17  }
0x19: {  	v0 =	vlaneseq.u32;
	s0 =	sadd.s32 s9, s0;
	s1 =	sadd.s32 s6, s17;
	[dreg:$0x8] =	wrdreg s11  }
0x1a: {  	v1 =	vimm.f32 $0.0e+00;
	v2 =	vmul.u32 $0x4, v0;
	s9 =	sadd.s32 $0x18000, s8;
	s0 =	sadd.s32 $0xE6A00, s0;
	[dreg:$0x9] =	wrdreg s1  }
0x1b: {  	v4 =	vimm.f32 $1.000000000e+00;
	v5 =	vimm.s32 $0x0;
	v3 =	vmul.u32 $0x10, v0;
	s26 =	sadd.s32 $0x12000, s8;
	s19 =	simm.s32 $0x18E20;
	[dreg:$0xa] =	wrdreg s0  }
0x1c: {  	v6 =	vor.u32 $0x1, v2;
	v7 =	vor.u32 $0x2, v2;
	v8 =	vor.u32 $0x3, v2;
	s1 =	simm.s32 $0x200;
	s11 =	simm.s32 $0x1DC60;
	s0 =	simm.s32 $0x800  }
.LBB2_1:
0x1d: {  	s17 =	simm.s32 $0x0  }
0x1e: {  	s16 =	simm.s32 $0x1;
	v9 =	vor.u32 s17, v0  }
.LBB2_2:
0x1f: {  	p0 =	seq.s32 s16, $0x1FF  }
.Ltmp0:
0x20: {  	_ = 	snop;
	(pc) =	sbr.rel @!p0 .LBB2_2-.Ltmp0, $3  }
0x21: {  	_ =	sdelay $0x1  }
0x22: {  	s17 =	sshll.u32 s16, $0x4;
	s16 =	sadd.s32 $0x1, s16;
	[tilespmem:v9+s30+$0x0] =	vst.idx.msk $0xffff, v1  }
0x23: {  	v9 =	vor.u32 s17, v0  }
0x24: {  	_ =	sdelay $0x3  }
0x25: {  	[tilespmem:v9+s30+$0x0] =	vst.idx.msk $0xffff, v1  }
0x26: {  	[spmem:s8] =	stream.linear.scatter [tilespmem:s30], [sflag:$0x1], $0x2000, $0x38;
	[tilespmem:$0x1DE60] =	vst v63  }
0x27: {  	_ =	swait.ge [sflag:s31], $0x2000  }
0x28: {  	[sflag:s31] =	ssyncset.done $0x0  }
0x29: {  	s16 =	rddreg [dreg:$0xc];
	[sflag:s31] =	ssyncadd.s32 $0xFFFFE000  }
0x2a: {  	[spmem:s16] =	stream.linear.scatter [tilespmem:s30], [sflag:$0x1], $0x2000, $0x38;
	[tilespmem:$0x1DE60] =	vst v63  }
0x2b: {  	_ =	swait.ge [sflag:s31], $0x2000  }
0x2c: {  	[sflag:s31] =	ssyncset.done $0x0  }
0x2d: {  	s18 =	rddreg [dreg:$0xd];
	[sflag:s31] =	ssyncadd.s32 $0xFFFFE000  }
0x2e: {  	[spmem:s18] =	stream.linear.scatter [tilespmem:s30], [sflag:$0x1], $0x2000, $0x38;
	[tilespmem:$0x1DE60] =	vst v63  }
0x2f: {  	_ =	swait.ge [sflag:s31], $0x2000  }
0x30: {  	[sflag:s31] =	ssyncset.done $0x0  }
0x31: {  	s20 =	rddreg [dreg:$0xe];
	[sflag:s31] =	ssyncadd.s32 $0xFFFFE000  }
0x32: {  	[spmem:s20] =	stream.linear.scatter [tilespmem:s30], [sflag:$0x1], $0x2000, $0x38;
	[tilespmem:$0x1DE60] =	vst v63  }
0x33: {  	_ =	swait.ge [sflag:s31], $0x2000  }
0x34: {  	[sflag:s31] =	ssyncset.done $0x0  }
0x35: {  	s21 =	rddreg [dreg:$0xf];
	[sflag:s31] =	ssyncadd.s32 $0xFFFFE000  }
0x36: {  	[spmem:s21] =	stream.linear.scatter [tilespmem:s30], [sflag:$0x1], $0x2000, $0x38;
	[tilespmem:$0x1DE60] =	vst v63  }
0x37: {  	_ =	swait.ge [sflag:s31], $0x2000  }
0x38: {  	[sflag:s31] =	ssyncset.done $0x0  }
0x39: {  	s22 =	rddreg [dreg:$0x10];
	[sflag:s31] =	ssyncadd.s32 $0xFFFFE000  }
0x3a: {  	[spmem:s22] =	stream.linear.scatter [tilespmem:s30], [sflag:$0x1], $0x2000, $0x38;
	[tilespmem:$0x1DE60] =	vst v63  }
0x3b: {  	_ =	swait.ge [sflag:s31], $0x2000  }
0x3c: {  	[sflag:s31] =	ssyncset.done $0x0  }
0x3d: {  	s23 =	rddreg [dreg:$0x11];
	[sflag:s31] =	ssyncadd.s32 $0xFFFFE000  }
0x3e: {  	[spmem:s23] =	stream.linear.scatter [tilespmem:s30], [sflag:$0x1], $0x2000, $0x38;
	[tilespmem:$0x1DE60] =	vst v63  }
0x3f: {  	_ =	swait.ge [sflag:s31], $0x2000  }
0x40: {  	[sflag:s31] =	ssyncset.done $0x0  }
0x41: {  	s24 =	rddreg [dreg:$0x12];
	[sflag:s31] =	ssyncadd.s32 $0xFFFFE000  }
0x42: {  	[spmem:s24] =	stream.linear.scatter [tilespmem:s30], [sflag:$0x1], $0x2000, $0x38;
	[tilespmem:$0x1DE60] =	vst v63  }
0x43: {  	_ =	swait.ge [sflag:s31], $0x2000  }
0x44: {  	[sflag:s31] =	ssyncset.done $0x0  }
0x45: {  	s25 =	rddreg [dreg:$0x13];
	[sflag:s31] =	ssyncadd.s32 $0xFFFFE000  }
0x46: {  	[spmem:s25] =	stream.linear.scatter [tilespmem:s30], [sflag:$0x1], $0x2000, $0x38;
	[tilespmem:$0x1DE60] =	vst v63  }
0x47: {  	_ =	swait.ge [sflag:s31], $0x2000  }
0x48: {  	[sflag:s31] =	ssyncset.done $0x0  }
0x49: {  	[sflag:s31] =	ssyncadd.s32 $0xFFFFE000  }
0x4a: {  	[spmem:s26] =	stream.linear.scatter [tilespmem:s30], [sflag:$0x1], $0x2000, $0x38;
	[tilespmem:$0x1DE60] =	vst v63  }
0x4b: {  	_ =	swait.ge [sflag:s31], $0x2000  }
0x4c: {  	[sflag:s31] =	ssyncset.done $0x0  }
0x4d: {  	[sflag:s31] =	ssyncadd.s32 $0xFFFFE000  }
0x4e: {  	[spmem:s28] =	stream.linear.scatter [tilespmem:s30], [sflag:$0x1], $0x2000, $0x38;
	[tilespmem:$0x1DE60] =	vst v63  }
0x4f: {  	_ =	swait.ge [sflag:s31], $0x2000  }
0x50: {  	[sflag:s31] =	ssyncset.done $0x0  }
0x51: {  	[sflag:s31] =	ssyncadd.s32 $0xFFFFE000  }
0x52: {  	[spmem:s29] =	stream.linear.scatter [tilespmem:s30], [sflag:$0x1], $0x2000, $0x38;
	[tilespmem:$0x1DE60] =	vst v63  }
0x53: {  	_ =	swait.ge [sflag:s31], $0x2000  }
0x54: {  	[sflag:s31] =	ssyncset.done $0x0  }
0x55: {  	[sflag:s31] =	ssyncadd.s32 $0xFFFFE000  }
0x56: {  	[spmem:s9] =	stream.linear.scatter [tilespmem:s30], [sflag:$0x1], $0x800, $0x38;
	[tilespmem:$0x1DE60] =	vst v63  }
0x57: {  	_ =	swait.ge [sflag:s31], $0x800  }
0x58: {  	[sflag:s31] =	ssyncset.done $0x0  }
0x59: {  	[sflag:s31] =	ssyncadd.s32 $0xFFFFF800  }
0x5a: {  	[bflag:$0x0] =	sbarrier.arrive $0xFFFF  }
0x5b: {  	s16 =	simm.s32 $0x0;
	s17 =	rddreg [dreg:$0x5]  }
0x5c: {  	[tilespmem:s19], [sflag:$0x1] =	stream.linear.gather [hbm4b:s17+s16], $0x200, $0x38;
	[tilespmem:$0x1DE60] =	vst v63  }
0x5d: {  	_ =	swait.ge [sflag:s31], $0x200  }
0x5e: {  	[sflag:s31] =	ssyncset.done $0x0  }
0x5f: {  	s17 =	simm.s32 $0x19020;
	s18 =	rddreg [dreg:$0x6];
	[sflag:s31] =	ssyncadd.s32 $0xFFFFFE00  }
0x60: {  	[tilespmem:s17], [sflag:$0x1] =	stream.linear.gather [hbm4b:s18+s16], $0x200, $0x38;
	[tilespmem:$0x1DE60] =	vst v63  }
0x61: {  	_ =	swait.ge [sflag:s31], $0x200  }
0x62: {  	[sflag:s31] =	ssyncset.done $0x0  }
0x63: {  	[sflag:s31] =	ssyncadd.s32 $0xFFFFFE00  }
0x64: {  	s18 =	simm.s32 $0x10;
	v9 =	vld [tilespmem:s17+$0x0]  }
.LBB2_4:
0x65: {  	p0 =	sne.s32 s18, $0x1F0;
	_ =	sdelay $0x1  }
0x66: {  	v10 =	vmov s16;
	s16 =	smov.u32 s18  }
0x67: {  	v10 =	vshll.u32 v10, $0x4  }
0x68: {  	v10 =	vor.u32 v3, v10;
	v11 =	vand.u32 $0xFFFFFFF8, v9  }
0x69: {  	v9 =	vand.u32 $0x7, v9;
	v10 =	vadd.s32 v10, v11  }
0x6a: {  	v9 =	vor.u32 v9, v10  }
0x6b: {  	v9 =	vadd.s32 $0x8, v9;
	_ =	sdelay $0x1  }
.Ltmp1:
0x6c: {  	(pc) =	sbr.rel @p0 .LBB2_4-.Ltmp1, $3  }
0x6d: {  	_ =	sdelay $0x1  }
0x6e: {  	s17 =	sadd.s32 $0x10, s17;
	[tilespmem:v9+s30+$0x0] =	vst.idx.msk $0xffff, v4  }
0x6f: {  	s18 =	sadd.s32 $0x10, s18;
	v9 =	vld [tilespmem:s17+$0x0]  }
0x70: {  	_ =	sdelay $0x1  }
0x71: {  	v10 =	vmov s16  }
0x72: {  	v10 =	vshll.u32 v10, $0x4  }
0x73: {  	v10 =	vor.u32 v3, v10;
	v11 =	vand.u32 $0xFFFFFFF8, v9  }
0x74: {  	v9 =	vand.u32 $0x7, v9;
	v10 =	vadd.s32 v10, v11  }
0x75: {  	v9 =	vor.u32 v9, v10  }
0x76: {  	v9 =	vadd.s32 $0x8, v9;
	_ =	sdelay $0x4  }
0x77: {  	[tilespmem:v9+s30+$0x0] =	vst.idx.msk $0xffff, v4  }
0x78: {  	[spmem:s2] =	stream.indirect.scatter.add.f32 [tilespmem:s30], [sflag:$0x1], $0x10, s19, s1, $0xb8;
	[tilespmem:$0x1DE60] =	vst v63  }
0x79: {  	_ =	swait.ge [sflag:s31], $0x2000  }
0x7a: {  	[sflag:s31] =	ssyncset.done $0x0  }
0x7b: {  	[sflag:s31] =	ssyncadd.s32 $0xFFFFE000  }
0x7c: {  	s16 =	simm.s32 $0x0;
	s17 =	simm.s32 $0x1B220;
	[bflag:$0x0] =	sbarrier.arrive $0xFFFF  }
.LBB2_6:
0x7d: {  	s18 =	sshll.u32 s16, $0xD  }
0x7e: {  	s18 =	sand.u32 $0x3FFFE000, s18  }
0x7f: {  	s18 =	sadd.s32 s18, s8  }
0x80: {  	[tilespmem:s30], [sflag:$0x1] =	stream.linear.gather [spmem:s18], $0x2000, $0x38;
	[tilespmem:$0x1DE60] =	vst v63  }
0x81: {  	_ =	swait.ge [sflag:s31], $0x2000  }
0x82: {  	[sflag:s31] =	ssyncset.done $0x0  }
0x83: {  	v9 =	vmov s17;
	s18 =	simm.s32 $0x0;
	[sflag:s31] =	ssyncadd.s32 $0xFFFFE000  }
.LBB2_7:
0x84: {  	v10 =	vmov s18  }
0x85: {  	v10 =	vshll.u32 v10, $0x4  }
0x86: {  	v10 =	vor.u32 v3, v10  }
0x87: {  	v11 =	vor.u32 $0x8, v10  }
0x88: {  	v12 =	vor.u32 $0x9, v10  }
0x89: {  	v13 =	vor.u32 $0xA, v10  }
0x8a: {  	v14 =	vor.u32 $0xB, v10  }
0x8b: {  	v15 =	vor.u32 $0xC, v10  }
0x8c: {  	v17 =	vor.u32 $0xE, v10;
	v11 =	vld.idx.msk [tilespmem:v11+s30+$0x0], $0xffff  }
0x8d: {  	v16 =	vor.u32 $0xD, v10;
	v10 =	vor.u32 $0xF, v10;
	v12 =	vld.idx.msk [tilespmem:v12+s30+$0x0], $0xffff  }
0x8e: {  	v13 =	vld.idx.msk [tilespmem:v13+s30+$0x0], $0xffff  }
0x8f: {  	v14 =	vld.idx.msk [tilespmem:v14+s30+$0x0], $0xffff  }
0x90: {  	v15 =	vld.idx.msk [tilespmem:v15+s30+$0x0], $0xffff  }
0x91: {  	v20 =	vld.idx.msk [tilespmem:v17+s30+$0x0], $0xffff  }
0x92: {  	v10 =	vld.idx.msk [tilespmem:v10+s30+$0x0], $0xffff;
	_ =	sdelay $0x1  }
0x93: {  	s19 =	sadd.s32 $0x10, s18;
	vm0 =	vgt.f32 v11, $0.0e+00;
	v11 =	vld.idx.msk [tilespmem:v16+s30+$0x0], $0xffff  }
0x94: {  	v22 =	vmov s19;
	vm1 =	vgt.f32 v12, $0.0e+00;
	vm10 =	vgt.f32 v13, $0.0e+00  }
0x95: {  	vm11 =	vgt.f32 v14, $0.0e+00;
	vm12 =	vgt.f32 v15, $0.0e+00;
	vm14 =	vgt.f32 v20, $0.0e+00  }
0x96: {  	vm15 =	vgt.f32 v10, $0.0e+00;
	v62 =	vsel vm0, $0x1, v5;
	v63 =	vsel vm1, $0x2, v5  }
0x97: {  	v13 =	vsel vm10, $0x4, v5;
	v21 =	vsel vm11, $0x8, v5;
	v12 =	vor.u32 v62, v63  }
0x98: {  	v12 =	vor.u32 v13, v12;
	vm13 =	vgt.f32 v11, $0.0e+00;
	v11 =	vshll.u32 v22, $0x4  }
0x99: {  	v15 =	vsel vm12, $0x10, v5;
	v12 =	vor.u32 v21, v12;
	v11 =	vor.u32 v3, v11  }
0x9a: {  	v12 =	vor.u32 v15, v12;
	v23 =	vsel vm13, $0x20, v5;
	v24 =	vor.u32 $0x8, v11  }
0x9b: {  	v14 =	vsel vm14, $0x40, v5;
	v12 =	vor.u32 v23, v12;
	v10 =	vor.u32 $0x9, v11  }
0x9c: {  	v25 =	vsel vm15, $0x80, v5;
	v26 =	vor.u32 $0xA, v11;
	v12 =	vor.u32 v14, v12  }
0x9d: {  	v27 =	vor.u32 $0xB, v11;
	v12 =	vor.u32 v25, v12  }
0x9e: {  	v28 =	vor.u32 $0xC, v11;
	[tilespmem:$0x1DC60] =	vst v12  }
0x9f: {  	v30 =	vor.u32 $0xE, v11;
	v12 =	vld.idx.msk [tilespmem:v24+s30+$0x0], $0xffff  }
0xa0: {  	v29 =	vor.u32 $0xD, v11;
	v11 =	vor.u32 $0xF, v11;
	v10 =	vld.idx.msk [tilespmem:v10+s30+$0x0], $0xffff  }
0xa1: {  	v15 =	vld.idx.msk [tilespmem:v26+s30+$0x0], $0xffff  }
0xa2: {  	v14 =	vld.idx.msk [tilespmem:v27+s30+$0x0], $0xffff  }
0xa3: {  	v13 =	vld.idx.msk [tilespmem:v28+s30+$0x0], $0xffff  }
0xa4: {  	v32 =	vld.idx.msk [tilespmem:v30+s30+$0x0], $0xffff  }
0xa5: {  	v11 =	vld.idx.msk [tilespmem:v11+s30+$0x0], $0xffff;
	_ =	sdelay $0x1  }
0xa6: {  	s23 =	sadd.s32 $0x20, s18;
	vm5 =	vgt.f32 v10, $0.0e+00;
	v10 =	vld.idx.msk [tilespmem:v29+s30+$0x0], $0xffff  }
0xa7: {  	v34 =	vmov s23;
	vm4 =	vgt.f32 v12, $0.0e+00;
	vm6 =	vgt.f32 v15, $0.0e+00  }
0xa8: {  	vm7 =	vgt.f32 v14, $0.0e+00;
	vm8 =	vgt.f32 v13, $0.0e+00;
	vm10 =	vgt.f32 v32, $0.0e+00  }
0xa9: {  	vm11 =	vgt.f32 v11, $0.0e+00;
	v12 =	vsel vm4, $0x1, v5;
	v31 =	vsel vm5, $0x2, v5  }
0xaa: {  	v15 =	vsel vm6, $0x4, v5;
	v33 =	vsel vm7, $0x8, v5;
	v12 =	vor.u32 v12, v31  }
0xab: {  	v12 =	vor.u32 v15, v12;
	vm9 =	vgt.f32 v10, $0.0e+00;
	v10 =	vshll.u32 v34, $0x4  }
0xac: {  	v35 =	vsel vm8, $0x10, v5;
	v12 =	vor.u32 v33, v12;
	v10 =	vor.u32 v3, v10  }
0xad: {  	v12 =	vor.u32 v35, v12;
	v36 =	vsel vm9, $0x20, v5;
	v37 =	vor.u32 $0x8, v10  }
0xae: {  	v14 =	vsel vm10, $0x40, v5;
	v12 =	vor.u32 v36, v12;
	v11 =	vor.u32 $0x9, v10  }
0xaf: {  	v38 =	vsel vm11, $0x80, v5;
	v39 =	vor.u32 $0xA, v10;
	v12 =	vor.u32 v14, v12  }
0xb0: {  	v40 =	vor.u32 $0xB, v10;
	v12 =	vor.u32 v38, v12  }
0xb1: {  	v41 =	vor.u32 $0xC, v10;
	[tilespmem:$0x1DC70] =	vst v12  }
0xb2: {  	v43 =	vor.u32 $0xE, v10;
	v12 =	vld.idx.msk [tilespmem:v37+s30+$0x0], $0xffff  }
0xb3: {  	v42 =	vor.u32 $0xD, v10;
	v10 =	vor.u32 $0xF, v10;
	v11 =	vld.idx.msk [tilespmem:v11+s30+$0x0], $0xffff  }
0xb4: {  	v15 =	vld.idx.msk [tilespmem:v39+s30+$0x0], $0xffff  }
0xb5: {  	v14 =	vld.idx.msk [tilespmem:v40+s30+$0x0], $0xffff  }
0xb6: {  	v13 =	vld.idx.msk [tilespmem:v41+s30+$0x0], $0xffff  }
0xb7: {  	v45 =	vld.idx.msk [tilespmem:v43+s30+$0x0], $0xffff  }
0xb8: {  	v10 =	vld.idx.msk [tilespmem:v10+s30+$0x0], $0xffff;
	_ =	sdelay $0x1  }
0xb9: {  	s24 =	sadd.s32 $0x30, s18;
	vm13 =	vgt.f32 v11, $0.0e+00;
	v11 =	vld.idx.msk [tilespmem:v42+s30+$0x0], $0xffff  }
0xba: {  	v47 =	vmov s24;
	vm12 =	vgt.f32 v12, $0.0e+00;
	vm14 =	vgt.f32 v15, $0.0e+00  }
0xbb: {  	vm15 =	vgt.f32 v14, $0.0e+00;
	vm4 =	vgt.f32 v13, $0.0e+00;
	vm6 =	vgt.f32 v45, $0.0e+00  }
0xbc: {  	vm7 =	vgt.f32 v10, $0.0e+00;
	v12 =	vsel vm12, $0x1, v5;
	v44 =	vsel vm13, $0x2, v5  }
0xbd: {  	v15 =	vsel vm14, $0x4, v5;
	v46 =	vsel vm15, $0x8, v5;
	v12 =	vor.u32 v12, v44  }
0xbe: {  	v12 =	vor.u32 v15, v12;
	vm5 =	vgt.f32 v11, $0.0e+00;
	v11 =	vshll.u32 v47, $0x4  }
0xbf: {  	v48 =	vsel vm4, $0x10, v5;
	v12 =	vor.u32 v46, v12;
	v11 =	vor.u32 v3, v11  }
0xc0: {  	v12 =	vor.u32 v48, v12;
	v49 =	vsel vm5, $0x20, v5;
	v50 =	vor.u32 $0x8, v11  }
0xc1: {  	v14 =	vsel vm6, $0x40, v5;
	v12 =	vor.u32 v49, v12;
	v10 =	vor.u32 $0x9, v11  }
0xc2: {  	v51 =	vsel vm7, $0x80, v5;
	v52 =	vor.u32 $0xA, v11;
	v12 =	vor.u32 v14, v12  }
0xc3: {  	v53 =	vor.u32 $0xB, v11;
	v12 =	vor.u32 v51, v12  }
0xc4: {  	v54 =	vor.u32 $0xC, v11;
	[tilespmem:$0x1DC80] =	vst v12  }
0xc5: {  	v55 =	vor.u32 $0xD, v11;
	v13 =	vld.idx.msk [tilespmem:v50+s30+$0x0], $0xffff  }
0xc6: {  	v56 =	vor.u32 $0xE, v11;
	v10 =	vld.idx.msk [tilespmem:v10+s30+$0x0], $0xffff  }
0xc7: {  	v11 =	vor.u32 $0xF, v11;
	v15 =	vld.idx.msk [tilespmem:v52+s30+$0x0], $0xffff  }
0xc8: {  	v14 =	vld.idx.msk [tilespmem:v53+s30+$0x0], $0xffff  }
0xc9: {  	v12 =	vld.idx.msk [tilespmem:v54+s30+$0x0], $0xffff  }
0xca: {  	v16 =	vld.idx.msk [tilespmem:v55+s30+$0x0], $0xffff  }
0xcb: {  	vm8 =	vgt.f32 v13, $0.0e+00;
	vm9 =	vgt.f32 v10, $0.0e+00;
	v10 =	vld.idx.msk [tilespmem:v56+s30+$0x0], $0xffff  }
0xcc: {  	v11 =	vld.idx.msk [tilespmem:v11+s30+$0x0], $0xffff;
	vm10 =	vgt.f32 v15, $0.0e+00;
	v13 =	vsel vm8, $0x1, v5;
	v57 =	vsel vm9, $0x2, v5  }
0xcd: {  	vm11 =	vgt.f32 v14, $0.0e+00;
	v15 =	vsel vm10, $0x4, v5;
	v13 =	vor.u32 v13, v57  }
0xce: {  	vm12 =	vgt.f32 v12, $0.0e+00;
	v14 =	vsel vm11, $0x8, v5;
	v13 =	vor.u32 v15, v13  }
0xcf: {  	vm13 =	vgt.f32 v16, $0.0e+00;
	v59 =	vsel vm12, $0x10, v5;
	v58 =	vor.u32 v14, v13  }
0xd0: {  	v60 =	vsel vm13, $0x20, v5;
	v12 =	vor.u32 v59, v58;
	vm14 =	vgt.f32 v10, $0.0e+00  }
0xd1: {  	vm15 =	vgt.f32 v11, $0.0e+00;
	v10 =	vor.u32 v60, v12;
	v61 =	vsel vm14, $0x40, v5  }
0xd2: {  	v11 =	vsel vm15, $0x80, v5;
	v10 =	vor.u32 v61, v10  }
0xd3: {  	v10 =	vor.u32 v11, v10  }
0xd4: {  	[tilespmem:$0x1DC90] =	vst v10  }
0xd5: {  	v10 =	vld.idx.msk [tilespmem:v2+s11+$0x0], $0xffff  }
0xd6: {  	v11 =	vld.idx.msk [tilespmem:v6+s11+$0x0], $0xffff  }
0xd7: {  	v62 =	vld.idx.msk [tilespmem:v7+s11+$0x0], $0xffff  }
0xd8: {  	v63 =	vld.idx.msk [tilespmem:v8+s11+$0x0], $0xffff;
	_ =	sdelay $0x1  }
0xd9: {  	p0 =	sne.s32 s18, $0x1C0  }
.Ltmp2:
0xda: {  	v11 =	vshll.u32 v11, $0x8;
	(pc) =	sbr.rel @p0 .LBB2_7-.Ltmp2, $4  }
0xdb: {  	v10 =	vor.u32 v10, v11;
	v11 =	vshll.u32 v62, $0x10  }
0xdc: {  	v10 =	vor.u32 v11, v10;
	v11 =	vshll.u32 v63, $0x18  }
0xdd: {  	s25 =	sshra.s32 s18, $0x2;
	v10 =	vor.u32 v11, v10  }
0xde: {  	s18 =	sadd.s32 $0x40, s18;
	[tilespmem:v9+s25+$0x0 ss:$0x1] =	vst.idx.msk $0xffff, v10  }
0xdf: {  	s16 =	sadd.s32 $0x1, s16  }
0xe0: {  	p0 =	sne.s32 s16, $0xC  }
.Ltmp3:
0xe1: {  	_ = 	snop;
	(pc) =	sbr.rel @p0 .LBB2_6-.Ltmp3, $2  }
0xe2: {  	_ =	sdelay $0x2  }
0xe3: {  	s17 =	sadd.s32 $0x80, s17  }
0xe4: {  	[tilespmem:s30], [sflag:$0x1] =	stream.linear.gather [spmem:s9], $0x800, $0x38;
	[tilespmem:$0x1DE60] =	vst v63  }
0xe5: {  	_ =	swait.ge [sflag:s31], $0x800  }
0xe6: {  	[sflag:s31] =	ssyncset.done $0x0  }
0xe7: {  	s16 =	simm.s32 $0x0;
	p0 =	por $0x1, $0x1;
	[sflag:s31] =	ssyncadd.s32 $0xFFFFF800  }
.LBB2_10:
0xe8: {  	v9 =	vmov s16  }
0xe9: {  	v9 =	vshll.u32 v9, $0x4  }
0xea: {  	v9 =	vor.u32 v3, v9  }
0xeb: {  	v10 =	vor.u32 $0x8, v9  }
0xec: {  	v11 =	vor.u32 $0x9, v9  }
0xed: {  	v12 =	vor.u32 $0xA, v9  }
0xee: {  	v13 =	vor.u32 $0xB, v9  }
0xef: {  	v14 =	vor.u32 $0xC, v9  }
0xf0: {  	v16 =	vor.u32 $0xE, v9;
	v10 =	vld.idx.msk [tilespmem:v10+s30+$0x0], $0xffff  }
0xf1: {  	v15 =	vor.u32 $0xD, v9;
	v9 =	vor.u32 $0xF, v9;
	v11 =	vld.idx.msk [tilespmem:v11+s30+$0x0], $0xffff  }
0xf2: {  	v12 =	vld.idx.msk [tilespmem:v12+s30+$0x0], $0xffff  }
0xf3: {  	v13 =	vld.idx.msk [tilespmem:v13+s30+$0x0], $0xffff  }
0xf4: {  	v14 =	vld.idx.msk [tilespmem:v14+s30+$0x0], $0xffff  }
0xf5: {  	v24 =	vld.idx.msk [tilespmem:v16+s30+$0x0], $0xffff  }
0xf6: {  	v9 =	vld.idx.msk [tilespmem:v9+s30+$0x0], $0xffff;
	_ =	sdelay $0x1  }
0xf7: {  	s17 =	sor.u32 $0x10, s16;
	vm0 =	vgt.f32 v10, $0.0e+00;
	v10 =	vld.idx.msk [tilespmem:v15+s30+$0x0], $0xffff  }
0xf8: {  	v26 =	vmov s17;
	vm1 =	vgt.f32 v11, $0.0e+00;
	vm10 =	vgt.f32 v12, $0.0e+00  }
0xf9: {  	vm11 =	vgt.f32 v13, $0.0e+00;
	vm12 =	vgt.f32 v14, $0.0e+00;
	vm14 =	vgt.f32 v24, $0.0e+00  }
0xfa: {  	vm15 =	vgt.f32 v9, $0.0e+00;
	v11 =	vsel vm0, $0x1, v5;
	v23 =	vsel vm1, $0x2, v5  }
0xfb: {  	v12 =	vsel vm10, $0x4, v5;
	v25 =	vsel vm11, $0x8, v5;
	v11 =	vor.u32 v11, v23  }
0xfc: {  	v11 =	vor.u32 v12, v11;
	vm13 =	vgt.f32 v10, $0.0e+00;
	v10 =	vshll.u32 v26, $0x4  }
0xfd: {  	v14 =	vsel vm12, $0x10, v5;
	v11 =	vor.u32 v25, v11;
	v10 =	vor.u32 v3, v10  }
0xfe: {  	v11 =	vor.u32 v14, v11;
	v27 =	vsel vm13, $0x20, v5;
	v28 =	vor.u32 $0x8, v10  }
0xff: {  	v13 =	vsel vm14, $0x40, v5;
	v11 =	vor.u32 v27, v11;
	v9 =	vor.u32 $0x9, v10  }
0x100: {  	v29 =	vsel vm15, $0x80, v5;
	v30 =	vor.u32 $0xA, v10;
	v11 =	vor.u32 v13, v11  }
0x101: {  	v31 =	vor.u32 $0xB, v10;
	v11 =	vor.u32 v29, v11  }
0x102: {  	v32 =	vor.u32 $0xC, v10;
	[tilespmem:$0x1DC60] =	vst v11  }
0x103: {  	v34 =	vor.u32 $0xE, v10;
	v11 =	vld.idx.msk [tilespmem:v28+s30+$0x0], $0xffff  }
0x104: {  	v33 =	vor.u32 $0xD, v10;
	v10 =	vor.u32 $0xF, v10;
	v9 =	vld.idx.msk [tilespmem:v9+s30+$0x0], $0xffff  }
0x105: {  	v14 =	vld.idx.msk [tilespmem:v30+s30+$0x0], $0xffff  }
0x106: {  	v13 =	vld.idx.msk [tilespmem:v31+s30+$0x0], $0xffff  }
0x107: {  	v12 =	vld.idx.msk [tilespmem:v32+s30+$0x0], $0xffff  }
0x108: {  	v36 =	vld.idx.msk [tilespmem:v34+s30+$0x0], $0xffff  }
0x109: {  	v10 =	vld.idx.msk [tilespmem:v10+s30+$0x0], $0xffff;
	_ =	sdelay $0x1  }
0x10a: {  	s23 =	sor.u32 $0x20, s16;
	vm5 =	vgt.f32 v9, $0.0e+00;
	v9 =	vld.idx.msk [tilespmem:v33+s30+$0x0], $0xffff  }
0x10b: {  	v38 =	vmov s23;
	vm4 =	vgt.f32 v11, $0.0e+00;
	vm6 =	vgt.f32 v14, $0.0e+00  }
0x10c: {  	vm7 =	vgt.f32 v13, $0.0e+00;
	vm8 =	vgt.f32 v12, $0.0e+00;
	vm10 =	vgt.f32 v36, $0.0e+00  }
0x10d: {  	vm11 =	vgt.f32 v10, $0.0e+00;
	v11 =	vsel vm4, $0x1, v5;
	v35 =	vsel vm5, $0x2, v5  }
0x10e: {  	v14 =	vsel vm6, $0x4, v5;
	v37 =	vsel vm7, $0x8, v5;
	v11 =	vor.u32 v11, v35  }
0x10f: {  	v11 =	vor.u32 v14, v11;
	vm9 =	vgt.f32 v9, $0.0e+00;
	v9 =	vshll.u32 v38, $0x4  }
0x110: {  	v39 =	vsel vm8, $0x10, v5;
	v11 =	vor.u32 v37, v11;
	v9 =	vor.u32 v3, v9  }
0x111: {  	v11 =	vor.u32 v39, v11;
	v40 =	vsel vm9, $0x20, v5;
	v41 =	vor.u32 $0x8, v9  }
0x112: {  	v13 =	vsel vm10, $0x40, v5;
	v11 =	vor.u32 v40, v11;
	v10 =	vor.u32 $0x9, v9  }
0x113: {  	v42 =	vsel vm11, $0x80, v5;
	v43 =	vor.u32 $0xA, v9;
	v11 =	vor.u32 v13, v11  }
0x114: {  	v44 =	vor.u32 $0xB, v9;
	v11 =	vor.u32 v42, v11  }
0x115: {  	v45 =	vor.u32 $0xC, v9;
	[tilespmem:$0x1DC70] =	vst v11  }
0x116: {  	v47 =	vor.u32 $0xE, v9;
	v11 =	vld.idx.msk [tilespmem:v41+s30+$0x0], $0xffff  }
0x117: {  	v46 =	vor.u32 $0xD, v9;
	v9 =	vor.u32 $0xF, v9;
	v10 =	vld.idx.msk [tilespmem:v10+s30+$0x0], $0xffff  }
0x118: {  	v14 =	vld.idx.msk [tilespmem:v43+s30+$0x0], $0xffff  }
0x119: {  	v13 =	vld.idx.msk [tilespmem:v44+s30+$0x0], $0xffff  }
0x11a: {  	v12 =	vld.idx.msk [tilespmem:v45+s30+$0x0], $0xffff  }
0x11b: {  	v49 =	vld.idx.msk [tilespmem:v47+s30+$0x0], $0xffff  }
0x11c: {  	v9 =	vld.idx.msk [tilespmem:v9+s30+$0x0], $0xffff;
	_ =	sdelay $0x1  }
0x11d: {  	s24 =	sor.u32 $0x30, s16;
	vm13 =	vgt.f32 v10, $0.0e+00;
	v10 =	vld.idx.msk [tilespmem:v46+s30+$0x0], $0xffff  }
0x11e: {  	v51 =	vmov s24;
	vm12 =	vgt.f32 v11, $0.0e+00;
	vm14 =	vgt.f32 v14, $0.0e+00  }
0x11f: {  	vm15 =	vgt.f32 v13, $0.0e+00;
	vm4 =	vgt.f32 v12, $0.0e+00;
	vm6 =	vgt.f32 v49, $0.0e+00  }
0x120: {  	vm7 =	vgt.f32 v9, $0.0e+00;
	v11 =	vsel vm12, $0x1, v5;
	v48 =	vsel vm13, $0x2, v5  }
0x121: {  	v14 =	vsel vm14, $0x4, v5;
	v50 =	vsel vm15, $0x8, v5;
	v11 =	vor.u32 v11, v48  }
0x122: {  	v11 =	vor.u32 v14, v11;
	vm5 =	vgt.f32 v10, $0.0e+00;
	v10 =	vshll.u32 v51, $0x4  }
0x123: {  	v52 =	vsel vm4, $0x10, v5;
	v11 =	vor.u32 v50, v11;
	v10 =	vor.u32 v3, v10  }
0x124: {  	v11 =	vor.u32 v52, v11;
	v53 =	vsel vm5, $0x20, v5;
	v54 =	vor.u32 $0x8, v10  }
0x125: {  	v13 =	vsel vm6, $0x40, v5;
	v11 =	vor.u32 v53, v11;
	v9 =	vor.u32 $0x9, v10  }
0x126: {  	v55 =	vsel vm7, $0x80, v5;
	v56 =	vor.u32 $0xA, v10;
	v11 =	vor.u32 v13, v11  }
0x127: {  	v57 =	vor.u32 $0xB, v10;
	v11 =	vor.u32 v55, v11  }
0x128: {  	[tilespmem:$0x1DC80] =	vst v11;
	v11 =	vor.u32 $0xC, v10  }
0x129: {  	v58 =	vor.u32 $0xD, v10;
	v12 =	vld.idx.msk [tilespmem:v54+s30+$0x0], $0xffff  }
0x12a: {  	v59 =	vor.u32 $0xE, v10;
	v9 =	vld.idx.msk [tilespmem:v9+s30+$0x0], $0xffff  }
0x12b: {  	v10 =	vor.u32 $0xF, v10;
	v14 =	vld.idx.msk [tilespmem:v56+s30+$0x0], $0xffff  }
0x12c: {  	v13 =	vld.idx.msk [tilespmem:v57+s30+$0x0], $0xffff  }
0x12d: {  	v11 =	vld.idx.msk [tilespmem:v11+s30+$0x0], $0xffff  }
0x12e: {  	v15 =	vld.idx.msk [tilespmem:v58+s30+$0x0], $0xffff  }
0x12f: {  	vm8 =	vgt.f32 v12, $0.0e+00;
	vm9 =	vgt.f32 v9, $0.0e+00;
	v9 =	vld.idx.msk [tilespmem:v59+s30+$0x0], $0xffff  }
0x130: {  	v10 =	vld.idx.msk [tilespmem:v10+s30+$0x0], $0xffff;
	vm10 =	vgt.f32 v14, $0.0e+00;
	v12 =	vsel vm8, $0x1, v5;
	v60 =	vsel vm9, $0x2, v5  }
0x131: {  	vm11 =	vgt.f32 v13, $0.0e+00;
	v14 =	vsel vm10, $0x4, v5;
	v12 =	vor.u32 v12, v60  }
0x132: {  	v13 =	vsel vm11, $0x8, v5;
	v12 =	vor.u32 v14, v12;
	vm12 =	vgt.f32 v11, $0.0e+00  }
0x133: {  	vm13 =	vgt.f32 v15, $0.0e+00;
	v11 =	vor.u32 v13, v12;
	v61 =	vsel vm12, $0x10, v5  }
0x134: {  	v62 =	vsel vm13, $0x20, v5;
	v11 =	vor.u32 v61, v11;
	vm14 =	vgt.f32 v9, $0.0e+00  }
0x135: {  	vm15 =	vgt.f32 v10, $0.0e+00;
	v9 =	vor.u32 v62, v11;
	v11 =	vsel vm14, $0x40, v5  }
0x136: {  	v10 =	vsel vm15, $0x80, v5;
	v9 =	vor.u32 v11, v9  }
0x137: {  	v9 =	vor.u32 v10, v9  }
0x138: {  	[tilespmem:$0x1DC90] =	vst v9  }
0x139: {  	v9 =	vld.idx.msk [tilespmem:v2+s11+$0x0], $0xffff  }
0x13a: {  	v10 =	vld.idx.msk [tilespmem:v6+s11+$0x0], $0xffff  }
0x13b: {  	v11 =	vld.idx.msk [tilespmem:v7+s11+$0x0], $0xffff  }
0x13c: {  	v63 =	vld.idx.msk [tilespmem:v8+s11+$0x0], $0xffff;
	_ =	sdelay $0x1  }
0x13d: {  	p1 =	por p0, p0  }
.Ltmp4:
0x13e: {  	v10 =	vshll.u32 v10, $0x8;
	(pc) =	sbr.rel @p1 .LBB2_10-.Ltmp4, $4  }
0x13f: {  	v9 =	vor.u32 v9, v10;
	v10 =	vshll.u32 v11, $0x10  }
0x140: {  	v9 =	vor.u32 v10, v9;
	v10 =	vshll.u32 v63, $0x18  }
0x141: {  	s25 =	sshra.s32 s16, $0x2;
	v9 =	vor.u32 v10, v9  }
0x142: {  	s16 =	simm.s32 $0x40;
	p0 =	por $0x0, $0x0;
	[tilespmem:s25+$0x1B820] =	vst v9  }
0x143: {  	s16 =	rddreg [dreg:$0x7];
	s17 =	simm.s32 $0x1B220  }
0x144: {  	[spmem:s16] =	stream.linear.scatter [tilespmem:s17], [sflag:$0x1], $0x620, $0x38;
	[tilespmem:$0x1DE60] =	vst v63  }
0x145: {  	_ =	swait.ge [sflag:s31], $0x620  }
0x146: {  	[sflag:s31] =	ssyncset.done $0x0  }
0x147: {  	s18 =	simm.s32 $0x0;
	[sflag:s31] =	ssyncadd.s32 $0xFFFFF9E0  }
0x148: {  	s16 =	simm.s32 $0x0;
	s17 =	simm.s32 $0x1;
	v9 =	vor.u32 s18, v0;
	[bflag:$0x0] =	sbarrier.arrive $0xFFFF  }
.LBB2_12:
0x149: {  	p0 =	sne.s32 s17, $0x1FF  }
.Ltmp5:
0x14a: {  	_ = 	snop;
	(pc) =	sbr.rel @p0 .LBB2_12-.Ltmp5, $3  }
0x14b: {  	_ =	sdelay $0x1  }
0x14c: {  	s18 =	sshll.u32 s17, $0x4;
	s17 =	sadd.s32 $0x1, s17;
	[tilespmem:v9+s30+$0x0] =	vst.idx.msk $0xffff, v1  }
0x14d: {  	v9 =	vor.u32 s18, v0  }
.Ltmp6:
0x14e: {  	_ = 	snop;
	(pc) =	sbr.rel .LBB2_14-.Ltmp6, $2  }
0x14f: {  	_ =	sdelay $0x2  }
0x150: {  	[tilespmem:v9+s30+$0x0] =	vst.idx.msk $0xffff, v1;
	s17 =	simm.s32 $0x0  }
.LBB2_22:
0x151: {  	s17 =	sadd.s32 $0x1, s17  }
0x152: {  	p0 =	sne.s32 s17, $0x30  }
.Ltmp7:
0x153: {  	_ = 	snop;
	(pc) =	sbr.rel @!p0 .LBB2_23-.Ltmp7, $1  }
0x154: {  	_ =	sdelay $0x3  }
.LBB2_14:
0x155: {  	s18 =	sshll.u32 s17, $0xB  }
0x156: {  	s18 =	sadd.s32 s10, s18  }
0x157: {  	s18 =	sshrl.u32 s18, $0x3  }
0x158: {  	s20 =	simm.s32 $0x0;
	s19 =	sadd.s32 s5, s18  }
0x159: {  	[tilespmem:s12], [sflag:$0x1] =	stream.linear.gather [hbm4b:s19+s20], $0x800, $0x38;
	[tilespmem:$0x1DE60] =	vst v63  }
0x15a: {  	_ =	swait.ge [sflag:s31], $0x800  }
0x15b: {  	[sflag:s31] =	ssyncset.done $0x0  }
0x15c: {  	s18 =	sadd.s32 s6, s18;
	[sflag:s31] =	ssyncadd.s32 $0xFFFFF800  }
0x15d: {  	[tilespmem:s13], [sflag:$0x1] =	stream.linear.gather [hbm4b:s18+s20], $0x800, $0x38;
	[tilespmem:$0x1DE60] =	vst v63  }
0x15e: {  	_ =	swait.ge [sflag:s31], $0x800  }
0x15f: {  	[sflag:s31] =	ssyncset.done $0x0  }
0x160: {  	s18 =	simm.s32 $0x0;
	[sflag:s31] =	ssyncadd.s32 $0xFFFFF800  }
0x161: {  	s19 =	simm.s32 $0x40;
	v9 =	vld [tilespmem:s18+$0x1B840]  }
.LBB2_15:
0x162: {  	p0 =	sne.s32 s19, $0x1FC0  }
.Ltmp8:
0x163: {  	_ = 	snop;
	(pc) =	sbr.rel @p0 .LBB2_15-.Ltmp8, $3  }
0x164: {  	_ =	sdelay $0x1  }
0x165: {  	s20 =	sshra.s32 s19, $0x2;
	s19 =	sadd.s32 $0x40, s19;
	v10 =	vshrl.u32 v9, $0x2  }
0x166: {  	v9 =	vld [tilespmem:s20+$0x1B840];
	[tilespmem:s18+$0x1C840] =	vst v10;
	s18 =	smov.u32 s20  }
0x167: {  	_ =	sdelay $0x3  }
0x168: {  	v9 =	vshrl.u32 v9, $0x2  }
.Ltmp9:
0x169: {  	[tilespmem:s18+$0x1C840] =	vst v9;
	(pc) =	sbr.rel .LBB2_17-.Ltmp9, $4  }
0x16a: {  	[tilespmem:s15], [sflag:$0x1] =	stream.indirect.gather [spmem:s3], $0x1, s14, s0, $0xb8;
	[tilespmem:$0x1DE60] =	vst v63  }
0x16b: {  	_ =	swait.ge [sflag:s31], $0x800  }
0x16c: {  	[sflag:s31] =	ssyncset.done $0x0  }
0x16d: {  	s19 =	simm.s32 $0x0;
	s18 =	simm.s32 $0x0;
	[sflag:s31] =	ssyncadd.s32 $0xFFFFF800  }
.LBB2_20:
0x16e: {  	[tilespmem:s24+$0x0] =	vst v9  }
0x16f: {  	[spmem:s2] =	stream.indirect.scatter.add.f32 [tilespmem:s30], [sflag:$0x1], $0x10, s11, s1, $0xb8;
	[tilespmem:$0x1DE60] =	vst v63  }
0x170: {  	_ =	swait.ge [sflag:s31], $0x2000  }
0x171: {  	[sflag:s31] =	ssyncset.done $0x0  }
0x172: {  	[sflag:s31] =	ssyncadd.s32 $0xFFFFE000  }
0x173: {  	v9 =	vld [tilespmem:$0x1DA40]  }
0x174: {  	v10 =	vld [tilespmem:$0x1DC50];
	_ =	sdelay $0x3  }
0x175: {  	[tilespmem:$0x1D840] =	vst v9  }
0x176: {  	[tilespmem:$0x1DA50] =	vst v10  }
.LBB2_21:
0x177: {  	s19 =	sadd.s32 $0x1, s19  }
0x178: {  	p1 =	sne.s32 s19, $0x80  }
.Ltmp10:
0x179: {  	_ = 	snop;
	(pc) =	sbr.rel @!p1 .LBB2_22-.Ltmp10, $3  }
0x17a: {  	_ =	sdelay $0x1  }
0x17b: {  	p0 =	sgt.s32 s16, $0x1FF;
	s20 =	sadd.s32 $0xFFFFFE00, s16  }
0x17c: {  	s16 =	smov.u32 @p0 s20  }
.LBB2_17:
0x17d: {  	s20 =	sshll.u32 s19, $0x4  }
0x17e: {  	v9 =	vld [tilespmem:s20+$0x1B840];
	_ =	sdelay $0x1  }
0x17f: {  	v10 =	vld [tilespmem:s20+$0x1D040];
	_ =	sdelay $0x2  }
0x180: {  	v9 =	vshll.u32 v9, $0x3  }
0x181: {  	v9 =	vand.u32 $0x18, v9  }
0x182: {  	v9 =	vshrl.u32 v10, v9  }
0x183: {  	v9 =	vand.u32 $0xFF, v9  }
0x184: {  	vm0 =	vne.s32 v9, $0x0  }
0x185: {  	v10 =	vsel vm0, $0x1, v5  }
0x186: {  	(xrf0) =	vadd.scan.msk.s32 $0xffff, v10;
	_ =	sdelay $0x5  }
0x187: {  	v10, _, _ =	vpop (xrf0)  }
0x188: {  	(v2sf) =	vpush v10, $0xF;
	_ =	sdelay $0x9  }
0x189: {  	v10 =	vld [tilespmem:s20+$0x1C040];
	_ =	sdelay $0x4  }
0x18a: {  	[tilespmem:s16+$0x1D840] =	vst.msk vm0, v10;
	s25 =	spop (v2sf)  }
0x18b: {  	[tilespmem:s16+$0x1DA50] =	vst.msk vm0, v9;
	s16 =	sadd.s32 s16, s25  }
0x18c: {  	p0 =	slt.s32 s16, $0x200  }
.Ltmp11:
0x18d: {  	_ = 	snop;
	(pc) =	sbr.rel @p0 .LBB2_21-.Ltmp11, $1  }
0x18e: {  	_ =	sdelay $0x3  }
0x18f: {  	s20 =	simm.s32 $0x1DA50  }
0x190: {  	v9 =	vmov s18;
	v10 =	vld [tilespmem:s20+$0x0]  }
0x191: {  	v9 =	vshll.u32 v9, $0x4  }
0x192: {  	v9 =	vor.u32 v3, v9  }
0x193: {  	v11 =	vor.u32 $0x1, v9;
	v12 =	vor.u32 $0x2, v9;
	v13 =	vor.u32 $0x4, v9  }
0x194: {  	v14 =	vor.u32 $0x3, v9;
	v15 =	vor.u32 $0x5, v9;
	v16 =	vor.u32 $0x6, v9  }
0x195: {  	v17 =	vor.u32 $0x7, v9;
	v18 =	vand.u32 $0x1, v10;
	v19 =	vshrl.u32 v10, $0x1  }
0x196: {  	v20 =	vshrl.u32 v10, $0x2;
	v18 =	vcvt.s32.f32 v18;
	v19 =	vand.u32 $0x1, v19  }
0x197: {  	v21 =	vshrl.u32 v10, $0x3;
	v20 =	vand.u32 $0x1, v20;
	v19 =	vcvt.s32.f32 v19  }
0x198: {  	v22 =	vshrl.u32 v10, $0x4;
	v58 =	vand.u32 $0x1, v21;
	[tilespmem:v9+s30+$0x0] =	vst.idx.msk $0xffff, v18;
	v9 =	vcvt.s32.f32 v20  }
0x199: {  	v60 =	vshrl.u32 v10, $0x5;
	v59 =	vand.u32 $0x1, v22;
	[tilespmem:v11+s30+$0x0] =	vst.idx.msk $0xffff, v19;
	v11 =	vcvt.s32.f32 v58  }
0x19a: {  	v61 =	vshrl.u32 v10, $0x6;
	v62 =	vand.u32 $0x1, v60;
	[tilespmem:v12+s30+$0x0] =	vst.idx.msk $0xffff, v9;
	v9 =	vcvt.s32.f32 v59  }
0x19b: {  	v10 =	vshrl.u32 v10, $0x7;
	v63 =	vand.u32 $0x1, v61;
	[tilespmem:v14+s30+$0x0] =	vst.idx.msk $0xffff, v11;
	v11 =	vcvt.s32.f32 v62  }
0x19c: {  	v10 =	vand.u32 $0x1, v10;
	[tilespmem:v13+s30+$0x0] =	vst.idx.msk $0xffff, v9;
	v9 =	vcvt.s32.f32 v63  }
0x19d: {  	v10 =	vcvt.s32.f32 v10;
	[tilespmem:v15+s30+$0x0] =	vst.idx.msk $0xffff, v11  }
0x19e: {  	[tilespmem:v16+s30+$0x0] =	vst.idx.msk $0xffff, v9  }
0x19f: {  	s21 =	simm.s32 $0x1D840;
	[tilespmem:v17+s30+$0x0] =	vst.idx.msk $0xffff, v10  }
0x1a0: {  	v9 =	vld [tilespmem:s21+$0x0]  }
0x1a1: {  	s22 =	simm.s32 $0x1DC60;
	s23 =	simm.s32 $0x10;
	s24 =	simm.s32 $0x1DC60  }
.LBB2_19:
0x1a2: {  	s20 =	sadd.s32 $0x10, s20;
	s21 =	sadd.s32 $0x10, s21;
	s22 =	sadd.s32 $0x10, s22  }
0x1a3: {  	p0 =	sne.s32 s23, $0x1F0;
	s25 =	smov.u32 s23;
	s23 =	sadd.s32 $0x10, s23  }
0x1a4: {  	v10 =	vmov s25  }
0x1a5: {  	v10 =	vshll.u32 v10, $0x4;
	[tilespmem:s24+$0x0] =	vst v9;
	s24 =	smov.u32 s22  }
0x1a6: {  	v10 =	vor.u32 v3, v10;
	v9 =	vld [tilespmem:s20+$0x0]  }
0x1a7: {  	v11 =	vor.u32 $0x1, v10;
	v12 =	vor.u32 $0x2, v10;
	v13 =	vor.u32 $0x4, v10  }
0x1a8: {  	v14 =	vor.u32 $0x3, v10;
	_ =	sdelay $0x1  }
0x1a9: {  	v15 =	vor.u32 $0x5, v10;
	v16 =	vor.u32 $0x6, v10;
	v17 =	vor.u32 $0x7, v10  }
0x1aa: {  	v18 =	vand.u32 $0x1, v9;
	v19 =	vshrl.u32 v9, $0x1;
	v20 =	vshrl.u32 v9, $0x2  }
0x1ab: {  	v18 =	vcvt.s32.f32 v18;
	v19 =	vand.u32 $0x1, v19;
	v20 =	vand.u32 $0x1, v20  }
0x1ac: {  	v21 =	vshrl.u32 v9, $0x3;
	v22 =	vshrl.u32 v9, $0x4;
	v19 =	vcvt.s32.f32 v19  }
0x1ad: {  	[tilespmem:v10+s30+$0x0] =	vst.idx.msk $0xffff, v18;
	v10 =	vcvt.s32.f32 v20;
	v18 =	vand.u32 $0x1, v21;
	v20 =	vand.u32 $0x1, v22  }
0x1ae: {  	[tilespmem:v11+s30+$0x0] =	vst.idx.msk $0xffff, v19;
	v11 =	vcvt.s32.f32 v18;
	v18 =	vshrl.u32 v9, $0x5;
	v19 =	vshrl.u32 v9, $0x6  }
0x1af: {  	[tilespmem:v12+s30+$0x0] =	vst.idx.msk $0xffff, v10;
	v10 =	vcvt.s32.f32 v20;
	v12 =	vand.u32 $0x1, v18;
	v18 =	vand.u32 $0x1, v19  }
0x1b0: {  	v9 =	vshrl.u32 v9, $0x7;
	[tilespmem:v14+s30+$0x0] =	vst.idx.msk $0xffff, v11;
	v11 =	vcvt.s32.f32 v12  }
.Ltmp12:
0x1b1: {  	v9 =	vand.u32 $0x1, v9;
	[tilespmem:v13+s30+$0x0] =	vst.idx.msk $0xffff, v10;
	v10 =	vcvt.s32.f32 v18;
	(pc) =	sbr.rel @p0 .LBB2_19-.Ltmp12, $4  }
0x1b2: {  	v9 =	vcvt.s32.f32 v9;
	[tilespmem:v15+s30+$0x0] =	vst.idx.msk $0xffff, v11  }
0x1b3: {  	[tilespmem:v16+s30+$0x0] =	vst.idx.msk $0xffff, v10  }
0x1b4: {  	[tilespmem:v17+s30+$0x0] =	vst.idx.msk $0xffff, v9  }
0x1b5: {  	v9 =	vld [tilespmem:s21+$0x0]  }
.Ltmp13:
0x1b6: {  	_ = 	snop;
	(pc) =	sbr.rel .LBB2_20-.Ltmp13, $1  }
0x1b7: {  	_ =	sdelay $0x3  }
.LBB2_23:
0x1b8: {  	s17 =	simm.s32 $0x0;
	s18 =	rddreg [dreg:$0x8]  }
0x1b9: {  	[tilespmem:s12], [sflag:$0x1] =	stream.linear.gather [hbm4b:s18+s17], $0x6A0, $0x38;
	[tilespmem:$0x1DE60] =	vst v63  }
0x1ba: {  	_ =	swait.ge [sflag:s31], $0x6A0  }
0x1bb: {  	[sflag:s31] =	ssyncset.done $0x0  }
0x1bc: {  	s25 =	rddreg [dreg:$0x9];
	[sflag:s31] =	ssyncadd.s32 $0xFFFFF960  }
0x1bd: {  	[tilespmem:s13], [sflag:$0x1] =	stream.linear.gather [hbm4b:s25+s17], $0x6A0, $0x38;
	[tilespmem:$0x1DE60] =	vst v63  }
0x1be: {  	_ =	swait.ge [sflag:s31], $0x6A0  }
0x1bf: {  	[sflag:s31] =	ssyncset.done $0x0  }
0x1c0: {  	s17 =	simm.s32 $0x0;
	[sflag:s31] =	ssyncadd.s32 $0xFFFFF960  }
0x1c1: {  	s18 =	simm.s32 $0x40;
	v9 =	vld [tilespmem:s17+$0x1B840]  }
.LBB2_24:
0x1c2: {  	p0 =	sne.s32 s18, $0x1A40  }
.Ltmp14:
0x1c3: {  	_ = 	snop;
	(pc) =	sbr.rel @p0 .LBB2_24-.Ltmp14, $3  }
0x1c4: {  	_ =	sdelay $0x1  }
0x1c5: {  	s19 =	sshra.s32 s18, $0x2;
	s18 =	sadd.s32 $0x40, s18;
	v10 =	vshrl.u32 v9, $0x2  }
0x1c6: {  	v9 =	vld [tilespmem:s19+$0x1B840];
	[tilespmem:s17+$0x1C840] =	vst v10;
	s17 =	smov.u32 s19  }
0x1c7: {  	_ =	sdelay $0x3  }
0x1c8: {  	v9 =	vshrl.u32 v9, $0x2  }
.Ltmp15:
0x1c9: {  	s25 =	simm.s32 $0x6A0;
	[tilespmem:s17+$0x1C840] =	vst v9;
	(pc) =	sbr.rel .LBB2_26-.Ltmp15, $4  }
0x1ca: {  	[tilespmem:s15], [sflag:$0x1] =	stream.indirect.gather [spmem:s3], $0x1, s14, s25, $0xb8;
	[tilespmem:$0x1DE60] =	vst v63  }
0x1cb: {  	_ =	swait.ge [sflag:s31], $0x6A0  }
0x1cc: {  	[sflag:s31] =	ssyncset.done $0x0  }
0x1cd: {  	s18 =	simm.s32 $0x0;
	s17 =	simm.s32 $0x0;
	[sflag:s31] =	ssyncadd.s32 $0xFFFFF960  }
.LBB2_30:
0x1ce: {  	s18 =	sadd.s32 $0x1, s18  }
0x1cf: {  	p1 =	sne.s32 s18, $0x6A  }
.Ltmp16:
0x1d0: {  	_ = 	snop;
	(pc) =	sbr.rel @!p1 .LBB2_31-.Ltmp16, $3  }
0x1d1: {  	_ =	sdelay $0x1  }
0x1d2: {  	p0 =	sgt.s32 s16, $0x1FF;
	s19 =	sadd.s32 $0xFFFFFE00, s16  }
0x1d3: {  	s16 =	smov.u32 @p0 s19  }
.LBB2_26:
0x1d4: {  	s19 =	sshll.u32 s18, $0x4  }
0x1d5: {  	v9 =	vld [tilespmem:s19+$0x1B840];
	_ =	sdelay $0x1  }
0x1d6: {  	v10 =	vld [tilespmem:s19+$0x1D040];
	_ =	sdelay $0x2  }
0x1d7: {  	v9 =	vshll.u32 v9, $0x3  }
0x1d8: {  	v9 =	vand.u32 $0x18, v9  }
0x1d9: {  	v9 =	vshrl.u32 v10, v9  }
0x1da: {  	v9 =	vand.u32 $0xFF, v9  }
0x1db: {  	vm0 =	vne.s32 v9, $0x0  }
0x1dc: {  	v10 =	vsel vm0, $0x1, v5  }
0x1dd: {  	(xrf0) =	vadd.scan.msk.s32 $0xffff, v10;
	_ =	sdelay $0x5  }
0x1de: {  	v10, _, _ =	vpop (xrf0)  }
0x1df: {  	(v2sf) =	vpush v10, $0xF;
	_ =	sdelay $0x9  }
0x1e0: {  	v10 =	vld [tilespmem:s19+$0x1C040];
	_ =	sdelay $0x4  }
0x1e1: {  	[tilespmem:s16+$0x1D840] =	vst.msk vm0, v10;
	s25 =	spop (v2sf)  }
0x1e2: {  	[tilespmem:s16+$0x1DA50] =	vst.msk vm0, v9;
	s16 =	sadd.s32 s16, s25  }
0x1e3: {  	p0 =	slt.s32 s16, $0x200  }
.Ltmp17:
0x1e4: {  	_ = 	snop;
	(pc) =	sbr.rel @p0 .LBB2_30-.Ltmp17, $1  }
0x1e5: {  	_ =	sdelay $0x3  }
0x1e6: {  	s19 =	simm.s32 $0x1DA50  }
0x1e7: {  	v9 =	vmov s17;
	v10 =	vld [tilespmem:s19+$0x0]  }
0x1e8: {  	v9 =	vshll.u32 v9, $0x4  }
0x1e9: {  	v9 =	vor.u32 v3, v9  }
0x1ea: {  	v11 =	vor.u32 $0x1, v9;
	v12 =	vor.u32 $0x2, v9;
	v13 =	vor.u32 $0x4, v9  }
0x1eb: {  	v14 =	vor.u32 $0x3, v9;
	v15 =	vor.u32 $0x5, v9;
	v16 =	vor.u32 $0x6, v9  }
0x1ec: {  	v17 =	vor.u32 $0x7, v9;
	v18 =	vand.u32 $0x1, v10;
	v19 =	vshrl.u32 v10, $0x1  }
0x1ed: {  	v20 =	vshrl.u32 v10, $0x2;
	v18 =	vcvt.s32.f32 v18;
	v19 =	vand.u32 $0x1, v19  }
0x1ee: {  	v21 =	vshrl.u32 v10, $0x3;
	v20 =	vand.u32 $0x1, v20;
	v19 =	vcvt.s32.f32 v19  }
0x1ef: {  	v22 =	vshrl.u32 v10, $0x4;
	v58 =	vand.u32 $0x1, v21;
	[tilespmem:v9+s30+$0x0] =	vst.idx.msk $0xffff, v18;
	v9 =	vcvt.s32.f32 v20  }
0x1f0: {  	v60 =	vshrl.u32 v10, $0x5;
	v59 =	vand.u32 $0x1, v22;
	[tilespmem:v11+s30+$0x0] =	vst.idx.msk $0xffff, v19;
	v11 =	vcvt.s32.f32 v58  }
0x1f1: {  	v61 =	vshrl.u32 v10, $0x6;
	v62 =	vand.u32 $0x1, v60;
	[tilespmem:v12+s30+$0x0] =	vst.idx.msk $0xffff, v9;
	v9 =	vcvt.s32.f32 v59  }
0x1f2: {  	v10 =	vshrl.u32 v10, $0x7;
	v63 =	vand.u32 $0x1, v61;
	[tilespmem:v14+s30+$0x0] =	vst.idx.msk $0xffff, v11;
	v11 =	vcvt.s32.f32 v62  }
0x1f3: {  	v10 =	vand.u32 $0x1, v10;
	[tilespmem:v13+s30+$0x0] =	vst.idx.msk $0xffff, v9;
	v9 =	vcvt.s32.f32 v63  }
0x1f4: {  	v10 =	vcvt.s32.f32 v10;
	[tilespmem:v15+s30+$0x0] =	vst.idx.msk $0xffff, v11  }
0x1f5: {  	[tilespmem:v16+s30+$0x0] =	vst.idx.msk $0xffff, v9  }
0x1f6: {  	s20 =	simm.s32 $0x1D840;
	[tilespmem:v17+s30+$0x0] =	vst.idx.msk $0xffff, v10  }
0x1f7: {  	s21 =	simm.s32 $0x1DC60;
	s22 =	simm.s32 $0x10;
	s23 =	simm.s32 $0x1DC60;
	v9 =	vld [tilespmem:s20+$0x0]  }
.LBB2_28:
0x1f8: {  	_ = 	snop  }
0x1f9: {  	s19 =	sadd.s32 $0x10, s19;
	s20 =	sadd.s32 $0x10, s20;
	s21 =	sadd.s32 $0x10, s21  }
0x1fa: {  	p0 =	sne.s32 s22, $0x1F0;
	s24 =	smov.u32 s22;
	s22 =	sadd.s32 $0x10, s22  }
0x1fb: {  	v10 =	vmov s24  }
0x1fc: {  	v10 =	vshll.u32 v10, $0x4;
	[tilespmem:s23+$0x0] =	vst v9;
	s23 =	smov.u32 s21  }
0x1fd: {  	v10 =	vor.u32 v3, v10;
	v9 =	vld [tilespmem:s19+$0x0]  }
0x1fe: {  	v11 =	vor.u32 $0x1, v10;
	v12 =	vor.u32 $0x2, v10;
	v13 =	vor.u32 $0x4, v10  }
0x1ff: {  	v14 =	vor.u32 $0x3, v10;
	_ =	sdelay $0x1  }
0x200: {  	v15 =	vor.u32 $0x5, v10;
	v16 =	vor.u32 $0x6, v10;
	v17 =	vor.u32 $0x7, v10  }
0x201: {  	v18 =	vand.u32 $0x1, v9;
	v19 =	vshrl.u32 v9, $0x1;
	v20 =	vshrl.u32 v9, $0x2  }
0x202: {  	v18 =	vcvt.s32.f32 v18;
	v19 =	vand.u32 $0x1, v19;
	v20 =	vand.u32 $0x1, v20  }
0x203: {  	v21 =	vshrl.u32 v9, $0x3;
	v22 =	vshrl.u32 v9, $0x4;
	v19 =	vcvt.s32.f32 v19  }
0x204: {  	[tilespmem:v10+s30+$0x0] =	vst.idx.msk $0xffff, v18;
	v10 =	vcvt.s32.f32 v20;
	v18 =	vand.u32 $0x1, v21;
	v20 =	vand.u32 $0x1, v22  }
0x205: {  	[tilespmem:v11+s30+$0x0] =	vst.idx.msk $0xffff, v19;
	v11 =	vcvt.s32.f32 v18;
	v18 =	vshrl.u32 v9, $0x5;
	v19 =	vshrl.u32 v9, $0x6  }
0x206: {  	[tilespmem:v12+s30+$0x0] =	vst.idx.msk $0xffff, v10;
	v10 =	vcvt.s32.f32 v20;
	v12 =	vand.u32 $0x1, v18;
	v18 =	vand.u32 $0x1, v19  }
0x207: {  	v9 =	vshrl.u32 v9, $0x7;
	[tilespmem:v14+s30+$0x0] =	vst.idx.msk $0xffff, v11;
	v11 =	vcvt.s32.f32 v12  }
.Ltmp18:
0x208: {  	v9 =	vand.u32 $0x1, v9;
	[tilespmem:v13+s30+$0x0] =	vst.idx.msk $0xffff, v10;
	v10 =	vcvt.s32.f32 v18;
	(pc) =	sbr.rel @p0 .LBB2_28-.Ltmp18, $4  }
0x209: {  	v9 =	vcvt.s32.f32 v9;
	[tilespmem:v15+s30+$0x0] =	vst.idx.msk $0xffff, v11  }
0x20a: {  	[tilespmem:v16+s30+$0x0] =	vst.idx.msk $0xffff, v10  }
0x20b: {  	[tilespmem:v17+s30+$0x0] =	vst.idx.msk $0xffff, v9  }
0x20c: {  	v9 =	vld [tilespmem:s20+$0x0]  }
0x20d: {  	_ =	sdelay $0x3  }
0x20e: {  	[tilespmem:s23+$0x0] =	vst v9  }
0x20f: {  	[spmem:s2] =	stream.indirect.scatter.add.f32 [tilespmem:s30], [sflag:$0x1], $0x10, s11, s1, $0xb8;
	[tilespmem:$0x1DE60] =	vst v63  }
0x210: {  	_ =	swait.ge [sflag:s31], $0x2000  }
0x211: {  	[sflag:s31] =	ssyncset.done $0x0  }
0x212: {  	[sflag:s31] =	ssyncadd.s32 $0xFFFFE000  }
0x213: {  	v9 =	vld [tilespmem:$0x1DA40]  }
0x214: {  	v10 =	vld [tilespmem:$0x1DC50]  }
.Ltmp19:
0x215: {  	_ = 	snop;
	(pc) =	sbr.rel .LBB2_30-.Ltmp19, $3  }
0x216: {  	_ =	sdelay $0x1  }
0x217: {  	[tilespmem:$0x1D840] =	vst v9  }
0x218: {  	[tilespmem:$0x1DA50] =	vst v10  }
.LBB2_31:
0x219: {  	v9 =	vadd.s32 s16, v0  }
0x21a: {  	v9 =	vand.u32 $0xFF, v9  }
0x21b: {  	[tilespmem:s16+$0x1DA50] =	vst v5;
	v9 =	vadd.s32 $0x186A0, v9  }
0x21c: {  	s19 =	sadd.s32 $0x10, s16;
	[tilespmem:s16+$0x1D840] =	vst v9;
	s16 =	simm.s32 $0x1D840  }
0x21d: {  	s18 =	simm.s32 $0x0;
	s17 =	simm.s32 $0x1DA50;
	s21 =	simm.s32 $0x10;
	v10 =	vld [tilespmem:s16+$0x0]  }
0x21e: {  	s22 =	simm.s32 $0x0;
	s20 =	simm.s32 $0x1D840;
	v9 =	vmov s19;
	s19 =	simm.s32 $0x1DA50;
	v11 =	vld [tilespmem:s17+$0x0]  }
.LBB2_32:
0x21f: {  	p0 =	sne.s32 s21, $0x1F0;
	v12 =	vor.u32 s22, v0;
	s22 =	smov.u32 s21  }
0x220: {  	v13 =	vand.u32 $0xFF, v12  }
0x221: {  	vm0 =	vlt.s32 v12, v9;
	v12 =	vadd.s32 $0x186A0, v13  }
.Ltmp20:
0x222: {  	v10 =	vsel vm0, v10, v12;
	(pc) =	sbr.rel @p0 .LBB2_32-.Ltmp20, $4  }
0x223: {  	[tilespmem:s20+$0x0] =	vst v10;
	v10 =	vnsel vm0, $0x0, v11  }
0x224: {  	s20 =	sadd.s32 $0x10, s20;
	[tilespmem:s19+$0x0] =	vst v10  }
0x225: {  	s19 =	sadd.s32 $0x10, s19;
	v10 =	vld [tilespmem:s20+$0x0]  }
0x226: {  	s21 =	sadd.s32 $0x10, s21;
	v11 =	vld [tilespmem:s19+$0x0]  }
0x227: {  	v12 =	vor.u32 s22, v0  }
0x228: {  	v13 =	vand.u32 $0xFF, v12  }
0x229: {  	vm0 =	vlt.s32 v12, v9;
	v9 =	vadd.s32 $0x186A0, v13  }
0x22a: {  	v9 =	vsel vm0, v10, v9  }
0x22b: {  	[tilespmem:s20+$0x0] =	vst v9;
	v9 =	vnsel vm0, $0x0, v11  }
0x22c: {  	[tilespmem:s19+$0x0] =	vst v9  }
0x22d: {  	v9 =	vmov s18;
	v10 =	vld [tilespmem:s17+$0x0]  }
0x22e: {  	v9 =	vshll.u32 v9, $0x4  }
0x22f: {  	v9 =	vor.u32 v3, v9  }
0x230: {  	v11 =	vor.u32 $0x1, v9;
	v56 =	vor.u32 $0x2, v9;
	v57 =	vor.u32 $0x4, v9  }
0x231: {  	v14 =	vor.u32 $0x3, v9;
	v15 =	vor.u32 $0x5, v9;
	v16 =	vor.u32 $0x6, v9  }
0x232: {  	v17 =	vor.u32 $0x7, v9;
	v18 =	vand.u32 $0x1, v10;
	v19 =	vshrl.u32 v10, $0x1  }
0x233: {  	v20 =	vshrl.u32 v10, $0x2;
	v18 =	vcvt.s32.f32 v18;
	v19 =	vand.u32 $0x1, v19  }
0x234: {  	v21 =	vshrl.u32 v10, $0x3;
	v20 =	vand.u32 $0x1, v20;
	v19 =	vcvt.s32.f32 v19  }
0x235: {  	v22 =	vshrl.u32 v10, $0x4;
	v58 =	vand.u32 $0x1, v21;
	[tilespmem:v9+s30+$0x0] =	vst.idx.msk $0xffff, v18;
	v9 =	vcvt.s32.f32 v20  }
0x236: {  	v60 =	vshrl.u32 v10, $0x5;
	v59 =	vand.u32 $0x1, v22;
	[tilespmem:v11+s30+$0x0] =	vst.idx.msk $0xffff, v19;
	v11 =	vcvt.s32.f32 v58  }
0x237: {  	v61 =	vshrl.u32 v10, $0x6;
	v62 =	vand.u32 $0x1, v60;
	[tilespmem:v56+s30+$0x0] =	vst.idx.msk $0xffff, v9;
	v9 =	vcvt.s32.f32 v59  }
0x238: {  	v10 =	vshrl.u32 v10, $0x7;
	v63 =	vand.u32 $0x1, v61;
	[tilespmem:v14+s30+$0x0] =	vst.idx.msk $0xffff, v11;
	v11 =	vcvt.s32.f32 v62  }
0x239: {  	v10 =	vand.u32 $0x1, v10;
	[tilespmem:v57+s30+$0x0] =	vst.idx.msk $0xffff, v9;
	v9 =	vcvt.s32.f32 v63  }
0x23a: {  	v10 =	vcvt.s32.f32 v10;
	[tilespmem:v15+s30+$0x0] =	vst.idx.msk $0xffff, v11  }
0x23b: {  	[tilespmem:v16+s30+$0x0] =	vst.idx.msk $0xffff, v9  }
0x23c: {  	[tilespmem:v17+s30+$0x0] =	vst.idx.msk $0xffff, v10  }
0x23d: {  	s20 =	simm.s32 $0x1DC60;
	s18 =	simm.s32 $0x1DC60;
	s19 =	simm.s32 $0x10;
	v9 =	vld [tilespmem:s16+$0x0]  }
.LBB2_34:
0x23e: {  	_ = 	snop  }
0x23f: {  	s17 =	sadd.s32 $0x10, s17;
	s16 =	sadd.s32 $0x10, s16;
	s18 =	sadd.s32 $0x10, s18  }
0x240: {  	p0 =	sne.s32 s19, $0x1F0;
	s21 =	smov.u32 s19;
	s19 =	sadd.s32 $0x10, s19  }
0x241: {  	v10 =	vmov s21  }
0x242: {  	v10 =	vshll.u32 v10, $0x4;
	[tilespmem:s20+$0x0] =	vst v9;
	s20 =	smov.u32 s18  }
0x243: {  	v10 =	vor.u32 v3, v10;
	v9 =	vld [tilespmem:s17+$0x0]  }
0x244: {  	v11 =	vor.u32 $0x1, v10;
	v12 =	vor.u32 $0x2, v10;
	v13 =	vor.u32 $0x4, v10  }
0x245: {  	v14 =	vor.u32 $0x3, v10;
	_ =	sdelay $0x1  }
0x246: {  	v15 =	vor.u32 $0x5, v10;
	v16 =	vor.u32 $0x6, v10;
	v17 =	vor.u32 $0x7, v10  }
0x247: {  	v18 =	vand.u32 $0x1, v9;
	v19 =	vshrl.u32 v9, $0x1;
	v20 =	vshrl.u32 v9, $0x2  }
0x248: {  	v18 =	vcvt.s32.f32 v18;
	v19 =	vand.u32 $0x1, v19;
	v20 =	vand.u32 $0x1, v20  }
0x249: {  	v21 =	vshrl.u32 v9, $0x3;
	v22 =	vshrl.u32 v9, $0x4;
	v19 =	vcvt.s32.f32 v19  }
0x24a: {  	[tilespmem:v10+s30+$0x0] =	vst.idx.msk $0xffff, v18;
	v10 =	vcvt.s32.f32 v20;
	v18 =	vand.u32 $0x1, v21;
	v20 =	vand.u32 $0x1, v22  }
0x24b: {  	[tilespmem:v11+s30+$0x0] =	vst.idx.msk $0xffff, v19;
	v11 =	vcvt.s32.f32 v18;
	v18 =	vshrl.u32 v9, $0x5;
	v19 =	vshrl.u32 v9, $0x6  }
0x24c: {  	[tilespmem:v12+s30+$0x0] =	vst.idx.msk $0xffff, v10;
	v10 =	vcvt.s32.f32 v20;
	v12 =	vand.u32 $0x1, v18;
	v18 =	vand.u32 $0x1, v19  }
0x24d: {  	v9 =	vshrl.u32 v9, $0x7;
	[tilespmem:v14+s30+$0x0] =	vst.idx.msk $0xffff, v11;
	v11 =	vcvt.s32.f32 v12  }
.Ltmp21:
0x24e: {  	v9 =	vand.u32 $0x1, v9;
	[tilespmem:v13+s30+$0x0] =	vst.idx.msk $0xffff, v10;
	v10 =	vcvt.s32.f32 v18;
	(pc) =	sbr.rel @p0 .LBB2_34-.Ltmp21, $4  }
0x24f: {  	v9 =	vcvt.s32.f32 v9;
	[tilespmem:v15+s30+$0x0] =	vst.idx.msk $0xffff, v11  }
0x250: {  	[tilespmem:v16+s30+$0x0] =	vst.idx.msk $0xffff, v10  }
0x251: {  	[tilespmem:v17+s30+$0x0] =	vst.idx.msk $0xffff, v9  }
0x252: {  	v9 =	vld [tilespmem:s16+$0x0]  }
0x253: {  	_ =	sdelay $0x3  }
0x254: {  	[tilespmem:s20+$0x0] =	vst v9  }
0x255: {  	[spmem:s2] =	stream.indirect.scatter.add.f32 [tilespmem:s30], [sflag:$0x1], $0x10, s11, s1, $0xb8;
	[tilespmem:$0x1DE60] =	vst v63  }
0x256: {  	_ =	swait.ge [sflag:s31], $0x2000  }
0x257: {  	[sflag:s31] =	ssyncset.done $0x0  }
0x258: {  	[sflag:s31] =	ssyncadd.s32 $0xFFFFE000  }
0x259: {  	[bflag:$0x0] =	sbarrier.arrive $0xFFFF  }
0x25a: {  	s16 =	sor.u32 $0x1C01, s7;
	s17 =	sshrl.u32 s8, $0x3;
	s18 =	rddreg [dreg:$0xa]  }
0x25b: {  	[hbm:s18], [sflag:s16] =	dma.local [spmem:s17], $0x3100  }
0x25c: {  	_ =	swait.ge [sflag:s31], $0x3100  }
0x25d: {  	s4 =	sadd.s32 $0x1, s4;
	s25 =	rddreg [dreg:$0xb]  }
0x25e: {  	p0 =	sne.s32 s4, s25  }
.Ltmp22:
0x25f: {  	_ = 	snop;
	(pc) =	sbr.rel @p0 .LBB2_1-.Ltmp22, $3  }
0x260: {  	_ =	sdelay $0x1  }
0x261: {  	[sflag:s31] =	ssyncset.done $0x0  }
0x262: {  	s19 =	simm.s32 $0x18E20;
	[sflag:s31] =	ssyncadd.s32 $0xFFFFCF00  }
0x263: {  	_ =	sfence.sel $0x180000  }
0x264: {  	[bflag:$0x0] =	sbarrier.arrive $0xFFFF  }
0x265: {  	_ =	strace $0x9000004D  }
0x266: {  	s0 =	stileid.u32;
	[bflag:$0x2] =	sbarrier.arrive $0xFFFF  }
0x267: {  	p0 =	sne.s32 s0, $0x0;
	s0 =	rddreg [dreg:$0x4]  }
0x268: {  	s0 =	sadd.s32 @!p0 $0x100000, s0  }
0x269: {  	[sflag:s0] =	ssyncadd.tile.s32 @!p0 $0x1;
	_ =	shalt  }
.Lfunc_end2:
_tile_overlayer_lowered:
.L_overlay_start_2:
0x26a: {  	(tag) =	ssettag $0x2  }
0x26b: {  	s0 =	rddreg [dreg:$0x0];
	s2 =	stileid.u32  }
0x26c: {  	s1 =	rddreg [dreg:$0x1];
	p0 =	sne.s32 s2, $0x0  }
0x26d: {  	s3 =	rddreg [dreg:$0x2];
	[bflag:$0x3] =	sbarrier.arrive $0xFFFF;
	s2 =	simm.s32 @!p0 $0x1C01  }
0x26e: {  	[timem:s3], [sflag:s2] =	dma.local @!p0 [hbm:s0], s1  }
0x26f: {  	s0 =	simm.s32 @!p0 $0x1  }
0x270: {  	_ =	swait.ge @!p0 [sflag:s0], s1  }
0x271: {  	s1 =	ssub.s32 @!p0 $0x0, s1;
	[sflag:s0] =	ssyncset.done @!p0 $0x0  }
0x272: {  	[sflag:s0] =	ssyncadd.s32 @!p0 s1  }
0x273: {  	[bflag:$0x3] =	sbarrier.arrive $0xFFFF  }
0x274: {  	_ =	shalt  }

// kernel: scatter_offload_async_start
scs
__scs_entry_jumppad:
0x0: {  	(pc) =	sbr.rel $0x88, $3  }
0x1: {  	(tag) =	ssettag $0x0;
	lr =	simm.s32 $0x1  }
0x2: {  	[smem:$0x3F98] =	sst lr;
	_ =	strace $0xD0000000  }
0x3: {  	_ = 	snop  }
0x4: {  	_ = 	snop  }
0x5: {  	_ = 	snop  }
0x6: {  	_ = 	snop  }
0x7: {  	_ = 	snop  }
__scs_overlays_trampoline_lowered:
0x8: {  	[smem:$0x3FA7] =	sst s0  }
0x9: {  	[smem:$0x3FA8] =	sst s1  }
0xa: {  	[smem:$0x3FA9] =	sst s2  }
0xb: {  	[smem:$0x3FAA] =	sst s3  }
0xc: {  	[smem:$0x3FAB] =	sst s4  }
0xd: {  	[smem:$0x3FAC] =	sst s5  }
0xe: {  	[smem:$0x3FAD] =	sst s6  }
0xf: {  	[smem:$0x3FAE] =	sst s7  }
0x10: {  	[smem:$0x3FAF] =	sst s8  }
0x11: {  	[smem:$0x3FB0] =	sst s9;
	s0 =	simm.s32 @!p0 $0x0  }
0x12: {  	s1 =	sld [smem:$0x3F96];
	s0 =	simm.s32 @p0 $0x1  }
0x13: {  	[smem:$0x3FB1] =	sst s0;
	s0 =	simm.s32 @!p1 $0x0  }
0x14: {  	s2 =	sld [smem:$0x3F95];
	s0 =	simm.s32 @p1 $0x1  }
0x15: {  	[smem:$0x3FB2] =	sst s0;
	s0 =	simm.s32 @!p2 $0x0  }
0x16: {  	s3 =	sld [smem:$0x3FDB];
	s0 =	simm.s32 @p2 $0x1  }
0x17: {  	s4 =	simm.s32 $0x1BF5;
	[smem:$0x3FB4] =	sst s0  }
0x18: {  	s0 =	sld [smem:$0x3F97];
	_ =	swait.ge [sflag:s4], $0x0  }
0x19: {  	s7 =	sld [smem:$0x3F98]  }
0x1a: {  	s8 =	sadd.s32 $0xFFFFE003, lr  }
0x1b: {  	s9 =	sadd.s32 $0xFFFFFEF7, lr;
	s5 =	simm.s32 $0xFFFFFFFF;
	p2 =	slt.u32 s8, $0xFFFFF086  }
0x1c: {  	p1 =	slt.u32 s9, $0xF7A;
	s5 =	simm.s32 @!p2 $0x0  }
0x1d: {  	s5 =	simm.s32 @p1 $0x1;
	p0 =	seq.s32 s7, s2  }
0x1e: {  	s7 =	smul.u32 @!p0 $0xF7A, s2;
	p2 =	seq.s32 @!p0 s5, $0x0  }
0x1f: {  	s9 =	smul.u32 $0xF7A, s1;
	s8 =	simm.s32 @!p0 $0x1BF5;
	p2 =	por !p2, p0  }
0x20: {  	[sflag:s8] =	ssyncset.s32 @!p0 $0xFFFFF086;
	s6 =	sadd.s32 @!p0 s3, s7;
	s7 =	simm.s32 @!p0 $0x108  }
0x21: {  	s3 =	sadd.s32 s3, s9;
	s6 =	sadd.s32 @!p0 $0x88, s6;
	s7 =	simm.s32 @p2 $0x1082  }
0x22: {  	[simem:s7], [sflag:s8] =	dma.local @!p0 [hbm:s6], $0xF7A  }
0x23: {  	s9 =	sor.u32 $0xD0000000, s2;
	s6 =	simm.s32 $0x108;
	_ =	swait.ge @!p0 [sflag:s8], $0x0  }
0x24: {  	s3 =	sadd.s32 $0x88, s3;
	s6 =	simm.s32 @!p1 $0x1082;
	[sflag:s4] =	ssyncset.s32 $0xFFFFF086  }
0x25: {  	[simem:s6], [sflag:s4] =	dma.local [hbm:s3], $0xF7A  }
0x26: {  	[smem:$0x3F98] =	sst s1;
	(tag) =	ssettag s2;
	_ =	strace s9  }
0x27: {  	s1 =	sld [smem:$0x3FA8]  }
0x28: {  	s2 =	sld [smem:$0x3FA9]  }
0x29: {  	s4 =	sld [smem:$0x3FAB]  }
0x2a: {  	p0 =	seq.s32 s5, $0x0;
	s5 =	sld [smem:$0x3FAC]  }
0x2b: {  	s6 =	sld [smem:$0x3FAD]  }
0x2c: {  	s7 =	sld [smem:$0x3FAE]  }
0x2d: {  	s3 =	simm.s32 $0x108;
	s8 =	sld [smem:$0x3FAF]  }
0x2e: {  	s3 =	simm.s32 @!p0 $0x1082;
	s9 =	sld [smem:$0x3FB0]  }
0x2f: {  	lr =	sadd.s32 s0, s3;
	s0 =	sld [smem:$0x3FA7]  }
0x30: {  	s3 =	sld [smem:$0x3FAA]  }
0x31: {  	[smem:$0x3FB3] =	sst s10  }
0x32: {  	s10 =	sld [smem:$0x3FB1];
	_ =	sdelay $0x3  }
0x33: {  	p0 =	seq.s32 s10, $0x1;
	s10 =	sld [smem:$0x3FB3];
	_ =	sdelay $0x3  }
0x34: {  	[smem:$0x3FB3] =	sst s10  }
0x35: {  	s10 =	sld [smem:$0x3FB2];
	_ =	sdelay $0x3  }
0x36: {  	p1 =	seq.s32 s10, $0x1;
	s10 =	sld [smem:$0x3FB3];
	_ =	sdelay $0x3  }
0x37: {  	[smem:$0x3FB3] =	sst s10  }
0x38: {  	s10 =	sld [smem:$0x3FB4]  }
0x39: {  	_ = 	snop;
	(pc) =	sbr.ind lr, $3  }
0x3a: {  	_ = 	snop  }
0x3b: {  	_ = 	snop  }
0x3c: {  	p2 =	seq.s32 s10, $0x1;
	s10 =	sld [smem:$0x3FB3]  }
0x3d: {  	_ =	shalt  }
0x3e: {  	_ =	shalt  }
0x3f: {  	_ =	shalt  }
0x40: {  	_ =	shalt  }
0x41: {  	_ =	shalt  }
0x42: {  	_ =	shalt  }
0x43: {  	_ =	shalt  }
0x44: {  	_ =	shalt  }
0x45: {  	_ =	shalt  }
0x46: {  	_ =	shalt  }
0x47: {  	_ =	shalt  }
0x48: {  	_ =	shalt  }
0x49: {  	_ =	shalt  }
0x4a: {  	_ =	shalt  }
0x4b: {  	_ =	shalt  }
0x4c: {  	_ =	shalt  }
0x4d: {  	_ =	shalt  }
0x4e: {  	_ =	shalt  }
0x4f: {  	_ =	shalt  }
0x50: {  	_ =	shalt  }
0x51: {  	_ =	shalt  }
0x52: {  	_ =	shalt  }
0x53: {  	_ =	shalt  }
0x54: {  	_ =	shalt  }
0x55: {  	_ =	shalt  }
0x56: {  	_ =	shalt  }
0x57: {  	_ =	shalt  }
0x58: {  	_ =	shalt  }
0x59: {  	_ =	shalt  }
0x5a: {  	_ =	shalt  }
0x5b: {  	_ =	shalt  }
0x5c: {  	_ =	shalt  }
0x5d: {  	_ =	shalt  }
0x5e: {  	_ =	shalt  }
0x5f: {  	_ =	shalt  }
0x60: {  	_ =	shalt  }
0x61: {  	_ =	shalt  }
0x62: {  	_ =	shalt  }
0x63: {  	_ =	shalt  }
0x64: {  	_ =	shalt  }
0x65: {  	_ =	shalt  }
0x66: {  	_ =	shalt  }
0x67: {  	_ =	shalt  }
0x68: {  	_ =	shalt  }
0x69: {  	_ =	shalt  }
0x6a: {  	_ =	shalt  }
0x6b: {  	_ =	shalt  }
0x6c: {  	_ =	shalt  }
0x6d: {  	_ =	shalt  }
0x6e: {  	_ =	shalt  }
0x6f: {  	_ =	shalt  }
0x70: {  	_ =	shalt  }
0x71: {  	_ =	shalt  }
0x72: {  	_ =	shalt  }
0x73: {  	_ =	shalt  }
0x74: {  	_ =	shalt  }
0x75: {  	_ =	shalt  }
0x76: {  	_ =	shalt  }
0x77: {  	_ =	shalt  }
0x78: {  	_ =	shalt  }
0x79: {  	_ =	shalt  }
0x7a: {  	_ =	shalt  }
0x7b: {  	_ =	shalt  }
0x7c: {  	_ =	shalt  }
0x7d: {  	_ =	shalt  }
0x7e: {  	_ =	shalt  }
0x7f: {  	_ =	shalt  }
0x80: {  	_ =	shalt  }
0x81: {  	_ =	shalt  }
0x82: {  	_ =	shalt  }
0x83: {  	_ =	shalt  }
0x84: {  	_ =	shalt  }
0x85: {  	_ =	shalt  }
0x86: {  	_ =	shalt  }
0x87: {  	_ =	shalt  }
.Lfunc_end0:
.L_simem_size_0:
called_computation_lowered:
.L_overlay_start_0:
0x88: {  	s2 =	sld [smem:$0x3FD9]  }
0x89: {  	s3 =	sld [smem:$0x3FFE];
	_ =	sdelay $0x1  }
0x8a: {  	s1 =	srdreg.scid  }
0x8b: {  	s0 =	sand.u32 $0x1, s1  }
0x8c: {  	s13 =	sshll.u32 s0, $0xA;
	s2 =	sadd.s32 s3, s2  }
0x8d: {  	s2 =	sadd.s32 s2, s13  }
0x8e: {  	[smem:$0x3FBF] =	sst s2  }
0x8f: {  	_ = 	snop  }
0x90: {  	s2 =	sld [smem:$0x3FD0];
	_ =	sdelay $0x2  }
0x91: {  	s14 =	simm.s32 $0xB;
	s4 =	simm.s32 $0x10  }
0x92: {  	[smem:s4], [sflag:s14] =	dma.local [hbm:s2], $0x1  }
0x93: {  	_ =	swait.eq [sflag:s14], $0x1  }
0x94: {  	[sflag:s14] =	ssyncset.done $0x0  }
0x95: {  	[sflag:s14] =	ssyncadd.s32 $0xFFFFFFFF  }
0x96: {  	s15 =	sld [smem:$0x11];
	(tm) =	ssettm $0x1  }
0x97: {  	s16 =	sld [smem:$0x3FFB];
	_ =	sdelay $0x3  }
0x98: {  	_ =	strace s16  }
0x99: {  	s3 =	sld [smem:$0x3FFC];
	_ =	sdelay $0x3  }
0x9a: {  	_ =	strace s3  }
0x9b: {  	s3 =	sld [smem:$0x3FFD];
	_ =	sdelay $0x3  }
0x9c: {  	_ =	strace s3  }
0x9d: {  	_ =	strace $0x8FFFFFFF  }
0x9e: {  	s17 =	sld [smem:$0x3FDB];
	_ =	sdelay $0x1  }
0x9f: {  	s18 =	simm.s32 $_scs_section_size  }
0xa0: {  	s5 =	simm.s32 $_size__tile_overlayer_lowered;
	s6 =	simm.s32 $_tile_overlayer_lowered  }
0xa1: {  	s21 =	simm.s32 $0x1BFF;
	s20 =	sshll.u32 s6, $0x1;
	s3 =	sadd.s32 s18, s17  }
0xa2: {  	s7 =	simm.s32 $0x0;
	s19 =	sshll.u32 s5, $0x1;
	s5 =	sadd.s32 s20, s3  }
0xa3: {  	[timem:s7], [sflag:s21] =	dma.local [hbm:s5], s19  }
0xa4: {  	_ =	swait.ge [sflag:s21], s19  }
0xa5: {  	s4 =	ssub.s32 $0x0, s19;
	[sflag:s21] =	ssyncset.done $0x0  }
0xa6: {  	[sflag:s21] =	ssyncadd.s32 s4;
	_ =	sdelay $0x1  }
0xa7: {  	s22 =	simm.s32 $0x1B8B  }
0xa8: {  	_ =	swait.ge [sflag:s22], $0x1  }
0xa9: {  	[sflag:s22] =	ssyncset.done $0x0  }
0xaa: {  	s23 =	sld [smem:$0x3FFE];
	[sflag:s22] =	ssyncadd.s32 $0xFFFFFFFF  }
0xab: {  	s25 =	simm.s32 $0x1B8E;
	s24 =	sld [smem:$0x0]  }
0xac: {  	s26 =	simm.s32 $execute0_lowered;
	[smem:$0x3FD2] =	sst s25  }
0xad: {  	s6 =	sshll.u32 s26, $0x1;
	_ =	strace $0x80000049;
	[dreg:$0x1] =	wrdreg $0xFFFFFFFF  }
0xae: {  	s28 =	simm.s32 $_size_execute0_lowered;
	s3 =	sadd.s32 s3, s6;
	[dreg:$0x0] =	wrdreg $0x0  }
0xaf: {  	s6 =	sshll.u32 s28, $0x1;
	[dreg:$0x2] =	wrdreg s3  }
0xb0: {  	[dreg:$0x3] =	wrdreg s6  }
0xb1: {  	[dreg:$0x4] =	wrdreg $0xC0  }
0xb2: {  	_ =	task [dreg:s7], $0x5FFFF  }
0xb3: {  	[dreg:$0x1] =	wrdreg $0xFFFFFFFF  }
0xb4: {  	[dreg:$0x0] =	wrdreg $0x60  }
0xb5: {  	[dreg:$0x2] =	wrdreg s15  }
0xb6: {  	[dreg:$0x3] =	wrdreg s23  }
0xb7: {  	[dreg:$0x4] =	wrdreg s1  }
0xb8: {  	[dreg:$0x5] =	wrdreg s24  }
0xb9: {  	[dreg:$0x6] =	wrdreg $0x9  }
0xba: {  	_ =	task.clear_ibuf [dreg:s7], $0x7FFFF;
	_ =	strace $0x90000049  }
0xbb: {  	s29 =	simm.s32 $0x9;
	_ =	strace $0x8000004B  }
0xbc: {  	_ =	swait.ge [sflag:s29], $0x1  }
0xbd: {  	[sflag:s29] =	ssyncadd.s32 $0xFFFFFFFF  }
0xbe: {  	_ =	strace $0x9000004B  }
0xbf: {  	_ =	sfence  }
0xc0: {  	s30 =	sld [smem:$0x0];
	_ =	sdelay $0x2  }
0xc1: {  	s31 =	sshll.u32 s1, $0xD;
	s1 =	sshrl.u32 s1, $0x2  }
0xc2: {  	s3 =	sand.u32 $0x4000, s31;
	s1 =	sadd.s32 s1, s30  }
0xc3: {  	s0 =	sor.u32 s3, s0;
	s1 =	sshll.u32 s1, $0x11  }
0xc4: {  	s0 =	sor.u32 s1, s0  }
0xc5: {  	s0 =	sadd.s32 $0x8F2B, s0  }
0xc6: {  	[sflag:s0] =	ssyncadd.remote.s32 $0x1  }
0xc7: {  	_ =	sfence.sel $0xFFFF  }
0xc8: {  	[dreg:$0x0] =	wrdreg $0xFFFFFFFF;
	(pc) =	sbr.abs _section_cstart, $3  }
0xc9: {  	[dreg:$0x1] =	wrdreg $0xFFFFFFFF  }
0xca: {  	_ =	task.clear_ibuf [dreg:s7], $0x2FFFF;
	_ =	strace $0x9FFFFFFF  }
0xcb: {  	(tm) =	ssettm $0x7FFFFFFF  }
tec
execute0_lowered:
.L_overlay_start_1:
0x0: {  	(tag) =	ssettag $0x1  }
0x1: {  	s1 =	rddreg [dreg:$0x0]  }
0x2: {  	s2 =	rddreg [dreg:$0x1]  }
0x3: {  	s3 =	rddreg [dreg:$0x2];
	_ =	strace $0x8000004A;
	s0 =	simm.s32 $0x1  }
0x4: {  	v0 =	vimm.s32 $0x0;
	[sflag:s0] =	ssyncpa.u1 $0x0;
	s0 =	simm.s32 $0x108  }
0x5: {  	[tilespmem:s0+$0x70] =	vst v0  }
0x6: {  	[tilespmem:s0+$0x60] =	vst v0  }
0x7: {  	[tilespmem:s0+$0x50] =	vst v0  }
0x8: {  	[tilespmem:s0+$0x40] =	vst v0  }
0x9: {  	s15 =	sadd.s32 $0x22A00, s2;
	[tilespmem:s0+$0x30] =	vst v0  }
0xa: {  	s6 =	sadd.s32 $0x2600, s2;
	s3 =	sand.u32 $0x1, s3;
	s14 =	sadd.s32 $0x22E00, s2;
	[tilespmem:s0+$0x20] =	vst v0  }
0xb: {  	[dreg:$0x5] =	wrdreg s3;
	s16 =	sshll.u32 s3, $0x9;
	s3 =	simm.s32 $0x40;
	[tilespmem:s0+$0x10] =	vst v0  }
.LBB2_1:
0xc: {  	s3 =	sadd.s32 $0x40, s3;
	[tilespmem:s0+$0x0] =	vst v0;
	s0 =	sadd.s32 $0x80, s0  }
0xd: {  	p0 =	slt.u32 s3, $0x3C40;
	[tilespmem:s0+$0x70] =	vst v0  }
0xe: {  	[tilespmem:s0+$0x60] =	vst v0  }
.Ltmp0:
0xf: {  	[tilespmem:s0+$0x50] =	vst v0;
	(pc) =	sbr.rel @p0 .LBB2_1-.Ltmp0, $4  }
0x10: {  	[tilespmem:s0+$0x40] =	vst v0  }
0x11: {  	[tilespmem:s0+$0x30] =	vst v0  }
0x12: {  	[tilespmem:s0+$0x20] =	vst v0  }
0x13: {  	[tilespmem:s0+$0x10] =	vst v0  }
0x14: {  	s5 =	stileid.u32  }
0x15: {  	s2 =	smin.u32 s5, $0x2  }
0x16: {  	s2 =	sadd.s32 s5, s2  }
0x17: {  	p0 =	slt.u32 s5, $0x2;
	s7 =	smul.u32 $0xF0, s2;
	s2 =	simm.s32 $0x1E0  }
0x18: {  	s2 =	simm.s32 @!p0 $0xF0  }
0x19: {  	s2 =	sadd.s32 s2, s7  }
0x1a: {  	s8 =	smin.u32 s2, $0x1000  }
0x1b: {  	s2 =	ssub.s32 s8, s7  }
0x1c: {  	p0 =	sgt.s32 s2, $0x0  }
0x1d: {  	s2 =	simm.s32 @!p0 $0x0  }
0x1e: {  	s30 =	simm.s32 $0x2;
	s10 =	simm.s32 $0x9;
	s3 =	smul.u32 $0x8889, s2  }
0x1f: {  	s4 =	simm.s32 $0xA;
	s11 =	simm.s32 $0xB;
	s12 =	simm.s32 $0x1  }
0x20: {  	s14 =	sadd.s32 s16, s14;
	s15 =	sadd.s32 s16, s15;
	s31 =	sshrl.u32 s3, $0x17  }
0x21: {  	s22 =	simm.s32 $0x0;
	s18 =	simm.s32 $0xC;
	s3 =	smul.u32 $0xF0, s31  }
.Ltmp1:
0x22: {  	[tilespmem:s0+$0x0] =	vst v0;
	v0 =	vimm.s32 $0xFFFFFFFF;
	s20 =	simm.s32 $0x0;
	[sflag:s30] =	ssyncpa.u1 $0x0;
	(pc) =	sbr.rel .LBB2_3-.Ltmp1, $4  }
0x23: {  	[tilespmem:$0xF208] =	vst v0;
	[sflag:s10] =	ssyncpa.u1 $0x0;
	p0 =	sne.s32 s2, s3;
	s2 =	simm.s32 $0x1  }
0x24: {  	s21 =	simm.s32 $0x0;
	[sflag:s4] =	ssyncpa.u1 $0x0;
	s2 =	simm.s32 @!p0 $0x0  }
0x25: {  	s16 =	sshll.u32 s5, $0x8;
	[sflag:s11] =	ssyncpa.u1 $0x0;
	s13 =	sadd.s32 s31, s2  }
0x26: {  	v0 =	vlaneseq.u32;
	s19 =	smov.u32 s7;
	p0 =	por $0x0, $0x0;
	s17 =	sadd.s32 $0x1, s13  }
.LBB2_18:
0x27: {  	s0 =	sshrl.u32 s31, $0x2  }
.LBB2_20:
0x28: {  	_ =	swait.ge [sflag:s18], s0  }
0x29: {  	s31 =	ssub.s32 $0x0, s0;
	v1 =	vmov s25;
	vm0 =	veq.s32 v0, $0x0;
	[sflag:s18] =	ssyncset.done $0x0  }
0x2a: {  	vm15 =	veq.s32 v0, $0x2;
	v1 =	vsel vm0, s30, v1;
	[sflag:s18] =	ssyncadd.s32 s31  }
0x2b: {  	v1 =	vsel vm15, s22, v1;
	[sflag:s18] =	ssyncpa.u1 $0x1  }
0x2c: {  	[tilespmem:$0xF208] =	vst v1  }
.LBB2_21:
0x2d: {  	s0 =	sadd.s32 $0xF0, s19  }
0x2e: {  	s2 =	smov.u32 s7;
	p1 =	slt.s32 s0, s8  }
0x2f: {  	s2 =	smov.u32 @p1 s0;
	p1 =	sne.s32 s21, s17  }
.Ltmp2:
0x30: {  	_ = 	snop;
	(pc) =	sbr.rel @!p1 .LBB2_22-.Ltmp2, $3  }
0x31: {  	_ =	sdelay $0x1  }
0x32: {  	s22 =	smov.u32 s20;
	s31 =	sadd.s32 $0x1, s21;
	s20 =	smov.u32 s19  }
0x33: {  	p0 =	por !p0, !p0;
	s21 =	smov.u32 s31;
	s19 =	smov.u32 s2  }
.LBB2_3:
0x34: {  	p1 =	sge.u32 s21, s13  }
0x35: {  	s0 =	smulhi.u32 @!p1 $0xAAAAAAAB, s21  }
0x36: {  	s2 =	smov.u32 s19;
	p2 =	sgt.s32 @!p1 s19, $0xF10  }
0x37: {  	s3 =	sshra.s32 @!p1 s19, $0x1F;
	p2 =	por !p2, p1;
	s0 =	sshrl.u32 @!p1 s0, $0x1  }
0x38: {  	s3 =	sand.u32 @!p1 s3, s19;
	s2 =	simm.s32 @p2 $0xF10;
	s0 =	smul.u32 @!p1 $0x3, s0  }
0x39: {  	s2 =	ssub.s32 @!p1 s2, s3  }
0x3a: {  	s2 =	sadd.s32 @!p1 $0xFFFFF0F0, s2;
	s0 =	ssub.s32 @!p1 s21, s0  }
0x3b: {  	s3 =	sshll.u32 @!p1 s2, $0x2;
	p2 =	sgt.s32 @!p1 s2, $0xEF;
	s0 =	smul.u32 @!p1 $0x3C0, s0  }
0x3c: {  	s4 =	sand.u32 @!p1 $0x7, s19;
	s2 =	ssub.s32 @!p1 $0x3C0, s3;
	p2 =	por !p2, p1  }
0x3d: {  	s3 =	sshrl.u32 @!p1 s19, $0x3;
	s2 =	sshrl.u32 @!p1 s2, $0x2;
	s0 =	sshrl.u32 @!p1 s0, $0x2  }
0x3e: {  	s3 =	sadd.s32 @!p1 s3, s14;
	s2 =	simm.s32 @!p2 $0x0;
	s0 =	sadd.s32 @!p1 $0x10248, s0  }
0x3f: {  	[tilespmem:s0], [sflag:$0xA] =	stream.linear.gather @!p1 [hbm4b:s3+s4], s2, $0x38;
	[tilespmem:$0x1F6F8] =	vst v63  }
0x40: {  	s0 =	sadd.s32 $0xFFFFFFFF, s21  }
0x41: {  	p1 =	sge.u32 s0, s13  }
0x42: {  	p2 =	sgt.s32 @!p1 s20, $0xF10  }
0x43: {  	s2 =	smov.u32 s20;
	s3 =	sshra.s32 @!p1 s20, $0x1F;
	p2 =	por !p2, p1  }
0x44: {  	s3 =	sand.u32 @!p1 s3, s20;
	s2 =	simm.s32 @p2 $0xF10  }
0x45: {  	s2 =	ssub.s32 @!p1 s2, s3  }
0x46: {  	s2 =	sadd.s32 @!p1 $0xFFFFF0F0, s2  }
0x47: {  	s4 =	sand.u32 @!p1 $0x1, s0;
	s3 =	sshll.u32 @!p1 s2, $0x2  }
0x48: {  	p2 =	sgt.s32 @!p1 s2, $0xEF;
	s2 =	ssub.s32 @!p1 $0x3C0, s3;
	s3 =	smulhi.u32 @!p1 $0xAAAAAAAB, s0  }
0x49: {  	s23 =	smul.u32 @!p1 $0x3C0, s4;
	p2 =	por !p2, p1;
	s2 =	sshrl.u32 @!p1 s2, $0x2  }
0x4a: {  	s5 =	simm.s32 @!p1 $0xA;
	s2 =	simm.s32 @!p2 $0x0;
	s3 =	sshrl.u32 @!p1 s3, $0x1  }
0x4b: {  	s23 =	sshrl.u32 @!p1 s23, $0x2;
	_ =	swait.ge @!p1 [sflag:s5], s2;
	s3 =	smul.u32 @!p1 $0x3, s3  }
0x4c: {  	s23 =	sadd.s32 @!p1 $0x10518, s23;
	s24 =	ssub.s32 @!p1 $0x0, s2;
	[sflag:s5] =	ssyncset.done @!p1 $0x0  }
0x4d: {  	[sflag:s5] =	ssyncadd.s32 @!p1 s24;
	s5 =	sshrl.u32 @!p1 s20, $0x3;
	s0 =	ssub.s32 @!p1 s0, s3  }
0x4e: {  	s24 =	sand.u32 @!p1 $0x7, s20;
	s5 =	sadd.s32 @!p1 s5, s15;
	s0 =	smul.u32 @!p1 $0x3C0, s0  }
0x4f: {  	[tilespmem:s23], [sflag:$0xB] =	stream.linear.gather @!p1 [hbm4b:s5+s24], s2, $0x38;
	[tilespmem:$0x1F6F8] =	vst v63  }
0x50: {  	s3 =	ssub.s32 @!p1 $0x1000, s20;
	s2 =	smul.u32 @!p1 $0x1E000, s4  }
0x51: {  	p2 =	slt.s32 @!p1 s3, $0xF0  }
0x52: {  	p2 =	por !p2, p1;
	s0 =	sshrl.u32 @!p1 s0, $0x2;
	s2 =	sshrl.u32 @!p1 s2, $0x2  }
0x53: {  	s3 =	simm.s32 @p2 $0xF0;
	s0 =	sadd.s32 @!p1 $0x10248, s0;
	s2 =	sor.u32 @!p1 $0x106F8, s2  }
0x54: {  	[tilespmem:s2], [sflag:$0x9] =	stream.indirect.gather @!p1 [hbm4b:s6+s3], $0x80, s0, s3, $0xb8;
	[tilespmem:$0x1F6F8] =	vst v63  }
0x55: {  	p1 =	slt.u32 s21, $0x2  }
.Ltmp3:
0x56: {  	_ = 	snop;
	(pc) =	sbr.rel @p1 .LBB2_21-.Ltmp3, $1  }
0x57: {  	_ =	sdelay $0x3  }
0x58: {  	p1 =	sgt.s32 s22, $0xF10  }
0x59: {  	s0 =	smov.u32 s22;
	s2 =	sshra.s32 s22, $0x1F;
	s3 =	ssub.s32 $0x1000, s22  }
0x5a: {  	s0 =	simm.s32 @!p1 $0xF10;
	s2 =	sand.u32 s2, s22;
	p1 =	slt.s32 s3, $0xF0  }
0x5b: {  	s0 =	ssub.s32 s0, s2;
	s3 =	simm.s32 @!p1 $0xF0  }
0x5c: {  	s0 =	sadd.s32 $0xFFFFF0F0, s0;
	s25 =	sshll.u32 s3, $0x7  }
0x5d: {  	s26 =	sshll.u32 s0, $0x2;
	s2 =	sand.u32 $0x3FFFFF80, s25  }
0x5e: {  	p1 =	sgt.s32 s0, $0xEF;
	s29 =	ssub.s32 $0x3C0, s26;
	_ =	swait.ge [sflag:s10], s2  }
0x5f: {  	s2 =	ssub.s32 $0x0, s2;
	[sflag:s10] =	ssyncset.done $0x0;
	s0 =	sshrl.u32 s29, $0x2  }
0x60: {  	[sflag:s10] =	ssyncadd.s32 s2;
	s0 =	simm.s32 @p1 $0x0  }
0x61: {  	_ =	swait.ge [sflag:s11], s0  }
0x62: {  	s0 =	ssub.s32 $0x0, s0;
	[sflag:s11] =	ssyncset.done $0x0  }
0x63: {  	[sflag:s11] =	ssyncadd.s32 s0  }
0x64: {  	v1 =	vld [tilespmem:$0xF208];
	_ =	sdelay $0x4  }
0x65: {  	(v2sf) =	vpush v1, $0x0  }
0x66: {  	(v2sf) =	vpush v1, $0x1  }
0x67: {  	(v2sf) =	vpush v1, $0x2;
	_ =	sdelay $0x3  }
0x68: {  	s0 =	sadd.s32 $0xF0, s22  }
0x69: {  	s2 =	ssub.s32 $0x2000, s22;
	p1 =	slt.s32 s8, s0  }
0x6a: {  	s0 =	smov.u32 @p1 s8;
	p1 =	sgt.s32 s2, $0x0  }
0x6b: {  	s23 =	ssub.s32 s0, s22;
	s2 =	simm.s32 @!p1 $0x0  }
0x6c: {  	p1 =	slt.s32 s2, s23  }
0x6d: {  	s23 =	smov.u32 @p1 s2  }
0x6e: {  	s26 =	simm.s32 $0x1;
	p1 =	slt.s32 s23, $0x1  }
.Ltmp4:
0x6f: {  	s26 =	simm.s32 @!p0 $0x0;
	(pc) =	sbr.rel @p1 .LBB2_8-.Ltmp4, $4  }
0x70: {  	s31 =	smul.u32 $0x3C0, s26  }
0x71: {  	s28 =	spop (v2sf)  }
0x72: {  	s0 =	sshrl.u32 s31, $0x2;
	s30 =	spop (v2sf)  }
0x73: {  	s24 =	sadd.s32 $0x10518, s0;
	s22 =	spop (v2sf)  }
0x74: {  	s0 =	smin.u32 s23, $0x10  }
0x75: {  	v1 =	vmov s0  }
0x76: {  	p2 =	sgt.s32 s23, $0x10;
	vm1 =	vgt.u32 v1, v0  }
.Ltmp5:
0x77: {  	_ = 	snop;
	(pc) =	sbr.rel @!p2 .LBB2_7-.Ltmp5, $2  }
0x78: {  	_ =	sdelay $0x2  }
0x79: {  	s4 =	simm.s32 $0x10;
	s25 =	sadd.s32 $0xFFFFFFF0, s23;
	s0 =	smov.u32 s24;
	vm0 =	vmmov vm1  }
.LBB2_6:
0x7a: {  	s2 =	smin.u32 s25, $0x10;
	s4 =	sadd.s32 $0x10, s4;
	v1 =	vld.msk [tilespmem:s0+$0x0 ss:$0x1], vm1  }
0x7b: {  	v2 =	vmov s2;
	p2 =	slt.s32 s4, s23  }
0x7c: {  	vm1 =	vgt.u32 v2, v0  }
.Ltmp6:
0x7d: {  	(pc) =	sbr.rel @p2 .LBB2_6-.Ltmp6, $3  }
0x7e: {  	_ =	sdelay $0x1  }
0x7f: {  	v1 =	vshll.u32 v1, $0x4  }
0x80: {  	s25 =	sadd.s32 $0xFFFFFFF0, s25;
	[tilespmem:s0+$0x0] =	vst.msk vm0, v1;
	s0 =	sadd.s32 $0x10, s0;
	vm0 =	vmmov vm1  }
.LBB2_7:
0x81: {  	_ =	sdelay $0x4  }
0x82: {  	v1 =	vld.msk [tilespmem:s0+$0x0 ss:$0x1], vm1;
	_ =	sdelay $0x4  }
0x83: {  	v1 =	vshll.u32 v1, $0x4  }
0x84: {  	[tilespmem:s0+$0x0] =	vst.msk vm0, v1  }
.LBB2_8:
0x85: {  	s0 =	sand.u32 $0x1, s21  }
0x86: {  	s0 =	smul.u32 $0xF0, s0  }
0x87: {  	p2 =	sne.s32 s30, $0xFFFFFFFF  }
0x88: {  	v1 =	vld.msk @!p2 [tilespmem:s0+$0x10518], $0x1;
	_ =	sdelay $0x4  }
0x89: {  	(v2sf) =	vpush @!p2 v1, $0x0;
	_ =	sdelay $0xc  }
.Ltmp7:
0x8a: {  	_ = 	snop;
	(pc) =	sbr.rel @p1 .LBB2_19-.Ltmp7, $4  }
0x8b: {  	_ = 	snop  }
0x8c: {  	s29 =	spop @!p2 (v2sf)  }
0x8d: {  	s22 =	simm.s32 @!p2 $0x0;
	s25 =	smov.u32 s29  }
0x8e: {  	[sflag:s18] =	ssyncpa.u1 $0x0;
	s29 =	smov.u32 @p2 s28;
	s25 =	smov.u32 @p2 s30  }
0x8f: {  	v1 =	vld.msk [tilespmem:s24+$0x0], $0x1;
	_ =	sdelay $0x4  }
0x90: {  	(v2sf) =	vpush v1, $0x0;
	_ =	sdelay $0xe  }
0x91: {  	s2 =	smul.u32 $0x1E000, s26;
	s0 =	spop (v2sf)  }
0x92: {  	p1 =	seq.s32 s29, s0  }
0x93: {  	s30 =	sadd.s32 $0xFFFFFFFF, s23;
	s2 =	sshrl.u32 s2, $0x2;
	p2 =	sgt.s32 @!p1 s29, $0x0  }
0x94: {  	s26 =	sor.u32 $0x10738, s2;
	s2 =	smov.u32 s29;
	p2 =	por !p2, p1  }
0x95: {  	s2 =	simm.s32 @p2 $0x0;
	p2 =	sne.s32 s30, $0x0  }
.Ltmp8:
0x96: {  	_ = 	snop;
	(pc) =	sbr.rel @!p2 .LBB2_11-.Ltmp8, $4  }
0x97: {  	_ = 	snop  }
0x98: {  	s28 =	simm.s32 $0x0;
	s31 =	sadd.s32 $0x1, s24;
	s2 =	smin.u32 @!p1 s2, $0x70  }
0x99: {  	s4 =	simm.s32 @!p1 $0x1;
	s5 =	simm.s32 @!p1 $0x7988;
	s3 =	sand.u32 @!p1 $0x78, s2  }
0x9a: {  	s4 =	smov.u32 @p1 s28;
	s2 =	sand.u32 @!p1 $0x7, s2;
	s3 =	sadd.s32 @!p1 s1, s3  }
.LBB2_10:
0x9b: {  	s9 =	smov.u32 s4  }
0x9c: {  	[tilespmem:s5], [sflag:$0x2] =	stream.linear.gather @!p1 [hbm4b:s3+s2], $0x80, $0x38;
	[tilespmem:$0x1F6F8] =	vst v63  }
0x9d: {  	s30 =	sadd.s32 $0xFFFFFFFF, s30;
	s2 =	smov.u32 s0;
	v1 =	vld.msk [tilespmem:s31+$0x0], $0x1  }
0x9e: {  	p2 =	sne.s32 s30, $0x0;
	_ =	sdelay $0x3  }
0x9f: {  	(v2sf) =	vpush v1, $0x0;
	_ =	sdelay $0xe  }
0xa0: {  	s0 =	spop (v2sf)  }
0xa1: {  	p1 =	seq.s32 s2, s0  }
0xa2: {  	p3 =	sgt.s32 @!p1 s2, $0x0;
	s3 =	sshll.u32 @!p1 s4, $0x9;
	s4 =	sadd.s32 @!p1 $0x1, s4  }
.Ltmp9:
0xa3: {  	p3 =	por !p3, p1;
	s3 =	sshra.s32 @!p1 s3, $0x2;
	(pc) =	sbr.rel @p2 .LBB2_10-.Ltmp9, $4  }
0xa4: {  	s4 =	smov.u32 @p1 s9;
	s2 =	simm.s32 @p3 $0x0;
	s5 =	sadd.s32 @!p1 $0x7988, s3  }
0xa5: {  	s2 =	smin.u32 @!p1 s2, $0x70  }
0xa6: {  	s3 =	sand.u32 @!p1 $0x78, s2;
	s2 =	sand.u32 @!p1 $0x7, s2  }
0xa7: {  	s31 =	sadd.s32 $0x1, s31;
	s3 =	sadd.s32 @!p1 s1, s3  }
.LBB2_11:
0xa8: {  	[tilespmem:s5], [sflag:$0x2] =	stream.linear.gather @!p1 [hbm4b:s3+s2], $0x80, $0x38;
	[tilespmem:$0x1F6F8] =	vst v63  }
.Ltmp10:
0xa9: {  	s0 =	sshll.u32 s4, $0x7;
	(pc) =	sbr.rel .LBB2_12-.Ltmp10, $4  }
0xaa: {  	s30 =	simm.s32 $0x2;
	s0 =	sand.u32 $0x3FFFFF80, s0  }
0xab: {  	_ =	swait.ge [sflag:s30], s0  }
0xac: {  	s0 =	ssub.s32 $0x0, s0;
	[sflag:s30] =	ssyncset.done $0x0  }
0xad: {  	s31 =	simm.s32 $0x0;
	[sflag:s30] =	ssyncadd.s32 s0  }
.LBB2_13:
0xae: {  	v1 =	vld [tilespmem:s26+$0xFFFFFFC0];
	_ =	sdelay $0x3  }
0xaf: {  	s0 =	sshra.s32 s0, $0x2  }
0xb0: {  	[tilespmem:s0+$0x108] =	vst.add.f32.msk $0xffff, v1  }
0xb1: {  	v1 =	vld [tilespmem:s26+$0xFFFFFFD0];
	_ =	sdelay $0x4  }
0xb2: {  	[tilespmem:s0+$0x118] =	vst.add.f32.msk $0xffff, v1  }
0xb3: {  	v1 =	vld [tilespmem:s26+$0xFFFFFFE0];
	_ =	sdelay $0x4  }
0xb4: {  	[tilespmem:s0+$0x128] =	vst.add.f32.msk $0xffff, v1  }
0xb5: {  	v1 =	vld [tilespmem:s26+$0xFFFFFFF0];
	_ =	sdelay $0x4  }
0xb6: {  	[tilespmem:s0+$0x138] =	vst.add.f32.msk $0xffff, v1  }
0xb7: {  	v1 =	vld [tilespmem:s26+$0x0];
	_ =	sdelay $0x4  }
0xb8: {  	[tilespmem:s0+$0x148] =	vst.add.f32.msk $0xffff, v1  }
0xb9: {  	v1 =	vld [tilespmem:s26+$0x10];
	_ =	sdelay $0x4  }
0xba: {  	[tilespmem:s0+$0x158] =	vst.add.f32.msk $0xffff, v1  }
0xbb: {  	v1 =	vld [tilespmem:s26+$0x20];
	_ =	sdelay $0x4  }
0xbc: {  	[tilespmem:s0+$0x168] =	vst.add.f32.msk $0xffff, v1  }
0xbd: {  	v1 =	vld [tilespmem:s26+$0x30];
	_ =	sdelay $0x4  }
0xbe: {  	[tilespmem:s0+$0x178] =	vst.add.f32.msk $0xffff, v1  }
.LBB2_17:
0xbf: {  	s23 =	sadd.s32 $0xFFFFFFFF, s23  }
0xc0: {  	p1 =	sne.s32 s23, $0x0  }
.Ltmp11:
0xc1: {  	_ = 	snop;
	(pc) =	sbr.rel @!p1 .LBB2_18-.Ltmp11, $2  }
0xc2: {  	_ =	sdelay $0x2  }
0xc3: {  	s24 =	sadd.s32 $0x1, s24;
	s26 =	sadd.s32 $0x80, s26;
	s29 =	smov.u32 s30  }
.LBB2_12:
0xc4: {  	v1 =	vld.msk [tilespmem:s24+$0x0], $0x1;
	_ =	sdelay $0x4  }
0xc5: {  	(v2sf) =	vpush v1, $0x0;
	_ =	sdelay $0xe  }
0xc6: {  	s30 =	spop (v2sf)  }
0xc7: {  	p1 =	sne.s32 s29, s30  }
.Ltmp12:
0xc8: {  	_ = 	snop;
	(pc) =	sbr.rel @!p1 .LBB2_13-.Ltmp12, $2  }
0xc9: {  	_ =	sdelay $0x2  }
0xca: {  	s0 =	sshll.u32 s22, $0x9  }
0xcb: {  	p1 =	seq.s32 s29, s25  }
.Ltmp13:
0xcc: {  	_ = 	snop;
	(pc) =	sbr.rel @!p1 .LBB2_15-.Ltmp13, $1  }
0xcd: {  	_ =	sdelay $0x3  }
0xce: {  	s0 =	sshra.s32 s0, $0x2  }
.Ltmp14:
0xcf: {  	s0 =	sadd.s32 $0x108, s0;
	(pc) =	sbr.rel .LBB2_16-.Ltmp14, $4  }
0xd0: {  	[spmem:s16] =	stream.linear.scatter [tilespmem:s0], [sflag:$0x1], $0x80, $0x38;
	[tilespmem:$0x1F6F8] =	vst v63  }
0xd1: {  	_ =	swait.ge [sflag:s12], $0x80  }
0xd2: {  	[sflag:s12] =	ssyncset.done $0x0  }
0xd3: {  	[sflag:s12] =	ssyncadd.s32 $0xFFFFFF80  }
.LBB2_15:
0xd4: {  	s2 =	sshll.u32 s28, $0x9  }
0xd5: {  	s2 =	sshra.s32 s2, $0x2  }
0xd6: {  	v1 =	vld [tilespmem:s2+$0x7988];
	_ =	sdelay $0x3  }
0xd7: {  	s0 =	sshra.s32 s0, $0x2  }
0xd8: {  	[tilespmem:s0+$0x108] =	vst.add.f32.msk $0xffff, v1  }
0xd9: {  	v1 =	vld [tilespmem:s2+$0x7998];
	_ =	sdelay $0x4  }
0xda: {  	[tilespmem:s0+$0x118] =	vst.add.f32.msk $0xffff, v1  }
0xdb: {  	v1 =	vld [tilespmem:s2+$0x79A8];
	_ =	sdelay $0x4  }
0xdc: {  	[tilespmem:s0+$0x128] =	vst.add.f32.msk $0xffff, v1  }
0xdd: {  	v1 =	vld [tilespmem:s2+$0x79B8];
	_ =	sdelay $0x4  }
0xde: {  	[tilespmem:s0+$0x138] =	vst.add.f32.msk $0xffff, v1  }
0xdf: {  	v1 =	vld [tilespmem:s2+$0x79C8];
	_ =	sdelay $0x4  }
0xe0: {  	[tilespmem:s0+$0x148] =	vst.add.f32.msk $0xffff, v1  }
0xe1: {  	v1 =	vld [tilespmem:s2+$0x79D8];
	_ =	sdelay $0x4  }
0xe2: {  	[tilespmem:s0+$0x158] =	vst.add.f32.msk $0xffff, v1  }
0xe3: {  	v1 =	vld [tilespmem:s2+$0x79E8];
	_ =	sdelay $0x4  }
0xe4: {  	[tilespmem:s0+$0x168] =	vst.add.f32.msk $0xffff, v1  }
0xe5: {  	v1 =	vld [tilespmem:s2+$0x79F8];
	_ =	sdelay $0x2  }
0xe6: {  	p1 =	sgt.u32 s29, $0x70  }
0xe7: {  	s2 =	sand.u32 @!p1 $0x78, s29  }
0xe8: {  	s3 =	sadd.s32 $0x108, s0;
	[tilespmem:s0+$0x178] =	vst.add.f32.msk $0xffff, v1;
	s0 =	sadd.s32 @!p1 s1, s2;
	s2 =	sand.u32 @!p1 $0x7, s29  }
0xe9: {  	[hbm4b:s0+s2] =	stream.linear.scatter @!p1 [tilespmem:s3], [sflag:$0xC], $0x80, $0x38;
	[tilespmem:$0x1F6F8] =	vst v63  }
0xea: {  	s0 =	simm.s32 $0x0  }
0xeb: {  	s0 =	simm.s32 @!p1 $0x200  }
0xec: {  	s31 =	sadd.s32 s0, s31  }
.LBB2_16:
0xed: {  	s0 =	sadd.s32 $0x1, s22  }
0xee: {  	s2 =	smulhi.u32 $0x88888889, s0;
	_ =	sdelay $0x1  }
0xef: {  	v1 =	vld [tilespmem:s26+$0xFFFFFFC0];
	s2 =	sshrl.u32 s2, $0x7  }
0xf0: {  	s2 =	smul.u32 $0xF0, s2;
	_ =	sdelay $0x1  }
0xf1: {  	s22 =	ssub.s32 s0, s2  }
0xf2: {  	s0 =	sshll.u32 s22, $0x7  }
0xf3: {  	[tilespmem:s0+$0x108] =	vst v1  }
0xf4: {  	v1 =	vld [tilespmem:s26+$0xFFFFFFD0];
	_ =	sdelay $0x4  }
0xf5: {  	[tilespmem:s0+$0x118] =	vst v1  }
0xf6: {  	v1 =	vld [tilespmem:s26+$0xFFFFFFE0];
	_ =	sdelay $0x4  }
0xf7: {  	[tilespmem:s0+$0x128] =	vst v1  }
0xf8: {  	v1 =	vld [tilespmem:s26+$0xFFFFFFF0];
	_ =	sdelay $0x4  }
0xf9: {  	[tilespmem:s0+$0x138] =	vst v1  }
0xfa: {  	v1 =	vld [tilespmem:s26+$0x0];
	_ =	sdelay $0x4  }
0xfb: {  	[tilespmem:s0+$0x148] =	vst v1  }
0xfc: {  	v1 =	vld [tilespmem:s26+$0x10];
	_ =	sdelay $0x4  }
0xfd: {  	[tilespmem:s0+$0x158] =	vst v1  }
0xfe: {  	v1 =	vld [tilespmem:s26+$0x20];
	_ =	sdelay $0x4  }
0xff: {  	[tilespmem:s0+$0x168] =	vst v1  }
0x100: {  	v1 =	vld [tilespmem:s26+$0x30]  }
.Ltmp15:
0x101: {  	_ = 	snop;
	(pc) =	sbr.rel .LBB2_17-.Ltmp15, $2  }
0x102: {  	_ =	sdelay $0x2  }
0x103: {  	s28 =	sadd.s32 $0x1, s28;
	[tilespmem:s0+$0x178] =	vst v1  }
.LBB2_19:
.Ltmp16:
0x104: {  	(pc) =	sbr.rel .LBB2_20-.Ltmp16, $4  }
0x105: {  	_ = 	snop  }
0x106: {  	s0 =	simm.s32 $0x2  }
0x107: {  	_ =	swait.ge [sflag:s0], $0x0  }
0x108: {  	s30 =	smov.u32 s29;
	[sflag:s0] =	ssyncset.done $0x0;
	s0 =	simm.s32 $0x0  }
.LBB2_22:
0x109: {  	_ =	sfence.sel $0x180000  }
0x10a: {  	s0 =	simm.s32 $0x9;
	[bflag:$0x0] =	sbarrier.arrive $0xFFFF  }
0x10b: {  	s24 =	simm.s32 $0xA;
	[sflag:s0] =	ssyncpa.u1 $0x1  }
0x10c: {  	s25 =	simm.s32 $0xB;
	[sflag:s24] =	ssyncpa.u1 $0x1  }
0x10d: {  	s26 =	simm.s32 $0x2;
	[sflag:s25] =	ssyncpa.u1 $0x1  }
0x10e: {  	[sflag:s26] =	ssyncpa.u1 $0x1  }
0x10f: {  	v0 =	vld [tilespmem:$0xF208];
	_ =	sdelay $0x4  }
0x110: {  	(v2sf) =	vpush v0, $0x0  }
0x111: {  	(v2sf) =	vpush v0, $0x1;
	_ =	sdelay $0x1  }
0x112: {  	(v2sf) =	vpush v0, $0x2;
	_ =	sdelay $0xb  }
0x113: {  	s0 =	spop (v2sf)  }
0x114: {  	s2 =	spop (v2sf)  }
0x115: {  	s3 =	smov.u32 s0;
	p0 =	sne.s32 s0, s2  }
0x116: {  	s4 =	spop (v2sf);
	s3 =	simm.s32 @!p0 $0xFFFFFFFF  }
0x117: {  	v2 =	vimm.s32 $0x1;
	v3 =	vlaneseq.u32;
	p0 =	seq.s32 s4, $0xFFFFFFFF;
	v1 =	vmov s3  }
0x118: {  	s16 =	stileid.u32;
	v0 =	vperm.xlane v0, v2;
	p1 =	sne.s32 @!p0 s0, s2;
	v1 =	vperm.xlane v1, v3  }
0x119: {  	vm0 =	vcmask $0x3F04;
	s6 =	simm.s32 $0xF208;
	s0 =	simm.s32 @!p0 $0x1;
	p1 =	por !p1, p0  }
0x11a: {  	s3 =	sshll.u32 s16, $0x1;
	s2 =	sshll.u32 @!p0 s4, $0x9;
	s0 =	simm.s32 @p1 $0x0;
	v0 =	vsel vm0, v1, v0  }
0x11b: {  	s5 =	sor.u32 $0x1000, s3;
	s2 =	sshra.s32 @!p0 s2, $0x2;
	s0 =	sor.u32 @!p0 s0, s3;
	[tilespmem:$0xF208] =	vst v0  }
0x11c: {  	[spmem:s5] =	stream.linear.scatter [tilespmem:s6], [sflag:$0x1], $0x2, $0x38;
	[tilespmem:$0x1F6F8] =	vst v63  }
0x11d: {  	s2 =	sadd.s32 @!p0 $0x108, s2;
	s0 =	sshll.u32 @!p0 s0, $0x7  }
0x11e: {  	[spmem:s0] =	stream.linear.scatter @!p0 [tilespmem:s2], [sflag:$0x1], $0x80, $0x38;
	[tilespmem:$0x1F6F8] =	vst v63  }
0x11f: {  	s0 =	simm.s32 @!p0 $0x82  }
0x120: {  	s28 =	simm.s32 $0x1;
	s0 =	simm.s32 @p0 $0x2  }
0x121: {  	_ =	swait.ge [sflag:s28], s0  }
0x122: {  	s0 =	ssub.s32 $0x0, s0;
	[sflag:s28] =	ssyncset.done $0x0  }
0x123: {  	p0 =	sne.s32 s16, $0x0;
	[sflag:s28] =	ssyncadd.s32 s0  }
.Ltmp17:
0x124: {  	_ =	sfence.stream.spmem;
	(pc) =	sbr.rel @p0 .LBB2_39-.Ltmp17, $4  }
0x125: {  	s29 =	simm.s32 $0x3;
	[bflag:$0x0] =	sbarrier.arrive $0xFFFF  }
0x126: {  	s30 =	simm.s32 $0x4;
	[sflag:s29] =	ssyncpa.u1 $0x1  }
0x127: {  	s31 =	simm.s32 $0x3C;
	[sflag:s30] =	ssyncpa.u1 $0x1  }
0x128: {  	s15 =	rddreg [dreg:$0x5];
	[sflag:s31] =	ssyncpa.u1 $0x1  }
0x129: {  	_ =	sfence.stream.spmem;
	s0 =	simm.s32 $0x5  }
0x12a: {  	s2 =	simm.s32 $0x1000;
	s3 =	simm.s32 $0xF218;
	[sflag:s0] =	ssyncpa.u1 $0x0  }
0x12b: {  	[tilespmem:s3], [sflag:$0x5] =	stream.linear.gather [spmem:s2], $0x20, $0x38;
	[tilespmem:$0x1F6F8] =	vst v63  }
0x12c: {  	s26 =	simm.s32 $0x0;
	s28 =	simm.s32 $0xF238  }
0x12d: {  	[tilespmem:s28], [sflag:$0x5] =	stream.linear.gather [spmem:s26], $0x1000, $0x38;
	[tilespmem:$0x1F6F8] =	vst v63  }
0x12e: {  	_ =	swait.ge [sflag:s0], $0x1020  }
0x12f: {  	[sflag:s0] =	ssyncset.done $0x0  }
0x130: {  	s29 =	simm.s32 $0x0;
	[sflag:s0] =	ssyncadd.s32 $0xFFFFEFE0  }
0x131: {  	v0 =	vld.msk [tilespmem:s29+$0xF218], $0x1;
	_ =	sdelay $0x1  }
0x132: {  	s30 =	simm.s32 $0x1  }
0x133: {  	v1 =	vld.msk [tilespmem:s30+$0xF218], $0x1;
	_ =	sdelay $0x1  }
0x134: {  	(v2sf) =	vpush v0, $0x0;
	_ =	sdelay $0x2  }
0x135: {  	(v2sf) =	vpush v1, $0x0;
	_ =	sdelay $0x2  }
0x136: {  	s31 =	simm.s32 $0x2  }
0x137: {  	v0 =	vld.msk [tilespmem:s31+$0xF218], $0x1;
	_ =	sdelay $0x2  }
0x138: {  	s4 =	simm.s32 $0xFFFFFFFF;
	s5 =	simm.s32 $0xFFFFFFFF;
	s0 =	simm.s32 $0xC  }
.LBB2_24:
0x139: {  	s2 =	smov.u32 s5;
	s3 =	smov.u32 s4  }
0x13a: {  	s4 =	sshra.s32 s0, $0x2;
	p1 =	sne.s32 s0, $0x7C;
	s0 =	sadd.s32 $0x4, s0;
	(v2sf) =	vpush v0, $0x0  }
0x13b: {  	v0 =	vld.msk [tilespmem:s4+$0xF218], $0x1  }
.Ltmp18:
0x13c: {  	(pc) =	sbr.rel @p1 .LBB2_24-.Ltmp18, $4  }
0x13d: {  	s5 =	spop (v2sf)  }
0x13e: {  	p2 =	sne.s32 s3, $0xFFFFFFFF;
	s4 =	smov.u32 s5  }
0x13f: {  	p3 =	seq.s32 s5, $0xFFFFFFFF;
	s4 =	smov.u32 @p2 s3  }
0x140: {  	s5 =	smov.u32 @p3 s2;
	s4 =	smov.u32 @p3 s3  }
0x141: {  	(v2sf) =	vpush v0, $0x0;
	_ =	sdelay $0x8  }
0x142: {  	s0 =	spop (v2sf)  }
0x143: {  	p1 =	sne.s32 s4, $0xFFFFFFFF;
	s2 =	smov.u32 s0  }
0x144: {  	s9 =	simm.s32 $0x6;
	p2 =	seq.s32 s0, $0xFFFFFFFF;
	s2 =	smov.u32 @p1 s4  }
0x145: {  	s6 =	simm.s32 $0x0;
	s2 =	smov.u32 @p2 s4;
	s3 =	spop (v2sf)  }
0x146: {  	s0 =	smov.u32 @p2 s5;
	p1 =	sne.s32 s2, $0xFFFFFFFF;
	s4 =	smov.u32 s3  }
.Ltmp19:
0x147: {  	p2 =	seq.s32 s3, $0xFFFFFFFF;
	s4 =	smov.u32 @p1 s2;
	(pc) =	sbr.rel .LBB2_26-.Ltmp19, $4  }
0x148: {  	s10 =	simm.s32 $0xF188;
	s4 =	smov.u32 @p2 s2;
	s7 =	spop (v2sf)  }
0x149: {  	s11 =	simm.s32 $0x0;
	p1 =	sne.s32 s4, $0xFFFFFFFF;
	s8 =	smov.u32 s7  }
0x14a: {  	s3 =	smov.u32 @p2 s0;
	p2 =	seq.s32 s7, $0xFFFFFFFF;
	s8 =	smov.u32 @p1 s4  }
0x14b: {  	[sflag:s9] =	ssyncpa.u1 $0x0;
	s7 =	smov.u32 @p2 s3;
	s8 =	smov.u32 @p2 s4  }
.LBB2_32:
0x14c: {  	p1 =	sgt.u32 s12, $0x70  }
0x14d: {  	p2 =	seq.s32 @!p1 s12, s8  }
0x14e: {  	p1 =	por p1, p2  }
0x14f: {  	p2 =	sne.s32 @!p1 s12, s7  }
0x150: {  	p1 =	por p1, !p2  }
0x151: {  	s0 =	sshll.u32 @p1 s11, $0x9  }
0x152: {  	s0 =	sand.u32 @!p1 $0x78, s12  }
0x153: {  	s2 =	sand.u32 @!p1 $0x7, s12;
	s0 =	sadd.s32 @!p1 s1, s0  }
0x154: {  	[tilespmem:s10], [sflag:$0x6] =	stream.linear.gather @!p1 [hbm4b:s0+s2], $0x80, $0x38;
	[tilespmem:$0x1F6F8] =	vst v63  }
0x155: {  	_ =	swait.ge @!p1 [sflag:s9], $0x80  }
0x156: {  	[sflag:s9] =	ssyncset.done @!p1 $0x0  }
0x157: {  	[sflag:s9] =	ssyncadd.s32 @!p1 $0xFFFFFF80  }
0x158: {  	v1 =	vld @!p1 [tilespmem:$0xF188];
	_ =	sdelay $0x2  }
0x159: {  	s0 =	sshll.u32 @!p1 s11, $0x9  }
0x15a: {  	s2 =	sshrl.u32 @!p1 s0, $0x2  }
0x15b: {  	[tilespmem:s2+$0xF238] =	vst.add.f32.msk @!p1 $0xffff, v1  }
0x15c: {  	v1 =	vld @!p1 [tilespmem:$0xF198];
	_ =	sdelay $0x4  }
0x15d: {  	[tilespmem:s2+$0xF248] =	vst.add.f32.msk @!p1 $0xffff, v1  }
0x15e: {  	v1 =	vld @!p1 [tilespmem:$0xF1A8];
	_ =	sdelay $0x4  }
0x15f: {  	[tilespmem:s2+$0xF258] =	vst.add.f32.msk @!p1 $0xffff, v1  }
0x160: {  	v1 =	vld @!p1 [tilespmem:$0xF1B8];
	_ =	sdelay $0x4  }
0x161: {  	[tilespmem:s2+$0xF268] =	vst.add.f32.msk @!p1 $0xffff, v1  }
0x162: {  	v1 =	vld @!p1 [tilespmem:$0xF1C8];
	_ =	sdelay $0x4  }
0x163: {  	[tilespmem:s2+$0xF278] =	vst.add.f32.msk @!p1 $0xffff, v1  }
0x164: {  	v1 =	vld @!p1 [tilespmem:$0xF1D8];
	_ =	sdelay $0x4  }
0x165: {  	[tilespmem:s2+$0xF288] =	vst.add.f32.msk @!p1 $0xffff, v1  }
0x166: {  	v1 =	vld @!p1 [tilespmem:$0xF1E8];
	_ =	sdelay $0x4  }
0x167: {  	[tilespmem:s2+$0xF298] =	vst.add.f32.msk @!p1 $0xffff, v1  }
0x168: {  	v1 =	vld @!p1 [tilespmem:$0xF1F8];
	_ =	sdelay $0x4  }
0x169: {  	[tilespmem:s2+$0xF2A8] =	vst.add.f32.msk @!p1 $0xffff, v1  }
0x16a: {  	s0 =	sshrl.u32 s0, $0x2;
	[tilespmem:s6+$0xF218] =	vst.msk $0x1, v0  }
0x16b: {  	v0 =	vld [tilespmem:s0+$0xF238];
	_ =	sdelay $0x2  }
0x16c: {  	s31 =	sshll.u32 s6, $0x9  }
0x16d: {  	s2 =	sshra.s32 s31, $0x2  }
0x16e: {  	[tilespmem:s2+$0xF238] =	vst v0  }
0x16f: {  	v0 =	vld [tilespmem:s0+$0xF248];
	_ =	sdelay $0x4  }
0x170: {  	[tilespmem:s2+$0xF248] =	vst v0  }
0x171: {  	v0 =	vld [tilespmem:s0+$0xF258];
	_ =	sdelay $0x4  }
0x172: {  	[tilespmem:s2+$0xF258] =	vst v0  }
0x173: {  	v0 =	vld [tilespmem:s0+$0xF268];
	_ =	sdelay $0x4  }
0x174: {  	[tilespmem:s2+$0xF268] =	vst v0  }
0x175: {  	v0 =	vld [tilespmem:s0+$0xF278];
	_ =	sdelay $0x4  }
0x176: {  	[tilespmem:s2+$0xF278] =	vst v0  }
0x177: {  	v0 =	vld [tilespmem:s0+$0xF288];
	_ =	sdelay $0x4  }
0x178: {  	[tilespmem:s2+$0xF288] =	vst v0  }
0x179: {  	v0 =	vld [tilespmem:s0+$0xF298];
	_ =	sdelay $0x4  }
0x17a: {  	[tilespmem:s2+$0xF298] =	vst v0  }
0x17b: {  	v0 =	vld [tilespmem:s0+$0xF2A8];
	_ =	sdelay $0x4  }
0x17c: {  	s6 =	sadd.s32 $0x1, s6;
	[tilespmem:s2+$0xF2A8] =	vst v0  }
.LBB2_33:
0x17d: {  	s11 =	sadd.s32 $0x1, s11  }
0x17e: {  	p1 =	sne.s32 s11, $0x20  }
.Ltmp20:
0x17f: {  	_ = 	snop;
	(pc) =	sbr.rel @!p1 .LBB2_34-.Ltmp20, $1  }
0x180: {  	_ =	sdelay $0x3  }
.LBB2_26:
0x181: {  	v0 =	vld.msk [tilespmem:s11+$0xF218], $0x1;
	_ =	sdelay $0x4  }
0x182: {  	(v2sf) =	vpush v0, $0x0;
	_ =	sdelay $0xe  }
0x183: {  	s12 =	spop (v2sf)  }
0x184: {  	p1 =	seq.s32 s12, $0xFFFFFFFF  }
.Ltmp21:
0x185: {  	_ = 	snop;
	(pc) =	sbr.rel @p1 .LBB2_33-.Ltmp21, $1  }
0x186: {  	_ =	sdelay $0x3  }
0x187: {  	p1 =	slt.s32 s6, $0x1  }
.Ltmp22:
0x188: {  	_ = 	snop;
	(pc) =	sbr.rel @p1 .LBB2_32-.Ltmp22, $1  }
0x189: {  	_ =	sdelay $0x3  }
0x18a: {  	s13 =	simm.s32 $0xF218;
	p1 =	por $0x0, $0x0  }
0x18b: {  	v1 =	vld.msk @!p1 [tilespmem:s13+$0x0], $0x1;
	_ =	sdelay $0x4  }
0x18c: {  	(v2sf) =	vpush @!p1 v1, $0x0;
	_ =	sdelay $0xd  }
0x18d: {  	p3 =	sne.s32 s6, $0x1  }
.Ltmp23:
0x18e: {  	s0 =	spop @!p1 (v2sf);
	(pc) =	sbr.rel @!p3 .LBB2_30-.Ltmp23, $4  }
0x18f: {  	p2 =	seq.s32 @!p1 s12, s0  }
0x190: {  	s14 =	simm.s32 $0x0;
	p2 =	por !p2, p1  }
0x191: {  	s2 =	simm.s32 $0xFFFFFFFF;
	s14 =	simm.s32 @p2 $0xFFFFFFFF  }
0x192: {  	s0 =	simm.s32 $0x1;
	s14 =	smov.u32 @p1 s2  }
.LBB2_29:
0x193: {  	s2 =	smov.u32 s14;
	p1 =	sne.s32 s14, $0xFFFFFFFF  }
0x194: {  	s13 =	sadd.s32 $0x1, s13;
	s14 =	smov.u32 s0;
	s0 =	sadd.s32 $0x1, s0  }
0x195: {  	p2 =	sne.s32 s6, s0;
	v1 =	vld.msk @!p1 [tilespmem:s13+$0x0], $0x1;
	_ =	sdelay $0x4  }
0x196: {  	(v2sf) =	vpush @!p1 v1, $0x0;
	_ =	sdelay $0xe  }
.Ltmp24:
0x197: {  	s3 =	spop @!p1 (v2sf);
	(pc) =	sbr.rel @p2 .LBB2_29-.Ltmp24, $4  }
0x198: {  	p3 =	seq.s32 @!p1 s12, s3  }
0x199: {  	p3 =	por !p3, p1  }
0x19a: {  	s14 =	simm.s32 @p3 $0xFFFFFFFF  }
0x19b: {  	s14 =	smov.u32 @p1 s2  }
.LBB2_30:
0x19c: {  	p1 =	seq.s32 s14, $0xFFFFFFFF  }
.Ltmp25:
0x19d: {  	_ = 	snop;
	(pc) =	sbr.rel @p1 .LBB2_32-.Ltmp25, $1  }
0x19e: {  	_ =	sdelay $0x3  }
0x19f: {  	s0 =	sshll.u32 s11, $0x7  }
0x1a0: {  	s0 =	sand.u32 $0x3FFFFF80, s0  }
0x1a1: {  	v0 =	vld [tilespmem:s0+$0xF238];
	_ =	sdelay $0x2  }
0x1a2: {  	s2 =	sshll.u32 s14, $0x9  }
0x1a3: {  	s2 =	sshra.s32 s2, $0x2  }
0x1a4: {  	[tilespmem:s2+$0xF238] =	vst.add.f32.msk $0xffff, v0  }
0x1a5: {  	v0 =	vld [tilespmem:s0+$0xF248];
	_ =	sdelay $0x4  }
0x1a6: {  	[tilespmem:s2+$0xF248] =	vst.add.f32.msk $0xffff, v0  }
0x1a7: {  	v0 =	vld [tilespmem:s0+$0xF258];
	_ =	sdelay $0x4  }
0x1a8: {  	[tilespmem:s2+$0xF258] =	vst.add.f32.msk $0xffff, v0  }
0x1a9: {  	v0 =	vld [tilespmem:s0+$0xF268];
	_ =	sdelay $0x4  }
0x1aa: {  	[tilespmem:s2+$0xF268] =	vst.add.f32.msk $0xffff, v0  }
0x1ab: {  	v0 =	vld [tilespmem:s0+$0xF278];
	_ =	sdelay $0x4  }
0x1ac: {  	[tilespmem:s2+$0xF278] =	vst.add.f32.msk $0xffff, v0  }
0x1ad: {  	v0 =	vld [tilespmem:s0+$0xF288];
	_ =	sdelay $0x4  }
0x1ae: {  	[tilespmem:s2+$0xF288] =	vst.add.f32.msk $0xffff, v0  }
0x1af: {  	v0 =	vld [tilespmem:s0+$0xF298];
	_ =	sdelay $0x4  }
0x1b0: {  	[tilespmem:s2+$0xF298] =	vst.add.f32.msk $0xffff, v0  }
0x1b1: {  	v0 =	vld [tilespmem:s0+$0xF2A8]  }
.Ltmp26:
0x1b2: {  	_ = 	snop;
	(pc) =	sbr.rel .LBB2_33-.Ltmp26, $2  }
0x1b3: {  	_ =	sdelay $0x2  }
0x1b4: {  	[tilespmem:s2+$0xF2A8] =	vst.add.f32.msk $0xffff, v0  }
.LBB2_34:
0x1b5: {  	s0 =	simm.s32 $0x6;
	p1 =	seq.s32 s6, $0x0  }
0x1b6: {  	[sflag:s0] =	ssyncpa.u1 $0x1;
	v0 =	vimm.s32 @p1 $0xFFFFFFFF  }
0x1b7: {  	s9 =	sadd.s32 $0xFFFFFFFF, s6;
	[tilespmem:$0x10238] =	vst @p1 v0  }
0x1b8: {  	v0 =	vld.msk @!p1 [tilespmem:s9+$0xF218], $0x1;
	_ =	sdelay $0x1  }
0x1b9: {  	v1 =	vld.msk @!p1 [tilespmem:$0xF218], $0x1;
	_ =	sdelay $0x2  }
0x1ba: {  	p2 =	seq.s32 @!p1 s9, $0x0;
	v0 =	vbroadcast @!p1 v0, $0x0  }
0x1bb: {  	vm0 =	vmmov @!p1 $0x1;
	p2 =	por !p2, p1  }
0x1bc: {  	v1 =	vnsel @!p1 vm0, $0xFFFFFFFF, v1;
	vm0 =	vcmask @!p1 $0x308;
	v0 =	vpsel !p2, $0xFFFFFFFF, v0  }
0x1bd: {  	p2 =	sne.s32 @!p1 s8, s7;
	v0 =	vsel @!p1 vm0, v1, v0  }
0x1be: {  	s0 =	simm.s32 @!p1 $0xF238;
	s2 =	simm.s32 @!p1 $0x0;
	p3 =	por !p2, p1;
	[tilespmem:$0x10238] =	vst @!p1 v0  }
0x1bf: {  	[spmem:s2] =	stream.linear.scatter @!p1 [tilespmem:s0], [sflag:$0x1], $0x80, $0x38;
	[tilespmem:$0x1F6F8] =	vst v63  }
0x1c0: {  	s0 =	sshll.u32 @!p3 s9, $0x9  }
0x1c1: {  	s0 =	sshra.s32 @!p3 s0, $0x2  }
0x1c2: {  	s2 =	simm.s32 @!p3 $0x80;
	s0 =	sadd.s32 @!p3 $0xF238, s0  }
0x1c3: {  	[spmem:s2] =	stream.linear.scatter @!p3 [tilespmem:s0], [sflag:$0x1], $0x80, $0x38;
	[tilespmem:$0x1F6F8] =	vst v63  }
0x1c4: {  	s0 =	simm.s32 @!p3 $0x1  }
0x1c5: {  	_ =	swait.ge @!p3 [sflag:s0], $0x100  }
0x1c6: {  	p1 =	por p2, p1;
	[sflag:s0] =	ssyncset.done @!p3 $0x0  }
0x1c7: {  	[sflag:s0] =	ssyncadd.s32 @!p3 $0xFFFFFF00;
	s0 =	simm.s32 @!p1 $0x1  }
0x1c8: {  	_ =	swait.ge @!p1 [sflag:s0], $0x80  }
0x1c9: {  	s29 =	simm.s32 $0x10238;
	[sflag:s0] =	ssyncset.done @!p1 $0x0  }
0x1ca: {  	s30 =	simm.s32 $0x1000;
	s31 =	simm.s32 $0x1;
	[sflag:s0] =	ssyncadd.s32 @!p1 $0xFFFFFF80  }
0x1cb: {  	[spmem:s30] =	stream.linear.scatter [tilespmem:s29], [sflag:$0x1], $0x10, $0x38;
	[tilespmem:$0x1F6F8] =	vst v63  }
0x1cc: {  	_ =	swait.ge [sflag:s31], $0x10  }
0x1cd: {  	[sflag:s31] =	ssyncset.done $0x0  }
0x1ce: {  	p1 =	seq.s32 s15, $0x0;
	s8 =	rddreg [dreg:$0x2];
	[sflag:s31] =	ssyncadd.s32 $0xFFFFFFF0  }
0x1cf: {  	s2 =	sshll.u32 @p1 s8, $0xE;
	s7 =	rddreg [dreg:$0x3]  }
0x1d0: {  	s0 =	sadd.s32 @p1 $0x15C3C, s2;
	s2 =	sshll.u32 @p1 s7, $0x11  }
0x1d1: {  	_ =	sfence.stream.spmem;
	s0 =	sor.u32 @p1 s2, s0  }
0x1d2: {  	[sflag:s0] =	ssyncadd.remote.s32 @p1 $0x1;
	s0 =	simm.s32 @p1 $0x4  }
0x1d3: {  	s3 =	simm.s32 @!p1 $0x3C;
	s2 =	sand.u32 $0xFFFFFFFE, s8;
	_ =	swait.ge @p1 [sflag:s0], $0x22  }
0x1d4: {  	s4 =	simm.s32 @!p1 $0x0;
	s2 =	sadd.s32 @!p1 $0x4, s2;
	[sflag:s0] =	ssyncset.done @p1 $0x0  }
0x1d5: {  	s5 =	simm.s32 @!p1 $0x100;
	[sflag:s0] =	ssyncadd.s32 @p1 $0xFFFFFFDE;
	s0 =	sshll.u32 @!p1 s2, $0x1A  }
0x1d6: {  	s2 =	sshll.u32 @!p1 s2, $0xD;
	s0 =	sor.u32 @!p1 s0, s7;
	_ =	swait.eq @!p1 [sflag:s3], $0x1  }
0x1d7: {  	s2 =	sor.u32 @!p1 $0x1C04, s2;
	s3 =	simm.s32 @!p1 $0x1C03;
	s0 =	sor.u32 @!p1 $0x80004000, s0  }
0x1d8: {  	[spmem:s5], [sflag:s2] =	dma.general @!p1 [spmem:s4], [sflag:s3], length:$0x20, [dreg:$0x0], stride_count:$0x0, ici_dest:s0, dma_misc:DstOpCode:WRITE  }
0x1d9: {  	p2 =	slt.s32 s9, $0x2;
	s4 =	simm.s32 @!p1 $0x200;
	s5 =	simm.s32 @!p1 $0x202  }
0x1da: {  	[spmem:s5], [sflag:s2] =	dma.general @!p1 [spmem:s4], [sflag:s3], length:$0x2, [dreg:$0x0], stride_count:$0x0, ici_dest:s0, dma_misc:DstOpCode:WRITE  }
.Ltmp27:
0x1db: {  	s0 =	simm.s32 @!p1 $0x3;
	(pc) =	sbr.rel @p2 .LBB2_38-.Ltmp27, $4  }
0x1dc: {  	s2 =	sshll.u32 @!p1 s8, $0xE;
	_ =	swait.ge @!p1 [sflag:s0], $0x22  }
0x1dd: {  	s3 =	sshll.u32 @!p1 s7, $0x11;
	s2 =	sadd.s32 @!p1 $0x11C3C, s2;
	[sflag:s0] =	ssyncset.done @!p1 $0x0  }
0x1de: {  	[sflag:s0] =	ssyncadd.s32 @!p1 $0xFFFFFFDE;
	s0 =	sor.u32 @!p1 s3, s2  }
0x1df: {  	[sflag:s0] =	ssyncadd.remote.s32 @!p1 $0xFFFFFFFF;
	s0 =	simm.s32 $0x0  }
0x1e0: {  	s0 =	simm.s32 $0xF219  }
0x1e1: {  	v0 =	vld.msk [tilespmem:s0+$0x0], $0x1;
	_ =	sdelay $0x4  }
0x1e2: {  	(v2sf) =	vpush v0, $0x0;
	_ =	sdelay $0xc  }
0x1e3: {  	s2 =	sadd.s32 $0xFFFFFFFE, s6  }
0x1e4: {  	s5 =	sadd.s32 $0xFFFFFFFF, s2  }
0x1e5: {  	p2 =	sne.s32 s5, $0x0;
	s0 =	spop (v2sf)  }
.Ltmp28:
0x1e6: {  	p1 =	sgt.u32 s0, $0x70;
	(pc) =	sbr.rel @!p2 .LBB2_37-.Ltmp28, $4  }
0x1e7: {  	s4 =	simm.s32 $0xF2B8;
	s3 =	sand.u32 @!p1 $0x78, s0  }
0x1e8: {  	s7 =	simm.s32 $0x0;
	s0 =	sand.u32 @!p1 $0x7, s0;
	s2 =	sadd.s32 @!p1 s1, s3  }
0x1e9: {  	[hbm4b:s2+s0] =	stream.linear.scatter @!p1 [tilespmem:s4], [sflag:$0x5], $0x80, $0x38;
	[tilespmem:$0x1F6F8] =	vst v63  }
0x1ea: {  	s6 =	simm.s32 $0xF21A;
	s7 =	simm.s32 @!p1 $0x200;
	s0 =	simm.s32 $0x0  }
.LBB2_36:
0x1eb: {  	v0 =	vld.msk [tilespmem:s6+$0x0], $0x1;
	s5 =	sadd.s32 $0xFFFFFFFF, s5;
	s0 =	sadd.s32 s0, s7  }
0x1ec: {  	p1 =	sne.s32 s5, $0x0;
	_ =	sdelay $0x3  }
0x1ed: {  	(v2sf) =	vpush v0, $0x0;
	_ =	sdelay $0xe  }
.Ltmp29:
0x1ee: {  	s2 =	spop (v2sf);
	(pc) =	sbr.rel @p1 .LBB2_36-.Ltmp29, $4  }
0x1ef: {  	s7 =	simm.s32 $0x0;
	p2 =	sgt.u32 s2, $0x70  }
0x1f0: {  	s4 =	sadd.s32 $0x80, s4;
	s7 =	simm.s32 @!p2 $0x200;
	s3 =	sand.u32 @!p2 $0x78, s2  }
0x1f1: {  	s6 =	sadd.s32 $0x1, s6;
	s2 =	sand.u32 @!p2 $0x7, s2;
	s3 =	sadd.s32 @!p2 s1, s3  }
0x1f2: {  	[hbm4b:s3+s2] =	stream.linear.scatter @!p2 [tilespmem:s4], [sflag:$0x5], $0x80, $0x38;
	[tilespmem:$0x1F6F8] =	vst v63  }
.LBB2_37:
0x1f3: {  	s0 =	sadd.s32 s0, s7  }
0x1f4: {  	s0 =	sshrl.u32 s0, $0x2  }
.LBB2_38:
0x1f5: {  	s2 =	simm.s32 $0x5  }
0x1f6: {  	_ =	swait.ge [sflag:s2], s0  }
0x1f7: {  	s31 =	ssub.s32 $0x0, s0;
	[sflag:s2] =	ssyncset.done $0x0  }
0x1f8: {  	[sflag:s2] =	ssyncadd.s32 s31  }
0x1f9: {  	[sflag:s2] =	ssyncpa.u1 $0x1  }
.LBB2_39:
0x1fa: {  	s0 =	sor.u32 s15, s16  }
0x1fb: {  	p1 =	sne.s32 s0, $0x0  }
.Ltmp30:
0x1fc: {  	_ = 	snop;
	(pc) =	sbr.rel @p1 .LBB2_54-.Ltmp30, $3  }
0x1fd: {  	_ =	sdelay $0x1  }
0x1fe: {  	[bflag:$0x0] =	sbarrier.arrive $0xFFFF  }
0x1ff: {  	_ =	sfence  }
0x200: {  	s0 =	simm.s32 $0x7  }
0x201: {  	s2 =	simm.s32 $0x1000;
	s3 =	simm.s32 $0xF218;
	[sflag:s0] =	ssyncpa.u1 $0x0  }
0x202: {  	[tilespmem:s3], [sflag:$0x7] =	stream.linear.gather [spmem:s2], $0x20, $0x38;
	[tilespmem:$0x1F6F8] =	vst v63  }
0x203: {  	s30 =	simm.s32 $0xF238;
	s2 =	simm.s32 $0x0  }
0x204: {  	[tilespmem:s30], [sflag:$0x7] =	stream.linear.gather [spmem:s2], $0x1000, $0x38;
	[tilespmem:$0x1F6F8] =	vst v63  }
.Ltmp31:
0x205: {  	_ = 	snop;
	(pc) =	sbr.rel .LBB2_41-.Ltmp31, $4  }
0x206: {  	_ =	swait.ge [sflag:s0], $0x1020  }
0x207: {  	[sflag:s0] =	ssyncset.done $0x0  }
0x208: {  	s31 =	simm.s32 $0x8;
	[sflag:s0] =	ssyncadd.s32 $0xFFFFEFE0  }
0x209: {  	s3 =	simm.s32 $0x0;
	[sflag:s31] =	ssyncpa.u1 $0x0  }
.LBB2_47:
0x20a: {  	p1 =	slt.u32 s4, $0x71  }
0x20b: {  	s0 =	sand.u32 @p1 $0x78, s4  }
0x20c: {  	s4 =	sand.u32 @p1 $0x7, s4;
	s5 =	simm.s32 @p1 $0xF188;
	s0 =	sadd.s32 @p1 s1, s0  }
0x20d: {  	[tilespmem:s5], [sflag:$0x8] =	stream.linear.gather @p1 [hbm4b:s0+s4], $0x80, $0x38;
	[tilespmem:$0x1F6F8] =	vst v63  }
0x20e: {  	s0 =	simm.s32 @p1 $0x8  }
0x20f: {  	_ =	swait.ge @p1 [sflag:s0], $0x80  }
0x210: {  	[sflag:s0] =	ssyncset.done @p1 $0x0  }
0x211: {  	[sflag:s0] =	ssyncadd.s32 @p1 $0xFFFFFF80  }
0x212: {  	v1 =	vld @p1 [tilespmem:$0xF188];
	_ =	sdelay $0x2  }
0x213: {  	s0 =	sshll.u32 @p1 s3, $0x9  }
0x214: {  	s4 =	sshrl.u32 @p1 s0, $0x2  }
0x215: {  	[tilespmem:s4+$0xF238] =	vst.add.f32.msk @p1 $0xffff, v1  }
0x216: {  	v1 =	vld @p1 [tilespmem:$0xF198];
	_ =	sdelay $0x4  }
0x217: {  	[tilespmem:s4+$0xF248] =	vst.add.f32.msk @p1 $0xffff, v1  }
0x218: {  	v1 =	vld @p1 [tilespmem:$0xF1A8];
	_ =	sdelay $0x4  }
0x219: {  	[tilespmem:s4+$0xF258] =	vst.add.f32.msk @p1 $0xffff, v1  }
0x21a: {  	v1 =	vld @p1 [tilespmem:$0xF1B8];
	_ =	sdelay $0x4  }
0x21b: {  	[tilespmem:s4+$0xF268] =	vst.add.f32.msk @p1 $0xffff, v1  }
0x21c: {  	v1 =	vld @p1 [tilespmem:$0xF1C8];
	_ =	sdelay $0x4  }
0x21d: {  	[tilespmem:s4+$0xF278] =	vst.add.f32.msk @p1 $0xffff, v1  }
0x21e: {  	v1 =	vld @p1 [tilespmem:$0xF1D8];
	_ =	sdelay $0x4  }
0x21f: {  	[tilespmem:s4+$0xF288] =	vst.add.f32.msk @p1 $0xffff, v1  }
0x220: {  	v1 =	vld @p1 [tilespmem:$0xF1E8];
	_ =	sdelay $0x4  }
0x221: {  	[tilespmem:s4+$0xF298] =	vst.add.f32.msk @p1 $0xffff, v1  }
0x222: {  	v1 =	vld @p1 [tilespmem:$0xF1F8];
	_ =	sdelay $0x3  }
0x223: {  	s5 =	sshll.u32 @!p1 s3, $0x9  }
0x224: {  	s5 =	smov.u32 @p1 s0;
	[tilespmem:s4+$0xF2A8] =	vst.add.f32.msk @p1 $0xffff, v1  }
0x225: {  	s0 =	sshrl.u32 s5, $0x2;
	[tilespmem:s2+$0xF218] =	vst.msk $0x1, v0  }
0x226: {  	v0 =	vld [tilespmem:s0+$0xF238];
	_ =	sdelay $0x2  }
0x227: {  	s31 =	sshll.u32 s2, $0x9  }
0x228: {  	s4 =	sshra.s32 s31, $0x2  }
0x229: {  	[tilespmem:s4+$0xF238] =	vst v0  }
0x22a: {  	v0 =	vld [tilespmem:s0+$0xF248];
	_ =	sdelay $0x4  }
0x22b: {  	[tilespmem:s4+$0xF248] =	vst v0  }
0x22c: {  	v0 =	vld [tilespmem:s0+$0xF258];
	_ =	sdelay $0x4  }
0x22d: {  	[tilespmem:s4+$0xF258] =	vst v0  }
0x22e: {  	v0 =	vld [tilespmem:s0+$0xF268];
	_ =	sdelay $0x4  }
0x22f: {  	[tilespmem:s4+$0xF268] =	vst v0  }
0x230: {  	v0 =	vld [tilespmem:s0+$0xF278];
	_ =	sdelay $0x4  }
0x231: {  	[tilespmem:s4+$0xF278] =	vst v0  }
0x232: {  	v0 =	vld [tilespmem:s0+$0xF288];
	_ =	sdelay $0x4  }
0x233: {  	[tilespmem:s4+$0xF288] =	vst v0  }
0x234: {  	v0 =	vld [tilespmem:s0+$0xF298];
	_ =	sdelay $0x4  }
0x235: {  	[tilespmem:s4+$0xF298] =	vst v0  }
0x236: {  	v0 =	vld [tilespmem:s0+$0xF2A8];
	_ =	sdelay $0x4  }
0x237: {  	s2 =	sadd.s32 $0x1, s2;
	[tilespmem:s4+$0xF2A8] =	vst v0  }
.LBB2_48:
0x238: {  	s3 =	sadd.s32 $0x1, s3  }
0x239: {  	p1 =	sne.s32 s3, $0x20  }
.Ltmp32:
0x23a: {  	_ = 	snop;
	(pc) =	sbr.rel @!p1 .LBB2_49-.Ltmp32, $1  }
0x23b: {  	_ =	sdelay $0x3  }
.LBB2_41:
0x23c: {  	v0 =	vld.msk [tilespmem:s3+$0xF218], $0x1;
	_ =	sdelay $0x4  }
0x23d: {  	(v2sf) =	vpush v0, $0x0;
	_ =	sdelay $0xe  }
0x23e: {  	s4 =	spop (v2sf)  }
0x23f: {  	p1 =	seq.s32 s4, $0xFFFFFFFF  }
.Ltmp33:
0x240: {  	_ = 	snop;
	(pc) =	sbr.rel @p1 .LBB2_48-.Ltmp33, $1  }
0x241: {  	_ =	sdelay $0x3  }
0x242: {  	p1 =	slt.s32 s2, $0x1  }
.Ltmp34:
0x243: {  	_ = 	snop;
	(pc) =	sbr.rel @p1 .LBB2_47-.Ltmp34, $1  }
0x244: {  	_ =	sdelay $0x3  }
0x245: {  	s5 =	simm.s32 $0xF218;
	p1 =	por $0x0, $0x0  }
0x246: {  	v1 =	vld.msk @!p1 [tilespmem:s5+$0x0], $0x1;
	_ =	sdelay $0x4  }
0x247: {  	(v2sf) =	vpush @!p1 v1, $0x0;
	_ =	sdelay $0xd  }
0x248: {  	p3 =	sne.s32 s2, $0x1  }
.Ltmp35:
0x249: {  	s0 =	spop @!p1 (v2sf);
	(pc) =	sbr.rel @!p3 .LBB2_45-.Ltmp35, $4  }
0x24a: {  	p2 =	seq.s32 @!p1 s4, s0  }
0x24b: {  	s6 =	simm.s32 $0x0;
	p2 =	por !p2, p1  }
0x24c: {  	s7 =	simm.s32 $0xFFFFFFFF;
	s6 =	simm.s32 @p2 $0xFFFFFFFF  }
0x24d: {  	s0 =	simm.s32 $0x1;
	s6 =	smov.u32 @p1 s7  }
.LBB2_44:
0x24e: {  	s7 =	smov.u32 s6;
	p1 =	sne.s32 s6, $0xFFFFFFFF  }
0x24f: {  	s5 =	sadd.s32 $0x1, s5;
	s6 =	smov.u32 s0;
	s0 =	sadd.s32 $0x1, s0  }
0x250: {  	p2 =	sne.s32 s2, s0;
	v1 =	vld.msk @!p1 [tilespmem:s5+$0x0], $0x1;
	_ =	sdelay $0x4  }
0x251: {  	(v2sf) =	vpush @!p1 v1, $0x0;
	_ =	sdelay $0xe  }
.Ltmp36:
0x252: {  	s8 =	spop @!p1 (v2sf);
	(pc) =	sbr.rel @p2 .LBB2_44-.Ltmp36, $4  }
0x253: {  	p3 =	seq.s32 @!p1 s4, s8  }
0x254: {  	p3 =	por !p3, p1  }
0x255: {  	s6 =	simm.s32 @p3 $0xFFFFFFFF  }
0x256: {  	s6 =	smov.u32 @p1 s7  }
.LBB2_45:
0x257: {  	p1 =	seq.s32 s6, $0xFFFFFFFF  }
.Ltmp37:
0x258: {  	_ = 	snop;
	(pc) =	sbr.rel @p1 .LBB2_47-.Ltmp37, $1  }
0x259: {  	_ =	sdelay $0x3  }
0x25a: {  	s0 =	sshll.u32 s3, $0x7  }
0x25b: {  	s0 =	sand.u32 $0x3FFFFF80, s0  }
0x25c: {  	v0 =	vld [tilespmem:s0+$0xF238];
	_ =	sdelay $0x2  }
0x25d: {  	s4 =	sshll.u32 s6, $0x9  }
0x25e: {  	s4 =	sshra.s32 s4, $0x2  }
0x25f: {  	[tilespmem:s4+$0xF238] =	vst.add.f32.msk $0xffff, v0  }
0x260: {  	v0 =	vld [tilespmem:s0+$0xF248];
	_ =	sdelay $0x4  }
0x261: {  	[tilespmem:s4+$0xF248] =	vst.add.f32.msk $0xffff, v0  }
0x262: {  	v0 =	vld [tilespmem:s0+$0xF258];
	_ =	sdelay $0x4  }
0x263: {  	[tilespmem:s4+$0xF258] =	vst.add.f32.msk $0xffff, v0  }
0x264: {  	v0 =	vld [tilespmem:s0+$0xF268];
	_ =	sdelay $0x4  }
0x265: {  	[tilespmem:s4+$0xF268] =	vst.add.f32.msk $0xffff, v0  }
0x266: {  	v0 =	vld [tilespmem:s0+$0xF278];
	_ =	sdelay $0x4  }
0x267: {  	[tilespmem:s4+$0xF278] =	vst.add.f32.msk $0xffff, v0  }
0x268: {  	v0 =	vld [tilespmem:s0+$0xF288];
	_ =	sdelay $0x4  }
0x269: {  	[tilespmem:s4+$0xF288] =	vst.add.f32.msk $0xffff, v0  }
0x26a: {  	v0 =	vld [tilespmem:s0+$0xF298];
	_ =	sdelay $0x4  }
0x26b: {  	[tilespmem:s4+$0xF298] =	vst.add.f32.msk $0xffff, v0  }
0x26c: {  	v0 =	vld [tilespmem:s0+$0xF2A8]  }
.Ltmp38:
0x26d: {  	_ = 	snop;
	(pc) =	sbr.rel .LBB2_48-.Ltmp38, $2  }
0x26e: {  	_ =	sdelay $0x2  }
0x26f: {  	[tilespmem:s4+$0xF2A8] =	vst.add.f32.msk $0xffff, v0  }
.LBB2_49:
0x270: {  	p1 =	slt.s32 s2, $0x1  }
.Ltmp39:
0x271: {  	_ = 	snop;
	(pc) =	sbr.rel @p1 .LBB2_53-.Ltmp39, $3  }
0x272: {  	_ =	sdelay $0x1  }
0x273: {  	s0 =	simm.s32 $0x8  }
0x274: {  	s3 =	simm.s32 $0x0;
	[sflag:s0] =	ssyncpa.u1 $0x1  }
0x275: {  	s0 =	simm.s32 $0xF218  }
0x276: {  	v0 =	vld.msk [tilespmem:s0+$0x0], $0x1;
	_ =	sdelay $0x4  }
0x277: {  	(v2sf) =	vpush v0, $0x0;
	_ =	sdelay $0xe  }
0x278: {  	s2 =	sadd.s32 $0xFFFFFFFF, s2;
	s0 =	spop (v2sf)  }
0x279: {  	p2 =	sne.s32 s2, $0x0;
	p1 =	sgt.u32 s0, $0x70  }
.Ltmp40:
0x27a: {  	s5 =	sand.u32 @!p1 $0x78, s0;
	(pc) =	sbr.rel @!p2 .LBB2_52-.Ltmp40, $4  }
0x27b: {  	s4 =	simm.s32 $0xF238;
	s0 =	sand.u32 @!p1 $0x7, s0;
	s5 =	sadd.s32 @!p1 s1, s5  }
0x27c: {  	[hbm4b:s5+s0] =	stream.linear.scatter @!p1 [tilespmem:s4], [sflag:$0x7], $0x80, $0x38;
	[tilespmem:$0x1F6F8] =	vst v63  }
0x27d: {  	s5 =	simm.s32 $0x0  }
0x27e: {  	s0 =	simm.s32 $0xF219;
	s5 =	simm.s32 @!p1 $0x200  }
.LBB2_51:
0x27f: {  	v0 =	vld.msk [tilespmem:s0+$0x0], $0x1;
	s2 =	sadd.s32 $0xFFFFFFFF, s2;
	s3 =	sadd.s32 s3, s5  }
0x280: {  	p1 =	sne.s32 s2, $0x0;
	_ =	sdelay $0x3  }
0x281: {  	(v2sf) =	vpush v0, $0x0;
	_ =	sdelay $0xe  }
.Ltmp41:
0x282: {  	s6 =	spop (v2sf);
	(pc) =	sbr.rel @p1 .LBB2_51-.Ltmp41, $4  }
0x283: {  	s5 =	simm.s32 $0x0;
	p2 =	sgt.u32 s6, $0x70  }
0x284: {  	s4 =	sadd.s32 $0x80, s4;
	s5 =	simm.s32 @!p2 $0x200;
	s7 =	sand.u32 @!p2 $0x78, s6  }
0x285: {  	s0 =	sadd.s32 $0x1, s0;
	s6 =	sand.u32 @!p2 $0x7, s6;
	s7 =	sadd.s32 @!p2 s1, s7  }
0x286: {  	[hbm4b:s7+s6] =	stream.linear.scatter @!p2 [tilespmem:s4], [sflag:$0x7], $0x80, $0x38;
	[tilespmem:$0x1F6F8] =	vst v63  }
.LBB2_52:
0x287: {  	s0 =	sadd.s32 s3, s5  }
0x288: {  	s3 =	sshrl.u32 s0, $0x2  }
.LBB2_53:
0x289: {  	s0 =	simm.s32 $0x7  }
0x28a: {  	_ =	swait.ge [sflag:s0], s3  }
0x28b: {  	s1 =	ssub.s32 $0x0, s3;
	[sflag:s0] =	ssyncset.done $0x0  }
0x28c: {  	[sflag:s0] =	ssyncadd.s32 s1  }
0x28d: {  	[sflag:s0] =	ssyncpa.u1 $0x1  }
.LBB2_54:
0x28e: {  	_ =	sfence;
	s0 =	simm.s32 $0x1  }
0x28f: {  	[sflag:s0] =	ssyncpa.u1 $0x1  }
0x290: {  	_ =	strace $0x9000004A  }
0x291: {  	[bflag:$0x2] =	sbarrier.arrive $0xFFFF  }
0x292: {  	s0 =	rddreg [dreg:$0x4]  }
0x293: {  	s0 =	sadd.s32 @!p0 $0x100000, s0  }
0x294: {  	[sflag:s0] =	ssyncadd.tile.s32 @!p0 $0x1;
	_ =	shalt  }
.Lfunc_end2:
_tile_overlayer_lowered:
.L_overlay_start_2:
0x295: {  	(tag) =	ssettag $0x2  }
0x296: {  	s0 =	rddreg [dreg:$0x0];
	s2 =	stileid.u32  }
0x297: {  	s1 =	rddreg [dreg:$0x1];
	p0 =	sne.s32 s2, $0x0  }
0x298: {  	s3 =	rddreg [dreg:$0x2];
	[bflag:$0x3] =	sbarrier.arrive $0xFFFF;
	s2 =	simm.s32 @!p0 $0x1C01  }
0x299: {  	[timem:s3], [sflag:s2] =	dma.local @!p0 [hbm:s0], s1  }
0x29a: {  	s0 =	simm.s32 @!p0 $0x1  }
0x29b: {  	_ =	swait.ge @!p0 [sflag:s0], s1  }
0x29c: {  	s1 =	ssub.s32 @!p0 $0x0, s1;
	[sflag:s0] =	ssyncset.done @!p0 $0x0  }
0x29d: {  	[sflag:s0] =	ssyncadd.s32 @!p0 s1  }
0x29e: {  	[bflag:$0x3] =	sbarrier.arrive $0xFFFF  }
0x29f: {  	_ =	shalt  }

</sc_bundles>
